<compile_context>
chip_gen: v7x
topology: tpu7x:2x2x1
jax: 0.10.2.dev20260603
libtpu: 0.0.44.dev20260713+nightly
codegen_flags: <defaults>
</compile_context>

<pallas_src>
import functools

import jax
import jax.numpy as jnp
from jax import lax
from jax.experimental import pallas as pl
from jax.experimental.pallas import tpu as pltpu
from jax.experimental.pallas import tpu_sc as plsc

N = 10000
NP = 10240
E = 320000
EP = 327680
IDX_ROWS = EP // 128
NC = 2
NS = 16
BR = 1024

def _mesh():
    return plsc.VectorSubcoreMesh(core_axis_name="c", subcore_axis_name="s",
                                  num_cores=NC)


def _zero_rows(buf, nrows, ncols):
    @pl.loop(0, nrows)
    def _(r):
        @pl.loop(0, ncols, step=16)
        def _(cc):
            buf[r, pl.ds(cc, 16)] = jnp.zeros((16,), jnp.float32)


_CH = 40


def _mp_loop(h_hbm, src_ref, dst_ref, base, rows_per, acc,
             sidx, didx, ra, rb, sa, sb, ssa, ssb):
    @pl.loop(0, rows_per, step=_CH)
    def _(ch):
        pltpu.sync_copy(src_ref.at[pl.ds(base + ch, _CH)], sidx)
        pltpu.sync_copy(dst_ref.at[pl.ds(base + ch, _CH)], didx)
        pltpu.async_copy(h_hbm.at[sidx.at[0]], ra, sa)
        pltpu.async_copy(h_hbm.at[sidx.at[1]], rb, sb)

        @pl.loop(0, _CH, step=2)
        def _(jj):
            pltpu.make_async_copy(h_hbm.at[sidx.at[jj]], ra, sa).wait()
            pltpu.async_copy(ra, acc.at[didx.at[jj]], ssa, add=True)
            pltpu.make_async_copy(h_hbm.at[sidx.at[jj + 1]], rb, sb).wait()
            pltpu.async_copy(rb, acc.at[didx.at[jj + 1]], ssb, add=True)
            pltpu.make_async_copy(ra, acc.at[didx.at[jj]], ssa).wait()

            @pl.when(jj + 2 < _CH)
            def _():
                pltpu.async_copy(h_hbm.at[sidx.at[jj + 2]], ra, sa)

            pltpu.make_async_copy(rb, acc.at[didx.at[jj + 1]], ssb).wait()

            @pl.when(jj + 3 < _CH)
            def _():
                pltpu.async_copy(h_hbm.at[sidx.at[jj + 3]], rb, sb)


def _sc_degrees(idx):
    rows_per_sub = IDX_ROWS // NS

    @functools.partial(
        pl.kernel,
        out_type=jax.ShapeDtypeStruct((2, NP, 128), jnp.float32),
        mesh=_mesh(),
        scratch_types=[
            pltpu.VMEM_SHARED((NP, 128), jnp.float32),
            pltpu.VMEM((128, 128), jnp.float32),
            pltpu.VMEM((16, 128), jnp.int32),
        ],
    )
    def k(idx_hbm, out_hbm, acc, ones, didx):
        c = lax.axis_index("c")
        s = lax.axis_index("s")
        _zero_rows(ones, 128, 128)
        for t in range(5):
            pltpu.sync_copy(ones, acc.at[pl.ds(s * 640 + t * 128, 128)])

        @pl.loop(0, 128)
        def _(r):
            @pl.loop(0, 128, step=16)
            def _(cc):
                ones[r, pl.ds(cc, 16)] = jnp.ones((16,), jnp.float32)

        plsc.subcore_barrier()

        @pl.loop(0, rows_per_sub, step=16)
        def _(ch):
            pltpu.sync_copy(
                idx_hbm.at[c].at[pl.ds(s * rows_per_sub + ch, 16)], didx)

            @pl.loop(0, 16)
            def _(j):
                pltpu.sync_copy(ones, acc.at[didx.at[j]], add=True)

        plsc.subcore_barrier()
        pltpu.sync_copy(acc.at[pl.ds(s * 640, 640)],
                        out_hbm.at[c].at[pl.ds(s * 640, 640)])

    return k(idx)


def _sc_mp128(h, src_rows, dst_rows):
    rows_per_w = IDX_ROWS // (NC * NS)

    @functools.partial(
        pl.kernel,
        out_type=jax.ShapeDtypeStruct((2, NP, 128), jnp.float32),
        mesh=_mesh(),
        scratch_types=[
            pltpu.VMEM_SHARED((NP, 128), jnp.float32),
            pltpu.VMEM((_CH, 128), jnp.int32),
            pltpu.VMEM((_CH, 128), jnp.int32),
            pltpu.VMEM((128, 128), jnp.float32),
            pltpu.VMEM((128, 128), jnp.float32),
            pltpu.SemaphoreType.DMA,
            pltpu.SemaphoreType.DMA,
            pltpu.SemaphoreType.DMA,
            pltpu.SemaphoreType.DMA,
        ],
    )
    def k(h_hbm, src_hbm, dst_hbm, out_hbm, acc, sidx, didx, ra, rb,
          sa, sb, ssa, ssb):
        c = lax.axis_index("c")
        s = lax.axis_index("s")
        wid = s * NC + c
        _zero_rows(ra, 128, 128)
        for t in range(5):
            pltpu.sync_copy(ra, acc.at[pl.ds(s * 640 + t * 128, 128)])
        plsc.subcore_barrier()

        _mp_loop(h_hbm, src_hbm, dst_hbm, wid * rows_per_w, rows_per_w,
                 acc, sidx, didx, ra, rb, sa, sb, ssa, ssb)

        plsc.subcore_barrier()
        pltpu.sync_copy(acc.at[pl.ds(s * 640, 640)],
                        out_hbm.at[c].at[pl.ds(s * 640, 640)])

    return k(h, src_rows, dst_rows)


def _sc_mp256(hcat, src2, dst_rows):
    rows_per_sub = IDX_ROWS // NS

    @functools.partial(
        pl.kernel,
        out_type=jax.ShapeDtypeStruct((2, NP, 128), jnp.float32),
        mesh=_mesh(),
        scratch_types=[
            pltpu.VMEM_SHARED((NP, 128), jnp.float32),
            pltpu.VMEM((_CH, 128), jnp.int32),
            pltpu.VMEM((_CH, 128), jnp.int32),
            pltpu.VMEM((128, 128), jnp.float32),
            pltpu.VMEM((128, 128), jnp.float32),
            pltpu.SemaphoreType.DMA,
            pltpu.SemaphoreType.DMA,
            pltpu.SemaphoreType.DMA,
            pltpu.SemaphoreType.DMA,
        ],
    )
    def k(h_hbm, src_hbm, dst_hbm, out_hbm, acc, sidx, didx, ra, rb,
          sa, sb, ssa, ssb):
        c = lax.axis_index("c")
        s = lax.axis_index("s")
        _zero_rows(ra, 128, 128)
        for t in range(5):
            pltpu.sync_copy(ra, acc.at[pl.ds(s * 640 + t * 128, 128)])
        plsc.subcore_barrier()

        _mp_loop(h_hbm, src_hbm.at[c], dst_hbm, s * rows_per_sub,
                 rows_per_sub, acc, sidx, didx, ra, rb, sa, sb, ssa, ssb)

        plsc.subcore_barrier()
        pltpu.sync_copy(acc.at[pl.ds(s * 640, 640)],
                        out_hbm.at[c].at[pl.ds(s * 640, 640)])

    return k(hcat, src2, dst_rows)


_GRID = (NP // BR,)


def _full2(shape):
    return pl.BlockSpec(shape, lambda i: tuple(0 for _ in shape))


def _rows2(cols):
    return pl.BlockSpec((BR, cols), lambda i: (i, 0))


def _rows3(cols):
    return pl.BlockSpec((2, BR, cols), lambda i: (0, i, 0))


def _stage0(degs, x_pad):
    def body(deg_ref, x_ref, s_ref, d_ref, xs_ref):
        dg = deg_ref[...]
        s_v = lax.rsqrt(jnp.maximum(dg[0], 1.0))
        d_v = lax.rsqrt(jnp.maximum(dg[1], 1.0))
        s_ref[...] = s_v[:, :16]
        d_ref[...] = d_v[:, :16]
        xs_ref[...] = x_ref[...] * s_v[:, :1]

    return pl.pallas_call(
        body,
        grid=_GRID,
        in_specs=[_rows3(128), _rows2(128)],
        out_specs=[_rows2(16), _rows2(16), _rows2(128)],
        out_shape=[
            jax.ShapeDtypeStruct((NP, 16), jnp.float32),
            jax.ShapeDtypeStruct((NP, 16), jnp.float32),
            jax.ShapeDtypeStruct((NP, 128), jnp.float32),
        ],
    )(degs, x_pad)


def _stage1(P1, d, W1, b1, W2, s):
    def body(p_ref, d_ref, w1_ref, b1_ref, w2_ref, s_ref, o_ref):
        a = (p_ref[0] + p_ref[1]) * d_ref[:, :1]
        h1 = jnp.dot(a, w1_ref[...], preferred_element_type=jnp.float32)
        h1 = jnp.maximum(h1 + b1_ref[...], 0.0)
        y2 = jnp.dot(h1, w2_ref[...], preferred_element_type=jnp.float32)
        y2 = y2 * s_ref[:, :1]
        o_ref[0] = y2[:, :128]
        o_ref[1] = y2[:, 128:]

    return pl.pallas_call(
        body,
        grid=_GRID,
        in_specs=[_rows3(128), _rows2(16), _full2((128, 800)),
                  _full2((1, 800)), _full2((800, 256)), _rows2(16)],
        out_specs=_rows3(128),
        out_shape=jax.ShapeDtypeStruct((2, NP, 128), jnp.float32),
    )(P1, d, W1, b1, W2, s)


def _stage2(P2, d, b2, s):
    def body(p_ref, d_ref, b2_ref, s_ref, enc_ref, t3_ref):
        dv = d_ref[:, :1]
        h0 = p_ref[0] * dv + b2_ref[:, :128]
        h1 = p_ref[1] * dv + b2_ref[:, 128:]
        enc_ref[...] = jax.nn.sigmoid(jnp.concatenate([h0, h1], axis=1))
        sv = s_ref[:, :1]
        t3_ref[0] = h0 * sv
        t3_ref[1] = h1 * sv

    return pl.pallas_call(
        body,
        grid=_GRID,
        in_specs=[_rows3(128), _rows2(16), _full2((1, 256)), _rows2(16)],
        out_specs=[_rows2(256), _rows3(128)],
        out_shape=[
            jax.ShapeDtypeStruct((NP, 256), jnp.float32),
            jax.ShapeDtypeStruct((2, NP, 128), jnp.float32),
        ],
    )(P2, d, b2, s)


def _stage3(P3, d, W3, b3, W4, s):
    def body(p_ref, d_ref, w3_ref, b3_ref, w4_ref, s_ref, o_ref):
        dv = d_ref[:, :1]
        a = jnp.concatenate([p_ref[0] * dv, p_ref[1] * dv], axis=1)
        g3 = jnp.dot(a, w3_ref[...], preferred_element_type=jnp.float32)
        g3 = jnp.maximum(g3 + b3_ref[...], 0.0)
        y4 = jnp.dot(g3, w4_ref[...], preferred_element_type=jnp.float32)
        o_ref[...] = y4 * s_ref[:, :1]

    return pl.pallas_call(
        body,
        grid=_GRID,
        in_specs=[_rows3(128), _rows2(16), _full2((256, 800)),
                  _full2((1, 800)), _full2((800, 128)), _rows2(16)],
        out_specs=_rows2(128),
        out_shape=jax.ShapeDtypeStruct((NP, 128), jnp.float32),
    )(P3, d, W3, b3, W4, s)


def _stage4(P4, d, b4):
    def body(p_ref, d_ref, b4_ref, o_ref):
        o_ref[...] = jax.nn.sigmoid(
            (p_ref[0] + p_ref[1]) * d_ref[:, :1] + b4_ref[...])

    return pl.pallas_call(
        body,
        grid=_GRID,
        in_specs=[_rows3(128), _rows2(16), _full2((1, 128))],
        out_specs=_rows2(128),
        out_shape=jax.ShapeDtypeStruct((NP, 128), jnp.float32),
    )(P4, d, b4)


def kernel(x, edge_index, W1, b1, W2, b2, W3, b3, W4, b4):
    src = edge_index[0]
    dst = edge_index[1]
    pad = N + jnp.arange(EP - E, dtype=jnp.int32) % (NP - N)
    src_rows = jnp.concatenate([src, pad]).reshape(IDX_ROWS, 128)
    dst_rows = jnp.concatenate([dst, pad]).reshape(IDX_ROWS, 128)
    idx_stack = jnp.stack([src_rows, dst_rows])
    src2 = jnp.stack([src_rows, src_rows + NP])
    x_pad = jnp.pad(x, ((0, NP - N), (0, 0)))
    b1r = b1.reshape(1, -1)
    b2r = b2.reshape(1, -1)
    b3r = b3.reshape(1, -1)
    b4r = b4.reshape(1, -1)

    degs = _sc_degrees(idx_stack)
    s, d, xs = _stage0(degs, x_pad)
    P1 = _sc_mp128(xs, src_rows, dst_rows)
    y2s = _stage1(P1, d, W1, b1r, W2, s)
    P2 = _sc_mp256(y2s.reshape(2 * NP, 128), src2, dst_rows)
    enc_full, t3 = _stage2(P2, d, b2r, s)
    P3 = _sc_mp256(t3.reshape(2 * NP, 128), src2, dst_rows)
    y4s = _stage3(P3, d, W3, b3r, W4, s)
    P4 = _sc_mp128(y4s, src_rows, dst_rows)
    dec_full = _stage4(P4, d, b4r)
    return (enc_full[:N], dec_full[:N])

# --- scband reference (transcript-rebuilt; emitter-appended) ---
"""Pipeline reference for scband-gcn-auto-encoder-90314572300354 (READ-ONLY COPY).

The authoritative reference and input builder live on the scoring server;
editing this copy changes nothing except your own understanding.
"""

import jax, jax.numpy as jnp
import numpy as np

N = 10000
E = 320000
IN_FEATS = 128
N_HIDDEN = 256
H800 = 800


def _glorot(key, shape):
    fan_in, fan_out = shape
    lim = np.sqrt(6.0 / (fan_in + fan_out))
    return jax.random.uniform(key, shape, jnp.float32, -lim, lim)


def setup_inputs(seed: int = 0) -> dict:
    key = jax.random.key(seed)
    ks = jax.random.split(key, 10)
    x = jax.random.normal(ks[0], (N, IN_FEATS), jnp.float32)
    edge_index = jax.random.randint(ks[1], (2, E), 0, N, dtype=jnp.int32)
    W1 = _glorot(ks[2], (IN_FEATS, H800)); b1 = jnp.zeros((H800,), jnp.float32)
    W2 = _glorot(ks[3], (H800, N_HIDDEN)); b2 = jnp.zeros((N_HIDDEN,), jnp.float32)
    W3 = _glorot(ks[4], (N_HIDDEN, H800)); b3 = jnp.zeros((H800,), jnp.float32)
    W4 = _glorot(ks[5], (H800, IN_FEATS)); b4 = jnp.zeros((IN_FEATS,), jnp.float32)
    return {"x": x, "edge_index": edge_index,
            "W1": W1, "b1": b1, "W2": W2, "b2": b2,
            "W3": W3, "b3": b3, "W4": W4, "b4": b4}


def _graph_conv(x, W, b, src, dst, n_nodes):
    # DGL GraphConv with norm='both': D_out^{-1/2} A D_in^{-1/2} X W + b
    ones = jnp.ones((src.shape[0],), jnp.float32)
    deg_out = jnp.clip(jnp.zeros((n_nodes,), jnp.float32).at[src].add(ones), 1.0)
    deg_in = jnp.clip(jnp.zeros((n_nodes,), jnp.float32).at[dst].add(ones), 1.0)
    norm_src = deg_out ** -0.5
    norm_dst = deg_in ** -0.5
    h = x * norm_src[:, None]
    msg = jnp.take(h, src, axis=0)
    agg = jnp.zeros((n_nodes, h.shape[1]), h.dtype).at[dst].add(msg)
    agg = agg * norm_dst[:, None]
    return agg @ W + b


def reference(x, edge_index, W1, b1, W2, b2, W3, b3, W4, b4):
    src = edge_index[0]
    dst = edge_index[1]
    h = jax.nn.relu(_graph_conv(x, W1, b1, src, dst, N))
    h = _graph_conv(h, W2, b2, src, dst, N)
    encoded = jax.nn.sigmoid(h)
    h2 = jax.nn.relu(_graph_conv(h, W3, b3, src, dst, N))
    h2 = _graph_conv(h2, W4, b4, src, dst, N)
    decoded = jax.nn.sigmoid(h2)
    return (encoded, decoded)

if __name__ == "__main__":
    import jax
    _d = setup_inputs()
    print(jax.jit(kernel)(*tuple(_d.values())))

</pallas_src>

<mosaic_0001>
#map = affine_map<(d0, d1) -> (0, 0, 0)>
module attributes {stable_mosaic.version = 14 : i64} {
  func.func @k(%arg0: i32, %arg1: i32, %arg2: memref<2x2560x128xi32, #tpu.memory_space<hbm>>, %arg3: memref<2x10240x128xf32, #tpu.memory_space<hbm>>, %arg4: memref<10240x128xf32, #tpu.memory_space<vmem_shared>>, %arg5: memref<128x128xf32, #tpu.memory_space<vmem>>, %arg6: memref<16x128xi32, #tpu.memory_space<vmem>>) attributes {dimension_semantics = [#tpu.dimension_semantics<core_parallel>, #tpu.dimension_semantics<subcore_parallel>], iteration_bounds = array<i64: 2, 16>, scalar_prefetch = 0 : i64, scratch_operands = 3 : i64, tpu.core_type = #tpu.core_type<sc_vector_subcore>, window_params = [{transform_indices = #map}, {transform_indices = #map}]} {
    %scan3A = arith.constant 0 : i32
    %scan3A_0 = arith.constant 128 : i32
    %scan3A_1 = arith.addi %scan3A, %scan3A_0 : i32
    %scan3A_2 = arith.constant 1 : i32
    scf.for %scan3A_37 = %scan3A to %scan3A_1 step %scan3A_2  : i32 {
      %mul3A_38 = arith.constant 1 : i32
      %mul3A_39 = arith.muli %scan3A_37, %mul3A_38 : i32
      %add3A_40 = arith.constant 0 : i32
      %add3A_41 = arith.addi %add3A_40, %mul3A_39 : i32
      %scan3A_42 = arith.constant 0 : i32
      %scan3A_43 = arith.constant 8 : i32
      %scan3A_44 = arith.addi %scan3A_42, %scan3A_43 : i32
      %scan3A_45 = arith.constant 1 : i32
      scf.for %scan3A_47 = %scan3A_42 to %scan3A_44 step %scan3A_45  : i32 {
        %mul3A_48 = arith.constant 16 : i32
        %mul3A_49 = arith.muli %scan3A_47, %mul3A_48 : i32
        %add3A_50 = arith.constant 0 : i32
        %add3A_51 = arith.addi %add3A_50, %mul3A_49 : i32
        %broadcast_in_dim3A = arith.constant 0.000000e+00 : f32
        %broadcast_in_dim3A_52 = vector.broadcast %broadcast_in_dim3A : f32 to vector<16xf32>
        %swap3A = arith.index_cast %add3A_41 : i32 to index
        %swap3A_53 = arith.index_cast %add3A_51 : i32 to index
        %swap3A_54 = tpu.vector_load %arg5[%swap3A, %swap3A_53] {strides = array<i32>} : memref<128x128xf32, #tpu.memory_space<vmem>>, vector<1x16xf32>,
        %swap3A_55 = vector.shape_cast %swap3A_54 : vector<1x16xf32> to vector<16xf32>
        %swap3A_56 = vector.shape_cast %broadcast_in_dim3A_52 : vector<16xf32> to vector<1x16xf32>
        tpu.vector_store %arg5[%swap3A, %swap3A_53], %swap3A_56 {strides = array<i32>} : memref<128x128xf32, #tpu.memory_space<vmem>>, vector<1x16xf32>,
      }
      %scan3A_46 = arith.constant 8 : i32
    }
    %scan3A_3 = arith.constant 128 : i32
    %mul3A = arith.constant 640 : i32
    %mul3A_4 = arith.muli %arg1, %mul3A : i32
    %add3A = arith.constant 0 : i32
    %add3A_5 = arith.addi %mul3A_4, %add3A : i32
    "tpu.region"() ({
      %run_scoped3A = tpu.sem_alloc : memref<!tpu.dma_semaphore, #tpu.memory_space<semaphore_mem>>
      %dma_start3A = arith.constant 0 : i32
      %dma_start3A_37 = tpu.memref_slice %arg4[%add3A_5, %dma_start3A] : memref<10240x128xf32, #tpu.memory_space<vmem_shared>> -> memref<128x128xf32, #tpu.memory_space<vmem_shared>>
      %dma_start3A_38 = arith.constant 0 : i32
      %dma_start3A_39 = tpu.memref_slice %arg4[%add3A_5, %dma_start3A_38] : memref<10240x128xf32, #tpu.memory_space<vmem_shared>> -> memref<128x128xf32, #tpu.memory_space<vmem_shared>>
      tpu.enqueue_dma source(%arg5 : memref<128x128xf32, #tpu.memory_space<vmem>>) target(%dma_start3A_39 : memref<128x128xf32, #tpu.memory_space<vmem_shared>>) target_semaphore(%run_scoped3A : memref<!tpu.dma_semaphore, #tpu.memory_space<semaphore_mem>>)
      %dma_wait3A = arith.constant 0 : i32
      %dma_wait3A_40 = tpu.memref_slice %arg4[%add3A_5, %dma_wait3A] : memref<10240x128xf32, #tpu.memory_space<vmem_shared>> -> memref<128x128xf32, #tpu.memory_space<vmem_shared>>
      %dma_wait3A_41 = arith.constant 0 : i32
      %dma_wait3A_42 = tpu.memref_slice %arg4[%add3A_5, %dma_wait3A_41] : memref<10240x128xf32, #tpu.memory_space<vmem_shared>> -> memref<128x128xf32, #tpu.memory_space<vmem_shared>>
      tpu.wait_dma2 semaphore(%run_scoped3A : memref<!tpu.dma_semaphore, #tpu.memory_space<semaphore_mem>>) src(%arg5 : memref<128x128xf32, #tpu.memory_space<vmem>>) dst(%dma_wait3A_42 : memref<128x128xf32, #tpu.memory_space<vmem_shared>>)
      tpu.yield
    }) : () -> ()
    %mul3A_6 = arith.constant 640 : i32
    %mul3A_7 = arith.muli %arg1, %mul3A_6 : i32
    %add3A_8 = arith.constant 128 : i32
    %add3A_9 = arith.addi %mul3A_7, %add3A_8 : i32
    "tpu.region"() ({
      %run_scoped3A = tpu.sem_alloc : memref<!tpu.dma_semaphore, #tpu.memory_space<semaphore_mem>>
      %dma_start3A = arith.constant 0 : i32
      %dma_start3A_37 = tpu.memref_slice %arg4[%add3A_9, %dma_start3A] : memref<10240x128xf32, #tpu.memory_space<vmem_shared>> -> memref<128x128xf32, #tpu.memory_space<vmem_shared>>
      %dma_start3A_38 = arith.constant 0 : i32
      %dma_start3A_39 = tpu.memref_slice %arg4[%add3A_9, %dma_start3A_38] : memref<10240x128xf32, #tpu.memory_space<vmem_shared>> -> memref<128x128xf32, #tpu.memory_space<vmem_shared>>
      tpu.enqueue_dma source(%arg5 : memref<128x128xf32, #tpu.memory_space<vmem>>) target(%dma_start3A_39 : memref<128x128xf32, #tpu.memory_space<vmem_shared>>) target_semaphore(%run_scoped3A : memref<!tpu.dma_semaphore, #tpu.memory_space<semaphore_mem>>)
      %dma_wait3A = arith.constant 0 : i32
      %dma_wait3A_40 = tpu.memref_slice %arg4[%add3A_9, %dma_wait3A] : memref<10240x128xf32, #tpu.memory_space<vmem_shared>> -> memref<128x128xf32, #tpu.memory_space<vmem_shared>>
      %dma_wait3A_41 = arith.constant 0 : i32
      %dma_wait3A_42 = tpu.memref_slice %arg4[%add3A_9, %dma_wait3A_41] : memref<10240x128xf32, #tpu.memory_space<vmem_shared>> -> memref<128x128xf32, #tpu.memory_space<vmem_shared>>
      tpu.wait_dma2 semaphore(%run_scoped3A : memref<!tpu.dma_semaphore, #tpu.memory_space<semaphore_mem>>) src(%arg5 : memref<128x128xf32, #tpu.memory_space<vmem>>) dst(%dma_wait3A_42 : memref<128x128xf32, #tpu.memory_space<vmem_shared>>)
      tpu.yield
    }) : () -> ()
    %mul3A_10 = arith.constant 640 : i32
    %mul3A_11 = arith.muli %arg1, %mul3A_10 : i32
    %add3A_12 = arith.constant 256 : i32
    %add3A_13 = arith.addi %mul3A_11, %add3A_12 : i32
    "tpu.region"() ({
      %run_scoped3A = tpu.sem_alloc : memref<!tpu.dma_semaphore, #tpu.memory_space<semaphore_mem>>
      %dma_start3A = arith.constant 0 : i32
      %dma_start3A_37 = tpu.memref_slice %arg4[%add3A_13, %dma_start3A] : memref<10240x128xf32, #tpu.memory_space<vmem_shared>> -> memref<128x128xf32, #tpu.memory_space<vmem_shared>>
      %dma_start3A_38 = arith.constant 0 : i32
      %dma_start3A_39 = tpu.memref_slice %arg4[%add3A_13, %dma_start3A_38] : memref<10240x128xf32, #tpu.memory_space<vmem_shared>> -> memref<128x128xf32, #tpu.memory_space<vmem_shared>>
      tpu.enqueue_dma source(%arg5 : memref<128x128xf32, #tpu.memory_space<vmem>>) target(%dma_start3A_39 : memref<128x128xf32, #tpu.memory_space<vmem_shared>>) target_semaphore(%run_scoped3A : memref<!tpu.dma_semaphore, #tpu.memory_space<semaphore_mem>>)
      %dma_wait3A = arith.constant 0 : i32
      %dma_wait3A_40 = tpu.memref_slice %arg4[%add3A_13, %dma_wait3A] : memref<10240x128xf32, #tpu.memory_space<vmem_shared>> -> memref<128x128xf32, #tpu.memory_space<vmem_shared>>
      %dma_wait3A_41 = arith.constant 0 : i32
      %dma_wait3A_42 = tpu.memref_slice %arg4[%add3A_13, %dma_wait3A_41] : memref<10240x128xf32, #tpu.memory_space<vmem_shared>> -> memref<128x128xf32, #tpu.memory_space<vmem_shared>>
      tpu.wait_dma2 semaphore(%run_scoped3A : memref<!tpu.dma_semaphore, #tpu.memory_space<semaphore_mem>>) src(%arg5 : memref<128x128xf32, #tpu.memory_space<vmem>>) dst(%dma_wait3A_42 : memref<128x128xf32, #tpu.memory_space<vmem_shared>>)
      tpu.yield
    }) : () -> ()
    %mul3A_14 = arith.constant 640 : i32
    %mul3A_15 = arith.muli %arg1, %mul3A_14 : i32
    %add3A_16 = arith.constant 384 : i32
    %add3A_17 = arith.addi %mul3A_15, %add3A_16 : i32
    "tpu.region"() ({
      %run_scoped3A = tpu.sem_alloc : memref<!tpu.dma_semaphore, #tpu.memory_space<semaphore_mem>>
      %dma_start3A = arith.constant 0 : i32
      %dma_start3A_37 = tpu.memref_slice %arg4[%add3A_17, %dma_start3A] : memref<10240x128xf32, #tpu.memory_space<vmem_shared>> -> memref<128x128xf32, #tpu.memory_space<vmem_shared>>
      %dma_start3A_38 = arith.constant 0 : i32
      %dma_start3A_39 = tpu.memref_slice %arg4[%add3A_17, %dma_start3A_38] : memref<10240x128xf32, #tpu.memory_space<vmem_shared>> -> memref<128x128xf32, #tpu.memory_space<vmem_shared>>
      tpu.enqueue_dma source(%arg5 : memref<128x128xf32, #tpu.memory_space<vmem>>) target(%dma_start3A_39 : memref<128x128xf32, #tpu.memory_space<vmem_shared>>) target_semaphore(%run_scoped3A : memref<!tpu.dma_semaphore, #tpu.memory_space<semaphore_mem>>)
      %dma_wait3A = arith.constant 0 : i32
      %dma_wait3A_40 = tpu.memref_slice %arg4[%add3A_17, %dma_wait3A] : memref<10240x128xf32, #tpu.memory_space<vmem_shared>> -> memref<128x128xf32, #tpu.memory_space<vmem_shared>>
      %dma_wait3A_41 = arith.constant 0 : i32
      %dma_wait3A_42 = tpu.memref_slice %arg4[%add3A_17, %dma_wait3A_41] : memref<10240x128xf32, #tpu.memory_space<vmem_shared>> -> memref<128x128xf32, #tpu.memory_space<vmem_shared>>
      tpu.wait_dma2 semaphore(%run_scoped3A : memref<!tpu.dma_semaphore, #tpu.memory_space<semaphore_mem>>) src(%arg5 : memref<128x128xf32, #tpu.memory_space<vmem>>) dst(%dma_wait3A_42 : memref<128x128xf32, #tpu.memory_space<vmem_shared>>)
      tpu.yield
    }) : () -> ()
    %mul3A_18 = arith.constant 640 : i32
    %mul3A_19 = arith.muli %arg1, %mul3A_18 : i32
    %add3A_20 = arith.constant 512 : i32
    %add3A_21 = arith.addi %mul3A_19, %add3A_20 : i32
    "tpu.region"() ({
      %run_scoped3A = tpu.sem_alloc : memref<!tpu.dma_semaphore, #tpu.memory_space<semaphore_mem>>
      %dma_start3A = arith.constant 0 : i32
      %dma_start3A_37 = tpu.memref_slice %arg4[%add3A_21, %dma_start3A] : memref<10240x128xf32, #tpu.memory_space<vmem_shared>> -> memref<128x128xf32, #tpu.memory_space<vmem_shared>>
      %dma_start3A_38 = arith.constant 0 : i32
      %dma_start3A_39 = tpu.memref_slice %arg4[%add3A_21, %dma_start3A_38] : memref<10240x128xf32, #tpu.memory_space<vmem_shared>> -> memref<128x128xf32, #tpu.memory_space<vmem_shared>>
      tpu.enqueue_dma source(%arg5 : memref<128x128xf32, #tpu.memory_space<vmem>>) target(%dma_start3A_39 : memref<128x128xf32, #tpu.memory_space<vmem_shared>>) target_semaphore(%run_scoped3A : memref<!tpu.dma_semaphore, #tpu.memory_space<semaphore_mem>>)
      %dma_wait3A = arith.constant 0 : i32
      %dma_wait3A_40 = tpu.memref_slice %arg4[%add3A_21, %dma_wait3A] : memref<10240x128xf32, #tpu.memory_space<vmem_shared>> -> memref<128x128xf32, #tpu.memory_space<vmem_shared>>
      %dma_wait3A_41 = arith.constant 0 : i32
      %dma_wait3A_42 = tpu.memref_slice %arg4[%add3A_21, %dma_wait3A_41] : memref<10240x128xf32, #tpu.memory_space<vmem_shared>> -> memref<128x128xf32, #tpu.memory_space<vmem_shared>>
      tpu.wait_dma2 semaphore(%run_scoped3A : memref<!tpu.dma_semaphore, #tpu.memory_space<semaphore_mem>>) src(%arg5 : memref<128x128xf32, #tpu.memory_space<vmem>>) dst(%dma_wait3A_42 : memref<128x128xf32, #tpu.memory_space<vmem_shared>>)
      tpu.yield
    }) : () -> ()
    %scan3A_22 = arith.constant 0 : i32
    %scan3A_23 = arith.constant 128 : i32
    %scan3A_24 = arith.addi %scan3A_22, %scan3A_23 : i32
    %scan3A_25 = arith.constant 1 : i32
    scf.for %scan3A_37 = %scan3A_22 to %scan3A_24 step %scan3A_25  : i32 {
      %mul3A_38 = arith.constant 1 : i32
      %mul3A_39 = arith.muli %scan3A_37, %mul3A_38 : i32
      %add3A_40 = arith.constant 0 : i32
      %add3A_41 = arith.addi %add3A_40, %mul3A_39 : i32
      %scan3A_42 = arith.constant 0 : i32
      %scan3A_43 = arith.constant 8 : i32
      %scan3A_44 = arith.addi %scan3A_42, %scan3A_43 : i32
      %scan3A_45 = arith.constant 1 : i32
      scf.for %scan3A_47 = %scan3A_42 to %scan3A_44 step %scan3A_45  : i32 {
        %mul3A_48 = arith.constant 16 : i32
        %mul3A_49 = arith.muli %scan3A_47, %mul3A_48 : i32
        %add3A_50 = arith.constant 0 : i32
        %add3A_51 = arith.addi %add3A_50, %mul3A_49 : i32
        %broadcast_in_dim3A = arith.constant 1.000000e+00 : f32
        %broadcast_in_dim3A_52 = vector.broadcast %broadcast_in_dim3A : f32 to vector<16xf32>
        %swap3A = arith.index_cast %add3A_41 : i32 to index
        %swap3A_53 = arith.index_cast %add3A_51 : i32 to index
        %swap3A_54 = tpu.vector_load %arg5[%swap3A, %swap3A_53] {strides = array<i32>} : memref<128x128xf32, #tpu.memory_space<vmem>>, vector<1x16xf32>,
        %swap3A_55 = vector.shape_cast %swap3A_54 : vector<1x16xf32> to vector<16xf32>
        %swap3A_56 = vector.shape_cast %broadcast_in_dim3A_52 : vector<16xf32> to vector<1x16xf32>
        tpu.vector_store %arg5[%swap3A, %swap3A_53], %swap3A_56 {strides = array<i32>} : memref<128x128xf32, #tpu.memory_space<vmem>>, vector<1x16xf32>,
      }
      %scan3A_46 = arith.constant 8 : i32
    }
    %scan3A_26 = arith.constant 128 : i32
    %barrier3A = arith.constant 0 : index
    tpu.barrier barrier_id(%barrier3A)
    %scan3A_27 = arith.constant 0 : i32
    %scan3A_28 = arith.constant 10 : i32
    %scan3A_29 = arith.addi %scan3A_27, %scan3A_28 : i32
    %scan3A_30 = arith.constant 1 : i32
    scf.for %scan3A_37 = %scan3A_27 to %scan3A_29 step %scan3A_30  : i32 {
      %mul3A_38 = arith.constant 16 : i32
      %mul3A_39 = arith.muli %scan3A_37, %mul3A_38 : i32
      %add3A_40 = arith.constant 0 : i32
      %add3A_41 = arith.addi %add3A_40, %mul3A_39 : i32
      %mul3A_42 = arith.constant 160 : i32
      %mul3A_43 = arith.muli %arg1, %mul3A_42 : i32
      %add3A_44 = arith.addi %mul3A_43, %add3A_41 : i32
      "tpu.region"() ({
        %run_scoped3A = tpu.sem_alloc : memref<!tpu.dma_semaphore, #tpu.memory_space<semaphore_mem>>
        %dma_start3A = arith.constant 0 : i32
        %dma_start3A_50 = arith.constant 0 : i32
        %dma_start3A_51 = tpu.memref_slice %arg2[%arg0, %dma_start3A, %dma_start3A_50] : memref<2x2560x128xi32, #tpu.memory_space<hbm>> -> memref<1x2560x128xi32, #tpu.memory_space<hbm>>
        %dma_start3A_52 = tpu.memref_squeeze %dma_start3A_51 : memref<1x2560x128xi32, #tpu.memory_space<hbm>> -> memref<2560x128xi32, #tpu.memory_space<hbm>>
        %dma_start3A_53 = arith.constant 0 : i32
        %dma_start3A_54 = tpu.memref_slice %dma_start3A_52[%add3A_44, %dma_start3A_53] : memref<2560x128xi32, #tpu.memory_space<hbm>> -> memref<16x128xi32, #tpu.memory_space<hbm>>
        %dma_start3A_55 = arith.constant 0 : i32
        %dma_start3A_56 = arith.constant 0 : i32
        %dma_start3A_57 = tpu.memref_slice %arg2[%arg0, %dma_start3A_55, %dma_start3A_56] : memref<2x2560x128xi32, #tpu.memory_space<hbm>> -> memref<1x2560x128xi32, #tpu.memory_space<hbm>>
        %dma_start3A_58 = tpu.memref_squeeze %dma_start3A_57 : memref<1x2560x128xi32, #tpu.memory_space<hbm>> -> memref<2560x128xi32, #tpu.memory_space<hbm>>
        %dma_start3A_59 = arith.constant 0 : i32
        %dma_start3A_60 = tpu.memref_slice %dma_start3A_58[%add3A_44, %dma_start3A_59] : memref<2560x128xi32, #tpu.memory_space<hbm>> -> memref<16x128xi32, #tpu.memory_space<hbm>>
        tpu.enqueue_dma source(%dma_start3A_60 : memref<16x128xi32, #tpu.memory_space<hbm>>) target(%arg6 : memref<16x128xi32, #tpu.memory_space<vmem>>) target_semaphore(%run_scoped3A : memref<!tpu.dma_semaphore, #tpu.memory_space<semaphore_mem>>)
        %dma_wait3A = arith.constant 0 : i32
        %dma_wait3A_61 = arith.constant 0 : i32
        %dma_wait3A_62 = tpu.memref_slice %arg2[%arg0, %dma_wait3A, %dma_wait3A_61] : memref<2x2560x128xi32, #tpu.memory_space<hbm>> -> memref<1x2560x128xi32, #tpu.memory_space<hbm>>
        %dma_wait3A_63 = tpu.memref_squeeze %dma_wait3A_62 : memref<1x2560x128xi32, #tpu.memory_space<hbm>> -> memref<2560x128xi32, #tpu.memory_space<hbm>>
        %dma_wait3A_64 = arith.constant 0 : i32
        %dma_wait3A_65 = tpu.memref_slice %dma_wait3A_63[%add3A_44, %dma_wait3A_64] : memref<2560x128xi32, #tpu.memory_space<hbm>> -> memref<16x128xi32, #tpu.memory_space<hbm>>
        %dma_wait3A_66 = arith.constant 0 : i32
        %dma_wait3A_67 = arith.constant 0 : i32
        %dma_wait3A_68 = tpu.memref_slice %arg2[%arg0, %dma_wait3A_66, %dma_wait3A_67] : memref<2x2560x128xi32, #tpu.memory_space<hbm>> -> memref<1x2560x128xi32, #tpu.memory_space<hbm>>
        %dma_wait3A_69 = tpu.memref_squeeze %dma_wait3A_68 : memref<1x2560x128xi32, #tpu.memory_space<hbm>> -> memref<2560x128xi32, #tpu.memory_space<hbm>>
        %dma_wait3A_70 = arith.constant 0 : i32
        %dma_wait3A_71 = tpu.memref_slice %dma_wait3A_69[%add3A_44, %dma_wait3A_70] : memref<2560x128xi32, #tpu.memory_space<hbm>> -> memref<16x128xi32, #tpu.memory_space<hbm>>
        tpu.wait_dma2 semaphore(%run_scoped3A : memref<!tpu.dma_semaphore, #tpu.memory_space<semaphore_mem>>) src(%dma_wait3A_71 : memref<16x128xi32, #tpu.memory_space<hbm>>) dst(%arg6 : memref<16x128xi32, #tpu.memory_space<vmem>>)
        tpu.yield
      }) : () -> ()
      %scan3A_45 = arith.constant 0 : i32
      %scan3A_46 = arith.constant 16 : i32
      %scan3A_47 = arith.addi %scan3A_45, %scan3A_46 : i32
      %scan3A_48 = arith.constant 1 : i32
      scf.for %scan3A_50 = %scan3A_45 to %scan3A_47 step %scan3A_48  : i32 {
        %mul3A_51 = arith.constant 1 : i32
        %mul3A_52 = arith.muli %scan3A_50, %mul3A_51 : i32
        %add3A_53 = arith.constant 0 : i32
        %add3A_54 = arith.addi %add3A_53, %mul3A_52 : i32
        "tpu.region"() ({
          %run_scoped3A = tpu.sem_alloc : memref<!tpu.dma_semaphore, #tpu.memory_space<semaphore_mem>>
          %dma_start3A = arith.constant 0 : i32
          %dma_start3A_55 = tpu.memref_slice %arg6[%add3A_54, %dma_start3A] : memref<16x128xi32, #tpu.memory_space<vmem>> -> memref<1x128xi32, #tpu.memory_space<vmem>>
          %dma_start3A_56 = tpu.memref_squeeze %dma_start3A_55 : memref<1x128xi32, #tpu.memory_space<vmem>> -> memref<128xi32, #tpu.memory_space<vmem>>
          %dma_start3A_57 = arith.constant 0 : i32
          %dma_start3A_58 = arith.constant 0 : i32
          %dma_start3A_59 = tpu.memref_slice %arg4[%dma_start3A_57, %dma_start3A_58] : memref<10240x128xf32, #tpu.memory_space<vmem_shared>> -> memref<10240x128xf32, #tpu.memory_space<vmem_shared>>
          tpu.enqueue_indirect_dma source(%arg5 : memref<128x128xf32, #tpu.memory_space<vmem>>) target(%dma_start3A_59 : memref<10240x128xf32, #tpu.memory_space<vmem_shared>>) offsets(%dma_start3A_56 : memref<128xi32, #tpu.memory_space<vmem>>) semaphore(%run_scoped3A : memref<!tpu.dma_semaphore, #tpu.memory_space<semaphore_mem>>) {add = true}
          %dma_wait3A = arith.constant 0 : i32
          %dma_wait3A_60 = tpu.memref_slice %arg6[%add3A_54, %dma_wait3A] : memref<16x128xi32, #tpu.memory_space<vmem>> -> memref<1x128xi32, #tpu.memory_space<vmem>>
          %dma_wait3A_61 = tpu.memref_squeeze %dma_wait3A_60 : memref<1x128xi32, #tpu.memory_space<vmem>> -> memref<128xi32, #tpu.memory_space<vmem>>
          %dma_wait3A_62 = arith.constant 0 : i32
          %dma_wait3A_63 = arith.constant 0 : i32
          %dma_wait3A_64 = tpu.memref_slice %arg4[%dma_wait3A_62, %dma_wait3A_63] : memref<10240x128xf32, #tpu.memory_space<vmem_shared>> -> memref<10240x128xf32, #tpu.memory_space<vmem_shared>>
          tpu.wait_indirect_dma semaphore(%run_scoped3A : memref<!tpu.dma_semaphore, #tpu.memory_space<semaphore_mem>>) src(%arg5 : memref<128x128xf32, #tpu.memory_space<vmem>>) dst(%dma_wait3A_64 : memref<10240x128xf32, #tpu.memory_space<vmem_shared>>)
          tpu.yield
        }) : () -> ()
      }
      %scan3A_49 = arith.constant 16 : i32
    }
    %scan3A_31 = arith.constant 10 : i32
    %barrier3A_32 = arith.constant 0 : index
    tpu.barrier barrier_id(%barrier3A_32)
    %mul3A_33 = arith.constant 640 : i32
    %mul3A_34 = arith.muli %arg1, %mul3A_33 : i32
    %mul3A_35 = arith.constant 640 : i32
    %mul3A_36 = arith.muli %arg1, %mul3A_35 : i32
    "tpu.region"() ({
      %run_scoped3A = tpu.sem_alloc : memref<!tpu.dma_semaphore, #tpu.memory_space<semaphore_mem>>
      %dma_start3A = arith.constant 0 : i32
      %dma_start3A_37 = arith.constant 0 : i32
      %dma_start3A_38 = tpu.memref_slice %arg3[%arg0, %dma_start3A, %dma_start3A_37] : memref<2x10240x128xf32, #tpu.memory_space<hbm>> -> memref<1x10240x128xf32, #tpu.memory_space<hbm>>
      %dma_start3A_39 = tpu.memref_squeeze %dma_start3A_38 : memref<1x10240x128xf32, #tpu.memory_space<hbm>> -> memref<10240x128xf32, #tpu.memory_space<hbm>>
      %dma_start3A_40 = arith.constant 0 : i32
      %dma_start3A_41 = tpu.memref_slice %dma_start3A_39[%mul3A_36, %dma_start3A_40] : memref<10240x128xf32, #tpu.memory_space<hbm>> -> memref<640x128xf32, #tpu.memory_space<hbm>>
      %dma_start3A_42 = arith.constant 0 : i32
      %dma_start3A_43 = tpu.memref_slice %arg4[%mul3A_34, %dma_start3A_42] : memref<10240x128xf32, #tpu.memory_space<vmem_shared>> -> memref<640x128xf32, #tpu.memory_space<vmem_shared>>
      tpu.enqueue_dma source(%dma_start3A_43 : memref<640x128xf32, #tpu.memory_space<vmem_shared>>) target(%dma_start3A_41 : memref<640x128xf32, #tpu.memory_space<hbm>>) target_semaphore(%run_scoped3A : memref<!tpu.dma_semaphore, #tpu.memory_space<semaphore_mem>>)
      %dma_wait3A = arith.constant 0 : i32
      %dma_wait3A_44 = arith.constant 0 : i32
      %dma_wait3A_45 = tpu.memref_slice %arg3[%arg0, %dma_wait3A, %dma_wait3A_44] : memref<2x10240x128xf32, #tpu.memory_space<hbm>> -> memref<1x10240x128xf32, #tpu.memory_space<hbm>>
      %dma_wait3A_46 = tpu.memref_squeeze %dma_wait3A_45 : memref<1x10240x128xf32, #tpu.memory_space<hbm>> -> memref<10240x128xf32, #tpu.memory_space<hbm>>
      %dma_wait3A_47 = arith.constant 0 : i32
      %dma_wait3A_48 = tpu.memref_slice %dma_wait3A_46[%mul3A_36, %dma_wait3A_47] : memref<10240x128xf32, #tpu.memory_space<hbm>> -> memref<640x128xf32, #tpu.memory_space<hbm>>
      %dma_wait3A_49 = arith.constant 0 : i32
      %dma_wait3A_50 = tpu.memref_slice %arg4[%mul3A_34, %dma_wait3A_49] : memref<10240x128xf32, #tpu.memory_space<vmem_shared>> -> memref<640x128xf32, #tpu.memory_space<vmem_shared>>
      tpu.wait_dma2 semaphore(%run_scoped3A : memref<!tpu.dma_semaphore, #tpu.memory_space<semaphore_mem>>) src(%dma_wait3A_50 : memref<640x128xf32, #tpu.memory_space<vmem_shared>>) dst(%dma_wait3A_48 : memref<640x128xf32, #tpu.memory_space<hbm>>)
      tpu.yield
    }) : () -> ()
    return
  }
}

#map = affine_map<(d0, d1) -> (0, 0)>
#map1 = affine_map<(d0, d1) -> (0, 0, 0)>
module attributes {stable_mosaic.version = 14 : i64} {
  func.func @k(%arg0: i32, %arg1: i32, %arg2: memref<20480x128xf32, #tpu.memory_space<hbm>>, %arg3: memref<2x2560x128xi32, #tpu.memory_space<hbm>>, %arg4: memref<2560x128xi32, #tpu.memory_space<hbm>>, %arg5: memref<2x10240x128xf32, #tpu.memory_space<hbm>>, %arg6: memref<10240x128xf32, #tpu.memory_space<vmem_shared>>, %arg7: memref<40x128xi32, #tpu.memory_space<vmem>>, %arg8: memref<40x128xi32, #tpu.memory_space<vmem>>, %arg9: memref<128x128xf32, #tpu.memory_space<vmem>>, %arg10: memref<128x128xf32, #tpu.memory_space<vmem>>, %arg11: memref<!tpu.dma_semaphore, #tpu.memory_space<semaphore_mem>>, %arg12: memref<!tpu.dma_semaphore, #tpu.memory_space<semaphore_mem>>, %arg13: memref<!tpu.dma_semaphore, #tpu.memory_space<semaphore_mem>>, %arg14: memref<!tpu.dma_semaphore, #tpu.memory_space<semaphore_mem>>) attributes {dimension_semantics = [#tpu.dimension_semantics<core_parallel>, #tpu.dimension_semantics<subcore_parallel>], iteration_bounds = array<i64: 2, 16>, scalar_prefetch = 0 : i64, scratch_operands = 9 : i64, tpu.core_type = #tpu.core_type<sc_vector_subcore>, window_params = [{transform_indices = #map}, {transform_indices = #map1}, {transform_indices = #map}, {transform_indices = #map1}]} {
    %scan3A = arith.constant 0 : i32
    %scan3A_0 = arith.constant 128 : i32
    %scan3A_1 = arith.addi %scan3A, %scan3A_0 : i32
    %scan3A_2 = arith.constant 1 : i32
    scf.for %scan3A_34 = %scan3A to %scan3A_1 step %scan3A_2  : i32 {
      %mul3A_35 = arith.constant 1 : i32
      %mul3A_36 = arith.muli %scan3A_34, %mul3A_35 : i32
      %add3A_37 = arith.constant 0 : i32
      %add3A_38 = arith.addi %add3A_37, %mul3A_36 : i32
      %scan3A_39 = arith.constant 0 : i32
      %scan3A_40 = arith.constant 8 : i32
      %scan3A_41 = arith.addi %scan3A_39, %scan3A_40 : i32
      %scan3A_42 = arith.constant 1 : i32
      scf.for %scan3A_44 = %scan3A_39 to %scan3A_41 step %scan3A_42  : i32 {
        %mul3A_45 = arith.constant 16 : i32
        %mul3A_46 = arith.muli %scan3A_44, %mul3A_45 : i32
        %add3A_47 = arith.constant 0 : i32
        %add3A_48 = arith.addi %add3A_47, %mul3A_46 : i32
        %broadcast_in_dim3A = arith.constant 0.000000e+00 : f32
        %broadcast_in_dim3A_49 = vector.broadcast %broadcast_in_dim3A : f32 to vector<16xf32>
        %swap3A = arith.index_cast %add3A_38 : i32 to index
        %swap3A_50 = arith.index_cast %add3A_48 : i32 to index
        %swap3A_51 = tpu.vector_load %arg9[%swap3A, %swap3A_50] {strides = array<i32>} : memref<128x128xf32, #tpu.memory_space<vmem>>, vector<1x16xf32>,
        %swap3A_52 = vector.shape_cast %swap3A_51 : vector<1x16xf32> to vector<16xf32>
        %swap3A_53 = vector.shape_cast %broadcast_in_dim3A_49 : vector<16xf32> to vector<1x16xf32>
        tpu.vector_store %arg9[%swap3A, %swap3A_50], %swap3A_53 {strides = array<i32>} : memref<128x128xf32, #tpu.memory_space<vmem>>, vector<1x16xf32>,
      }
      %scan3A_43 = arith.constant 8 : i32
    }
    %scan3A_3 = arith.constant 128 : i32
    %mul3A = arith.constant 640 : i32
    %mul3A_4 = arith.muli %arg1, %mul3A : i32
    %add3A = arith.constant 0 : i32
    %add3A_5 = arith.addi %mul3A_4, %add3A : i32
    "tpu.region"() ({
      %run_scoped3A = tpu.sem_alloc : memref<!tpu.dma_semaphore, #tpu.memory_space<semaphore_mem>>
      %dma_start3A = arith.constant 0 : i32
      %dma_start3A_34 = tpu.memref_slice %arg6[%add3A_5, %dma_start3A] : memref<10240x128xf32, #tpu.memory_space<vmem_shared>> -> memref<128x128xf32, #tpu.memory_space<vmem_shared>>
      %dma_start3A_35 = arith.constant 0 : i32
      %dma_start3A_36 = tpu.memref_slice %arg6[%add3A_5, %dma_start3A_35] : memref<10240x128xf32, #tpu.memory_space<vmem_shared>> -> memref<128x128xf32, #tpu.memory_space<vmem_shared>>
      tpu.enqueue_dma source(%arg9 : memref<128x128xf32, #tpu.memory_space<vmem>>) target(%dma_start3A_36 : memref<128x128xf32, #tpu.memory_space<vmem_shared>>) target_semaphore(%run_scoped3A : memref<!tpu.dma_semaphore, #tpu.memory_space<semaphore_mem>>)
      %dma_wait3A = arith.constant 0 : i32
      %dma_wait3A_37 = tpu.memref_slice %arg6[%add3A_5, %dma_wait3A] : memref<10240x128xf32, #tpu.memory_space<vmem_shared>> -> memref<128x128xf32, #tpu.memory_space<vmem_shared>>
      %dma_wait3A_38 = arith.constant 0 : i32
      %dma_wait3A_39 = tpu.memref_slice %arg6[%add3A_5, %dma_wait3A_38] : memref<10240x128xf32, #tpu.memory_space<vmem_shared>> -> memref<128x128xf32, #tpu.memory_space<vmem_shared>>
      tpu.wait_dma2 semaphore(%run_scoped3A : memref<!tpu.dma_semaphore, #tpu.memory_space<semaphore_mem>>) src(%arg9 : memref<128x128xf32, #tpu.memory_space<vmem>>) dst(%dma_wait3A_39 : memref<128x128xf32, #tpu.memory_space<vmem_shared>>)
      tpu.yield
    }) : () -> ()
    %mul3A_6 = arith.constant 640 : i32
    %mul3A_7 = arith.muli %arg1, %mul3A_6 : i32
    %add3A_8 = arith.constant 128 : i32
    %add3A_9 = arith.addi %mul3A_7, %add3A_8 : i32
    "tpu.region"() ({
      %run_scoped3A = tpu.sem_alloc : memref<!tpu.dma_semaphore, #tpu.memory_space<semaphore_mem>>
      %dma_start3A = arith.constant 0 : i32
      %dma_start3A_34 = tpu.memref_slice %arg6[%add3A_9, %dma_start3A] : memref<10240x128xf32, #tpu.memory_space<vmem_shared>> -> memref<128x128xf32, #tpu.memory_space<vmem_shared>>
      %dma_start3A_35 = arith.constant 0 : i32
      %dma_start3A_36 = tpu.memref_slice %arg6[%add3A_9, %dma_start3A_35] : memref<10240x128xf32, #tpu.memory_space<vmem_shared>> -> memref<128x128xf32, #tpu.memory_space<vmem_shared>>
      tpu.enqueue_dma source(%arg9 : memref<128x128xf32, #tpu.memory_space<vmem>>) target(%dma_start3A_36 : memref<128x128xf32, #tpu.memory_space<vmem_shared>>) target_semaphore(%run_scoped3A : memref<!tpu.dma_semaphore, #tpu.memory_space<semaphore_mem>>)
      %dma_wait3A = arith.constant 0 : i32
      %dma_wait3A_37 = tpu.memref_slice %arg6[%add3A_9, %dma_wait3A] : memref<10240x128xf32, #tpu.memory_space<vmem_shared>> -> memref<128x128xf32, #tpu.memory_space<vmem_shared>>
      %dma_wait3A_38 = arith.constant 0 : i32
      %dma_wait3A_39 = tpu.memref_slice %arg6[%add3A_9, %dma_wait3A_38] : memref<10240x128xf32, #tpu.memory_space<vmem_shared>> -> memref<128x128xf32, #tpu.memory_space<vmem_shared>>
      tpu.wait_dma2 semaphore(%run_scoped3A : memref<!tpu.dma_semaphore, #tpu.memory_space<semaphore_mem>>) src(%arg9 : memref<128x128xf32, #tpu.memory_space<vmem>>) dst(%dma_wait3A_39 : memref<128x128xf32, #tpu.memory_space<vmem_shared>>)
      tpu.yield
    }) : () -> ()
    %mul3A_10 = arith.constant 640 : i32
    %mul3A_11 = arith.muli %arg1, %mul3A_10 : i32
    %add3A_12 = arith.constant 256 : i32
    %add3A_13 = arith.addi %mul3A_11, %add3A_12 : i32
    "tpu.region"() ({
      %run_scoped3A = tpu.sem_alloc : memref<!tpu.dma_semaphore, #tpu.memory_space<semaphore_mem>>
      %dma_start3A = arith.constant 0 : i32
      %dma_start3A_34 = tpu.memref_slice %arg6[%add3A_13, %dma_start3A] : memref<10240x128xf32, #tpu.memory_space<vmem_shared>> -> memref<128x128xf32, #tpu.memory_space<vmem_shared>>
      %dma_start3A_35 = arith.constant 0 : i32
      %dma_start3A_36 = tpu.memref_slice %arg6[%add3A_13, %dma_start3A_35] : memref<10240x128xf32, #tpu.memory_space<vmem_shared>> -> memref<128x128xf32, #tpu.memory_space<vmem_shared>>
      tpu.enqueue_dma source(%arg9 : memref<128x128xf32, #tpu.memory_space<vmem>>) target(%dma_start3A_36 : memref<128x128xf32, #tpu.memory_space<vmem_shared>>) target_semaphore(%run_scoped3A : memref<!tpu.dma_semaphore, #tpu.memory_space<semaphore_mem>>)
      %dma_wait3A = arith.constant 0 : i32
      %dma_wait3A_37 = tpu.memref_slice %arg6[%add3A_13, %dma_wait3A] : memref<10240x128xf32, #tpu.memory_space<vmem_shared>> -> memref<128x128xf32, #tpu.memory_space<vmem_shared>>
      %dma_wait3A_38 = arith.constant 0 : i32
      %dma_wait3A_39 = tpu.memref_slice %arg6[%add3A_13, %dma_wait3A_38] : memref<10240x128xf32, #tpu.memory_space<vmem_shared>> -> memref<128x128xf32, #tpu.memory_space<vmem_shared>>
      tpu.wait_dma2 semaphore(%run_scoped3A : memref<!tpu.dma_semaphore, #tpu.memory_space<semaphore_mem>>) src(%arg9 : memref<128x128xf32, #tpu.memory_space<vmem>>) dst(%dma_wait3A_39 : memref<128x128xf32, #tpu.memory_space<vmem_shared>>)
      tpu.yield
    }) : () -> ()
    %mul3A_14 = arith.constant 640 : i32
    %mul3A_15 = arith.muli %arg1, %mul3A_14 : i32
    %add3A_16 = arith.constant 384 : i32
    %add3A_17 = arith.addi %mul3A_15, %add3A_16 : i32
    "tpu.region"() ({
      %run_scoped3A = tpu.sem_alloc : memref<!tpu.dma_semaphore, #tpu.memory_space<semaphore_mem>>
      %dma_start3A = arith.constant 0 : i32
      %dma_start3A_34 = tpu.memref_slice %arg6[%add3A_17, %dma_start3A] : memref<10240x128xf32, #tpu.memory_space<vmem_shared>> -> memref<128x128xf32, #tpu.memory_space<vmem_shared>>
      %dma_start3A_35 = arith.constant 0 : i32
      %dma_start3A_36 = tpu.memref_slice %arg6[%add3A_17, %dma_start3A_35] : memref<10240x128xf32, #tpu.memory_space<vmem_shared>> -> memref<128x128xf32, #tpu.memory_space<vmem_shared>>
      tpu.enqueue_dma source(%arg9 : memref<128x128xf32, #tpu.memory_space<vmem>>) target(%dma_start3A_36 : memref<128x128xf32, #tpu.memory_space<vmem_shared>>) target_semaphore(%run_scoped3A : memref<!tpu.dma_semaphore, #tpu.memory_space<semaphore_mem>>)
      %dma_wait3A = arith.constant 0 : i32
      %dma_wait3A_37 = tpu.memref_slice %arg6[%add3A_17, %dma_wait3A] : memref<10240x128xf32, #tpu.memory_space<vmem_shared>> -> memref<128x128xf32, #tpu.memory_space<vmem_shared>>
      %dma_wait3A_38 = arith.constant 0 : i32
      %dma_wait3A_39 = tpu.memref_slice %arg6[%add3A_17, %dma_wait3A_38] : memref<10240x128xf32, #tpu.memory_space<vmem_shared>> -> memref<128x128xf32, #tpu.memory_space<vmem_shared>>
      tpu.wait_dma2 semaphore(%run_scoped3A : memref<!tpu.dma_semaphore, #tpu.memory_space<semaphore_mem>>) src(%arg9 : memref<128x128xf32, #tpu.memory_space<vmem>>) dst(%dma_wait3A_39 : memref<128x128xf32, #tpu.memory_space<vmem_shared>>)
      tpu.yield
    }) : () -> ()
    %mul3A_18 = arith.constant 640 : i32
    %mul3A_19 = arith.muli %arg1, %mul3A_18 : i32
    %add3A_20 = arith.constant 512 : i32
    %add3A_21 = arith.addi %mul3A_19, %add3A_20 : i32
    "tpu.region"() ({
      %run_scoped3A = tpu.sem_alloc : memref<!tpu.dma_semaphore, #tpu.memory_space<semaphore_mem>>
      %dma_start3A = arith.constant 0 : i32
      %dma_start3A_34 = tpu.memref_slice %arg6[%add3A_21, %dma_start3A] : memref<10240x128xf32, #tpu.memory_space<vmem_shared>> -> memref<128x128xf32, #tpu.memory_space<vmem_shared>>
      %dma_start3A_35 = arith.constant 0 : i32
      %dma_start3A_36 = tpu.memref_slice %arg6[%add3A_21, %dma_start3A_35] : memref<10240x128xf32, #tpu.memory_space<vmem_shared>> -> memref<128x128xf32, #tpu.memory_space<vmem_shared>>
      tpu.enqueue_dma source(%arg9 : memref<128x128xf32, #tpu.memory_space<vmem>>) target(%dma_start3A_36 : memref<128x128xf32, #tpu.memory_space<vmem_shared>>) target_semaphore(%run_scoped3A : memref<!tpu.dma_semaphore, #tpu.memory_space<semaphore_mem>>)
      %dma_wait3A = arith.constant 0 : i32
      %dma_wait3A_37 = tpu.memref_slice %arg6[%add3A_21, %dma_wait3A] : memref<10240x128xf32, #tpu.memory_space<vmem_shared>> -> memref<128x128xf32, #tpu.memory_space<vmem_shared>>
      %dma_wait3A_38 = arith.constant 0 : i32
      %dma_wait3A_39 = tpu.memref_slice %arg6[%add3A_21, %dma_wait3A_38] : memref<10240x128xf32, #tpu.memory_space<vmem_shared>> -> memref<128x128xf32, #tpu.memory_space<vmem_shared>>
      tpu.wait_dma2 semaphore(%run_scoped3A : memref<!tpu.dma_semaphore, #tpu.memory_space<semaphore_mem>>) src(%arg9 : memref<128x128xf32, #tpu.memory_space<vmem>>) dst(%dma_wait3A_39 : memref<128x128xf32, #tpu.memory_space<vmem_shared>>)
      tpu.yield
    }) : () -> ()
    %barrier3A = arith.constant 0 : index
    tpu.barrier barrier_id(%barrier3A)
    %mul3A_22 = arith.constant 160 : i32
    %mul3A_23 = arith.muli %arg1, %mul3A_22 : i32
    %scan3A_24 = arith.constant 0 : i32
    %scan3A_25 = arith.constant 4 : i32
    %scan3A_26 = arith.addi %scan3A_24, %scan3A_25 : i32
    %scan3A_27 = arith.constant 1 : i32
    scf.for %scan3A_34 = %scan3A_24 to %scan3A_26 step %scan3A_27  : i32 {
      %mul3A_35 = arith.constant 40 : i32
      %mul3A_36 = arith.muli %scan3A_34, %mul3A_35 : i32
      %add3A_37 = arith.constant 0 : i32
      %add3A_38 = arith.addi %add3A_37, %mul3A_36 : i32
      %add3A_39 = arith.addi %mul3A_23, %add3A_38 : i32
      "tpu.region"() ({
        %run_scoped3A = tpu.sem_alloc : memref<!tpu.dma_semaphore, #tpu.memory_space<semaphore_mem>>
        %dma_start3A_59 = arith.constant 0 : i32
        %dma_start3A_60 = arith.constant 0 : i32
        %dma_start3A_61 = tpu.memref_slice %arg3[%arg0, %dma_start3A_59, %dma_start3A_60] : memref<2x2560x128xi32, #tpu.memory_space<hbm>> -> memref<1x2560x128xi32, #tpu.memory_space<hbm>>
        %dma_start3A_62 = tpu.memref_squeeze %dma_start3A_61 : memref<1x2560x128xi32, #tpu.memory_space<hbm>> -> memref<2560x128xi32, #tpu.memory_space<hbm>>
        %dma_start3A_63 = arith.constant 0 : i32
        %dma_start3A_64 = tpu.memref_slice %dma_start3A_62[%add3A_39, %dma_start3A_63] : memref<2560x128xi32, #tpu.memory_space<hbm>> -> memref<40x128xi32, #tpu.memory_space<hbm>>
        %dma_start3A_65 = arith.constant 0 : i32
        %dma_start3A_66 = arith.constant 0 : i32
        %dma_start3A_67 = tpu.memref_slice %arg3[%arg0, %dma_start3A_65, %dma_start3A_66] : memref<2x2560x128xi32, #tpu.memory_space<hbm>> -> memref<1x2560x128xi32, #tpu.memory_space<hbm>>
        %dma_start3A_68 = tpu.memref_squeeze %dma_start3A_67 : memref<1x2560x128xi32, #tpu.memory_space<hbm>> -> memref<2560x128xi32, #tpu.memory_space<hbm>>
        %dma_start3A_69 = arith.constant 0 : i32
        %dma_start3A_70 = tpu.memref_slice %dma_start3A_68[%add3A_39, %dma_start3A_69] : memref<2560x128xi32, #tpu.memory_space<hbm>> -> memref<40x128xi32, #tpu.memory_space<hbm>>
        tpu.enqueue_dma source(%dma_start3A_70 : memref<40x128xi32, #tpu.memory_space<hbm>>) target(%arg7 : memref<40x128xi32, #tpu.memory_space<vmem>>) target_semaphore(%run_scoped3A : memref<!tpu.dma_semaphore, #tpu.memory_space<semaphore_mem>>)
        %dma_wait3A = arith.constant 0 : i32
        %dma_wait3A_71 = arith.constant 0 : i32
        %dma_wait3A_72 = tpu.memref_slice %arg3[%arg0, %dma_wait3A, %dma_wait3A_71] : memref<2x2560x128xi32, #tpu.memory_space<hbm>> -> memref<1x2560x128xi32, #tpu.memory_space<hbm>>
        %dma_wait3A_73 = tpu.memref_squeeze %dma_wait3A_72 : memref<1x2560x128xi32, #tpu.memory_space<hbm>> -> memref<2560x128xi32, #tpu.memory_space<hbm>>
        %dma_wait3A_74 = arith.constant 0 : i32
        %dma_wait3A_75 = tpu.memref_slice %dma_wait3A_73[%add3A_39, %dma_wait3A_74] : memref<2560x128xi32, #tpu.memory_space<hbm>> -> memref<40x128xi32, #tpu.memory_space<hbm>>
        %dma_wait3A_76 = arith.constant 0 : i32
        %dma_wait3A_77 = arith.constant 0 : i32
        %dma_wait3A_78 = tpu.memref_slice %arg3[%arg0, %dma_wait3A_76, %dma_wait3A_77] : memref<2x2560x128xi32, #tpu.memory_space<hbm>> -> memref<1x2560x128xi32, #tpu.memory_space<hbm>>
        %dma_wait3A_79 = tpu.memref_squeeze %dma_wait3A_78 : memref<1x2560x128xi32, #tpu.memory_space<hbm>> -> memref<2560x128xi32, #tpu.memory_space<hbm>>
        %dma_wait3A_80 = arith.constant 0 : i32
        %dma_wait3A_81 = tpu.memref_slice %dma_wait3A_79[%add3A_39, %dma_wait3A_80] : memref<2560x128xi32, #tpu.memory_space<hbm>> -> memref<40x128xi32, #tpu.memory_space<hbm>>
        tpu.wait_dma2 semaphore(%run_scoped3A : memref<!tpu.dma_semaphore, #tpu.memory_space<semaphore_mem>>) src(%dma_wait3A_81 : memref<40x128xi32, #tpu.memory_space<hbm>>) dst(%arg7 : memref<40x128xi32, #tpu.memory_space<vmem>>)
        tpu.yield
      }) : () -> ()
      %add3A_40 = arith.addi %mul3A_23, %add3A_38 : i32
      "tpu.region"() ({
        %run_scoped3A = tpu.sem_alloc : memref<!tpu.dma_semaphore, #tpu.memory_space<semaphore_mem>>
        %dma_start3A_59 = arith.constant 0 : i32
        %dma_start3A_60 = tpu.memref_slice %arg4[%add3A_40, %dma_start3A_59] : memref<2560x128xi32, #tpu.memory_space<hbm>> -> memref<40x128xi32, #tpu.memory_space<hbm>>
        %dma_start3A_61 = arith.constant 0 : i32
        %dma_start3A_62 = tpu.memref_slice %arg4[%add3A_40, %dma_start3A_61] : memref<2560x128xi32, #tpu.memory_space<hbm>> -> memref<40x128xi32, #tpu.memory_space<hbm>>
        tpu.enqueue_dma source(%dma_start3A_62 : memref<40x128xi32, #tpu.memory_space<hbm>>) target(%arg8 : memref<40x128xi32, #tpu.memory_space<vmem>>) target_semaphore(%run_scoped3A : memref<!tpu.dma_semaphore, #tpu.memory_space<semaphore_mem>>)
        %dma_wait3A = arith.constant 0 : i32
        %dma_wait3A_63 = tpu.memref_slice %arg4[%add3A_40, %dma_wait3A] : memref<2560x128xi32, #tpu.memory_space<hbm>> -> memref<40x128xi32, #tpu.memory_space<hbm>>
        %dma_wait3A_64 = arith.constant 0 : i32
        %dma_wait3A_65 = tpu.memref_slice %arg4[%add3A_40, %dma_wait3A_64] : memref<2560x128xi32, #tpu.memory_space<hbm>> -> memref<40x128xi32, #tpu.memory_space<hbm>>
        tpu.wait_dma2 semaphore(%run_scoped3A : memref<!tpu.dma_semaphore, #tpu.memory_space<semaphore_mem>>) src(%dma_wait3A_65 : memref<40x128xi32, #tpu.memory_space<hbm>>) dst(%arg8 : memref<40x128xi32, #tpu.memory_space<vmem>>)
        tpu.yield
      }) : () -> ()
      %dma_start3A = arith.constant 0 : i32
      %dma_start3A_41 = arith.constant 0 : i32
      %dma_start3A_42 = tpu.memref_slice %arg7[%dma_start3A, %dma_start3A_41] : memref<40x128xi32, #tpu.memory_space<vmem>> -> memref<1x128xi32, #tpu.memory_space<vmem>>
      %dma_start3A_43 = tpu.memref_squeeze %dma_start3A_42 : memref<1x128xi32, #tpu.memory_space<vmem>> -> memref<128xi32, #tpu.memory_space<vmem>>
      %dma_start3A_44 = arith.constant 0 : i32
      %dma_start3A_45 = arith.constant 0 : i32
      %dma_start3A_46 = tpu.memref_slice %arg2[%dma_start3A_44, %dma_start3A_45] : memref<20480x128xf32, #tpu.memory_space<hbm>> -> memref<20480x128xf32, #tpu.memory_space<hbm>>
      tpu.enqueue_indirect_dma source(%dma_start3A_46 : memref<20480x128xf32, #tpu.memory_space<hbm>>) target(%arg9 : memref<128x128xf32, #tpu.memory_space<vmem>>) offsets(%dma_start3A_43 : memref<128xi32, #tpu.memory_space<vmem>>) semaphore(%arg11 : memref<!tpu.dma_semaphore, #tpu.memory_space<semaphore_mem>>)
      %dma_start3A_47 = arith.constant 1 : i32
      %dma_start3A_48 = arith.constant 0 : i32
      %dma_start3A_49 = tpu.memref_slice %arg7[%dma_start3A_47, %dma_start3A_48] : memref<40x128xi32, #tpu.memory_space<vmem>> -> memref<1x128xi32, #tpu.memory_space<vmem>>
      %dma_start3A_50 = tpu.memref_squeeze %dma_start3A_49 : memref<1x128xi32, #tpu.memory_space<vmem>> -> memref<128xi32, #tpu.memory_space<vmem>>
      %dma_start3A_51 = arith.constant 0 : i32
      %dma_start3A_52 = arith.constant 0 : i32
      %dma_start3A_53 = tpu.memref_slice %arg2[%dma_start3A_51, %dma_start3A_52] : memref<20480x128xf32, #tpu.memory_space<hbm>> -> memref<20480x128xf32, #tpu.memory_space<hbm>>
      tpu.enqueue_indirect_dma source(%dma_start3A_53 : memref<20480x128xf32, #tpu.memory_space<hbm>>) target(%arg10 : memref<128x128xf32, #tpu.memory_space<vmem>>) offsets(%dma_start3A_50 : memref<128xi32, #tpu.memory_space<vmem>>) semaphore(%arg12 : memref<!tpu.dma_semaphore, #tpu.memory_space<semaphore_mem>>)
      %scan3A_54 = arith.constant 0 : i32
      %scan3A_55 = arith.constant 20 : i32
      %scan3A_56 = arith.addi %scan3A_54, %scan3A_55 : i32
      %scan3A_57 = arith.constant 1 : i32
      scf.for %scan3A_59 = %scan3A_54 to %scan3A_56 step %scan3A_57  : i32 {
        %mul3A_60 = arith.constant 2 : i32
        %mul3A_61 = arith.muli %scan3A_59, %mul3A_60 : i32
        %add3A_62 = arith.constant 0 : i32
        %add3A_63 = arith.addi %add3A_62, %mul3A_61 : i32
        %dma_wait3A = arith.constant 0 : i32
        %dma_wait3A_64 = tpu.memref_slice %arg7[%add3A_63, %dma_wait3A] : memref<40x128xi32, #tpu.memory_space<vmem>> -> memref<1x128xi32, #tpu.memory_space<vmem>>
        %dma_wait3A_65 = tpu.memref_squeeze %dma_wait3A_64 : memref<1x128xi32, #tpu.memory_space<vmem>> -> memref<128xi32, #tpu.memory_space<vmem>>
        %dma_wait3A_66 = arith.constant 0 : i32
        %dma_wait3A_67 = arith.constant 0 : i32
        %dma_wait3A_68 = tpu.memref_slice %arg2[%dma_wait3A_66, %dma_wait3A_67] : memref<20480x128xf32, #tpu.memory_space<hbm>> -> memref<20480x128xf32, #tpu.memory_space<hbm>>
        tpu.wait_indirect_dma semaphore(%arg11 : memref<!tpu.dma_semaphore, #tpu.memory_space<semaphore_mem>>) src(%dma_wait3A_68 : memref<20480x128xf32, #tpu.memory_space<hbm>>) dst(%arg9 : memref<128x128xf32, #tpu.memory_space<vmem>>)
        %dma_start3A_69 = arith.constant 0 : i32
        %dma_start3A_70 = tpu.memref_slice %arg8[%add3A_63, %dma_start3A_69] : memref<40x128xi32, #tpu.memory_space<vmem>> -> memref<1x128xi32, #tpu.memory_space<vmem>>
        %dma_start3A_71 = tpu.memref_squeeze %dma_start3A_70 : memref<1x128xi32, #tpu.memory_space<vmem>> -> memref<128xi32, #tpu.memory_space<vmem>>
        %dma_start3A_72 = arith.constant 0 : i32
        %dma_start3A_73 = arith.constant 0 : i32
        %dma_start3A_74 = tpu.memref_slice %arg6[%dma_start3A_72, %dma_start3A_73] : memref<10240x128xf32, #tpu.memory_space<vmem_shared>> -> memref<10240x128xf32, #tpu.memory_space<vmem_shared>>
        tpu.enqueue_indirect_dma source(%arg9 : memref<128x128xf32, #tpu.memory_space<vmem>>) target(%dma_start3A_74 : memref<10240x128xf32, #tpu.memory_space<vmem_shared>>) offsets(%dma_start3A_71 : memref<128xi32, #tpu.memory_space<vmem>>) semaphore(%arg13 : memref<!tpu.dma_semaphore, #tpu.memory_space<semaphore_mem>>) {add = true}
        %add3A_75 = arith.constant 1 : i32
        %add3A_76 = arith.addi %add3A_63, %add3A_75 : i32
        %dma_wait3A_77 = arith.constant 0 : i32
        %dma_wait3A_78 = tpu.memref_slice %arg7[%add3A_76, %dma_wait3A_77] : memref<40x128xi32, #tpu.memory_space<vmem>> -> memref<1x128xi32, #tpu.memory_space<vmem>>
        %dma_wait3A_79 = tpu.memref_squeeze %dma_wait3A_78 : memref<1x128xi32, #tpu.memory_space<vmem>> -> memref<128xi32, #tpu.memory_space<vmem>>
        %dma_wait3A_80 = arith.constant 0 : i32
        %dma_wait3A_81 = arith.constant 0 : i32
        %dma_wait3A_82 = tpu.memref_slice %arg2[%dma_wait3A_80, %dma_wait3A_81] : memref<20480x128xf32, #tpu.memory_space<hbm>> -> memref<20480x128xf32, #tpu.memory_space<hbm>>
        tpu.wait_indirect_dma semaphore(%arg12 : memref<!tpu.dma_semaphore, #tpu.memory_space<semaphore_mem>>) src(%dma_wait3A_82 : memref<20480x128xf32, #tpu.memory_space<hbm>>) dst(%arg10 : memref<128x128xf32, #tpu.memory_space<vmem>>)
        %add3A_83 = arith.constant 1 : i32
        %add3A_84 = arith.addi %add3A_63, %add3A_83 : i32
        %dma_start3A_85 = arith.constant 0 : i32
        %dma_start3A_86 = tpu.memref_slice %arg8[%add3A_84, %dma_start3A_85] : memref<40x128xi32, #tpu.memory_space<vmem>> -> memref<1x128xi32, #tpu.memory_space<vmem>>
        %dma_start3A_87 = tpu.memref_squeeze %dma_start3A_86 : memref<1x128xi32, #tpu.memory_space<vmem>> -> memref<128xi32, #tpu.memory_space<vmem>>
        %dma_start3A_88 = arith.constant 0 : i32
        %dma_start3A_89 = arith.constant 0 : i32
        %dma_start3A_90 = tpu.memref_slice %arg6[%dma_start3A_88, %dma_start3A_89] : memref<10240x128xf32, #tpu.memory_space<vmem_shared>> -> memref<10240x128xf32, #tpu.memory_space<vmem_shared>>
        tpu.enqueue_indirect_dma source(%arg10 : memref<128x128xf32, #tpu.memory_space<vmem>>) target(%dma_start3A_90 : memref<10240x128xf32, #tpu.memory_space<vmem_shared>>) offsets(%dma_start3A_87 : memref<128xi32, #tpu.memory_space<vmem>>) semaphore(%arg14 : memref<!tpu.dma_semaphore, #tpu.memory_space<semaphore_mem>>) {add = true}
        %dma_wait3A_91 = arith.constant 0 : i32
        %dma_wait3A_92 = tpu.memref_slice %arg8[%add3A_63, %dma_wait3A_91] : memref<40x128xi32, #tpu.memory_space<vmem>> -> memref<1x128xi32, #tpu.memory_space<vmem>>
        %dma_wait3A_93 = tpu.memref_squeeze %dma_wait3A_92 : memref<1x128xi32, #tpu.memory_space<vmem>> -> memref<128xi32, #tpu.memory_space<vmem>>
        %dma_wait3A_94 = arith.constant 0 : i32
        %dma_wait3A_95 = arith.constant 0 : i32
        %dma_wait3A_96 = tpu.memref_slice %arg6[%dma_wait3A_94, %dma_wait3A_95] : memref<10240x128xf32, #tpu.memory_space<vmem_shared>> -> memref<10240x128xf32, #tpu.memory_space<vmem_shared>>
        tpu.wait_indirect_dma semaphore(%arg13 : memref<!tpu.dma_semaphore, #tpu.memory_space<semaphore_mem>>) src(%arg9 : memref<128x128xf32, #tpu.memory_space<vmem>>) dst(%dma_wait3A_96 : memref<10240x128xf32, #tpu.memory_space<vmem_shared>>)
        %add3A_97 = arith.constant 2 : i32
        %add3A_98 = arith.addi %add3A_63, %add3A_97 : i32
        %lt3A = arith.constant 40 : i32
        %lt3A_99 = arith.cmpi slt, %add3A_98, %lt3A : i32
        %convert_element_type3A = arith.extui %lt3A_99 : i1 to i32
        %cond3A = arith.constant 0 : i32
        %cond3A_100 = arith.cmpi ne, %convert_element_type3A, %cond3A : i32
        scf.if %cond3A_100 {
          %add3A_116 = arith.constant 2 : i32
          %add3A_117 = arith.addi %add3A_63, %add3A_116 : i32
          %dma_start3A_118 = arith.constant 0 : i32
          %dma_start3A_119 = tpu.memref_slice %arg7[%add3A_117, %dma_start3A_118] : memref<40x128xi32, #tpu.memory_space<vmem>> -> memref<1x128xi32, #tpu.memory_space<vmem>>
          %dma_start3A_120 = tpu.memref_squeeze %dma_start3A_119 : memref<1x128xi32, #tpu.memory_space<vmem>> -> memref<128xi32, #tpu.memory_space<vmem>>
          %dma_start3A_121 = arith.constant 0 : i32
          %dma_start3A_122 = arith.constant 0 : i32
          %dma_start3A_123 = tpu.memref_slice %arg2[%dma_start3A_121, %dma_start3A_122] : memref<20480x128xf32, #tpu.memory_space<hbm>> -> memref<20480x128xf32, #tpu.memory_space<hbm>>
          tpu.enqueue_indirect_dma source(%dma_start3A_123 : memref<20480x128xf32, #tpu.memory_space<hbm>>) target(%arg9 : memref<128x128xf32, #tpu.memory_space<vmem>>) offsets(%dma_start3A_120 : memref<128xi32, #tpu.memory_space<vmem>>) semaphore(%arg11 : memref<!tpu.dma_semaphore, #tpu.memory_space<semaphore_mem>>)
        } else {
        }
        %add3A_101 = arith.constant 1 : i32
        %add3A_102 = arith.addi %add3A_63, %add3A_101 : i32
        %dma_wait3A_103 = arith.constant 0 : i32
        %dma_wait3A_104 = tpu.memref_slice %arg8[%add3A_102, %dma_wait3A_103] : memref<40x128xi32, #tpu.memory_space<vmem>> -> memref<1x128xi32, #tpu.memory_space<vmem>>
        %dma_wait3A_105 = tpu.memref_squeeze %dma_wait3A_104 : memref<1x128xi32, #tpu.memory_space<vmem>> -> memref<128xi32, #tpu.memory_space<vmem>>
        %dma_wait3A_106 = arith.constant 0 : i32
        %dma_wait3A_107 = arith.constant 0 : i32
        %dma_wait3A_108 = tpu.memref_slice %arg6[%dma_wait3A_106, %dma_wait3A_107] : memref<10240x128xf32, #tpu.memory_space<vmem_shared>> -> memref<10240x128xf32, #tpu.memory_space<vmem_shared>>
        tpu.wait_indirect_dma semaphore(%arg14 : memref<!tpu.dma_semaphore, #tpu.memory_space<semaphore_mem>>) src(%arg10 : memref<128x128xf32, #tpu.memory_space<vmem>>) dst(%dma_wait3A_108 : memref<10240x128xf32, #tpu.memory_space<vmem_shared>>)
        %add3A_109 = arith.constant 3 : i32
        %add3A_110 = arith.addi %add3A_63, %add3A_109 : i32
        %lt3A_111 = arith.constant 40 : i32
        %lt3A_112 = arith.cmpi slt, %add3A_110, %lt3A_111 : i32
        %convert_element_type3A_113 = arith.extui %lt3A_112 : i1 to i32
        %cond3A_114 = arith.constant 0 : i32
        %cond3A_115 = arith.cmpi ne, %convert_element_type3A_113, %cond3A_114 : i32
        scf.if %cond3A_115 {
          %add3A_116 = arith.constant 3 : i32
          %add3A_117 = arith.addi %add3A_63, %add3A_116 : i32
          %dma_start3A_118 = arith.constant 0 : i32
          %dma_start3A_119 = tpu.memref_slice %arg7[%add3A_117, %dma_start3A_118] : memref<40x128xi32, #tpu.memory_space<vmem>> -> memref<1x128xi32, #tpu.memory_space<vmem>>
          %dma_start3A_120 = tpu.memref_squeeze %dma_start3A_119 : memref<1x128xi32, #tpu.memory_space<vmem>> -> memref<128xi32, #tpu.memory_space<vmem>>
          %dma_start3A_121 = arith.constant 0 : i32
          %dma_start3A_122 = arith.constant 0 : i32
          %dma_start3A_123 = tpu.memref_slice %arg2[%dma_start3A_121, %dma_start3A_122] : memref<20480x128xf32, #tpu.memory_space<hbm>> -> memref<20480x128xf32, #tpu.memory_space<hbm>>
          tpu.enqueue_indirect_dma source(%dma_start3A_123 : memref<20480x128xf32, #tpu.memory_space<hbm>>) target(%arg10 : memref<128x128xf32, #tpu.memory_space<vmem>>) offsets(%dma_start3A_120 : memref<128xi32, #tpu.memory_space<vmem>>) semaphore(%arg12 : memref<!tpu.dma_semaphore, #tpu.memory_space<semaphore_mem>>)
        } else {
        }
      }
      %scan3A_58 = arith.constant 20 : i32
    }
    %scan3A_28 = arith.constant 4 : i32
    %barrier3A_29 = arith.constant 0 : index
    tpu.barrier barrier_id(%barrier3A_29)
    %mul3A_30 = arith.constant 640 : i32
    %mul3A_31 = arith.muli %arg1, %mul3A_30 : i32
    %mul3A_32 = arith.constant 640 : i32
    %mul3A_33 = arith.muli %arg1, %mul3A_32 : i32
    "tpu.region"() ({
      %run_scoped3A = tpu.sem_alloc : memref<!tpu.dma_semaphore, #tpu.memory_space<semaphore_mem>>
      %dma_start3A = arith.constant 0 : i32
      %dma_start3A_34 = arith.constant 0 : i32
      %dma_start3A_35 = tpu.memref_slice %arg5[%arg0, %dma_start3A, %dma_start3A_34] : memref<2x10240x128xf32, #tpu.memory_space<hbm>> -> memref<1x10240x128xf32, #tpu.memory_space<hbm>>
      %dma_start3A_36 = tpu.memref_squeeze %dma_start3A_35 : memref<1x10240x128xf32, #tpu.memory_space<hbm>> -> memref<10240x128xf32, #tpu.memory_space<hbm>>
      %dma_start3A_37 = arith.constant 0 : i32
      %dma_start3A_38 = tpu.memref_slice %dma_start3A_36[%mul3A_33, %dma_start3A_37] : memref<10240x128xf32, #tpu.memory_space<hbm>> -> memref<640x128xf32, #tpu.memory_space<hbm>>
      %dma_start3A_39 = arith.constant 0 : i32
      %dma_start3A_40 = tpu.memref_slice %arg6[%mul3A_31, %dma_start3A_39] : memref<10240x128xf32, #tpu.memory_space<vmem_shared>> -> memref<640x128xf32, #tpu.memory_space<vmem_shared>>
      tpu.enqueue_dma source(%dma_start3A_40 : memref<640x128xf32, #tpu.memory_space<vmem_shared>>) target(%dma_start3A_38 : memref<640x128xf32, #tpu.memory_space<hbm>>) target_semaphore(%run_scoped3A : memref<!tpu.dma_semaphore, #tpu.memory_space<semaphore_mem>>)
      %dma_wait3A = arith.constant 0 : i32
      %dma_wait3A_41 = arith.constant 0 : i32
      %dma_wait3A_42 = tpu.memref_slice %arg5[%arg0, %dma_wait3A, %dma_wait3A_41] : memref<2x10240x128xf32, #tpu.memory_space<hbm>> -> memref<1x10240x128xf32, #tpu.memory_space<hbm>>
      %dma_wait3A_43 = tpu.memref_squeeze %dma_wait3A_42 : memref<1x10240x128xf32, #tpu.memory_space<hbm>> -> memref<10240x128xf32, #tpu.memory_space<hbm>>
      %dma_wait3A_44 = arith.constant 0 : i32
      %dma_wait3A_45 = tpu.memref_slice %dma_wait3A_43[%mul3A_33, %dma_wait3A_44] : memref<10240x128xf32, #tpu.memory_space<hbm>> -> memref<640x128xf32, #tpu.memory_space<hbm>>
      %dma_wait3A_46 = arith.constant 0 : i32
      %dma_wait3A_47 = tpu.memref_slice %arg6[%mul3A_31, %dma_wait3A_46] : memref<10240x128xf32, #tpu.memory_space<vmem_shared>> -> memref<640x128xf32, #tpu.memory_space<vmem_shared>>
      tpu.wait_dma2 semaphore(%run_scoped3A : memref<!tpu.dma_semaphore, #tpu.memory_space<semaphore_mem>>) src(%dma_wait3A_47 : memref<640x128xf32, #tpu.memory_space<vmem_shared>>) dst(%dma_wait3A_45 : memref<640x128xf32, #tpu.memory_space<hbm>>)
      tpu.yield
    }) : () -> ()
    return
  }
}

#map = affine_map<(d0, d1) -> (0, 0)>
#map1 = affine_map<(d0, d1) -> (0, 0, 0)>
module attributes {stable_mosaic.version = 14 : i64} {
  func.func @k(%arg0: i32, %arg1: i32, %arg2: memref<20480x128xf32, #tpu.memory_space<hbm>>, %arg3: memref<2x2560x128xi32, #tpu.memory_space<hbm>>, %arg4: memref<2560x128xi32, #tpu.memory_space<hbm>>, %arg5: memref<2x10240x128xf32, #tpu.memory_space<hbm>>, %arg6: memref<10240x128xf32, #tpu.memory_space<vmem_shared>>, %arg7: memref<40x128xi32, #tpu.memory_space<vmem>>, %arg8: memref<40x128xi32, #tpu.memory_space<vmem>>, %arg9: memref<128x128xf32, #tpu.memory_space<vmem>>, %arg10: memref<128x128xf32, #tpu.memory_space<vmem>>, %arg11: memref<!tpu.dma_semaphore, #tpu.memory_space<semaphore_mem>>, %arg12: memref<!tpu.dma_semaphore, #tpu.memory_space<semaphore_mem>>, %arg13: memref<!tpu.dma_semaphore, #tpu.memory_space<semaphore_mem>>, %arg14: memref<!tpu.dma_semaphore, #tpu.memory_space<semaphore_mem>>) attributes {dimension_semantics = [#tpu.dimension_semantics<core_parallel>, #tpu.dimension_semantics<subcore_parallel>], iteration_bounds = array<i64: 2, 16>, scalar_prefetch = 0 : i64, scratch_operands = 9 : i64, tpu.core_type = #tpu.core_type<sc_vector_subcore>, window_params = [{transform_indices = #map}, {transform_indices = #map1}, {transform_indices = #map}, {transform_indices = #map1}]} {
    %scan3A = arith.constant 0 : i32
    %scan3A_0 = arith.constant 128 : i32
    %scan3A_1 = arith.addi %scan3A, %scan3A_0 : i32
    %scan3A_2 = arith.constant 1 : i32
    scf.for %scan3A_34 = %scan3A to %scan3A_1 step %scan3A_2  : i32 {
      %mul3A_35 = arith.constant 1 : i32
      %mul3A_36 = arith.muli %scan3A_34, %mul3A_35 : i32
      %add3A_37 = arith.constant 0 : i32
      %add3A_38 = arith.addi %add3A_37, %mul3A_36 : i32
      %scan3A_39 = arith.constant 0 : i32
      %scan3A_40 = arith.constant 8 : i32
      %scan3A_41 = arith.addi %scan3A_39, %scan3A_40 : i32
      %scan3A_42 = arith.constant 1 : i32
      scf.for %scan3A_44 = %scan3A_39 to %scan3A_41 step %scan3A_42  : i32 {
        %mul3A_45 = arith.constant 16 : i32
        %mul3A_46 = arith.muli %scan3A_44, %mul3A_45 : i32
        %add3A_47 = arith.constant 0 : i32
        %add3A_48 = arith.addi %add3A_47, %mul3A_46 : i32
        %broadcast_in_dim3A = arith.constant 0.000000e+00 : f32
        %broadcast_in_dim3A_49 = vector.broadcast %broadcast_in_dim3A : f32 to vector<16xf32>
        %swap3A = arith.index_cast %add3A_38 : i32 to index
        %swap3A_50 = arith.index_cast %add3A_48 : i32 to index
        %swap3A_51 = tpu.vector_load %arg9[%swap3A, %swap3A_50] {strides = array<i32>} : memref<128x128xf32, #tpu.memory_space<vmem>>, vector<1x16xf32>,
        %swap3A_52 = vector.shape_cast %swap3A_51 : vector<1x16xf32> to vector<16xf32>
        %swap3A_53 = vector.shape_cast %broadcast_in_dim3A_49 : vector<16xf32> to vector<1x16xf32>
        tpu.vector_store %arg9[%swap3A, %swap3A_50], %swap3A_53 {strides = array<i32>} : memref<128x128xf32, #tpu.memory_space<vmem>>, vector<1x16xf32>,
      }
      %scan3A_43 = arith.constant 8 : i32
    }
    %scan3A_3 = arith.constant 128 : i32
    %mul3A = arith.constant 640 : i32
    %mul3A_4 = arith.muli %arg1, %mul3A : i32
    %add3A = arith.constant 0 : i32
    %add3A_5 = arith.addi %mul3A_4, %add3A : i32
    "tpu.region"() ({
      %run_scoped3A = tpu.sem_alloc : memref<!tpu.dma_semaphore, #tpu.memory_space<semaphore_mem>>
      %dma_start3A = arith.constant 0 : i32
      %dma_start3A_34 = tpu.memref_slice %arg6[%add3A_5, %dma_start3A] : memref<10240x128xf32, #tpu.memory_space<vmem_shared>> -> memref<128x128xf32, #tpu.memory_space<vmem_shared>>
      %dma_start3A_35 = arith.constant 0 : i32
      %dma_start3A_36 = tpu.memref_slice %arg6[%add3A_5, %dma_start3A_35] : memref<10240x128xf32, #tpu.memory_space<vmem_shared>> -> memref<128x128xf32, #tpu.memory_space<vmem_shared>>
      tpu.enqueue_dma source(%arg9 : memref<128x128xf32, #tpu.memory_space<vmem>>) target(%dma_start3A_36 : memref<128x128xf32, #tpu.memory_space<vmem_shared>>) target_semaphore(%run_scoped3A : memref<!tpu.dma_semaphore, #tpu.memory_space<semaphore_mem>>)
      %dma_wait3A = arith.constant 0 : i32
      %dma_wait3A_37 = tpu.memref_slice %arg6[%add3A_5, %dma_wait3A] : memref<10240x128xf32, #tpu.memory_space<vmem_shared>> -> memref<128x128xf32, #tpu.memory_space<vmem_shared>>
      %dma_wait3A_38 = arith.constant 0 : i32
      %dma_wait3A_39 = tpu.memref_slice %arg6[%add3A_5, %dma_wait3A_38] : memref<10240x128xf32, #tpu.memory_space<vmem_shared>> -> memref<128x128xf32, #tpu.memory_space<vmem_shared>>
      tpu.wait_dma2 semaphore(%run_scoped3A : memref<!tpu.dma_semaphore, #tpu.memory_space<semaphore_mem>>) src(%arg9 : memref<128x128xf32, #tpu.memory_space<vmem>>) dst(%dma_wait3A_39 : memref<128x128xf32, #tpu.memory_space<vmem_shared>>)
      tpu.yield
    }) : () -> ()
    %mul3A_6 = arith.constant 640 : i32
    %mul3A_7 = arith.muli %arg1, %mul3A_6 : i32
    %add3A_8 = arith.constant 128 : i32
    %add3A_9 = arith.addi %mul3A_7, %add3A_8 : i32
    "tpu.region"() ({
      %run_scoped3A = tpu.sem_alloc : memref<!tpu.dma_semaphore, #tpu.memory_space<semaphore_mem>>
      %dma_start3A = arith.constant 0 : i32
      %dma_start3A_34 = tpu.memref_slice %arg6[%add3A_9, %dma_start3A] : memref<10240x128xf32, #tpu.memory_space<vmem_shared>> -> memref<128x128xf32, #tpu.memory_space<vmem_shared>>
      %dma_start3A_35 = arith.constant 0 : i32
      %dma_start3A_36 = tpu.memref_slice %arg6[%add3A_9, %dma_start3A_35] : memref<10240x128xf32, #tpu.memory_space<vmem_shared>> -> memref<128x128xf32, #tpu.memory_space<vmem_shared>>
      tpu.enqueue_dma source(%arg9 : memref<128x128xf32, #tpu.memory_space<vmem>>) target(%dma_start3A_36 : memref<128x128xf32, #tpu.memory_space<vmem_shared>>) target_semaphore(%run_scoped3A : memref<!tpu.dma_semaphore, #tpu.memory_space<semaphore_mem>>)
      %dma_wait3A = arith.constant 0 : i32
      %dma_wait3A_37 = tpu.memref_slice %arg6[%add3A_9, %dma_wait3A] : memref<10240x128xf32, #tpu.memory_space<vmem_shared>> -> memref<128x128xf32, #tpu.memory_space<vmem_shared>>
      %dma_wait3A_38 = arith.constant 0 : i32
      %dma_wait3A_39 = tpu.memref_slice %arg6[%add3A_9, %dma_wait3A_38] : memref<10240x128xf32, #tpu.memory_space<vmem_shared>> -> memref<128x128xf32, #tpu.memory_space<vmem_shared>>
      tpu.wait_dma2 semaphore(%run_scoped3A : memref<!tpu.dma_semaphore, #tpu.memory_space<semaphore_mem>>) src(%arg9 : memref<128x128xf32, #tpu.memory_space<vmem>>) dst(%dma_wait3A_39 : memref<128x128xf32, #tpu.memory_space<vmem_shared>>)
      tpu.yield
    }) : () -> ()
    %mul3A_10 = arith.constant 640 : i32
    %mul3A_11 = arith.muli %arg1, %mul3A_10 : i32
    %add3A_12 = arith.constant 256 : i32
    %add3A_13 = arith.addi %mul3A_11, %add3A_12 : i32
    "tpu.region"() ({
      %run_scoped3A = tpu.sem_alloc : memref<!tpu.dma_semaphore, #tpu.memory_space<semaphore_mem>>
      %dma_start3A = arith.constant 0 : i32
      %dma_start3A_34 = tpu.memref_slice %arg6[%add3A_13, %dma_start3A] : memref<10240x128xf32, #tpu.memory_space<vmem_shared>> -> memref<128x128xf32, #tpu.memory_space<vmem_shared>>
      %dma_start3A_35 = arith.constant 0 : i32
      %dma_start3A_36 = tpu.memref_slice %arg6[%add3A_13, %dma_start3A_35] : memref<10240x128xf32, #tpu.memory_space<vmem_shared>> -> memref<128x128xf32, #tpu.memory_space<vmem_shared>>
      tpu.enqueue_dma source(%arg9 : memref<128x128xf32, #tpu.memory_space<vmem>>) target(%dma_start3A_36 : memref<128x128xf32, #tpu.memory_space<vmem_shared>>) target_semaphore(%run_scoped3A : memref<!tpu.dma_semaphore, #tpu.memory_space<semaphore_mem>>)
      %dma_wait3A = arith.constant 0 : i32
      %dma_wait3A_37 = tpu.memref_slice %arg6[%add3A_13, %dma_wait3A] : memref<10240x128xf32, #tpu.memory_space<vmem_shared>> -> memref<128x128xf32, #tpu.memory_space<vmem_shared>>
      %dma_wait3A_38 = arith.constant 0 : i32
      %dma_wait3A_39 = tpu.memref_slice %arg6[%add3A_13, %dma_wait3A_38] : memref<10240x128xf32, #tpu.memory_space<vmem_shared>> -> memref<128x128xf32, #tpu.memory_space<vmem_shared>>
      tpu.wait_dma2 semaphore(%run_scoped3A : memref<!tpu.dma_semaphore, #tpu.memory_space<semaphore_mem>>) src(%arg9 : memref<128x128xf32, #tpu.memory_space<vmem>>) dst(%dma_wait3A_39 : memref<128x128xf32, #tpu.memory_space<vmem_shared>>)
      tpu.yield
    }) : () -> ()
    %mul3A_14 = arith.constant 640 : i32
    %mul3A_15 = arith.muli %arg1, %mul3A_14 : i32
    %add3A_16 = arith.constant 384 : i32
    %add3A_17 = arith.addi %mul3A_15, %add3A_16 : i32
    "tpu.region"() ({
      %run_scoped3A = tpu.sem_alloc : memref<!tpu.dma_semaphore, #tpu.memory_space<semaphore_mem>>
      %dma_start3A = arith.constant 0 : i32
      %dma_start3A_34 = tpu.memref_slice %arg6[%add3A_17, %dma_start3A] : memref<10240x128xf32, #tpu.memory_space<vmem_shared>> -> memref<128x128xf32, #tpu.memory_space<vmem_shared>>
      %dma_start3A_35 = arith.constant 0 : i32
      %dma_start3A_36 = tpu.memref_slice %arg6[%add3A_17, %dma_start3A_35] : memref<10240x128xf32, #tpu.memory_space<vmem_shared>> -> memref<128x128xf32, #tpu.memory_space<vmem_shared>>
      tpu.enqueue_dma source(%arg9 : memref<128x128xf32, #tpu.memory_space<vmem>>) target(%dma_start3A_36 : memref<128x128xf32, #tpu.memory_space<vmem_shared>>) target_semaphore(%run_scoped3A : memref<!tpu.dma_semaphore, #tpu.memory_space<semaphore_mem>>)
      %dma_wait3A = arith.constant 0 : i32
      %dma_wait3A_37 = tpu.memref_slice %arg6[%add3A_17, %dma_wait3A] : memref<10240x128xf32, #tpu.memory_space<vmem_shared>> -> memref<128x128xf32, #tpu.memory_space<vmem_shared>>
      %dma_wait3A_38 = arith.constant 0 : i32
      %dma_wait3A_39 = tpu.memref_slice %arg6[%add3A_17, %dma_wait3A_38] : memref<10240x128xf32, #tpu.memory_space<vmem_shared>> -> memref<128x128xf32, #tpu.memory_space<vmem_shared>>
      tpu.wait_dma2 semaphore(%run_scoped3A : memref<!tpu.dma_semaphore, #tpu.memory_space<semaphore_mem>>) src(%arg9 : memref<128x128xf32, #tpu.memory_space<vmem>>) dst(%dma_wait3A_39 : memref<128x128xf32, #tpu.memory_space<vmem_shared>>)
      tpu.yield
    }) : () -> ()
    %mul3A_18 = arith.constant 640 : i32
    %mul3A_19 = arith.muli %arg1, %mul3A_18 : i32
    %add3A_20 = arith.constant 512 : i32
    %add3A_21 = arith.addi %mul3A_19, %add3A_20 : i32
    "tpu.region"() ({
      %run_scoped3A = tpu.sem_alloc : memref<!tpu.dma_semaphore, #tpu.memory_space<semaphore_mem>>
      %dma_start3A = arith.constant 0 : i32
      %dma_start3A_34 = tpu.memref_slice %arg6[%add3A_21, %dma_start3A] : memref<10240x128xf32, #tpu.memory_space<vmem_shared>> -> memref<128x128xf32, #tpu.memory_space<vmem_shared>>
      %dma_start3A_35 = arith.constant 0 : i32
      %dma_start3A_36 = tpu.memref_slice %arg6[%add3A_21, %dma_start3A_35] : memref<10240x128xf32, #tpu.memory_space<vmem_shared>> -> memref<128x128xf32, #tpu.memory_space<vmem_shared>>
      tpu.enqueue_dma source(%arg9 : memref<128x128xf32, #tpu.memory_space<vmem>>) target(%dma_start3A_36 : memref<128x128xf32, #tpu.memory_space<vmem_shared>>) target_semaphore(%run_scoped3A : memref<!tpu.dma_semaphore, #tpu.memory_space<semaphore_mem>>)
      %dma_wait3A = arith.constant 0 : i32
      %dma_wait3A_37 = tpu.memref_slice %arg6[%add3A_21, %dma_wait3A] : memref<10240x128xf32, #tpu.memory_space<vmem_shared>> -> memref<128x128xf32, #tpu.memory_space<vmem_shared>>
      %dma_wait3A_38 = arith.constant 0 : i32
      %dma_wait3A_39 = tpu.memref_slice %arg6[%add3A_21, %dma_wait3A_38] : memref<10240x128xf32, #tpu.memory_space<vmem_shared>> -> memref<128x128xf32, #tpu.memory_space<vmem_shared>>
      tpu.wait_dma2 semaphore(%run_scoped3A : memref<!tpu.dma_semaphore, #tpu.memory_space<semaphore_mem>>) src(%arg9 : memref<128x128xf32, #tpu.memory_space<vmem>>) dst(%dma_wait3A_39 : memref<128x128xf32, #tpu.memory_space<vmem_shared>>)
      tpu.yield
    }) : () -> ()
    %barrier3A = arith.constant 0 : index
    tpu.barrier barrier_id(%barrier3A)
    %mul3A_22 = arith.constant 160 : i32
    %mul3A_23 = arith.muli %arg1, %mul3A_22 : i32
    %scan3A_24 = arith.constant 0 : i32
    %scan3A_25 = arith.constant 4 : i32
    %scan3A_26 = arith.addi %scan3A_24, %scan3A_25 : i32
    %scan3A_27 = arith.constant 1 : i32
    scf.for %scan3A_34 = %scan3A_24 to %scan3A_26 step %scan3A_27  : i32 {
      %mul3A_35 = arith.constant 40 : i32
      %mul3A_36 = arith.muli %scan3A_34, %mul3A_35 : i32
      %add3A_37 = arith.constant 0 : i32
      %add3A_38 = arith.addi %add3A_37, %mul3A_36 : i32
      %add3A_39 = arith.addi %mul3A_23, %add3A_38 : i32
      "tpu.region"() ({
        %run_scoped3A = tpu.sem_alloc : memref<!tpu.dma_semaphore, #tpu.memory_space<semaphore_mem>>
        %dma_start3A_59 = arith.constant 0 : i32
        %dma_start3A_60 = arith.constant 0 : i32
        %dma_start3A_61 = tpu.memref_slice %arg3[%arg0, %dma_start3A_59, %dma_start3A_60] : memref<2x2560x128xi32, #tpu.memory_space<hbm>> -> memref<1x2560x128xi32, #tpu.memory_space<hbm>>
        %dma_start3A_62 = tpu.memref_squeeze %dma_start3A_61 : memref<1x2560x128xi32, #tpu.memory_space<hbm>> -> memref<2560x128xi32, #tpu.memory_space<hbm>>
        %dma_start3A_63 = arith.constant 0 : i32
        %dma_start3A_64 = tpu.memref_slice %dma_start3A_62[%add3A_39, %dma_start3A_63] : memref<2560x128xi32, #tpu.memory_space<hbm>> -> memref<40x128xi32, #tpu.memory_space<hbm>>
        %dma_start3A_65 = arith.constant 0 : i32
        %dma_start3A_66 = arith.constant 0 : i32
        %dma_start3A_67 = tpu.memref_slice %arg3[%arg0, %dma_start3A_65, %dma_start3A_66] : memref<2x2560x128xi32, #tpu.memory_space<hbm>> -> memref<1x2560x128xi32, #tpu.memory_space<hbm>>
        %dma_start3A_68 = tpu.memref_squeeze %dma_start3A_67 : memref<1x2560x128xi32, #tpu.memory_space<hbm>> -> memref<2560x128xi32, #tpu.memory_space<hbm>>
        %dma_start3A_69 = arith.constant 0 : i32
        %dma_start3A_70 = tpu.memref_slice %dma_start3A_68[%add3A_39, %dma_start3A_69] : memref<2560x128xi32, #tpu.memory_space<hbm>> -> memref<40x128xi32, #tpu.memory_space<hbm>>
        tpu.enqueue_dma source(%dma_start3A_70 : memref<40x128xi32, #tpu.memory_space<hbm>>) target(%arg7 : memref<40x128xi32, #tpu.memory_space<vmem>>) target_semaphore(%run_scoped3A : memref<!tpu.dma_semaphore, #tpu.memory_space<semaphore_mem>>)
        %dma_wait3A = arith.constant 0 : i32
        %dma_wait3A_71 = arith.constant 0 : i32
        %dma_wait3A_72 = tpu.memref_slice %arg3[%arg0, %dma_wait3A, %dma_wait3A_71] : memref<2x2560x128xi32, #tpu.memory_space<hbm>> -> memref<1x2560x128xi32, #tpu.memory_space<hbm>>
        %dma_wait3A_73 = tpu.memref_squeeze %dma_wait3A_72 : memref<1x2560x128xi32, #tpu.memory_space<hbm>> -> memref<2560x128xi32, #tpu.memory_space<hbm>>
        %dma_wait3A_74 = arith.constant 0 : i32
        %dma_wait3A_75 = tpu.memref_slice %dma_wait3A_73[%add3A_39, %dma_wait3A_74] : memref<2560x128xi32, #tpu.memory_space<hbm>> -> memref<40x128xi32, #tpu.memory_space<hbm>>
        %dma_wait3A_76 = arith.constant 0 : i32
        %dma_wait3A_77 = arith.constant 0 : i32
        %dma_wait3A_78 = tpu.memref_slice %arg3[%arg0, %dma_wait3A_76, %dma_wait3A_77] : memref<2x2560x128xi32, #tpu.memory_space<hbm>> -> memref<1x2560x128xi32, #tpu.memory_space<hbm>>
        %dma_wait3A_79 = tpu.memref_squeeze %dma_wait3A_78 : memref<1x2560x128xi32, #tpu.memory_space<hbm>> -> memref<2560x128xi32, #tpu.memory_space<hbm>>
        %dma_wait3A_80 = arith.constant 0 : i32
        %dma_wait3A_81 = tpu.memref_slice %dma_wait3A_79[%add3A_39, %dma_wait3A_80] : memref<2560x128xi32, #tpu.memory_space<hbm>> -> memref<40x128xi32, #tpu.memory_space<hbm>>
        tpu.wait_dma2 semaphore(%run_scoped3A : memref<!tpu.dma_semaphore, #tpu.memory_space<semaphore_mem>>) src(%dma_wait3A_81 : memref<40x128xi32, #tpu.memory_space<hbm>>) dst(%arg7 : memref<40x128xi32, #tpu.memory_space<vmem>>)
        tpu.yield
      }) : () -> ()
      %add3A_40 = arith.addi %mul3A_23, %add3A_38 : i32
      "tpu.region"() ({
        %run_scoped3A = tpu.sem_alloc : memref<!tpu.dma_semaphore, #tpu.memory_space<semaphore_mem>>
        %dma_start3A_59 = arith.constant 0 : i32
        %dma_start3A_60 = tpu.memref_slice %arg4[%add3A_40, %dma_start3A_59] : memref<2560x128xi32, #tpu.memory_space<hbm>> -> memref<40x128xi32, #tpu.memory_space<hbm>>
        %dma_start3A_61 = arith.constant 0 : i32
        %dma_start3A_62 = tpu.memref_slice %arg4[%add3A_40, %dma_start3A_61] : memref<2560x128xi32, #tpu.memory_space<hbm>> -> memref<40x128xi32, #tpu.memory_space<hbm>>
        tpu.enqueue_dma source(%dma_start3A_62 : memref<40x128xi32, #tpu.memory_space<hbm>>) target(%arg8 : memref<40x128xi32, #tpu.memory_space<vmem>>) target_semaphore(%run_scoped3A : memref<!tpu.dma_semaphore, #tpu.memory_space<semaphore_mem>>)
        %dma_wait3A = arith.constant 0 : i32
        %dma_wait3A_63 = tpu.memref_slice %arg4[%add3A_40, %dma_wait3A] : memref<2560x128xi32, #tpu.memory_space<hbm>> -> memref<40x128xi32, #tpu.memory_space<hbm>>
        %dma_wait3A_64 = arith.constant 0 : i32
        %dma_wait3A_65 = tpu.memref_slice %arg4[%add3A_40, %dma_wait3A_64] : memref<2560x128xi32, #tpu.memory_space<hbm>> -> memref<40x128xi32, #tpu.memory_space<hbm>>
        tpu.wait_dma2 semaphore(%run_scoped3A : memref<!tpu.dma_semaphore, #tpu.memory_space<semaphore_mem>>) src(%dma_wait3A_65 : memref<40x128xi32, #tpu.memory_space<hbm>>) dst(%arg8 : memref<40x128xi32, #tpu.memory_space<vmem>>)
        tpu.yield
      }) : () -> ()
      %dma_start3A = arith.constant 0 : i32
      %dma_start3A_41 = arith.constant 0 : i32
      %dma_start3A_42 = tpu.memref_slice %arg7[%dma_start3A, %dma_start3A_41] : memref<40x128xi32, #tpu.memory_space<vmem>> -> memref<1x128xi32, #tpu.memory_space<vmem>>
      %dma_start3A_43 = tpu.memref_squeeze %dma_start3A_42 : memref<1x128xi32, #tpu.memory_space<vmem>> -> memref<128xi32, #tpu.memory_space<vmem>>
      %dma_start3A_44 = arith.constant 0 : i32
      %dma_start3A_45 = arith.constant 0 : i32
      %dma_start3A_46 = tpu.memref_slice %arg2[%dma_start3A_44, %dma_start3A_45] : memref<20480x128xf32, #tpu.memory_space<hbm>> -> memref<20480x128xf32, #tpu.memory_space<hbm>>
      tpu.enqueue_indirect_dma source(%dma_start3A_46 : memref<20480x128xf32, #tpu.memory_space<hbm>>) target(%arg9 : memref<128x128xf32, #tpu.memory_space<vmem>>) offsets(%dma_start3A_43 : memref<128xi32, #tpu.memory_space<vmem>>) semaphore(%arg11 : memref<!tpu.dma_semaphore, #tpu.memory_space<semaphore_mem>>)
      %dma_start3A_47 = arith.constant 1 : i32
      %dma_start3A_48 = arith.constant 0 : i32
      %dma_start3A_49 = tpu.memref_slice %arg7[%dma_start3A_47, %dma_start3A_48] : memref<40x128xi32, #tpu.memory_space<vmem>> -> memref<1x128xi32, #tpu.memory_space<vmem>>
      %dma_start3A_50 = tpu.memref_squeeze %dma_start3A_49 : memref<1x128xi32, #tpu.memory_space<vmem>> -> memref<128xi32, #tpu.memory_space<vmem>>
      %dma_start3A_51 = arith.constant 0 : i32
      %dma_start3A_52 = arith.constant 0 : i32
      %dma_start3A_53 = tpu.memref_slice %arg2[%dma_start3A_51, %dma_start3A_52] : memref<20480x128xf32, #tpu.memory_space<hbm>> -> memref<20480x128xf32, #tpu.memory_space<hbm>>
      tpu.enqueue_indirect_dma source(%dma_start3A_53 : memref<20480x128xf32, #tpu.memory_space<hbm>>) target(%arg10 : memref<128x128xf32, #tpu.memory_space<vmem>>) offsets(%dma_start3A_50 : memref<128xi32, #tpu.memory_space<vmem>>) semaphore(%arg12 : memref<!tpu.dma_semaphore, #tpu.memory_space<semaphore_mem>>)
      %scan3A_54 = arith.constant 0 : i32
      %scan3A_55 = arith.constant 20 : i32
      %scan3A_56 = arith.addi %scan3A_54, %scan3A_55 : i32
      %scan3A_57 = arith.constant 1 : i32
      scf.for %scan3A_59 = %scan3A_54 to %scan3A_56 step %scan3A_57  : i32 {
        %mul3A_60 = arith.constant 2 : i32
        %mul3A_61 = arith.muli %scan3A_59, %mul3A_60 : i32
        %add3A_62 = arith.constant 0 : i32
        %add3A_63 = arith.addi %add3A_62, %mul3A_61 : i32
        %dma_wait3A = arith.constant 0 : i32
        %dma_wait3A_64 = tpu.memref_slice %arg7[%add3A_63, %dma_wait3A] : memref<40x128xi32, #tpu.memory_space<vmem>> -> memref<1x128xi32, #tpu.memory_space<vmem>>
        %dma_wait3A_65 = tpu.memref_squeeze %dma_wait3A_64 : memref<1x128xi32, #tpu.memory_space<vmem>> -> memref<128xi32, #tpu.memory_space<vmem>>
        %dma_wait3A_66 = arith.constant 0 : i32
        %dma_wait3A_67 = arith.constant 0 : i32
        %dma_wait3A_68 = tpu.memref_slice %arg2[%dma_wait3A_66, %dma_wait3A_67] : memref<20480x128xf32, #tpu.memory_space<hbm>> -> memref<20480x128xf32, #tpu.memory_space<hbm>>
        tpu.wait_indirect_dma semaphore(%arg11 : memref<!tpu.dma_semaphore, #tpu.memory_space<semaphore_mem>>) src(%dma_wait3A_68 : memref<20480x128xf32, #tpu.memory_space<hbm>>) dst(%arg9 : memref<128x128xf32, #tpu.memory_space<vmem>>)
        %dma_start3A_69 = arith.constant 0 : i32
        %dma_start3A_70 = tpu.memref_slice %arg8[%add3A_63, %dma_start3A_69] : memref<40x128xi32, #tpu.memory_space<vmem>> -> memref<1x128xi32, #tpu.memory_space<vmem>>
        %dma_start3A_71 = tpu.memref_squeeze %dma_start3A_70 : memref<1x128xi32, #tpu.memory_space<vmem>> -> memref<128xi32, #tpu.memory_space<vmem>>
        %dma_start3A_72 = arith.constant 0 : i32
        %dma_start3A_73 = arith.constant 0 : i32
        %dma_start3A_74 = tpu.memref_slice %arg6[%dma_start3A_72, %dma_start3A_73] : memref<10240x128xf32, #tpu.memory_space<vmem_shared>> -> memref<10240x128xf32, #tpu.memory_space<vmem_shared>>
        tpu.enqueue_indirect_dma source(%arg9 : memref<128x128xf32, #tpu.memory_space<vmem>>) target(%dma_start3A_74 : memref<10240x128xf32, #tpu.memory_space<vmem_shared>>) offsets(%dma_start3A_71 : memref<128xi32, #tpu.memory_space<vmem>>) semaphore(%arg13 : memref<!tpu.dma_semaphore, #tpu.memory_space<semaphore_mem>>) {add = true}
        %add3A_75 = arith.constant 1 : i32
        %add3A_76 = arith.addi %add3A_63, %add3A_75 : i32
        %dma_wait3A_77 = arith.constant 0 : i32
        %dma_wait3A_78 = tpu.memref_slice %arg7[%add3A_76, %dma_wait3A_77] : memref<40x128xi32, #tpu.memory_space<vmem>> -> memref<1x128xi32, #tpu.memory_space<vmem>>
        %dma_wait3A_79 = tpu.memref_squeeze %dma_wait3A_78 : memref<1x128xi32, #tpu.memory_space<vmem>> -> memref<128xi32, #tpu.memory_space<vmem>>
        %dma_wait3A_80 = arith.constant 0 : i32
        %dma_wait3A_81 = arith.constant 0 : i32
        %dma_wait3A_82 = tpu.memref_slice %arg2[%dma_wait3A_80, %dma_wait3A_81] : memref<20480x128xf32, #tpu.memory_space<hbm>> -> memref<20480x128xf32, #tpu.memory_space<hbm>>
        tpu.wait_indirect_dma semaphore(%arg12 : memref<!tpu.dma_semaphore, #tpu.memory_space<semaphore_mem>>) src(%dma_wait3A_82 : memref<20480x128xf32, #tpu.memory_space<hbm>>) dst(%arg10 : memref<128x128xf32, #tpu.memory_space<vmem>>)
        %add3A_83 = arith.constant 1 : i32
        %add3A_84 = arith.addi %add3A_63, %add3A_83 : i32
        %dma_start3A_85 = arith.constant 0 : i32
        %dma_start3A_86 = tpu.memref_slice %arg8[%add3A_84, %dma_start3A_85] : memref<40x128xi32, #tpu.memory_space<vmem>> -> memref<1x128xi32, #tpu.memory_space<vmem>>
        %dma_start3A_87 = tpu.memref_squeeze %dma_start3A_86 : memref<1x128xi32, #tpu.memory_space<vmem>> -> memref<128xi32, #tpu.memory_space<vmem>>
        %dma_start3A_88 = arith.constant 0 : i32
        %dma_start3A_89 = arith.constant 0 : i32
        %dma_start3A_90 = tpu.memref_slice %arg6[%dma_start3A_88, %dma_start3A_89] : memref<10240x128xf32, #tpu.memory_space<vmem_shared>> -> memref<10240x128xf32, #tpu.memory_space<vmem_shared>>
        tpu.enqueue_indirect_dma source(%arg10 : memref<128x128xf32, #tpu.memory_space<vmem>>) target(%dma_start3A_90 : memref<10240x128xf32, #tpu.memory_space<vmem_shared>>) offsets(%dma_start3A_87 : memref<128xi32, #tpu.memory_space<vmem>>) semaphore(%arg14 : memref<!tpu.dma_semaphore, #tpu.memory_space<semaphore_mem>>) {add = true}
        %dma_wait3A_91 = arith.constant 0 : i32
        %dma_wait3A_92 = tpu.memref_slice %arg8[%add3A_63, %dma_wait3A_91] : memref<40x128xi32, #tpu.memory_space<vmem>> -> memref<1x128xi32, #tpu.memory_space<vmem>>
        %dma_wait3A_93 = tpu.memref_squeeze %dma_wait3A_92 : memref<1x128xi32, #tpu.memory_space<vmem>> -> memref<128xi32, #tpu.memory_space<vmem>>
        %dma_wait3A_94 = arith.constant 0 : i32
        %dma_wait3A_95 = arith.constant 0 : i32
        %dma_wait3A_96 = tpu.memref_slice %arg6[%dma_wait3A_94, %dma_wait3A_95] : memref<10240x128xf32, #tpu.memory_space<vmem_shared>> -> memref<10240x128xf32, #tpu.memory_space<vmem_shared>>
        tpu.wait_indirect_dma semaphore(%arg13 : memref<!tpu.dma_semaphore, #tpu.memory_space<semaphore_mem>>) src(%arg9 : memref<128x128xf32, #tpu.memory_space<vmem>>) dst(%dma_wait3A_96 : memref<10240x128xf32, #tpu.memory_space<vmem_shared>>)
        %add3A_97 = arith.constant 2 : i32
        %add3A_98 = arith.addi %add3A_63, %add3A_97 : i32
        %lt3A = arith.constant 40 : i32
        %lt3A_99 = arith.cmpi slt, %add3A_98, %lt3A : i32
        %convert_element_type3A = arith.extui %lt3A_99 : i1 to i32
        %cond3A = arith.constant 0 : i32
        %cond3A_100 = arith.cmpi ne, %convert_element_type3A, %cond3A : i32
        scf.if %cond3A_100 {
          %add3A_116 = arith.constant 2 : i32
          %add3A_117 = arith.addi %add3A_63, %add3A_116 : i32
          %dma_start3A_118 = arith.constant 0 : i32
          %dma_start3A_119 = tpu.memref_slice %arg7[%add3A_117, %dma_start3A_118] : memref<40x128xi32, #tpu.memory_space<vmem>> -> memref<1x128xi32, #tpu.memory_space<vmem>>
          %dma_start3A_120 = tpu.memref_squeeze %dma_start3A_119 : memref<1x128xi32, #tpu.memory_space<vmem>> -> memref<128xi32, #tpu.memory_space<vmem>>
          %dma_start3A_121 = arith.constant 0 : i32
          %dma_start3A_122 = arith.constant 0 : i32
          %dma_start3A_123 = tpu.memref_slice %arg2[%dma_start3A_121, %dma_start3A_122] : memref<20480x128xf32, #tpu.memory_space<hbm>> -> memref<20480x128xf32, #tpu.memory_space<hbm>>
          tpu.enqueue_indirect_dma source(%dma_start3A_123 : memref<20480x128xf32, #tpu.memory_space<hbm>>) target(%arg9 : memref<128x128xf32, #tpu.memory_space<vmem>>) offsets(%dma_start3A_120 : memref<128xi32, #tpu.memory_space<vmem>>) semaphore(%arg11 : memref<!tpu.dma_semaphore, #tpu.memory_space<semaphore_mem>>)
        } else {
        }
        %add3A_101 = arith.constant 1 : i32
        %add3A_102 = arith.addi %add3A_63, %add3A_101 : i32
        %dma_wait3A_103 = arith.constant 0 : i32
        %dma_wait3A_104 = tpu.memref_slice %arg8[%add3A_102, %dma_wait3A_103] : memref<40x128xi32, #tpu.memory_space<vmem>> -> memref<1x128xi32, #tpu.memory_space<vmem>>
        %dma_wait3A_105 = tpu.memref_squeeze %dma_wait3A_104 : memref<1x128xi32, #tpu.memory_space<vmem>> -> memref<128xi32, #tpu.memory_space<vmem>>
        %dma_wait3A_106 = arith.constant 0 : i32
        %dma_wait3A_107 = arith.constant 0 : i32
        %dma_wait3A_108 = tpu.memref_slice %arg6[%dma_wait3A_106, %dma_wait3A_107] : memref<10240x128xf32, #tpu.memory_space<vmem_shared>> -> memref<10240x128xf32, #tpu.memory_space<vmem_shared>>
        tpu.wait_indirect_dma semaphore(%arg14 : memref<!tpu.dma_semaphore, #tpu.memory_space<semaphore_mem>>) src(%arg10 : memref<128x128xf32, #tpu.memory_space<vmem>>) dst(%dma_wait3A_108 : memref<10240x128xf32, #tpu.memory_space<vmem_shared>>)
        %add3A_109 = arith.constant 3 : i32
        %add3A_110 = arith.addi %add3A_63, %add3A_109 : i32
        %lt3A_111 = arith.constant 40 : i32
        %lt3A_112 = arith.cmpi slt, %add3A_110, %lt3A_111 : i32
        %convert_element_type3A_113 = arith.extui %lt3A_112 : i1 to i32
        %cond3A_114 = arith.constant 0 : i32
        %cond3A_115 = arith.cmpi ne, %convert_element_type3A_113, %cond3A_114 : i32
        scf.if %cond3A_115 {
          %add3A_116 = arith.constant 3 : i32
          %add3A_117 = arith.addi %add3A_63, %add3A_116 : i32
          %dma_start3A_118 = arith.constant 0 : i32
          %dma_start3A_119 = tpu.memref_slice %arg7[%add3A_117, %dma_start3A_118] : memref<40x128xi32, #tpu.memory_space<vmem>> -> memref<1x128xi32, #tpu.memory_space<vmem>>
          %dma_start3A_120 = tpu.memref_squeeze %dma_start3A_119 : memref<1x128xi32, #tpu.memory_space<vmem>> -> memref<128xi32, #tpu.memory_space<vmem>>
          %dma_start3A_121 = arith.constant 0 : i32
          %dma_start3A_122 = arith.constant 0 : i32
          %dma_start3A_123 = tpu.memref_slice %arg2[%dma_start3A_121, %dma_start3A_122] : memref<20480x128xf32, #tpu.memory_space<hbm>> -> memref<20480x128xf32, #tpu.memory_space<hbm>>
          tpu.enqueue_indirect_dma source(%dma_start3A_123 : memref<20480x128xf32, #tpu.memory_space<hbm>>) target(%arg10 : memref<128x128xf32, #tpu.memory_space<vmem>>) offsets(%dma_start3A_120 : memref<128xi32, #tpu.memory_space<vmem>>) semaphore(%arg12 : memref<!tpu.dma_semaphore, #tpu.memory_space<semaphore_mem>>)
        } else {
        }
      }
      %scan3A_58 = arith.constant 20 : i32
    }
    %scan3A_28 = arith.constant 4 : i32
    %barrier3A_29 = arith.constant 0 : index
    tpu.barrier barrier_id(%barrier3A_29)
    %mul3A_30 = arith.constant 640 : i32
    %mul3A_31 = arith.muli %arg1, %mul3A_30 : i32
    %mul3A_32 = arith.constant 640 : i32
    %mul3A_33 = arith.muli %arg1, %mul3A_32 : i32
    "tpu.region"() ({
      %run_scoped3A = tpu.sem_alloc : memref<!tpu.dma_semaphore, #tpu.memory_space<semaphore_mem>>
      %dma_start3A = arith.constant 0 : i32
      %dma_start3A_34 = arith.constant 0 : i32
      %dma_start3A_35 = tpu.memref_slice %arg5[%arg0, %dma_start3A, %dma_start3A_34] : memref<2x10240x128xf32, #tpu.memory_space<hbm>> -> memref<1x10240x128xf32, #tpu.memory_space<hbm>>
      %dma_start3A_36 = tpu.memref_squeeze %dma_start3A_35 : memref<1x10240x128xf32, #tpu.memory_space<hbm>> -> memref<10240x128xf32, #tpu.memory_space<hbm>>
      %dma_start3A_37 = arith.constant 0 : i32
      %dma_start3A_38 = tpu.memref_slice %dma_start3A_36[%mul3A_33, %dma_start3A_37] : memref<10240x128xf32, #tpu.memory_space<hbm>> -> memref<640x128xf32, #tpu.memory_space<hbm>>
      %dma_start3A_39 = arith.constant 0 : i32
      %dma_start3A_40 = tpu.memref_slice %arg6[%mul3A_31, %dma_start3A_39] : memref<10240x128xf32, #tpu.memory_space<vmem_shared>> -> memref<640x128xf32, #tpu.memory_space<vmem_shared>>
      tpu.enqueue_dma source(%dma_start3A_40 : memref<640x128xf32, #tpu.memory_space<vmem_shared>>) target(%dma_start3A_38 : memref<640x128xf32, #tpu.memory_space<hbm>>) target_semaphore(%run_scoped3A : memref<!tpu.dma_semaphore, #tpu.memory_space<semaphore_mem>>)
      %dma_wait3A = arith.constant 0 : i32
      %dma_wait3A_41 = arith.constant 0 : i32
      %dma_wait3A_42 = tpu.memref_slice %arg5[%arg0, %dma_wait3A, %dma_wait3A_41] : memref<2x10240x128xf32, #tpu.memory_space<hbm>> -> memref<1x10240x128xf32, #tpu.memory_space<hbm>>
      %dma_wait3A_43 = tpu.memref_squeeze %dma_wait3A_42 : memref<1x10240x128xf32, #tpu.memory_space<hbm>> -> memref<10240x128xf32, #tpu.memory_space<hbm>>
      %dma_wait3A_44 = arith.constant 0 : i32
      %dma_wait3A_45 = tpu.memref_slice %dma_wait3A_43[%mul3A_33, %dma_wait3A_44] : memref<10240x128xf32, #tpu.memory_space<hbm>> -> memref<640x128xf32, #tpu.memory_space<hbm>>
      %dma_wait3A_46 = arith.constant 0 : i32
      %dma_wait3A_47 = tpu.memref_slice %arg6[%mul3A_31, %dma_wait3A_46] : memref<10240x128xf32, #tpu.memory_space<vmem_shared>> -> memref<640x128xf32, #tpu.memory_space<vmem_shared>>
      tpu.wait_dma2 semaphore(%run_scoped3A : memref<!tpu.dma_semaphore, #tpu.memory_space<semaphore_mem>>) src(%dma_wait3A_47 : memref<640x128xf32, #tpu.memory_space<vmem_shared>>) dst(%dma_wait3A_45 : memref<640x128xf32, #tpu.memory_space<hbm>>)
      tpu.yield
    }) : () -> ()
    return
  }
}

#map = affine_map<(d0, d1) -> (0, 0)>
#map1 = affine_map<(d0, d1) -> (0, 0, 0)>
module attributes {stable_mosaic.version = 14 : i64} {
  func.func @k(%arg0: i32, %arg1: i32, %arg2: memref<10240x128xf32, #tpu.memory_space<hbm>>, %arg3: memref<2560x128xi32, #tpu.memory_space<hbm>>, %arg4: memref<2560x128xi32, #tpu.memory_space<hbm>>, %arg5: memref<2x10240x128xf32, #tpu.memory_space<hbm>>, %arg6: memref<10240x128xf32, #tpu.memory_space<vmem_shared>>, %arg7: memref<40x128xi32, #tpu.memory_space<vmem>>, %arg8: memref<40x128xi32, #tpu.memory_space<vmem>>, %arg9: memref<128x128xf32, #tpu.memory_space<vmem>>, %arg10: memref<128x128xf32, #tpu.memory_space<vmem>>, %arg11: memref<!tpu.dma_semaphore, #tpu.memory_space<semaphore_mem>>, %arg12: memref<!tpu.dma_semaphore, #tpu.memory_space<semaphore_mem>>, %arg13: memref<!tpu.dma_semaphore, #tpu.memory_space<semaphore_mem>>, %arg14: memref<!tpu.dma_semaphore, #tpu.memory_space<semaphore_mem>>) attributes {dimension_semantics = [#tpu.dimension_semantics<core_parallel>, #tpu.dimension_semantics<subcore_parallel>], iteration_bounds = array<i64: 2, 16>, scalar_prefetch = 0 : i64, scratch_operands = 9 : i64, tpu.core_type = #tpu.core_type<sc_vector_subcore>, window_params = [{transform_indices = #map}, {transform_indices = #map}, {transform_indices = #map}, {transform_indices = #map1}]} {
    %mul3A = arith.constant 2 : i32
    %mul3A_0 = arith.muli %arg1, %mul3A : i32
    %add3A = arith.addi %mul3A_0, %arg0 : i32
    %scan3A = arith.constant 0 : i32
    %scan3A_1 = arith.constant 128 : i32
    %scan3A_2 = arith.addi %scan3A, %scan3A_1 : i32
    %scan3A_3 = arith.constant 1 : i32
    scf.for %scan3A_37 = %scan3A to %scan3A_2 step %scan3A_3  : i32 {
      %mul3A_38 = arith.constant 1 : i32
      %mul3A_39 = arith.muli %scan3A_37, %mul3A_38 : i32
      %add3A_40 = arith.constant 0 : i32
      %add3A_41 = arith.addi %add3A_40, %mul3A_39 : i32
      %scan3A_42 = arith.constant 0 : i32
      %scan3A_43 = arith.constant 8 : i32
      %scan3A_44 = arith.addi %scan3A_42, %scan3A_43 : i32
      %scan3A_45 = arith.constant 1 : i32
      scf.for %scan3A_47 = %scan3A_42 to %scan3A_44 step %scan3A_45  : i32 {
        %mul3A_48 = arith.constant 16 : i32
        %mul3A_49 = arith.muli %scan3A_47, %mul3A_48 : i32
        %add3A_50 = arith.constant 0 : i32
        %add3A_51 = arith.addi %add3A_50, %mul3A_49 : i32
        %broadcast_in_dim3A = arith.constant 0.000000e+00 : f32
        %broadcast_in_dim3A_52 = vector.broadcast %broadcast_in_dim3A : f32 to vector<16xf32>
        %swap3A = arith.index_cast %add3A_41 : i32 to index
        %swap3A_53 = arith.index_cast %add3A_51 : i32 to index
        %swap3A_54 = tpu.vector_load %arg9[%swap3A, %swap3A_53] {strides = array<i32>} : memref<128x128xf32, #tpu.memory_space<vmem>>, vector<1x16xf32>,
        %swap3A_55 = vector.shape_cast %swap3A_54 : vector<1x16xf32> to vector<16xf32>
        %swap3A_56 = vector.shape_cast %broadcast_in_dim3A_52 : vector<16xf32> to vector<1x16xf32>
        tpu.vector_store %arg9[%swap3A, %swap3A_53], %swap3A_56 {strides = array<i32>} : memref<128x128xf32, #tpu.memory_space<vmem>>, vector<1x16xf32>,
      }
      %scan3A_46 = arith.constant 8 : i32
    }
    %scan3A_4 = arith.constant 128 : i32
    %mul3A_5 = arith.constant 640 : i32
    %mul3A_6 = arith.muli %arg1, %mul3A_5 : i32
    %add3A_7 = arith.constant 0 : i32
    %add3A_8 = arith.addi %mul3A_6, %add3A_7 : i32
    "tpu.region"() ({
      %run_scoped3A = tpu.sem_alloc : memref<!tpu.dma_semaphore, #tpu.memory_space<semaphore_mem>>
      %dma_start3A = arith.constant 0 : i32
      %dma_start3A_37 = tpu.memref_slice %arg6[%add3A_8, %dma_start3A] : memref<10240x128xf32, #tpu.memory_space<vmem_shared>> -> memref<128x128xf32, #tpu.memory_space<vmem_shared>>
      %dma_start3A_38 = arith.constant 0 : i32
      %dma_start3A_39 = tpu.memref_slice %arg6[%add3A_8, %dma_start3A_38] : memref<10240x128xf32, #tpu.memory_space<vmem_shared>> -> memref<128x128xf32, #tpu.memory_space<vmem_shared>>
      tpu.enqueue_dma source(%arg9 : memref<128x128xf32, #tpu.memory_space<vmem>>) target(%dma_start3A_39 : memref<128x128xf32, #tpu.memory_space<vmem_shared>>) target_semaphore(%run_scoped3A : memref<!tpu.dma_semaphore, #tpu.memory_space<semaphore_mem>>)
      %dma_wait3A = arith.constant 0 : i32
      %dma_wait3A_40 = tpu.memref_slice %arg6[%add3A_8, %dma_wait3A] : memref<10240x128xf32, #tpu.memory_space<vmem_shared>> -> memref<128x128xf32, #tpu.memory_space<vmem_shared>>
      %dma_wait3A_41 = arith.constant 0 : i32
      %dma_wait3A_42 = tpu.memref_slice %arg6[%add3A_8, %dma_wait3A_41] : memref<10240x128xf32, #tpu.memory_space<vmem_shared>> -> memref<128x128xf32, #tpu.memory_space<vmem_shared>>
      tpu.wait_dma2 semaphore(%run_scoped3A : memref<!tpu.dma_semaphore, #tpu.memory_space<semaphore_mem>>) src(%arg9 : memref<128x128xf32, #tpu.memory_space<vmem>>) dst(%dma_wait3A_42 : memref<128x128xf32, #tpu.memory_space<vmem_shared>>)
      tpu.yield
    }) : () -> ()
    %mul3A_9 = arith.constant 640 : i32
    %mul3A_10 = arith.muli %arg1, %mul3A_9 : i32
    %add3A_11 = arith.constant 128 : i32
    %add3A_12 = arith.addi %mul3A_10, %add3A_11 : i32
    "tpu.region"() ({
      %run_scoped3A = tpu.sem_alloc : memref<!tpu.dma_semaphore, #tpu.memory_space<semaphore_mem>>
      %dma_start3A = arith.constant 0 : i32
      %dma_start3A_37 = tpu.memref_slice %arg6[%add3A_12, %dma_start3A] : memref<10240x128xf32, #tpu.memory_space<vmem_shared>> -> memref<128x128xf32, #tpu.memory_space<vmem_shared>>
      %dma_start3A_38 = arith.constant 0 : i32
      %dma_start3A_39 = tpu.memref_slice %arg6[%add3A_12, %dma_start3A_38] : memref<10240x128xf32, #tpu.memory_space<vmem_shared>> -> memref<128x128xf32, #tpu.memory_space<vmem_shared>>
      tpu.enqueue_dma source(%arg9 : memref<128x128xf32, #tpu.memory_space<vmem>>) target(%dma_start3A_39 : memref<128x128xf32, #tpu.memory_space<vmem_shared>>) target_semaphore(%run_scoped3A : memref<!tpu.dma_semaphore, #tpu.memory_space<semaphore_mem>>)
      %dma_wait3A = arith.constant 0 : i32
      %dma_wait3A_40 = tpu.memref_slice %arg6[%add3A_12, %dma_wait3A] : memref<10240x128xf32, #tpu.memory_space<vmem_shared>> -> memref<128x128xf32, #tpu.memory_space<vmem_shared>>
      %dma_wait3A_41 = arith.constant 0 : i32
      %dma_wait3A_42 = tpu.memref_slice %arg6[%add3A_12, %dma_wait3A_41] : memref<10240x128xf32, #tpu.memory_space<vmem_shared>> -> memref<128x128xf32, #tpu.memory_space<vmem_shared>>
      tpu.wait_dma2 semaphore(%run_scoped3A : memref<!tpu.dma_semaphore, #tpu.memory_space<semaphore_mem>>) src(%arg9 : memref<128x128xf32, #tpu.memory_space<vmem>>) dst(%dma_wait3A_42 : memref<128x128xf32, #tpu.memory_space<vmem_shared>>)
      tpu.yield
    }) : () -> ()
    %mul3A_13 = arith.constant 640 : i32
    %mul3A_14 = arith.muli %arg1, %mul3A_13 : i32
    %add3A_15 = arith.constant 256 : i32
    %add3A_16 = arith.addi %mul3A_14, %add3A_15 : i32
    "tpu.region"() ({
      %run_scoped3A = tpu.sem_alloc : memref<!tpu.dma_semaphore, #tpu.memory_space<semaphore_mem>>
      %dma_start3A = arith.constant 0 : i32
      %dma_start3A_37 = tpu.memref_slice %arg6[%add3A_16, %dma_start3A] : memref<10240x128xf32, #tpu.memory_space<vmem_shared>> -> memref<128x128xf32, #tpu.memory_space<vmem_shared>>
      %dma_start3A_38 = arith.constant 0 : i32
      %dma_start3A_39 = tpu.memref_slice %arg6[%add3A_16, %dma_start3A_38] : memref<10240x128xf32, #tpu.memory_space<vmem_shared>> -> memref<128x128xf32, #tpu.memory_space<vmem_shared>>
      tpu.enqueue_dma source(%arg9 : memref<128x128xf32, #tpu.memory_space<vmem>>) target(%dma_start3A_39 : memref<128x128xf32, #tpu.memory_space<vmem_shared>>) target_semaphore(%run_scoped3A : memref<!tpu.dma_semaphore, #tpu.memory_space<semaphore_mem>>)
      %dma_wait3A = arith.constant 0 : i32
      %dma_wait3A_40 = tpu.memref_slice %arg6[%add3A_16, %dma_wait3A] : memref<10240x128xf32, #tpu.memory_space<vmem_shared>> -> memref<128x128xf32, #tpu.memory_space<vmem_shared>>
      %dma_wait3A_41 = arith.constant 0 : i32
      %dma_wait3A_42 = tpu.memref_slice %arg6[%add3A_16, %dma_wait3A_41] : memref<10240x128xf32, #tpu.memory_space<vmem_shared>> -> memref<128x128xf32, #tpu.memory_space<vmem_shared>>
      tpu.wait_dma2 semaphore(%run_scoped3A : memref<!tpu.dma_semaphore, #tpu.memory_space<semaphore_mem>>) src(%arg9 : memref<128x128xf32, #tpu.memory_space<vmem>>) dst(%dma_wait3A_42 : memref<128x128xf32, #tpu.memory_space<vmem_shared>>)
      tpu.yield
    }) : () -> ()
    %mul3A_17 = arith.constant 640 : i32
    %mul3A_18 = arith.muli %arg1, %mul3A_17 : i32
    %add3A_19 = arith.constant 384 : i32
    %add3A_20 = arith.addi %mul3A_18, %add3A_19 : i32
    "tpu.region"() ({
      %run_scoped3A = tpu.sem_alloc : memref<!tpu.dma_semaphore, #tpu.memory_space<semaphore_mem>>
      %dma_start3A = arith.constant 0 : i32
      %dma_start3A_37 = tpu.memref_slice %arg6[%add3A_20, %dma_start3A] : memref<10240x128xf32, #tpu.memory_space<vmem_shared>> -> memref<128x128xf32, #tpu.memory_space<vmem_shared>>
      %dma_start3A_38 = arith.constant 0 : i32
      %dma_start3A_39 = tpu.memref_slice %arg6[%add3A_20, %dma_start3A_38] : memref<10240x128xf32, #tpu.memory_space<vmem_shared>> -> memref<128x128xf32, #tpu.memory_space<vmem_shared>>
      tpu.enqueue_dma source(%arg9 : memref<128x128xf32, #tpu.memory_space<vmem>>) target(%dma_start3A_39 : memref<128x128xf32, #tpu.memory_space<vmem_shared>>) target_semaphore(%run_scoped3A : memref<!tpu.dma_semaphore, #tpu.memory_space<semaphore_mem>>)
      %dma_wait3A = arith.constant 0 : i32
      %dma_wait3A_40 = tpu.memref_slice %arg6[%add3A_20, %dma_wait3A] : memref<10240x128xf32, #tpu.memory_space<vmem_shared>> -> memref<128x128xf32, #tpu.memory_space<vmem_shared>>
      %dma_wait3A_41 = arith.constant 0 : i32
      %dma_wait3A_42 = tpu.memref_slice %arg6[%add3A_20, %dma_wait3A_41] : memref<10240x128xf32, #tpu.memory_space<vmem_shared>> -> memref<128x128xf32, #tpu.memory_space<vmem_shared>>
      tpu.wait_dma2 semaphore(%run_scoped3A : memref<!tpu.dma_semaphore, #tpu.memory_space<semaphore_mem>>) src(%arg9 : memref<128x128xf32, #tpu.memory_space<vmem>>) dst(%dma_wait3A_42 : memref<128x128xf32, #tpu.memory_space<vmem_shared>>)
      tpu.yield
    }) : () -> ()
    %mul3A_21 = arith.constant 640 : i32
    %mul3A_22 = arith.muli %arg1, %mul3A_21 : i32
    %add3A_23 = arith.constant 512 : i32
    %add3A_24 = arith.addi %mul3A_22, %add3A_23 : i32
    "tpu.region"() ({
      %run_scoped3A = tpu.sem_alloc : memref<!tpu.dma_semaphore, #tpu.memory_space<semaphore_mem>>
      %dma_start3A = arith.constant 0 : i32
      %dma_start3A_37 = tpu.memref_slice %arg6[%add3A_24, %dma_start3A] : memref<10240x128xf32, #tpu.memory_space<vmem_shared>> -> memref<128x128xf32, #tpu.memory_space<vmem_shared>>
      %dma_start3A_38 = arith.constant 0 : i32
      %dma_start3A_39 = tpu.memref_slice %arg6[%add3A_24, %dma_start3A_38] : memref<10240x128xf32, #tpu.memory_space<vmem_shared>> -> memref<128x128xf32, #tpu.memory_space<vmem_shared>>
      tpu.enqueue_dma source(%arg9 : memref<128x128xf32, #tpu.memory_space<vmem>>) target(%dma_start3A_39 : memref<128x128xf32, #tpu.memory_space<vmem_shared>>) target_semaphore(%run_scoped3A : memref<!tpu.dma_semaphore, #tpu.memory_space<semaphore_mem>>)
      %dma_wait3A = arith.constant 0 : i32
      %dma_wait3A_40 = tpu.memref_slice %arg6[%add3A_24, %dma_wait3A] : memref<10240x128xf32, #tpu.memory_space<vmem_shared>> -> memref<128x128xf32, #tpu.memory_space<vmem_shared>>
      %dma_wait3A_41 = arith.constant 0 : i32
      %dma_wait3A_42 = tpu.memref_slice %arg6[%add3A_24, %dma_wait3A_41] : memref<10240x128xf32, #tpu.memory_space<vmem_shared>> -> memref<128x128xf32, #tpu.memory_space<vmem_shared>>
      tpu.wait_dma2 semaphore(%run_scoped3A : memref<!tpu.dma_semaphore, #tpu.memory_space<semaphore_mem>>) src(%arg9 : memref<128x128xf32, #tpu.memory_space<vmem>>) dst(%dma_wait3A_42 : memref<128x128xf32, #tpu.memory_space<vmem_shared>>)
      tpu.yield
    }) : () -> ()
    %barrier3A = arith.constant 0 : index
    tpu.barrier barrier_id(%barrier3A)
    %mul3A_25 = arith.constant 80 : i32
    %mul3A_26 = arith.muli %add3A, %mul3A_25 : i32
    %scan3A_27 = arith.constant 0 : i32
    %scan3A_28 = arith.constant 2 : i32
    %scan3A_29 = arith.addi %scan3A_27, %scan3A_28 : i32
    %scan3A_30 = arith.constant 1 : i32
    scf.for %scan3A_37 = %scan3A_27 to %scan3A_29 step %scan3A_30  : i32 {
      %mul3A_38 = arith.constant 40 : i32
      %mul3A_39 = arith.muli %scan3A_37, %mul3A_38 : i32
      %add3A_40 = arith.constant 0 : i32
      %add3A_41 = arith.addi %add3A_40, %mul3A_39 : i32
      %add3A_42 = arith.addi %mul3A_26, %add3A_41 : i32
      "tpu.region"() ({
        %run_scoped3A = tpu.sem_alloc : memref<!tpu.dma_semaphore, #tpu.memory_space<semaphore_mem>>
        %dma_start3A_62 = arith.constant 0 : i32
        %dma_start3A_63 = tpu.memref_slice %arg3[%add3A_42, %dma_start3A_62] : memref<2560x128xi32, #tpu.memory_space<hbm>> -> memref<40x128xi32, #tpu.memory_space<hbm>>
        %dma_start3A_64 = arith.constant 0 : i32
        %dma_start3A_65 = tpu.memref_slice %arg3[%add3A_42, %dma_start3A_64] : memref<2560x128xi32, #tpu.memory_space<hbm>> -> memref<40x128xi32, #tpu.memory_space<hbm>>
        tpu.enqueue_dma source(%dma_start3A_65 : memref<40x128xi32, #tpu.memory_space<hbm>>) target(%arg7 : memref<40x128xi32, #tpu.memory_space<vmem>>) target_semaphore(%run_scoped3A : memref<!tpu.dma_semaphore, #tpu.memory_space<semaphore_mem>>)
        %dma_wait3A = arith.constant 0 : i32
        %dma_wait3A_66 = tpu.memref_slice %arg3[%add3A_42, %dma_wait3A] : memref<2560x128xi32, #tpu.memory_space<hbm>> -> memref<40x128xi32, #tpu.memory_space<hbm>>
        %dma_wait3A_67 = arith.constant 0 : i32
        %dma_wait3A_68 = tpu.memref_slice %arg3[%add3A_42, %dma_wait3A_67] : memref<2560x128xi32, #tpu.memory_space<hbm>> -> memref<40x128xi32, #tpu.memory_space<hbm>>
        tpu.wait_dma2 semaphore(%run_scoped3A : memref<!tpu.dma_semaphore, #tpu.memory_space<semaphore_mem>>) src(%dma_wait3A_68 : memref<40x128xi32, #tpu.memory_space<hbm>>) dst(%arg7 : memref<40x128xi32, #tpu.memory_space<vmem>>)
        tpu.yield
      }) : () -> ()
      %add3A_43 = arith.addi %mul3A_26, %add3A_41 : i32
      "tpu.region"() ({
        %run_scoped3A = tpu.sem_alloc : memref<!tpu.dma_semaphore, #tpu.memory_space<semaphore_mem>>
        %dma_start3A_62 = arith.constant 0 : i32
        %dma_start3A_63 = tpu.memref_slice %arg4[%add3A_43, %dma_start3A_62] : memref<2560x128xi32, #tpu.memory_space<hbm>> -> memref<40x128xi32, #tpu.memory_space<hbm>>
        %dma_start3A_64 = arith.constant 0 : i32
        %dma_start3A_65 = tpu.memref_slice %arg4[%add3A_43, %dma_start3A_64] : memref<2560x128xi32, #tpu.memory_space<hbm>> -> memref<40x128xi32, #tpu.memory_space<hbm>>
        tpu.enqueue_dma source(%dma_start3A_65 : memref<40x128xi32, #tpu.memory_space<hbm>>) target(%arg8 : memref<40x128xi32, #tpu.memory_space<vmem>>) target_semaphore(%run_scoped3A : memref<!tpu.dma_semaphore, #tpu.memory_space<semaphore_mem>>)
        %dma_wait3A = arith.constant 0 : i32
        %dma_wait3A_66 = tpu.memref_slice %arg4[%add3A_43, %dma_wait3A] : memref<2560x128xi32, #tpu.memory_space<hbm>> -> memref<40x128xi32, #tpu.memory_space<hbm>>
        %dma_wait3A_67 = arith.constant 0 : i32
        %dma_wait3A_68 = tpu.memref_slice %arg4[%add3A_43, %dma_wait3A_67] : memref<2560x128xi32, #tpu.memory_space<hbm>> -> memref<40x128xi32, #tpu.memory_space<hbm>>
        tpu.wait_dma2 semaphore(%run_scoped3A : memref<!tpu.dma_semaphore, #tpu.memory_space<semaphore_mem>>) src(%dma_wait3A_68 : memref<40x128xi32, #tpu.memory_space<hbm>>) dst(%arg8 : memref<40x128xi32, #tpu.memory_space<vmem>>)
        tpu.yield
      }) : () -> ()
      %dma_start3A = arith.constant 0 : i32
      %dma_start3A_44 = arith.constant 0 : i32
      %dma_start3A_45 = tpu.memref_slice %arg7[%dma_start3A, %dma_start3A_44] : memref<40x128xi32, #tpu.memory_space<vmem>> -> memref<1x128xi32, #tpu.memory_space<vmem>>
      %dma_start3A_46 = tpu.memref_squeeze %dma_start3A_45 : memref<1x128xi32, #tpu.memory_space<vmem>> -> memref<128xi32, #tpu.memory_space<vmem>>
      %dma_start3A_47 = arith.constant 0 : i32
      %dma_start3A_48 = arith.constant 0 : i32
      %dma_start3A_49 = tpu.memref_slice %arg2[%dma_start3A_47, %dma_start3A_48] : memref<10240x128xf32, #tpu.memory_space<hbm>> -> memref<10240x128xf32, #tpu.memory_space<hbm>>
      tpu.enqueue_indirect_dma source(%dma_start3A_49 : memref<10240x128xf32, #tpu.memory_space<hbm>>) target(%arg9 : memref<128x128xf32, #tpu.memory_space<vmem>>) offsets(%dma_start3A_46 : memref<128xi32, #tpu.memory_space<vmem>>) semaphore(%arg11 : memref<!tpu.dma_semaphore, #tpu.memory_space<semaphore_mem>>)
      %dma_start3A_50 = arith.constant 1 : i32
      %dma_start3A_51 = arith.constant 0 : i32
      %dma_start3A_52 = tpu.memref_slice %arg7[%dma_start3A_50, %dma_start3A_51] : memref<40x128xi32, #tpu.memory_space<vmem>> -> memref<1x128xi32, #tpu.memory_space<vmem>>
      %dma_start3A_53 = tpu.memref_squeeze %dma_start3A_52 : memref<1x128xi32, #tpu.memory_space<vmem>> -> memref<128xi32, #tpu.memory_space<vmem>>
      %dma_start3A_54 = arith.constant 0 : i32
      %dma_start3A_55 = arith.constant 0 : i32
      %dma_start3A_56 = tpu.memref_slice %arg2[%dma_start3A_54, %dma_start3A_55] : memref<10240x128xf32, #tpu.memory_space<hbm>> -> memref<10240x128xf32, #tpu.memory_space<hbm>>
      tpu.enqueue_indirect_dma source(%dma_start3A_56 : memref<10240x128xf32, #tpu.memory_space<hbm>>) target(%arg10 : memref<128x128xf32, #tpu.memory_space<vmem>>) offsets(%dma_start3A_53 : memref<128xi32, #tpu.memory_space<vmem>>) semaphore(%arg12 : memref<!tpu.dma_semaphore, #tpu.memory_space<semaphore_mem>>)
      %scan3A_57 = arith.constant 0 : i32
      %scan3A_58 = arith.constant 20 : i32
      %scan3A_59 = arith.addi %scan3A_57, %scan3A_58 : i32
      %scan3A_60 = arith.constant 1 : i32
      scf.for %scan3A_62 = %scan3A_57 to %scan3A_59 step %scan3A_60  : i32 {
        %mul3A_63 = arith.constant 2 : i32
        %mul3A_64 = arith.muli %scan3A_62, %mul3A_63 : i32
        %add3A_65 = arith.constant 0 : i32
        %add3A_66 = arith.addi %add3A_65, %mul3A_64 : i32
        %dma_wait3A = arith.constant 0 : i32
        %dma_wait3A_67 = tpu.memref_slice %arg7[%add3A_66, %dma_wait3A] : memref<40x128xi32, #tpu.memory_space<vmem>> -> memref<1x128xi32, #tpu.memory_space<vmem>>
        %dma_wait3A_68 = tpu.memref_squeeze %dma_wait3A_67 : memref<1x128xi32, #tpu.memory_space<vmem>> -> memref<128xi32, #tpu.memory_space<vmem>>
        %dma_wait3A_69 = arith.constant 0 : i32
        %dma_wait3A_70 = arith.constant 0 : i32
        %dma_wait3A_71 = tpu.memref_slice %arg2[%dma_wait3A_69, %dma_wait3A_70] : memref<10240x128xf32, #tpu.memory_space<hbm>> -> memref<10240x128xf32, #tpu.memory_space<hbm>>
        tpu.wait_indirect_dma semaphore(%arg11 : memref<!tpu.dma_semaphore, #tpu.memory_space<semaphore_mem>>) src(%dma_wait3A_71 : memref<10240x128xf32, #tpu.memory_space<hbm>>) dst(%arg9 : memref<128x128xf32, #tpu.memory_space<vmem>>)
        %dma_start3A_72 = arith.constant 0 : i32
        %dma_start3A_73 = tpu.memref_slice %arg8[%add3A_66, %dma_start3A_72] : memref<40x128xi32, #tpu.memory_space<vmem>> -> memref<1x128xi32, #tpu.memory_space<vmem>>
        %dma_start3A_74 = tpu.memref_squeeze %dma_start3A_73 : memref<1x128xi32, #tpu.memory_space<vmem>> -> memref<128xi32, #tpu.memory_space<vmem>>
        %dma_start3A_75 = arith.constant 0 : i32
        %dma_start3A_76 = arith.constant 0 : i32
        %dma_start3A_77 = tpu.memref_slice %arg6[%dma_start3A_75, %dma_start3A_76] : memref<10240x128xf32, #tpu.memory_space<vmem_shared>> -> memref<10240x128xf32, #tpu.memory_space<vmem_shared>>
        tpu.enqueue_indirect_dma source(%arg9 : memref<128x128xf32, #tpu.memory_space<vmem>>) target(%dma_start3A_77 : memref<10240x128xf32, #tpu.memory_space<vmem_shared>>) offsets(%dma_start3A_74 : memref<128xi32, #tpu.memory_space<vmem>>) semaphore(%arg13 : memref<!tpu.dma_semaphore, #tpu.memory_space<semaphore_mem>>) {add = true}
        %add3A_78 = arith.constant 1 : i32
        %add3A_79 = arith.addi %add3A_66, %add3A_78 : i32
        %dma_wait3A_80 = arith.constant 0 : i32
        %dma_wait3A_81 = tpu.memref_slice %arg7[%add3A_79, %dma_wait3A_80] : memref<40x128xi32, #tpu.memory_space<vmem>> -> memref<1x128xi32, #tpu.memory_space<vmem>>
        %dma_wait3A_82 = tpu.memref_squeeze %dma_wait3A_81 : memref<1x128xi32, #tpu.memory_space<vmem>> -> memref<128xi32, #tpu.memory_space<vmem>>
        %dma_wait3A_83 = arith.constant 0 : i32
        %dma_wait3A_84 = arith.constant 0 : i32
        %dma_wait3A_85 = tpu.memref_slice %arg2[%dma_wait3A_83, %dma_wait3A_84] : memref<10240x128xf32, #tpu.memory_space<hbm>> -> memref<10240x128xf32, #tpu.memory_space<hbm>>
        tpu.wait_indirect_dma semaphore(%arg12 : memref<!tpu.dma_semaphore, #tpu.memory_space<semaphore_mem>>) src(%dma_wait3A_85 : memref<10240x128xf32, #tpu.memory_space<hbm>>) dst(%arg10 : memref<128x128xf32, #tpu.memory_space<vmem>>)
        %add3A_86 = arith.constant 1 : i32
        %add3A_87 = arith.addi %add3A_66, %add3A_86 : i32
        %dma_start3A_88 = arith.constant 0 : i32
        %dma_start3A_89 = tpu.memref_slice %arg8[%add3A_87, %dma_start3A_88] : memref<40x128xi32, #tpu.memory_space<vmem>> -> memref<1x128xi32, #tpu.memory_space<vmem>>
        %dma_start3A_90 = tpu.memref_squeeze %dma_start3A_89 : memref<1x128xi32, #tpu.memory_space<vmem>> -> memref<128xi32, #tpu.memory_space<vmem>>
        %dma_start3A_91 = arith.constant 0 : i32
        %dma_start3A_92 = arith.constant 0 : i32
        %dma_start3A_93 = tpu.memref_slice %arg6[%dma_start3A_91, %dma_start3A_92] : memref<10240x128xf32, #tpu.memory_space<vmem_shared>> -> memref<10240x128xf32, #tpu.memory_space<vmem_shared>>
        tpu.enqueue_indirect_dma source(%arg10 : memref<128x128xf32, #tpu.memory_space<vmem>>) target(%dma_start3A_93 : memref<10240x128xf32, #tpu.memory_space<vmem_shared>>) offsets(%dma_start3A_90 : memref<128xi32, #tpu.memory_space<vmem>>) semaphore(%arg14 : memref<!tpu.dma_semaphore, #tpu.memory_space<semaphore_mem>>) {add = true}
        %dma_wait3A_94 = arith.constant 0 : i32
        %dma_wait3A_95 = tpu.memref_slice %arg8[%add3A_66, %dma_wait3A_94] : memref<40x128xi32, #tpu.memory_space<vmem>> -> memref<1x128xi32, #tpu.memory_space<vmem>>
        %dma_wait3A_96 = tpu.memref_squeeze %dma_wait3A_95 : memref<1x128xi32, #tpu.memory_space<vmem>> -> memref<128xi32, #tpu.memory_space<vmem>>
        %dma_wait3A_97 = arith.constant 0 : i32
        %dma_wait3A_98 = arith.constant 0 : i32
        %dma_wait3A_99 = tpu.memref_slice %arg6[%dma_wait3A_97, %dma_wait3A_98] : memref<10240x128xf32, #tpu.memory_space<vmem_shared>> -> memref<10240x128xf32, #tpu.memory_space<vmem_shared>>
        tpu.wait_indirect_dma semaphore(%arg13 : memref<!tpu.dma_semaphore, #tpu.memory_space<semaphore_mem>>) src(%arg9 : memref<128x128xf32, #tpu.memory_space<vmem>>) dst(%dma_wait3A_99 : memref<10240x128xf32, #tpu.memory_space<vmem_shared>>)
        %add3A_100 = arith.constant 2 : i32
        %add3A_101 = arith.addi %add3A_66, %add3A_100 : i32
        %lt3A = arith.constant 40 : i32
        %lt3A_102 = arith.cmpi slt, %add3A_101, %lt3A : i32
        %convert_element_type3A = arith.extui %lt3A_102 : i1 to i32
        %cond3A = arith.constant 0 : i32
        %cond3A_103 = arith.cmpi ne, %convert_element_type3A, %cond3A : i32
        scf.if %cond3A_103 {
          %add3A_119 = arith.constant 2 : i32
          %add3A_120 = arith.addi %add3A_66, %add3A_119 : i32
          %dma_start3A_121 = arith.constant 0 : i32
          %dma_start3A_122 = tpu.memref_slice %arg7[%add3A_120, %dma_start3A_121] : memref<40x128xi32, #tpu.memory_space<vmem>> -> memref<1x128xi32, #tpu.memory_space<vmem>>
          %dma_start3A_123 = tpu.memref_squeeze %dma_start3A_122 : memref<1x128xi32, #tpu.memory_space<vmem>> -> memref<128xi32, #tpu.memory_space<vmem>>
          %dma_start3A_124 = arith.constant 0 : i32
          %dma_start3A_125 = arith.constant 0 : i32
          %dma_start3A_126 = tpu.memref_slice %arg2[%dma_start3A_124, %dma_start3A_125] : memref<10240x128xf32, #tpu.memory_space<hbm>> -> memref<10240x128xf32, #tpu.memory_space<hbm>>
          tpu.enqueue_indirect_dma source(%dma_start3A_126 : memref<10240x128xf32, #tpu.memory_space<hbm>>) target(%arg9 : memref<128x128xf32, #tpu.memory_space<vmem>>) offsets(%dma_start3A_123 : memref<128xi32, #tpu.memory_space<vmem>>) semaphore(%arg11 : memref<!tpu.dma_semaphore, #tpu.memory_space<semaphore_mem>>)
        } else {
        }
        %add3A_104 = arith.constant 1 : i32
        %add3A_105 = arith.addi %add3A_66, %add3A_104 : i32
        %dma_wait3A_106 = arith.constant 0 : i32
        %dma_wait3A_107 = tpu.memref_slice %arg8[%add3A_105, %dma_wait3A_106] : memref<40x128xi32, #tpu.memory_space<vmem>> -> memref<1x128xi32, #tpu.memory_space<vmem>>
        %dma_wait3A_108 = tpu.memref_squeeze %dma_wait3A_107 : memref<1x128xi32, #tpu.memory_space<vmem>> -> memref<128xi32, #tpu.memory_space<vmem>>
        %dma_wait3A_109 = arith.constant 0 : i32
        %dma_wait3A_110 = arith.constant 0 : i32
        %dma_wait3A_111 = tpu.memref_slice %arg6[%dma_wait3A_109, %dma_wait3A_110] : memref<10240x128xf32, #tpu.memory_space<vmem_shared>> -> memref<10240x128xf32, #tpu.memory_space<vmem_shared>>
        tpu.wait_indirect_dma semaphore(%arg14 : memref<!tpu.dma_semaphore, #tpu.memory_space<semaphore_mem>>) src(%arg10 : memref<128x128xf32, #tpu.memory_space<vmem>>) dst(%dma_wait3A_111 : memref<10240x128xf32, #tpu.memory_space<vmem_shared>>)
        %add3A_112 = arith.constant 3 : i32
        %add3A_113 = arith.addi %add3A_66, %add3A_112 : i32
        %lt3A_114 = arith.constant 40 : i32
        %lt3A_115 = arith.cmpi slt, %add3A_113, %lt3A_114 : i32
        %convert_element_type3A_116 = arith.extui %lt3A_115 : i1 to i32
        %cond3A_117 = arith.constant 0 : i32
        %cond3A_118 = arith.cmpi ne, %convert_element_type3A_116, %cond3A_117 : i32
        scf.if %cond3A_118 {
          %add3A_119 = arith.constant 3 : i32
          %add3A_120 = arith.addi %add3A_66, %add3A_119 : i32
          %dma_start3A_121 = arith.constant 0 : i32
          %dma_start3A_122 = tpu.memref_slice %arg7[%add3A_120, %dma_start3A_121] : memref<40x128xi32, #tpu.memory_space<vmem>> -> memref<1x128xi32, #tpu.memory_space<vmem>>
          %dma_start3A_123 = tpu.memref_squeeze %dma_start3A_122 : memref<1x128xi32, #tpu.memory_space<vmem>> -> memref<128xi32, #tpu.memory_space<vmem>>
          %dma_start3A_124 = arith.constant 0 : i32
          %dma_start3A_125 = arith.constant 0 : i32
          %dma_start3A_126 = tpu.memref_slice %arg2[%dma_start3A_124, %dma_start3A_125] : memref<10240x128xf32, #tpu.memory_space<hbm>> -> memref<10240x128xf32, #tpu.memory_space<hbm>>
          tpu.enqueue_indirect_dma source(%dma_start3A_126 : memref<10240x128xf32, #tpu.memory_space<hbm>>) target(%arg10 : memref<128x128xf32, #tpu.memory_space<vmem>>) offsets(%dma_start3A_123 : memref<128xi32, #tpu.memory_space<vmem>>) semaphore(%arg12 : memref<!tpu.dma_semaphore, #tpu.memory_space<semaphore_mem>>)
        } else {
        }
      }
      %scan3A_61 = arith.constant 20 : i32
    }
    %scan3A_31 = arith.constant 2 : i32
    %barrier3A_32 = arith.constant 0 : index
    tpu.barrier barrier_id(%barrier3A_32)
    %mul3A_33 = arith.constant 640 : i32
    %mul3A_34 = arith.muli %arg1, %mul3A_33 : i32
    %mul3A_35 = arith.constant 640 : i32
    %mul3A_36 = arith.muli %arg1, %mul3A_35 : i32
    "tpu.region"() ({
      %run_scoped3A = tpu.sem_alloc : memref<!tpu.dma_semaphore, #tpu.memory_space<semaphore_mem>>
      %dma_start3A = arith.constant 0 : i32
      %dma_start3A_37 = arith.constant 0 : i32
      %dma_start3A_38 = tpu.memref_slice %arg5[%arg0, %dma_start3A, %dma_start3A_37] : memref<2x10240x128xf32, #tpu.memory_space<hbm>> -> memref<1x10240x128xf32, #tpu.memory_space<hbm>>
      %dma_start3A_39 = tpu.memref_squeeze %dma_start3A_38 : memref<1x10240x128xf32, #tpu.memory_space<hbm>> -> memref<10240x128xf32, #tpu.memory_space<hbm>>
      %dma_start3A_40 = arith.constant 0 : i32
      %dma_start3A_41 = tpu.memref_slice %dma_start3A_39[%mul3A_36, %dma_start3A_40] : memref<10240x128xf32, #tpu.memory_space<hbm>> -> memref<640x128xf32, #tpu.memory_space<hbm>>
      %dma_start3A_42 = arith.constant 0 : i32
      %dma_start3A_43 = tpu.memref_slice %arg6[%mul3A_34, %dma_start3A_42] : memref<10240x128xf32, #tpu.memory_space<vmem_shared>> -> memref<640x128xf32, #tpu.memory_space<vmem_shared>>
      tpu.enqueue_dma source(%dma_start3A_43 : memref<640x128xf32, #tpu.memory_space<vmem_shared>>) target(%dma_start3A_41 : memref<640x128xf32, #tpu.memory_space<hbm>>) target_semaphore(%run_scoped3A : memref<!tpu.dma_semaphore, #tpu.memory_space<semaphore_mem>>)
      %dma_wait3A = arith.constant 0 : i32
      %dma_wait3A_44 = arith.constant 0 : i32
      %dma_wait3A_45 = tpu.memref_slice %arg5[%arg0, %dma_wait3A, %dma_wait3A_44] : memref<2x10240x128xf32, #tpu.memory_space<hbm>> -> memref<1x10240x128xf32, #tpu.memory_space<hbm>>
      %dma_wait3A_46 = tpu.memref_squeeze %dma_wait3A_45 : memref<1x10240x128xf32, #tpu.memory_space<hbm>> -> memref<10240x128xf32, #tpu.memory_space<hbm>>
      %dma_wait3A_47 = arith.constant 0 : i32
      %dma_wait3A_48 = tpu.memref_slice %dma_wait3A_46[%mul3A_36, %dma_wait3A_47] : memref<10240x128xf32, #tpu.memory_space<hbm>> -> memref<640x128xf32, #tpu.memory_space<hbm>>
      %dma_wait3A_49 = arith.constant 0 : i32
      %dma_wait3A_50 = tpu.memref_slice %arg6[%mul3A_34, %dma_wait3A_49] : memref<10240x128xf32, #tpu.memory_space<vmem_shared>> -> memref<640x128xf32, #tpu.memory_space<vmem_shared>>
      tpu.wait_dma2 semaphore(%run_scoped3A : memref<!tpu.dma_semaphore, #tpu.memory_space<semaphore_mem>>) src(%dma_wait3A_50 : memref<640x128xf32, #tpu.memory_space<vmem_shared>>) dst(%dma_wait3A_48 : memref<640x128xf32, #tpu.memory_space<hbm>>)
      tpu.yield
    }) : () -> ()
    return
  }
}

#map = affine_map<(d0, d1) -> (0, 0)>
#map1 = affine_map<(d0, d1) -> (0, 0, 0)>
module attributes {stable_mosaic.version = 14 : i64} {
  func.func @k(%arg0: i32, %arg1: i32, %arg2: memref<10240x128xf32, #tpu.memory_space<hbm>>, %arg3: memref<2560x128xi32, #tpu.memory_space<hbm>>, %arg4: memref<2560x128xi32, #tpu.memory_space<hbm>>, %arg5: memref<2x10240x128xf32, #tpu.memory_space<hbm>>, %arg6: memref<10240x128xf32, #tpu.memory_space<vmem_shared>>, %arg7: memref<40x128xi32, #tpu.memory_space<vmem>>, %arg8: memref<40x128xi32, #tpu.memory_space<vmem>>, %arg9: memref<128x128xf32, #tpu.memory_space<vmem>>, %arg10: memref<128x128xf32, #tpu.memory_space<vmem>>, %arg11: memref<!tpu.dma_semaphore, #tpu.memory_space<semaphore_mem>>, %arg12: memref<!tpu.dma_semaphore, #tpu.memory_space<semaphore_mem>>, %arg13: memref<!tpu.dma_semaphore, #tpu.memory_space<semaphore_mem>>, %arg14: memref<!tpu.dma_semaphore, #tpu.memory_space<semaphore_mem>>) attributes {dimension_semantics = [#tpu.dimension_semantics<core_parallel>, #tpu.dimension_semantics<subcore_parallel>], iteration_bounds = array<i64: 2, 16>, scalar_prefetch = 0 : i64, scratch_operands = 9 : i64, tpu.core_type = #tpu.core_type<sc_vector_subcore>, window_params = [{transform_indices = #map}, {transform_indices = #map}, {transform_indices = #map}, {transform_indices = #map1}]} {
    %mul3A = arith.constant 2 : i32
    %mul3A_0 = arith.muli %arg1, %mul3A : i32
    %add3A = arith.addi %mul3A_0, %arg0 : i32
    %scan3A = arith.constant 0 : i32
    %scan3A_1 = arith.constant 128 : i32
    %scan3A_2 = arith.addi %scan3A, %scan3A_1 : i32
    %scan3A_3 = arith.constant 1 : i32
    scf.for %scan3A_37 = %scan3A to %scan3A_2 step %scan3A_3  : i32 {
      %mul3A_38 = arith.constant 1 : i32
      %mul3A_39 = arith.muli %scan3A_37, %mul3A_38 : i32
      %add3A_40 = arith.constant 0 : i32
      %add3A_41 = arith.addi %add3A_40, %mul3A_39 : i32
      %scan3A_42 = arith.constant 0 : i32
      %scan3A_43 = arith.constant 8 : i32
      %scan3A_44 = arith.addi %scan3A_42, %scan3A_43 : i32
      %scan3A_45 = arith.constant 1 : i32
      scf.for %scan3A_47 = %scan3A_42 to %scan3A_44 step %scan3A_45  : i32 {
        %mul3A_48 = arith.constant 16 : i32
        %mul3A_49 = arith.muli %scan3A_47, %mul3A_48 : i32
        %add3A_50 = arith.constant 0 : i32
        %add3A_51 = arith.addi %add3A_50, %mul3A_49 : i32
        %broadcast_in_dim3A = arith.constant 0.000000e+00 : f32
        %broadcast_in_dim3A_52 = vector.broadcast %broadcast_in_dim3A : f32 to vector<16xf32>
        %swap3A = arith.index_cast %add3A_41 : i32 to index
        %swap3A_53 = arith.index_cast %add3A_51 : i32 to index
        %swap3A_54 = tpu.vector_load %arg9[%swap3A, %swap3A_53] {strides = array<i32>} : memref<128x128xf32, #tpu.memory_space<vmem>>, vector<1x16xf32>,
        %swap3A_55 = vector.shape_cast %swap3A_54 : vector<1x16xf32> to vector<16xf32>
        %swap3A_56 = vector.shape_cast %broadcast_in_dim3A_52 : vector<16xf32> to vector<1x16xf32>
        tpu.vector_store %arg9[%swap3A, %swap3A_53], %swap3A_56 {strides = array<i32>} : memref<128x128xf32, #tpu.memory_space<vmem>>, vector<1x16xf32>,
      }
      %scan3A_46 = arith.constant 8 : i32
    }
    %scan3A_4 = arith.constant 128 : i32
    %mul3A_5 = arith.constant 640 : i32
    %mul3A_6 = arith.muli %arg1, %mul3A_5 : i32
    %add3A_7 = arith.constant 0 : i32
    %add3A_8 = arith.addi %mul3A_6, %add3A_7 : i32
    "tpu.region"() ({
      %run_scoped3A = tpu.sem_alloc : memref<!tpu.dma_semaphore, #tpu.memory_space<semaphore_mem>>
      %dma_start3A = arith.constant 0 : i32
      %dma_start3A_37 = tpu.memref_slice %arg6[%add3A_8, %dma_start3A] : memref<10240x128xf32, #tpu.memory_space<vmem_shared>> -> memref<128x128xf32, #tpu.memory_space<vmem_shared>>
      %dma_start3A_38 = arith.constant 0 : i32
      %dma_start3A_39 = tpu.memref_slice %arg6[%add3A_8, %dma_start3A_38] : memref<10240x128xf32, #tpu.memory_space<vmem_shared>> -> memref<128x128xf32, #tpu.memory_space<vmem_shared>>
      tpu.enqueue_dma source(%arg9 : memref<128x128xf32, #tpu.memory_space<vmem>>) target(%dma_start3A_39 : memref<128x128xf32, #tpu.memory_space<vmem_shared>>) target_semaphore(%run_scoped3A : memref<!tpu.dma_semaphore, #tpu.memory_space<semaphore_mem>>)
      %dma_wait3A = arith.constant 0 : i32
      %dma_wait3A_40 = tpu.memref_slice %arg6[%add3A_8, %dma_wait3A] : memref<10240x128xf32, #tpu.memory_space<vmem_shared>> -> memref<128x128xf32, #tpu.memory_space<vmem_shared>>
      %dma_wait3A_41 = arith.constant 0 : i32
      %dma_wait3A_42 = tpu.memref_slice %arg6[%add3A_8, %dma_wait3A_41] : memref<10240x128xf32, #tpu.memory_space<vmem_shared>> -> memref<128x128xf32, #tpu.memory_space<vmem_shared>>
      tpu.wait_dma2 semaphore(%run_scoped3A : memref<!tpu.dma_semaphore, #tpu.memory_space<semaphore_mem>>) src(%arg9 : memref<128x128xf32, #tpu.memory_space<vmem>>) dst(%dma_wait3A_42 : memref<128x128xf32, #tpu.memory_space<vmem_shared>>)
      tpu.yield
    }) : () -> ()
    %mul3A_9 = arith.constant 640 : i32
    %mul3A_10 = arith.muli %arg1, %mul3A_9 : i32
    %add3A_11 = arith.constant 128 : i32
    %add3A_12 = arith.addi %mul3A_10, %add3A_11 : i32
    "tpu.region"() ({
      %run_scoped3A = tpu.sem_alloc : memref<!tpu.dma_semaphore, #tpu.memory_space<semaphore_mem>>
      %dma_start3A = arith.constant 0 : i32
      %dma_start3A_37 = tpu.memref_slice %arg6[%add3A_12, %dma_start3A] : memref<10240x128xf32, #tpu.memory_space<vmem_shared>> -> memref<128x128xf32, #tpu.memory_space<vmem_shared>>
      %dma_start3A_38 = arith.constant 0 : i32
      %dma_start3A_39 = tpu.memref_slice %arg6[%add3A_12, %dma_start3A_38] : memref<10240x128xf32, #tpu.memory_space<vmem_shared>> -> memref<128x128xf32, #tpu.memory_space<vmem_shared>>
      tpu.enqueue_dma source(%arg9 : memref<128x128xf32, #tpu.memory_space<vmem>>) target(%dma_start3A_39 : memref<128x128xf32, #tpu.memory_space<vmem_shared>>) target_semaphore(%run_scoped3A : memref<!tpu.dma_semaphore, #tpu.memory_space<semaphore_mem>>)
      %dma_wait3A = arith.constant 0 : i32
      %dma_wait3A_40 = tpu.memref_slice %arg6[%add3A_12, %dma_wait3A] : memref<10240x128xf32, #tpu.memory_space<vmem_shared>> -> memref<128x128xf32, #tpu.memory_space<vmem_shared>>
      %dma_wait3A_41 = arith.constant 0 : i32
      %dma_wait3A_42 = tpu.memref_slice %arg6[%add3A_12, %dma_wait3A_41] : memref<10240x128xf32, #tpu.memory_space<vmem_shared>> -> memref<128x128xf32, #tpu.memory_space<vmem_shared>>
      tpu.wait_dma2 semaphore(%run_scoped3A : memref<!tpu.dma_semaphore, #tpu.memory_space<semaphore_mem>>) src(%arg9 : memref<128x128xf32, #tpu.memory_space<vmem>>) dst(%dma_wait3A_42 : memref<128x128xf32, #tpu.memory_space<vmem_shared>>)
      tpu.yield
    }) : () -> ()
    %mul3A_13 = arith.constant 640 : i32
    %mul3A_14 = arith.muli %arg1, %mul3A_13 : i32
    %add3A_15 = arith.constant 256 : i32
    %add3A_16 = arith.addi %mul3A_14, %add3A_15 : i32
    "tpu.region"() ({
      %run_scoped3A = tpu.sem_alloc : memref<!tpu.dma_semaphore, #tpu.memory_space<semaphore_mem>>
      %dma_start3A = arith.constant 0 : i32
      %dma_start3A_37 = tpu.memref_slice %arg6[%add3A_16, %dma_start3A] : memref<10240x128xf32, #tpu.memory_space<vmem_shared>> -> memref<128x128xf32, #tpu.memory_space<vmem_shared>>
      %dma_start3A_38 = arith.constant 0 : i32
      %dma_start3A_39 = tpu.memref_slice %arg6[%add3A_16, %dma_start3A_38] : memref<10240x128xf32, #tpu.memory_space<vmem_shared>> -> memref<128x128xf32, #tpu.memory_space<vmem_shared>>
      tpu.enqueue_dma source(%arg9 : memref<128x128xf32, #tpu.memory_space<vmem>>) target(%dma_start3A_39 : memref<128x128xf32, #tpu.memory_space<vmem_shared>>) target_semaphore(%run_scoped3A : memref<!tpu.dma_semaphore, #tpu.memory_space<semaphore_mem>>)
      %dma_wait3A = arith.constant 0 : i32
      %dma_wait3A_40 = tpu.memref_slice %arg6[%add3A_16, %dma_wait3A] : memref<10240x128xf32, #tpu.memory_space<vmem_shared>> -> memref<128x128xf32, #tpu.memory_space<vmem_shared>>
      %dma_wait3A_41 = arith.constant 0 : i32
      %dma_wait3A_42 = tpu.memref_slice %arg6[%add3A_16, %dma_wait3A_41] : memref<10240x128xf32, #tpu.memory_space<vmem_shared>> -> memref<128x128xf32, #tpu.memory_space<vmem_shared>>
      tpu.wait_dma2 semaphore(%run_scoped3A : memref<!tpu.dma_semaphore, #tpu.memory_space<semaphore_mem>>) src(%arg9 : memref<128x128xf32, #tpu.memory_space<vmem>>) dst(%dma_wait3A_42 : memref<128x128xf32, #tpu.memory_space<vmem_shared>>)
      tpu.yield
    }) : () -> ()
    %mul3A_17 = arith.constant 640 : i32
    %mul3A_18 = arith.muli %arg1, %mul3A_17 : i32
    %add3A_19 = arith.constant 384 : i32
    %add3A_20 = arith.addi %mul3A_18, %add3A_19 : i32
    "tpu.region"() ({
      %run_scoped3A = tpu.sem_alloc : memref<!tpu.dma_semaphore, #tpu.memory_space<semaphore_mem>>
      %dma_start3A = arith.constant 0 : i32
      %dma_start3A_37 = tpu.memref_slice %arg6[%add3A_20, %dma_start3A] : memref<10240x128xf32, #tpu.memory_space<vmem_shared>> -> memref<128x128xf32, #tpu.memory_space<vmem_shared>>
      %dma_start3A_38 = arith.constant 0 : i32
      %dma_start3A_39 = tpu.memref_slice %arg6[%add3A_20, %dma_start3A_38] : memref<10240x128xf32, #tpu.memory_space<vmem_shared>> -> memref<128x128xf32, #tpu.memory_space<vmem_shared>>
      tpu.enqueue_dma source(%arg9 : memref<128x128xf32, #tpu.memory_space<vmem>>) target(%dma_start3A_39 : memref<128x128xf32, #tpu.memory_space<vmem_shared>>) target_semaphore(%run_scoped3A : memref<!tpu.dma_semaphore, #tpu.memory_space<semaphore_mem>>)
      %dma_wait3A = arith.constant 0 : i32
      %dma_wait3A_40 = tpu.memref_slice %arg6[%add3A_20, %dma_wait3A] : memref<10240x128xf32, #tpu.memory_space<vmem_shared>> -> memref<128x128xf32, #tpu.memory_space<vmem_shared>>
      %dma_wait3A_41 = arith.constant 0 : i32
      %dma_wait3A_42 = tpu.memref_slice %arg6[%add3A_20, %dma_wait3A_41] : memref<10240x128xf32, #tpu.memory_space<vmem_shared>> -> memref<128x128xf32, #tpu.memory_space<vmem_shared>>
      tpu.wait_dma2 semaphore(%run_scoped3A : memref<!tpu.dma_semaphore, #tpu.memory_space<semaphore_mem>>) src(%arg9 : memref<128x128xf32, #tpu.memory_space<vmem>>) dst(%dma_wait3A_42 : memref<128x128xf32, #tpu.memory_space<vmem_shared>>)
      tpu.yield
    }) : () -> ()
    %mul3A_21 = arith.constant 640 : i32
    %mul3A_22 = arith.muli %arg1, %mul3A_21 : i32
    %add3A_23 = arith.constant 512 : i32
    %add3A_24 = arith.addi %mul3A_22, %add3A_23 : i32
    "tpu.region"() ({
      %run_scoped3A = tpu.sem_alloc : memref<!tpu.dma_semaphore, #tpu.memory_space<semaphore_mem>>
      %dma_start3A = arith.constant 0 : i32
      %dma_start3A_37 = tpu.memref_slice %arg6[%add3A_24, %dma_start3A] : memref<10240x128xf32, #tpu.memory_space<vmem_shared>> -> memref<128x128xf32, #tpu.memory_space<vmem_shared>>
      %dma_start3A_38 = arith.constant 0 : i32
      %dma_start3A_39 = tpu.memref_slice %arg6[%add3A_24, %dma_start3A_38] : memref<10240x128xf32, #tpu.memory_space<vmem_shared>> -> memref<128x128xf32, #tpu.memory_space<vmem_shared>>
      tpu.enqueue_dma source(%arg9 : memref<128x128xf32, #tpu.memory_space<vmem>>) target(%dma_start3A_39 : memref<128x128xf32, #tpu.memory_space<vmem_shared>>) target_semaphore(%run_scoped3A : memref<!tpu.dma_semaphore, #tpu.memory_space<semaphore_mem>>)
      %dma_wait3A = arith.constant 0 : i32
      %dma_wait3A_40 = tpu.memref_slice %arg6[%add3A_24, %dma_wait3A] : memref<10240x128xf32, #tpu.memory_space<vmem_shared>> -> memref<128x128xf32, #tpu.memory_space<vmem_shared>>
      %dma_wait3A_41 = arith.constant 0 : i32
      %dma_wait3A_42 = tpu.memref_slice %arg6[%add3A_24, %dma_wait3A_41] : memref<10240x128xf32, #tpu.memory_space<vmem_shared>> -> memref<128x128xf32, #tpu.memory_space<vmem_shared>>
      tpu.wait_dma2 semaphore(%run_scoped3A : memref<!tpu.dma_semaphore, #tpu.memory_space<semaphore_mem>>) src(%arg9 : memref<128x128xf32, #tpu.memory_space<vmem>>) dst(%dma_wait3A_42 : memref<128x128xf32, #tpu.memory_space<vmem_shared>>)
      tpu.yield
    }) : () -> ()
    %barrier3A = arith.constant 0 : index
    tpu.barrier barrier_id(%barrier3A)
    %mul3A_25 = arith.constant 80 : i32
    %mul3A_26 = arith.muli %add3A, %mul3A_25 : i32
    %scan3A_27 = arith.constant 0 : i32
    %scan3A_28 = arith.constant 2 : i32
    %scan3A_29 = arith.addi %scan3A_27, %scan3A_28 : i32
    %scan3A_30 = arith.constant 1 : i32
    scf.for %scan3A_37 = %scan3A_27 to %scan3A_29 step %scan3A_30  : i32 {
      %mul3A_38 = arith.constant 40 : i32
      %mul3A_39 = arith.muli %scan3A_37, %mul3A_38 : i32
      %add3A_40 = arith.constant 0 : i32
      %add3A_41 = arith.addi %add3A_40, %mul3A_39 : i32
      %add3A_42 = arith.addi %mul3A_26, %add3A_41 : i32
      "tpu.region"() ({
        %run_scoped3A = tpu.sem_alloc : memref<!tpu.dma_semaphore, #tpu.memory_space<semaphore_mem>>
        %dma_start3A_62 = arith.constant 0 : i32
        %dma_start3A_63 = tpu.memref_slice %arg3[%add3A_42, %dma_start3A_62] : memref<2560x128xi32, #tpu.memory_space<hbm>> -> memref<40x128xi32, #tpu.memory_space<hbm>>
        %dma_start3A_64 = arith.constant 0 : i32
        %dma_start3A_65 = tpu.memref_slice %arg3[%add3A_42, %dma_start3A_64] : memref<2560x128xi32, #tpu.memory_space<hbm>> -> memref<40x128xi32, #tpu.memory_space<hbm>>
        tpu.enqueue_dma source(%dma_start3A_65 : memref<40x128xi32, #tpu.memory_space<hbm>>) target(%arg7 : memref<40x128xi32, #tpu.memory_space<vmem>>) target_semaphore(%run_scoped3A : memref<!tpu.dma_semaphore, #tpu.memory_space<semaphore_mem>>)
        %dma_wait3A = arith.constant 0 : i32
        %dma_wait3A_66 = tpu.memref_slice %arg3[%add3A_42, %dma_wait3A] : memref<2560x128xi32, #tpu.memory_space<hbm>> -> memref<40x128xi32, #tpu.memory_space<hbm>>
        %dma_wait3A_67 = arith.constant 0 : i32
        %dma_wait3A_68 = tpu.memref_slice %arg3[%add3A_42, %dma_wait3A_67] : memref<2560x128xi32, #tpu.memory_space<hbm>> -> memref<40x128xi32, #tpu.memory_space<hbm>>
        tpu.wait_dma2 semaphore(%run_scoped3A : memref<!tpu.dma_semaphore, #tpu.memory_space<semaphore_mem>>) src(%dma_wait3A_68 : memref<40x128xi32, #tpu.memory_space<hbm>>) dst(%arg7 : memref<40x128xi32, #tpu.memory_space<vmem>>)
        tpu.yield
      }) : () -> ()
      %add3A_43 = arith.addi %mul3A_26, %add3A_41 : i32
      "tpu.region"() ({
        %run_scoped3A = tpu.sem_alloc : memref<!tpu.dma_semaphore, #tpu.memory_space<semaphore_mem>>
        %dma_start3A_62 = arith.constant 0 : i32
        %dma_start3A_63 = tpu.memref_slice %arg4[%add3A_43, %dma_start3A_62] : memref<2560x128xi32, #tpu.memory_space<hbm>> -> memref<40x128xi32, #tpu.memory_space<hbm>>
        %dma_start3A_64 = arith.constant 0 : i32
        %dma_start3A_65 = tpu.memref_slice %arg4[%add3A_43, %dma_start3A_64] : memref<2560x128xi32, #tpu.memory_space<hbm>> -> memref<40x128xi32, #tpu.memory_space<hbm>>
        tpu.enqueue_dma source(%dma_start3A_65 : memref<40x128xi32, #tpu.memory_space<hbm>>) target(%arg8 : memref<40x128xi32, #tpu.memory_space<vmem>>) target_semaphore(%run_scoped3A : memref<!tpu.dma_semaphore, #tpu.memory_space<semaphore_mem>>)
        %dma_wait3A = arith.constant 0 : i32
        %dma_wait3A_66 = tpu.memref_slice %arg4[%add3A_43, %dma_wait3A] : memref<2560x128xi32, #tpu.memory_space<hbm>> -> memref<40x128xi32, #tpu.memory_space<hbm>>
        %dma_wait3A_67 = arith.constant 0 : i32
        %dma_wait3A_68 = tpu.memref_slice %arg4[%add3A_43, %dma_wait3A_67] : memref<2560x128xi32, #tpu.memory_space<hbm>> -> memref<40x128xi32, #tpu.memory_space<hbm>>
        tpu.wait_dma2 semaphore(%run_scoped3A : memref<!tpu.dma_semaphore, #tpu.memory_space<semaphore_mem>>) src(%dma_wait3A_68 : memref<40x128xi32, #tpu.memory_space<hbm>>) dst(%arg8 : memref<40x128xi32, #tpu.memory_space<vmem>>)
        tpu.yield
      }) : () -> ()
      %dma_start3A = arith.constant 0 : i32
      %dma_start3A_44 = arith.constant 0 : i32
      %dma_start3A_45 = tpu.memref_slice %arg7[%dma_start3A, %dma_start3A_44] : memref<40x128xi32, #tpu.memory_space<vmem>> -> memref<1x128xi32, #tpu.memory_space<vmem>>
      %dma_start3A_46 = tpu.memref_squeeze %dma_start3A_45 : memref<1x128xi32, #tpu.memory_space<vmem>> -> memref<128xi32, #tpu.memory_space<vmem>>
      %dma_start3A_47 = arith.constant 0 : i32
      %dma_start3A_48 = arith.constant 0 : i32
      %dma_start3A_49 = tpu.memref_slice %arg2[%dma_start3A_47, %dma_start3A_48] : memref<10240x128xf32, #tpu.memory_space<hbm>> -> memref<10240x128xf32, #tpu.memory_space<hbm>>
      tpu.enqueue_indirect_dma source(%dma_start3A_49 : memref<10240x128xf32, #tpu.memory_space<hbm>>) target(%arg9 : memref<128x128xf32, #tpu.memory_space<vmem>>) offsets(%dma_start3A_46 : memref<128xi32, #tpu.memory_space<vmem>>) semaphore(%arg11 : memref<!tpu.dma_semaphore, #tpu.memory_space<semaphore_mem>>)
      %dma_start3A_50 = arith.constant 1 : i32
      %dma_start3A_51 = arith.constant 0 : i32
      %dma_start3A_52 = tpu.memref_slice %arg7[%dma_start3A_50, %dma_start3A_51] : memref<40x128xi32, #tpu.memory_space<vmem>> -> memref<1x128xi32, #tpu.memory_space<vmem>>
      %dma_start3A_53 = tpu.memref_squeeze %dma_start3A_52 : memref<1x128xi32, #tpu.memory_space<vmem>> -> memref<128xi32, #tpu.memory_space<vmem>>
      %dma_start3A_54 = arith.constant 0 : i32
      %dma_start3A_55 = arith.constant 0 : i32
      %dma_start3A_56 = tpu.memref_slice %arg2[%dma_start3A_54, %dma_start3A_55] : memref<10240x128xf32, #tpu.memory_space<hbm>> -> memref<10240x128xf32, #tpu.memory_space<hbm>>
      tpu.enqueue_indirect_dma source(%dma_start3A_56 : memref<10240x128xf32, #tpu.memory_space<hbm>>) target(%arg10 : memref<128x128xf32, #tpu.memory_space<vmem>>) offsets(%dma_start3A_53 : memref<128xi32, #tpu.memory_space<vmem>>) semaphore(%arg12 : memref<!tpu.dma_semaphore, #tpu.memory_space<semaphore_mem>>)
      %scan3A_57 = arith.constant 0 : i32
      %scan3A_58 = arith.constant 20 : i32
      %scan3A_59 = arith.addi %scan3A_57, %scan3A_58 : i32
      %scan3A_60 = arith.constant 1 : i32
      scf.for %scan3A_62 = %scan3A_57 to %scan3A_59 step %scan3A_60  : i32 {
        %mul3A_63 = arith.constant 2 : i32
        %mul3A_64 = arith.muli %scan3A_62, %mul3A_63 : i32
        %add3A_65 = arith.constant 0 : i32
        %add3A_66 = arith.addi %add3A_65, %mul3A_64 : i32
        %dma_wait3A = arith.constant 0 : i32
        %dma_wait3A_67 = tpu.memref_slice %arg7[%add3A_66, %dma_wait3A] : memref<40x128xi32, #tpu.memory_space<vmem>> -> memref<1x128xi32, #tpu.memory_space<vmem>>
        %dma_wait3A_68 = tpu.memref_squeeze %dma_wait3A_67 : memref<1x128xi32, #tpu.memory_space<vmem>> -> memref<128xi32, #tpu.memory_space<vmem>>
        %dma_wait3A_69 = arith.constant 0 : i32
        %dma_wait3A_70 = arith.constant 0 : i32
        %dma_wait3A_71 = tpu.memref_slice %arg2[%dma_wait3A_69, %dma_wait3A_70] : memref<10240x128xf32, #tpu.memory_space<hbm>> -> memref<10240x128xf32, #tpu.memory_space<hbm>>
        tpu.wait_indirect_dma semaphore(%arg11 : memref<!tpu.dma_semaphore, #tpu.memory_space<semaphore_mem>>) src(%dma_wait3A_71 : memref<10240x128xf32, #tpu.memory_space<hbm>>) dst(%arg9 : memref<128x128xf32, #tpu.memory_space<vmem>>)
        %dma_start3A_72 = arith.constant 0 : i32
        %dma_start3A_73 = tpu.memref_slice %arg8[%add3A_66, %dma_start3A_72] : memref<40x128xi32, #tpu.memory_space<vmem>> -> memref<1x128xi32, #tpu.memory_space<vmem>>
        %dma_start3A_74 = tpu.memref_squeeze %dma_start3A_73 : memref<1x128xi32, #tpu.memory_space<vmem>> -> memref<128xi32, #tpu.memory_space<vmem>>
        %dma_start3A_75 = arith.constant 0 : i32
        %dma_start3A_76 = arith.constant 0 : i32
        %dma_start3A_77 = tpu.memref_slice %arg6[%dma_start3A_75, %dma_start3A_76] : memref<10240x128xf32, #tpu.memory_space<vmem_shared>> -> memref<10240x128xf32, #tpu.memory_space<vmem_shared>>
        tpu.enqueue_indirect_dma source(%arg9 : memref<128x128xf32, #tpu.memory_space<vmem>>) target(%dma_start3A_77 : memref<10240x128xf32, #tpu.memory_space<vmem_shared>>) offsets(%dma_start3A_74 : memref<128xi32, #tpu.memory_space<vmem>>) semaphore(%arg13 : memref<!tpu.dma_semaphore, #tpu.memory_space<semaphore_mem>>) {add = true}
        %add3A_78 = arith.constant 1 : i32
        %add3A_79 = arith.addi %add3A_66, %add3A_78 : i32
        %dma_wait3A_80 = arith.constant 0 : i32
        %dma_wait3A_81 = tpu.memref_slice %arg7[%add3A_79, %dma_wait3A_80] : memref<40x128xi32, #tpu.memory_space<vmem>> -> memref<1x128xi32, #tpu.memory_space<vmem>>
        %dma_wait3A_82 = tpu.memref_squeeze %dma_wait3A_81 : memref<1x128xi32, #tpu.memory_space<vmem>> -> memref<128xi32, #tpu.memory_space<vmem>>
        %dma_wait3A_83 = arith.constant 0 : i32
        %dma_wait3A_84 = arith.constant 0 : i32
        %dma_wait3A_85 = tpu.memref_slice %arg2[%dma_wait3A_83, %dma_wait3A_84] : memref<10240x128xf32, #tpu.memory_space<hbm>> -> memref<10240x128xf32, #tpu.memory_space<hbm>>
        tpu.wait_indirect_dma semaphore(%arg12 : memref<!tpu.dma_semaphore, #tpu.memory_space<semaphore_mem>>) src(%dma_wait3A_85 : memref<10240x128xf32, #tpu.memory_space<hbm>>) dst(%arg10 : memref<128x128xf32, #tpu.memory_space<vmem>>)
        %add3A_86 = arith.constant 1 : i32
        %add3A_87 = arith.addi %add3A_66, %add3A_86 : i32
        %dma_start3A_88 = arith.constant 0 : i32
        %dma_start3A_89 = tpu.memref_slice %arg8[%add3A_87, %dma_start3A_88] : memref<40x128xi32, #tpu.memory_space<vmem>> -> memref<1x128xi32, #tpu.memory_space<vmem>>
        %dma_start3A_90 = tpu.memref_squeeze %dma_start3A_89 : memref<1x128xi32, #tpu.memory_space<vmem>> -> memref<128xi32, #tpu.memory_space<vmem>>
        %dma_start3A_91 = arith.constant 0 : i32
        %dma_start3A_92 = arith.constant 0 : i32
        %dma_start3A_93 = tpu.memref_slice %arg6[%dma_start3A_91, %dma_start3A_92] : memref<10240x128xf32, #tpu.memory_space<vmem_shared>> -> memref<10240x128xf32, #tpu.memory_space<vmem_shared>>
        tpu.enqueue_indirect_dma source(%arg10 : memref<128x128xf32, #tpu.memory_space<vmem>>) target(%dma_start3A_93 : memref<10240x128xf32, #tpu.memory_space<vmem_shared>>) offsets(%dma_start3A_90 : memref<128xi32, #tpu.memory_space<vmem>>) semaphore(%arg14 : memref<!tpu.dma_semaphore, #tpu.memory_space<semaphore_mem>>) {add = true}
        %dma_wait3A_94 = arith.constant 0 : i32
        %dma_wait3A_95 = tpu.memref_slice %arg8[%add3A_66, %dma_wait3A_94] : memref<40x128xi32, #tpu.memory_space<vmem>> -> memref<1x128xi32, #tpu.memory_space<vmem>>
        %dma_wait3A_96 = tpu.memref_squeeze %dma_wait3A_95 : memref<1x128xi32, #tpu.memory_space<vmem>> -> memref<128xi32, #tpu.memory_space<vmem>>
        %dma_wait3A_97 = arith.constant 0 : i32
        %dma_wait3A_98 = arith.constant 0 : i32
        %dma_wait3A_99 = tpu.memref_slice %arg6[%dma_wait3A_97, %dma_wait3A_98] : memref<10240x128xf32, #tpu.memory_space<vmem_shared>> -> memref<10240x128xf32, #tpu.memory_space<vmem_shared>>
        tpu.wait_indirect_dma semaphore(%arg13 : memref<!tpu.dma_semaphore, #tpu.memory_space<semaphore_mem>>) src(%arg9 : memref<128x128xf32, #tpu.memory_space<vmem>>) dst(%dma_wait3A_99 : memref<10240x128xf32, #tpu.memory_space<vmem_shared>>)
        %add3A_100 = arith.constant 2 : i32
        %add3A_101 = arith.addi %add3A_66, %add3A_100 : i32
        %lt3A = arith.constant 40 : i32
        %lt3A_102 = arith.cmpi slt, %add3A_101, %lt3A : i32
        %convert_element_type3A = arith.extui %lt3A_102 : i1 to i32
        %cond3A = arith.constant 0 : i32
        %cond3A_103 = arith.cmpi ne, %convert_element_type3A, %cond3A : i32
        scf.if %cond3A_103 {
          %add3A_119 = arith.constant 2 : i32
          %add3A_120 = arith.addi %add3A_66, %add3A_119 : i32
          %dma_start3A_121 = arith.constant 0 : i32
          %dma_start3A_122 = tpu.memref_slice %arg7[%add3A_120, %dma_start3A_121] : memref<40x128xi32, #tpu.memory_space<vmem>> -> memref<1x128xi32, #tpu.memory_space<vmem>>
          %dma_start3A_123 = tpu.memref_squeeze %dma_start3A_122 : memref<1x128xi32, #tpu.memory_space<vmem>> -> memref<128xi32, #tpu.memory_space<vmem>>
          %dma_start3A_124 = arith.constant 0 : i32
          %dma_start3A_125 = arith.constant 0 : i32
          %dma_start3A_126 = tpu.memref_slice %arg2[%dma_start3A_124, %dma_start3A_125] : memref<10240x128xf32, #tpu.memory_space<hbm>> -> memref<10240x128xf32, #tpu.memory_space<hbm>>
          tpu.enqueue_indirect_dma source(%dma_start3A_126 : memref<10240x128xf32, #tpu.memory_space<hbm>>) target(%arg9 : memref<128x128xf32, #tpu.memory_space<vmem>>) offsets(%dma_start3A_123 : memref<128xi32, #tpu.memory_space<vmem>>) semaphore(%arg11 : memref<!tpu.dma_semaphore, #tpu.memory_space<semaphore_mem>>)
        } else {
        }
        %add3A_104 = arith.constant 1 : i32
        %add3A_105 = arith.addi %add3A_66, %add3A_104 : i32
        %dma_wait3A_106 = arith.constant 0 : i32
        %dma_wait3A_107 = tpu.memref_slice %arg8[%add3A_105, %dma_wait3A_106] : memref<40x128xi32, #tpu.memory_space<vmem>> -> memref<1x128xi32, #tpu.memory_space<vmem>>
        %dma_wait3A_108 = tpu.memref_squeeze %dma_wait3A_107 : memref<1x128xi32, #tpu.memory_space<vmem>> -> memref<128xi32, #tpu.memory_space<vmem>>
        %dma_wait3A_109 = arith.constant 0 : i32
        %dma_wait3A_110 = arith.constant 0 : i32
        %dma_wait3A_111 = tpu.memref_slice %arg6[%dma_wait3A_109, %dma_wait3A_110] : memref<10240x128xf32, #tpu.memory_space<vmem_shared>> -> memref<10240x128xf32, #tpu.memory_space<vmem_shared>>
        tpu.wait_indirect_dma semaphore(%arg14 : memref<!tpu.dma_semaphore, #tpu.memory_space<semaphore_mem>>) src(%arg10 : memref<128x128xf32, #tpu.memory_space<vmem>>) dst(%dma_wait3A_111 : memref<10240x128xf32, #tpu.memory_space<vmem_shared>>)
        %add3A_112 = arith.constant 3 : i32
        %add3A_113 = arith.addi %add3A_66, %add3A_112 : i32
        %lt3A_114 = arith.constant 40 : i32
        %lt3A_115 = arith.cmpi slt, %add3A_113, %lt3A_114 : i32
        %convert_element_type3A_116 = arith.extui %lt3A_115 : i1 to i32
        %cond3A_117 = arith.constant 0 : i32
        %cond3A_118 = arith.cmpi ne, %convert_element_type3A_116, %cond3A_117 : i32
        scf.if %cond3A_118 {
          %add3A_119 = arith.constant 3 : i32
          %add3A_120 = arith.addi %add3A_66, %add3A_119 : i32
          %dma_start3A_121 = arith.constant 0 : i32
          %dma_start3A_122 = tpu.memref_slice %arg7[%add3A_120, %dma_start3A_121] : memref<40x128xi32, #tpu.memory_space<vmem>> -> memref<1x128xi32, #tpu.memory_space<vmem>>
          %dma_start3A_123 = tpu.memref_squeeze %dma_start3A_122 : memref<1x128xi32, #tpu.memory_space<vmem>> -> memref<128xi32, #tpu.memory_space<vmem>>
          %dma_start3A_124 = arith.constant 0 : i32
          %dma_start3A_125 = arith.constant 0 : i32
          %dma_start3A_126 = tpu.memref_slice %arg2[%dma_start3A_124, %dma_start3A_125] : memref<10240x128xf32, #tpu.memory_space<hbm>> -> memref<10240x128xf32, #tpu.memory_space<hbm>>
          tpu.enqueue_indirect_dma source(%dma_start3A_126 : memref<10240x128xf32, #tpu.memory_space<hbm>>) target(%arg10 : memref<128x128xf32, #tpu.memory_space<vmem>>) offsets(%dma_start3A_123 : memref<128xi32, #tpu.memory_space<vmem>>) semaphore(%arg12 : memref<!tpu.dma_semaphore, #tpu.memory_space<semaphore_mem>>)
        } else {
        }
      }
      %scan3A_61 = arith.constant 20 : i32
    }
    %scan3A_31 = arith.constant 2 : i32
    %barrier3A_32 = arith.constant 0 : index
    tpu.barrier barrier_id(%barrier3A_32)
    %mul3A_33 = arith.constant 640 : i32
    %mul3A_34 = arith.muli %arg1, %mul3A_33 : i32
    %mul3A_35 = arith.constant 640 : i32
    %mul3A_36 = arith.muli %arg1, %mul3A_35 : i32
    "tpu.region"() ({
      %run_scoped3A = tpu.sem_alloc : memref<!tpu.dma_semaphore, #tpu.memory_space<semaphore_mem>>
      %dma_start3A = arith.constant 0 : i32
      %dma_start3A_37 = arith.constant 0 : i32
      %dma_start3A_38 = tpu.memref_slice %arg5[%arg0, %dma_start3A, %dma_start3A_37] : memref<2x10240x128xf32, #tpu.memory_space<hbm>> -> memref<1x10240x128xf32, #tpu.memory_space<hbm>>
      %dma_start3A_39 = tpu.memref_squeeze %dma_start3A_38 : memref<1x10240x128xf32, #tpu.memory_space<hbm>> -> memref<10240x128xf32, #tpu.memory_space<hbm>>
      %dma_start3A_40 = arith.constant 0 : i32
      %dma_start3A_41 = tpu.memref_slice %dma_start3A_39[%mul3A_36, %dma_start3A_40] : memref<10240x128xf32, #tpu.memory_space<hbm>> -> memref<640x128xf32, #tpu.memory_space<hbm>>
      %dma_start3A_42 = arith.constant 0 : i32
      %dma_start3A_43 = tpu.memref_slice %arg6[%mul3A_34, %dma_start3A_42] : memref<10240x128xf32, #tpu.memory_space<vmem_shared>> -> memref<640x128xf32, #tpu.memory_space<vmem_shared>>
      tpu.enqueue_dma source(%dma_start3A_43 : memref<640x128xf32, #tpu.memory_space<vmem_shared>>) target(%dma_start3A_41 : memref<640x128xf32, #tpu.memory_space<hbm>>) target_semaphore(%run_scoped3A : memref<!tpu.dma_semaphore, #tpu.memory_space<semaphore_mem>>)
      %dma_wait3A = arith.constant 0 : i32
      %dma_wait3A_44 = arith.constant 0 : i32
      %dma_wait3A_45 = tpu.memref_slice %arg5[%arg0, %dma_wait3A, %dma_wait3A_44] : memref<2x10240x128xf32, #tpu.memory_space<hbm>> -> memref<1x10240x128xf32, #tpu.memory_space<hbm>>
      %dma_wait3A_46 = tpu.memref_squeeze %dma_wait3A_45 : memref<1x10240x128xf32, #tpu.memory_space<hbm>> -> memref<10240x128xf32, #tpu.memory_space<hbm>>
      %dma_wait3A_47 = arith.constant 0 : i32
      %dma_wait3A_48 = tpu.memref_slice %dma_wait3A_46[%mul3A_36, %dma_wait3A_47] : memref<10240x128xf32, #tpu.memory_space<hbm>> -> memref<640x128xf32, #tpu.memory_space<hbm>>
      %dma_wait3A_49 = arith.constant 0 : i32
      %dma_wait3A_50 = tpu.memref_slice %arg6[%mul3A_34, %dma_wait3A_49] : memref<10240x128xf32, #tpu.memory_space<vmem_shared>> -> memref<640x128xf32, #tpu.memory_space<vmem_shared>>
      tpu.wait_dma2 semaphore(%run_scoped3A : memref<!tpu.dma_semaphore, #tpu.memory_space<semaphore_mem>>) src(%dma_wait3A_50 : memref<640x128xf32, #tpu.memory_space<vmem_shared>>) dst(%dma_wait3A_48 : memref<640x128xf32, #tpu.memory_space<hbm>>)
      tpu.yield
    }) : () -> ()
    return
  }
}

module attributes {stable_mosaic.version = 14 : i64} {
  func.func @body(%arg0: i32, %arg1: memref<2x1024x128xf32, #tpu.memory_space<vmem>>, %arg2: memref<1024x128xf32, #tpu.memory_space<vmem>>, %arg3: memref<1024x16xf32, #tpu.memory_space<vmem>>, %arg4: memref<1024x16xf32, #tpu.memory_space<vmem>>, %arg5: memref<1024x128xf32, #tpu.memory_space<vmem>>) attributes {dimension_semantics = [#tpu.dimension_semantics<arbitrary>], iteration_bounds = array<i64: 10>, scalar_prefetch = 0 : i64, scratch_operands = 0 : i64, tpu.core_type = #tpu.core_type<tc>, window_params = [{transform_indices = @transform_0, window_bounds = array<i64: 2, 1024, 128>}, {transform_indices = @transform_1, window_bounds = array<i64: 1024, 128>}, {transform_indices = @transform_2, window_bounds = array<i64: 1024, 16>}, {transform_indices = @transform_3, window_bounds = array<i64: 1024, 16>}, {transform_indices = @transform_4, window_bounds = array<i64: 1024, 128>}]} {
    %get3A = arith.constant 0 : index
    %get3A_0 = arith.constant 0 : index
    %get3A_1 = arith.constant 0 : index
    %get3A_2 = vector.load %arg1[%get3A, %get3A_0, %get3A_1] : memref<2x1024x128xf32, #tpu.memory_space<vmem>>, vector<2x1024x128xf32>
    %slice3A = vector.extract_strided_slice %get3A_2 {offsets = [0, 0, 0], sizes = [1, 1024, 128], strides = [1, 1, 1]} : vector<2x1024x128xf32> to vector<1x1024x128xf32>
    %squeeze3A = vector.shape_cast %slice3A : vector<1x1024x128xf32> to vector<1024x128xf32>
    %max3A = arith.constant 1.000000e+00 : f32
    %max3A_3 = vector.broadcast %max3A : f32 to vector<1024x128xf32>
    %max3A_4 = arith.maximumf %squeeze3A, %max3A_3 : vector<1024x128xf32>
    %rsqrt3A = math.rsqrt %max3A_4 : vector<1024x128xf32>
    %slice3A_5 = vector.extract_strided_slice %get3A_2 {offsets = [1, 0, 0], sizes = [1, 1024, 128], strides = [1, 1, 1]} : vector<2x1024x128xf32> to vector<1x1024x128xf32>
    %squeeze3A_6 = vector.shape_cast %slice3A_5 : vector<1x1024x128xf32> to vector<1024x128xf32>
    %max3A_7 = arith.constant 1.000000e+00 : f32
    %max3A_8 = vector.broadcast %max3A_7 : f32 to vector<1024x128xf32>
    %max3A_9 = arith.maximumf %squeeze3A_6, %max3A_8 : vector<1024x128xf32>
    %rsqrt3A_10 = math.rsqrt %max3A_9 : vector<1024x128xf32>
    %slice3A_11 = vector.extract_strided_slice %rsqrt3A {offsets = [0, 0], sizes = [1024, 16], strides = [1, 1]} : vector<1024x128xf32> to vector<1024x16xf32>
    %swap3A = arith.constant 0 : index
    %swap3A_12 = arith.constant 0 : index
    %swap3A_13 = vector.load %arg3[%swap3A, %swap3A_12] : memref<1024x16xf32, #tpu.memory_space<vmem>>, vector<1024x16xf32>
    tpu.vector_store %arg3[%swap3A, %swap3A_12], %slice3A_11 {strides = array<i32>} : memref<1024x16xf32, #tpu.memory_space<vmem>>, vector<1024x16xf32>,
    %slice3A_14 = vector.extract_strided_slice %rsqrt3A_10 {offsets = [0, 0], sizes = [1024, 16], strides = [1, 1]} : vector<1024x128xf32> to vector<1024x16xf32>
    %swap3A_15 = arith.constant 0 : index
    %swap3A_16 = arith.constant 0 : index
    %swap3A_17 = vector.load %arg4[%swap3A_15, %swap3A_16] : memref<1024x16xf32, #tpu.memory_space<vmem>>, vector<1024x16xf32>
    tpu.vector_store %arg4[%swap3A_15, %swap3A_16], %slice3A_14 {strides = array<i32>} : memref<1024x16xf32, #tpu.memory_space<vmem>>, vector<1024x16xf32>,
    %get3A_18 = arith.constant 0 : index
    %get3A_19 = arith.constant 0 : index
    %get3A_20 = vector.load %arg2[%get3A_18, %get3A_19] : memref<1024x128xf32, #tpu.memory_space<vmem>>, vector<1024x128xf32>
    %slice3A_21 = vector.extract_strided_slice %rsqrt3A {offsets = [0, 0], sizes = [1024, 1], strides = [1, 1]} : vector<1024x128xf32> to vector<1024x1xf32>
    %mul3A = vector.broadcast %slice3A_21 : vector<1024x1xf32> to vector<1024x128xf32>
    %mul3A_22 = arith.mulf %get3A_20, %mul3A : vector<1024x128xf32>
    %swap3A_23 = arith.constant 0 : index
    %swap3A_24 = arith.constant 0 : index
    %swap3A_25 = vector.load %arg5[%swap3A_23, %swap3A_24] : memref<1024x128xf32, #tpu.memory_space<vmem>>, vector<1024x128xf32>
    tpu.vector_store %arg5[%swap3A_23, %swap3A_24], %mul3A_22 {strides = array<i32>} : memref<1024x128xf32, #tpu.memory_space<vmem>>, vector<1024x128xf32>,
    return
  }
  func.func @transform_0(%arg0: i32) -> (i32, i32, i32) {
    %c0_i32 = arith.constant 0 : i32
    %c0_i32_0 = arith.constant 0 : i32
    %c0_i32_1 = arith.constant 0 : i32
    return %c0_i32, %arg0, %c0_i32_0 : i32, i32, i32
  }
  func.func @transform_1(%arg0: i32) -> (i32, i32) {
    %c0_i32 = arith.constant 0 : i32
    %c0_i32_0 = arith.constant 0 : i32
    return %arg0, %c0_i32 : i32, i32
  }
  func.func @transform_2(%arg0: i32) -> (i32, i32) {
    %c0_i32 = arith.constant 0 : i32
    %c0_i32_0 = arith.constant 0 : i32
    return %arg0, %c0_i32 : i32, i32
  }
  func.func @transform_3(%arg0: i32) -> (i32, i32) {
    %c0_i32 = arith.constant 0 : i32
    %c0_i32_0 = arith.constant 0 : i32
    return %arg0, %c0_i32 : i32, i32
  }
  func.func @transform_4(%arg0: i32) -> (i32, i32) {
    %c0_i32 = arith.constant 0 : i32
    %c0_i32_0 = arith.constant 0 : i32
    return %arg0, %c0_i32 : i32, i32
  }
}

module attributes {stable_mosaic.version = 14 : i64} {
  func.func @body(%arg0: i32, %arg1: memref<2x1024x128xf32, #tpu.memory_space<vmem>>, %arg2: memref<1024x16xf32, #tpu.memory_space<vmem>>, %arg3: memref<128x800xf32, #tpu.memory_space<vmem>>, %arg4: memref<1x800xf32, #tpu.memory_space<vmem>>, %arg5: memref<800x256xf32, #tpu.memory_space<vmem>>, %arg6: memref<1024x16xf32, #tpu.memory_space<vmem>>, %arg7: memref<2x1024x128xf32, #tpu.memory_space<vmem>>) attributes {dimension_semantics = [#tpu.dimension_semantics<arbitrary>], iteration_bounds = array<i64: 10>, scalar_prefetch = 0 : i64, scratch_operands = 0 : i64, tpu.core_type = #tpu.core_type<tc>, window_params = [{transform_indices = @transform_0, window_bounds = array<i64: 2, 1024, 128>}, {transform_indices = @transform_1, window_bounds = array<i64: 1024, 16>}, {pipeline_mode = #tpu.pipeline_mode<synchronous>, transform_indices = @transform_2, window_bounds = array<i64: 128, 800>}, {pipeline_mode = #tpu.pipeline_mode<synchronous>, transform_indices = @transform_3, window_bounds = array<i64: 1, 800>}, {pipeline_mode = #tpu.pipeline_mode<synchronous>, transform_indices = @transform_4, window_bounds = array<i64: 800, 256>}, {transform_indices = @transform_5, window_bounds = array<i64: 1024, 16>}, {transform_indices = @transform_6, window_bounds = array<i64: 2, 1024, 128>}]} {
    %get3A = arith.constant 0 : index
    %get3A_0 = arith.constant 0 : index
    %get3A_1 = arith.constant 0 : index
    %get3A_2 = vector.load %arg1[%get3A, %get3A_0, %get3A_1] : memref<2x1024x128xf32, #tpu.memory_space<vmem>>, vector<1x1024x128xf32>
    %get3A_3 = vector.shape_cast %get3A_2 : vector<1x1024x128xf32> to vector<1024x128xf32>
    %get3A_4 = arith.constant 1 : index
    %get3A_5 = arith.constant 0 : index
    %get3A_6 = arith.constant 0 : index
    %get3A_7 = vector.load %arg1[%get3A_4, %get3A_5, %get3A_6] : memref<2x1024x128xf32, #tpu.memory_space<vmem>>, vector<1x1024x128xf32>
    %get3A_8 = vector.shape_cast %get3A_7 : vector<1x1024x128xf32> to vector<1024x128xf32>
    %add3A = arith.addf %get3A_3, %get3A_8 : vector<1024x128xf32>
    %get3A_9 = arith.constant 0 : index
    %get3A_10 = arith.constant 0 : index
    %get3A_11 = vector.load %arg2[%get3A_9, %get3A_10] : memref<1024x16xf32, #tpu.memory_space<vmem>>, vector<1024x1xf32>
    %mul3A = vector.broadcast %get3A_11 : vector<1024x1xf32> to vector<1024x128xf32>
    %mul3A_12 = arith.mulf %add3A, %mul3A : vector<1024x128xf32>
    %get3A_13 = arith.constant 0 : index
    %get3A_14 = arith.constant 0 : index
    %get3A_15 = vector.load %arg3[%get3A_13, %get3A_14] : memref<128x800xf32, #tpu.memory_space<vmem>>, vector<128x800xf32>
    %dot_general3A = arith.constant dense<0.000000e+00> : vector<1024x800xf32>
    %dot_general3A_16 = tpu.matmul %mul3A_12, %get3A_15, %dot_general3A {dimension_numbers = #tpu.dot_dimension_numbers<[1], [0], [0], [1], [0, 0, 1, 1], [], []>, transpose_lhs_hint = false} : vector<1024x128xf32>, vector<128x800xf32>, vector<1024x800xf32> -> vector<1024x800xf32>
    %get3A_17 = arith.constant 0 : index
    %get3A_18 = arith.constant 0 : index
    %get3A_19 = vector.load %arg4[%get3A_17, %get3A_18] : memref<1x800xf32, #tpu.memory_space<vmem>>, vector<1x800xf32>
    %add3A_20 = vector.broadcast %get3A_19 : vector<1x800xf32> to vector<1024x800xf32>
    %add3A_21 = arith.addf %dot_general3A_16, %add3A_20 : vector<1024x800xf32>
    %max3A = arith.constant 0.000000e+00 : f32
    %max3A_22 = vector.broadcast %max3A : f32 to vector<1024x800xf32>
    %max3A_23 = arith.maximumf %add3A_21, %max3A_22 : vector<1024x800xf32>
    %get3A_24 = arith.constant 0 : index
    %get3A_25 = arith.constant 0 : index
    %get3A_26 = vector.load %arg5[%get3A_24, %get3A_25] : memref<800x256xf32, #tpu.memory_space<vmem>>, vector<800x256xf32>
    %dot_general3A_27 = arith.constant dense<0.000000e+00> : vector<1024x256xf32>
    %dot_general3A_28 = tpu.matmul %max3A_23, %get3A_26, %dot_general3A_27 {dimension_numbers = #tpu.dot_dimension_numbers<[1], [0], [0], [1], [0, 0, 1, 1], [], []>, transpose_lhs_hint = false} : vector<1024x800xf32>, vector<800x256xf32>, vector<1024x256xf32> -> vector<1024x256xf32>
    %get3A_29 = arith.constant 0 : index
    %get3A_30 = arith.constant 0 : index
    %get3A_31 = vector.load %arg6[%get3A_29, %get3A_30] : memref<1024x16xf32, #tpu.memory_space<vmem>>, vector<1024x1xf32>
    %mul3A_32 = vector.broadcast %get3A_31 : vector<1024x1xf32> to vector<1024x256xf32>
    %mul3A_33 = arith.mulf %dot_general3A_28, %mul3A_32 : vector<1024x256xf32>
    %slice3A = vector.extract_strided_slice %mul3A_33 {offsets = [0, 0], sizes = [1024, 128], strides = [1, 1]} : vector<1024x256xf32> to vector<1024x128xf32>
    %swap3A = arith.constant 0 : index
    %swap3A_34 = arith.constant 0 : index
    %swap3A_35 = arith.constant 0 : index
    %swap3A_36 = vector.load %arg7[%swap3A, %swap3A_34, %swap3A_35] : memref<2x1024x128xf32, #tpu.memory_space<vmem>>, vector<1x1024x128xf32>
    %swap3A_37 = vector.shape_cast %swap3A_36 : vector<1x1024x128xf32> to vector<1024x128xf32>
    %swap3A_38 = vector.shape_cast %slice3A : vector<1024x128xf32> to vector<1x1024x128xf32>
    tpu.vector_store %arg7[%swap3A, %swap3A_34, %swap3A_35], %swap3A_38 {strides = array<i32>} : memref<2x1024x128xf32, #tpu.memory_space<vmem>>, vector<1x1024x128xf32>,
    %slice3A_39 = vector.extract_strided_slice %mul3A_33 {offsets = [0, 128], sizes = [1024, 128], strides = [1, 1]} : vector<1024x256xf32> to vector<1024x128xf32>
    %swap3A_40 = arith.constant 1 : index
    %swap3A_41 = arith.constant 0 : index
    %swap3A_42 = arith.constant 0 : index
    %swap3A_43 = vector.load %arg7[%swap3A_40, %swap3A_41, %swap3A_42] : memref<2x1024x128xf32, #tpu.memory_space<vmem>>, vector<1x1024x128xf32>
    %swap3A_44 = vector.shape_cast %swap3A_43 : vector<1x1024x128xf32> to vector<1024x128xf32>
    %swap3A_45 = vector.shape_cast %slice3A_39 : vector<1024x128xf32> to vector<1x1024x128xf32>
    tpu.vector_store %arg7[%swap3A_40, %swap3A_41, %swap3A_42], %swap3A_45 {strides = array<i32>} : memref<2x1024x128xf32, #tpu.memory_space<vmem>>, vector<1x1024x128xf32>,
    return
  }
  func.func @transform_0(%arg0: i32) -> (i32, i32, i32) {
    %c0_i32 = arith.constant 0 : i32
    %c0_i32_0 = arith.constant 0 : i32
    %c0_i32_1 = arith.constant 0 : i32
    return %c0_i32, %arg0, %c0_i32_0 : i32, i32, i32
  }
  func.func @transform_1(%arg0: i32) -> (i32, i32) {
    %c0_i32 = arith.constant 0 : i32
    %c0_i32_0 = arith.constant 0 : i32
    return %arg0, %c0_i32 : i32, i32
  }
  func.func @transform_2(%arg0: i32) -> (i32, i32) {
    %c0_i32 = arith.constant 0 : i32
    %c0_i32_0 = arith.constant 0 : i32
    %c0_i32_1 = arith.constant 0 : i32
    return %c0_i32, %c0_i32_0 : i32, i32
  }
  func.func @transform_3(%arg0: i32) -> (i32, i32) {
    %c0_i32 = arith.constant 0 : i32
    %c0_i32_0 = arith.constant 0 : i32
    %c0_i32_1 = arith.constant 0 : i32
    return %c0_i32, %c0_i32_0 : i32, i32
  }
  func.func @transform_4(%arg0: i32) -> (i32, i32) {
    %c0_i32 = arith.constant 0 : i32
    %c0_i32_0 = arith.constant 0 : i32
    %c0_i32_1 = arith.constant 0 : i32
    return %c0_i32, %c0_i32_0 : i32, i32
  }
  func.func @transform_5(%arg0: i32) -> (i32, i32) {
    %c0_i32 = arith.constant 0 : i32
    %c0_i32_0 = arith.constant 0 : i32
    return %arg0, %c0_i32 : i32, i32
  }
  func.func @transform_6(%arg0: i32) -> (i32, i32, i32) {
    %c0_i32 = arith.constant 0 : i32
    %c0_i32_0 = arith.constant 0 : i32
    %c0_i32_1 = arith.constant 0 : i32
    return %c0_i32, %arg0, %c0_i32_0 : i32, i32, i32
  }
}

module attributes {stable_mosaic.version = 14 : i64} {
  func.func @body(%arg0: i32, %arg1: memref<2x1024x128xf32, #tpu.memory_space<vmem>>, %arg2: memref<1024x16xf32, #tpu.memory_space<vmem>>, %arg3: memref<1x256xf32, #tpu.memory_space<vmem>>, %arg4: memref<1024x16xf32, #tpu.memory_space<vmem>>, %arg5: memref<1024x256xf32, #tpu.memory_space<vmem>>, %arg6: memref<2x1024x128xf32, #tpu.memory_space<vmem>>) attributes {dimension_semantics = [#tpu.dimension_semantics<arbitrary>], iteration_bounds = array<i64: 10>, scalar_prefetch = 0 : i64, scratch_operands = 0 : i64, tpu.core_type = #tpu.core_type<tc>, window_params = [{transform_indices = @transform_0, window_bounds = array<i64: 2, 1024, 128>}, {transform_indices = @transform_1, window_bounds = array<i64: 1024, 16>}, {pipeline_mode = #tpu.pipeline_mode<synchronous>, transform_indices = @transform_2, window_bounds = array<i64: 1, 256>}, {transform_indices = @transform_3, window_bounds = array<i64: 1024, 16>}, {transform_indices = @transform_4, window_bounds = array<i64: 1024, 256>}, {transform_indices = @transform_5, window_bounds = array<i64: 2, 1024, 128>}]} {
    %get3A = arith.constant 0 : index
    %get3A_0 = arith.constant 0 : index
    %get3A_1 = vector.load %arg2[%get3A, %get3A_0] : memref<1024x16xf32, #tpu.memory_space<vmem>>, vector<1024x1xf32>
    %get3A_2 = arith.constant 0 : index
    %get3A_3 = arith.constant 0 : index
    %get3A_4 = arith.constant 0 : index
    %get3A_5 = vector.load %arg1[%get3A_2, %get3A_3, %get3A_4] : memref<2x1024x128xf32, #tpu.memory_space<vmem>>, vector<1x1024x128xf32>
    %get3A_6 = vector.shape_cast %get3A_5 : vector<1x1024x128xf32> to vector<1024x128xf32>
    %mul3A = vector.broadcast %get3A_1 : vector<1024x1xf32> to vector<1024x128xf32>
    %mul3A_7 = arith.mulf %get3A_6, %mul3A : vector<1024x128xf32>
    %get3A_8 = arith.constant 0 : index
    %get3A_9 = arith.constant 0 : index
    %get3A_10 = vector.load %arg3[%get3A_8, %get3A_9] : memref<1x256xf32, #tpu.memory_space<vmem>>, vector<1x128xf32>
    %add3A = vector.broadcast %get3A_10 : vector<1x128xf32> to vector<1024x128xf32>
    %add3A_11 = arith.addf %mul3A_7, %add3A : vector<1024x128xf32>
    %get3A_12 = arith.constant 1 : index
    %get3A_13 = arith.constant 0 : index
    %get3A_14 = arith.constant 0 : index
    %get3A_15 = vector.load %arg1[%get3A_12, %get3A_13, %get3A_14] : memref<2x1024x128xf32, #tpu.memory_space<vmem>>, vector<1x1024x128xf32>
    %get3A_16 = vector.shape_cast %get3A_15 : vector<1x1024x128xf32> to vector<1024x128xf32>
    %mul3A_17 = vector.broadcast %get3A_1 : vector<1024x1xf32> to vector<1024x128xf32>
    %mul3A_18 = arith.mulf %get3A_16, %mul3A_17 : vector<1024x128xf32>
    %get3A_19 = arith.constant 0 : index
    %get3A_20 = arith.constant 128 : index
    %get3A_21 = vector.load %arg3[%get3A_19, %get3A_20] : memref<1x256xf32, #tpu.memory_space<vmem>>, vector<1x128xf32>
    %add3A_22 = vector.broadcast %get3A_21 : vector<1x128xf32> to vector<1024x128xf32>
    %add3A_23 = arith.addf %mul3A_18, %add3A_22 : vector<1024x128xf32>
    %concatenate3A = tpu.concatenate %add3A_11, %add3A_23 in 1 : vector<1024x128xf32>, vector<1024x128xf32> -> vector<1024x256xf32>
    %logistic3A = arith.negf %concatenate3A : vector<1024x256xf32>
    %logistic3A_24 = math.exp %logistic3A : vector<1024x256xf32>
    %logistic3A_25 = arith.constant 1.000000e+00 : f32
    %logistic3A_26 = vector.broadcast %logistic3A_25 : f32 to vector<1024x256xf32>
    %logistic3A_27 = arith.addf %logistic3A_26, %logistic3A_24 : vector<1024x256xf32>
    %logistic3A_28 = arith.divf %logistic3A_26, %logistic3A_27 : vector<1024x256xf32>
    %swap3A = arith.constant 0 : index
    %swap3A_29 = arith.constant 0 : index
    %swap3A_30 = vector.load %arg5[%swap3A, %swap3A_29] : memref<1024x256xf32, #tpu.memory_space<vmem>>, vector<1024x256xf32>
    tpu.vector_store %arg5[%swap3A, %swap3A_29], %logistic3A_28 {strides = array<i32>} : memref<1024x256xf32, #tpu.memory_space<vmem>>, vector<1024x256xf32>,
    %get3A_31 = arith.constant 0 : index
    %get3A_32 = arith.constant 0 : index
    %get3A_33 = vector.load %arg4[%get3A_31, %get3A_32] : memref<1024x16xf32, #tpu.memory_space<vmem>>, vector<1024x1xf32>
    %mul3A_34 = vector.broadcast %get3A_33 : vector<1024x1xf32> to vector<1024x128xf32>
    %mul3A_35 = arith.mulf %add3A_11, %mul3A_34 : vector<1024x128xf32>
    %swap3A_36 = arith.constant 0 : index
    %swap3A_37 = arith.constant 0 : index
    %swap3A_38 = arith.constant 0 : index
    %swap3A_39 = vector.load %arg6[%swap3A_36, %swap3A_37, %swap3A_38] : memref<2x1024x128xf32, #tpu.memory_space<vmem>>, vector<1x1024x128xf32>
    %swap3A_40 = vector.shape_cast %swap3A_39 : vector<1x1024x128xf32> to vector<1024x128xf32>
    %swap3A_41 = vector.shape_cast %mul3A_35 : vector<1024x128xf32> to vector<1x1024x128xf32>
    tpu.vector_store %arg6[%swap3A_36, %swap3A_37, %swap3A_38], %swap3A_41 {strides = array<i32>} : memref<2x1024x128xf32, #tpu.memory_space<vmem>>, vector<1x1024x128xf32>,
    %mul3A_42 = vector.broadcast %get3A_33 : vector<1024x1xf32> to vector<1024x128xf32>
    %mul3A_43 = arith.mulf %add3A_23, %mul3A_42 : vector<1024x128xf32>
    %swap3A_44 = arith.constant 1 : index
    %swap3A_45 = arith.constant 0 : index
    %swap3A_46 = arith.constant 0 : index
    %swap3A_47 = vector.load %arg6[%swap3A_44, %swap3A_45, %swap3A_46] : memref<2x1024x128xf32, #tpu.memory_space<vmem>>, vector<1x1024x128xf32>
    %swap3A_48 = vector.shape_cast %swap3A_47 : vector<1x1024x128xf32> to vector<1024x128xf32>
    %swap3A_49 = vector.shape_cast %mul3A_43 : vector<1024x128xf32> to vector<1x1024x128xf32>
    tpu.vector_store %arg6[%swap3A_44, %swap3A_45, %swap3A_46], %swap3A_49 {strides = array<i32>} : memref<2x1024x128xf32, #tpu.memory_space<vmem>>, vector<1x1024x128xf32>,
    return
  }
  func.func @transform_0(%arg0: i32) -> (i32, i32, i32) {
    %c0_i32 = arith.constant 0 : i32
    %c0_i32_0 = arith.constant 0 : i32
    %c0_i32_1 = arith.constant 0 : i32
    return %c0_i32, %arg0, %c0_i32_0 : i32, i32, i32
  }
  func.func @transform_1(%arg0: i32) -> (i32, i32) {
    %c0_i32 = arith.constant 0 : i32
    %c0_i32_0 = arith.constant 0 : i32
    return %arg0, %c0_i32 : i32, i32
  }
  func.func @transform_2(%arg0: i32) -> (i32, i32) {
    %c0_i32 = arith.constant 0 : i32
    %c0_i32_0 = arith.constant 0 : i32
    %c0_i32_1 = arith.constant 0 : i32
    return %c0_i32, %c0_i32_0 : i32, i32
  }
  func.func @transform_3(%arg0: i32) -> (i32, i32) {
    %c0_i32 = arith.constant 0 : i32
    %c0_i32_0 = arith.constant 0 : i32
    return %arg0, %c0_i32 : i32, i32
  }
  func.func @transform_4(%arg0: i32) -> (i32, i32) {
    %c0_i32 = arith.constant 0 : i32
    %c0_i32_0 = arith.constant 0 : i32
    return %arg0, %c0_i32 : i32, i32
  }
  func.func @transform_5(%arg0: i32) -> (i32, i32, i32) {
    %c0_i32 = arith.constant 0 : i32
    %c0_i32_0 = arith.constant 0 : i32
    %c0_i32_1 = arith.constant 0 : i32
    return %c0_i32, %arg0, %c0_i32_0 : i32, i32, i32
  }
}

module attributes {stable_mosaic.version = 14 : i64} {
  func.func @body(%arg0: i32, %arg1: memref<2x1024x128xf32, #tpu.memory_space<vmem>>, %arg2: memref<1024x16xf32, #tpu.memory_space<vmem>>, %arg3: memref<256x800xf32, #tpu.memory_space<vmem>>, %arg4: memref<1x800xf32, #tpu.memory_space<vmem>>, %arg5: memref<800x128xf32, #tpu.memory_space<vmem>>, %arg6: memref<1024x16xf32, #tpu.memory_space<vmem>>, %arg7: memref<1024x128xf32, #tpu.memory_space<vmem>>) attributes {dimension_semantics = [#tpu.dimension_semantics<arbitrary>], iteration_bounds = array<i64: 10>, scalar_prefetch = 0 : i64, scratch_operands = 0 : i64, tpu.core_type = #tpu.core_type<tc>, window_params = [{transform_indices = @transform_0, window_bounds = array<i64: 2, 1024, 128>}, {transform_indices = @transform_1, window_bounds = array<i64: 1024, 16>}, {pipeline_mode = #tpu.pipeline_mode<synchronous>, transform_indices = @transform_2, window_bounds = array<i64: 256, 800>}, {pipeline_mode = #tpu.pipeline_mode<synchronous>, transform_indices = @transform_3, window_bounds = array<i64: 1, 800>}, {pipeline_mode = #tpu.pipeline_mode<synchronous>, transform_indices = @transform_4, window_bounds = array<i64: 800, 128>}, {transform_indices = @transform_5, window_bounds = array<i64: 1024, 16>}, {transform_indices = @transform_6, window_bounds = array<i64: 1024, 128>}]} {
    %get3A = arith.constant 0 : index
    %get3A_0 = arith.constant 0 : index
    %get3A_1 = vector.load %arg2[%get3A, %get3A_0] : memref<1024x16xf32, #tpu.memory_space<vmem>>, vector<1024x1xf32>
    %get3A_2 = arith.constant 0 : index
    %get3A_3 = arith.constant 0 : index
    %get3A_4 = arith.constant 0 : index
    %get3A_5 = vector.load %arg1[%get3A_2, %get3A_3, %get3A_4] : memref<2x1024x128xf32, #tpu.memory_space<vmem>>, vector<1x1024x128xf32>
    %get3A_6 = vector.shape_cast %get3A_5 : vector<1x1024x128xf32> to vector<1024x128xf32>
    %mul3A = vector.broadcast %get3A_1 : vector<1024x1xf32> to vector<1024x128xf32>
    %mul3A_7 = arith.mulf %get3A_6, %mul3A : vector<1024x128xf32>
    %get3A_8 = arith.constant 1 : index
    %get3A_9 = arith.constant 0 : index
    %get3A_10 = arith.constant 0 : index
    %get3A_11 = vector.load %arg1[%get3A_8, %get3A_9, %get3A_10] : memref<2x1024x128xf32, #tpu.memory_space<vmem>>, vector<1x1024x128xf32>
    %get3A_12 = vector.shape_cast %get3A_11 : vector<1x1024x128xf32> to vector<1024x128xf32>
    %mul3A_13 = vector.broadcast %get3A_1 : vector<1024x1xf32> to vector<1024x128xf32>
    %mul3A_14 = arith.mulf %get3A_12, %mul3A_13 : vector<1024x128xf32>
    %concatenate3A = tpu.concatenate %mul3A_7, %mul3A_14 in 1 : vector<1024x128xf32>, vector<1024x128xf32> -> vector<1024x256xf32>
    %get3A_15 = arith.constant 0 : index
    %get3A_16 = arith.constant 0 : index
    %get3A_17 = vector.load %arg3[%get3A_15, %get3A_16] : memref<256x800xf32, #tpu.memory_space<vmem>>, vector<256x800xf32>
    %dot_general3A = arith.constant dense<0.000000e+00> : vector<1024x800xf32>
    %dot_general3A_18 = tpu.matmul %concatenate3A, %get3A_17, %dot_general3A {dimension_numbers = #tpu.dot_dimension_numbers<[1], [0], [0], [1], [0, 0, 1, 1], [], []>, transpose_lhs_hint = false} : vector<1024x256xf32>, vector<256x800xf32>, vector<1024x800xf32> -> vector<1024x800xf32>
    %get3A_19 = arith.constant 0 : index
    %get3A_20 = arith.constant 0 : index
    %get3A_21 = vector.load %arg4[%get3A_19, %get3A_20] : memref<1x800xf32, #tpu.memory_space<vmem>>, vector<1x800xf32>
    %add3A = vector.broadcast %get3A_21 : vector<1x800xf32> to vector<1024x800xf32>
    %add3A_22 = arith.addf %dot_general3A_18, %add3A : vector<1024x800xf32>
    %max3A = arith.constant 0.000000e+00 : f32
    %max3A_23 = vector.broadcast %max3A : f32 to vector<1024x800xf32>
    %max3A_24 = arith.maximumf %add3A_22, %max3A_23 : vector<1024x800xf32>
    %get3A_25 = arith.constant 0 : index
    %get3A_26 = arith.constant 0 : index
    %get3A_27 = vector.load %arg5[%get3A_25, %get3A_26] : memref<800x128xf32, #tpu.memory_space<vmem>>, vector<800x128xf32>
    %dot_general3A_28 = arith.constant dense<0.000000e+00> : vector<1024x128xf32>
    %dot_general3A_29 = tpu.matmul %max3A_24, %get3A_27, %dot_general3A_28 {dimension_numbers = #tpu.dot_dimension_numbers<[1], [0], [0], [1], [0, 0, 1, 1], [], []>, transpose_lhs_hint = false} : vector<1024x800xf32>, vector<800x128xf32>, vector<1024x128xf32> -> vector<1024x128xf32>
    %get3A_30 = arith.constant 0 : index
    %get3A_31 = arith.constant 0 : index
    %get3A_32 = vector.load %arg6[%get3A_30, %get3A_31] : memref<1024x16xf32, #tpu.memory_space<vmem>>, vector<1024x1xf32>
    %mul3A_33 = vector.broadcast %get3A_32 : vector<1024x1xf32> to vector<1024x128xf32>
    %mul3A_34 = arith.mulf %dot_general3A_29, %mul3A_33 : vector<1024x128xf32>
    %swap3A = arith.constant 0 : index
    %swap3A_35 = arith.constant 0 : index
    %swap3A_36 = vector.load %arg7[%swap3A, %swap3A_35] : memref<1024x128xf32, #tpu.memory_space<vmem>>, vector<1024x128xf32>
    tpu.vector_store %arg7[%swap3A, %swap3A_35], %mul3A_34 {strides = array<i32>} : memref<1024x128xf32, #tpu.memory_space<vmem>>, vector<1024x128xf32>,
    return
  }
  func.func @transform_0(%arg0: i32) -> (i32, i32, i32) {
    %c0_i32 = arith.constant 0 : i32
    %c0_i32_0 = arith.constant 0 : i32
    %c0_i32_1 = arith.constant 0 : i32
    return %c0_i32, %arg0, %c0_i32_0 : i32, i32, i32
  }
  func.func @transform_1(%arg0: i32) -> (i32, i32) {
    %c0_i32 = arith.constant 0 : i32
    %c0_i32_0 = arith.constant 0 : i32
    return %arg0, %c0_i32 : i32, i32
  }
  func.func @transform_2(%arg0: i32) -> (i32, i32) {
    %c0_i32 = arith.constant 0 : i32
    %c0_i32_0 = arith.constant 0 : i32
    %c0_i32_1 = arith.constant 0 : i32
    return %c0_i32, %c0_i32_0 : i32, i32
  }
  func.func @transform_3(%arg0: i32) -> (i32, i32) {
    %c0_i32 = arith.constant 0 : i32
    %c0_i32_0 = arith.constant 0 : i32
    %c0_i32_1 = arith.constant 0 : i32
    return %c0_i32, %c0_i32_0 : i32, i32
  }
  func.func @transform_4(%arg0: i32) -> (i32, i32) {
    %c0_i32 = arith.constant 0 : i32
    %c0_i32_0 = arith.constant 0 : i32
    %c0_i32_1 = arith.constant 0 : i32
    return %c0_i32, %c0_i32_0 : i32, i32
  }
  func.func @transform_5(%arg0: i32) -> (i32, i32) {
    %c0_i32 = arith.constant 0 : i32
    %c0_i32_0 = arith.constant 0 : i32
    return %arg0, %c0_i32 : i32, i32
  }
  func.func @transform_6(%arg0: i32) -> (i32, i32) {
    %c0_i32 = arith.constant 0 : i32
    %c0_i32_0 = arith.constant 0 : i32
    return %arg0, %c0_i32 : i32, i32
  }
}

module attributes {stable_mosaic.version = 14 : i64} {
  func.func @body(%arg0: i32, %arg1: memref<2x1024x128xf32, #tpu.memory_space<vmem>>, %arg2: memref<1024x16xf32, #tpu.memory_space<vmem>>, %arg3: memref<1x128xf32, #tpu.memory_space<vmem>>, %arg4: memref<1024x128xf32, #tpu.memory_space<vmem>>) attributes {dimension_semantics = [#tpu.dimension_semantics<arbitrary>], iteration_bounds = array<i64: 10>, scalar_prefetch = 0 : i64, scratch_operands = 0 : i64, tpu.core_type = #tpu.core_type<tc>, window_params = [{transform_indices = @transform_0, window_bounds = array<i64: 2, 1024, 128>}, {transform_indices = @transform_1, window_bounds = array<i64: 1024, 16>}, {pipeline_mode = #tpu.pipeline_mode<synchronous>, transform_indices = @transform_2, window_bounds = array<i64: 1, 128>}, {transform_indices = @transform_3, window_bounds = array<i64: 1024, 128>}]} {
    %get3A = arith.constant 0 : index
    %get3A_0 = arith.constant 0 : index
    %get3A_1 = arith.constant 0 : index
    %get3A_2 = vector.load %arg1[%get3A, %get3A_0, %get3A_1] : memref<2x1024x128xf32, #tpu.memory_space<vmem>>, vector<1x1024x128xf32>
    %get3A_3 = vector.shape_cast %get3A_2 : vector<1x1024x128xf32> to vector<1024x128xf32>
    %get3A_4 = arith.constant 1 : index
    %get3A_5 = arith.constant 0 : index
    %get3A_6 = arith.constant 0 : index
    %get3A_7 = vector.load %arg1[%get3A_4, %get3A_5, %get3A_6] : memref<2x1024x128xf32, #tpu.memory_space<vmem>>, vector<1x1024x128xf32>
    %get3A_8 = vector.shape_cast %get3A_7 : vector<1x1024x128xf32> to vector<1024x128xf32>
    %add3A = arith.addf %get3A_3, %get3A_8 : vector<1024x128xf32>
    %get3A_9 = arith.constant 0 : index
    %get3A_10 = arith.constant 0 : index
    %get3A_11 = vector.load %arg2[%get3A_9, %get3A_10] : memref<1024x16xf32, #tpu.memory_space<vmem>>, vector<1024x1xf32>
    %mul3A = vector.broadcast %get3A_11 : vector<1024x1xf32> to vector<1024x128xf32>
    %mul3A_12 = arith.mulf %add3A, %mul3A : vector<1024x128xf32>
    %get3A_13 = arith.constant 0 : index
    %get3A_14 = arith.constant 0 : index
    %get3A_15 = vector.load %arg3[%get3A_13, %get3A_14] : memref<1x128xf32, #tpu.memory_space<vmem>>, vector<1x128xf32>
    %add3A_16 = vector.broadcast %get3A_15 : vector<1x128xf32> to vector<1024x128xf32>
    %add3A_17 = arith.addf %mul3A_12, %add3A_16 : vector<1024x128xf32>
    %logistic3A = arith.negf %add3A_17 : vector<1024x128xf32>
    %logistic3A_18 = math.exp %logistic3A : vector<1024x128xf32>
    %logistic3A_19 = arith.constant 1.000000e+00 : f32
    %logistic3A_20 = vector.broadcast %logistic3A_19 : f32 to vector<1024x128xf32>
    %logistic3A_21 = arith.addf %logistic3A_20, %logistic3A_18 : vector<1024x128xf32>
    %logistic3A_22 = arith.divf %logistic3A_20, %logistic3A_21 : vector<1024x128xf32>
    %swap3A = arith.constant 0 : index
    %swap3A_23 = arith.constant 0 : index
    %swap3A_24 = vector.load %arg4[%swap3A, %swap3A_23] : memref<1024x128xf32, #tpu.memory_space<vmem>>, vector<1024x128xf32>
    tpu.vector_store %arg4[%swap3A, %swap3A_23], %logistic3A_22 {strides = array<i32>} : memref<1024x128xf32, #tpu.memory_space<vmem>>, vector<1024x128xf32>,
    return
  }
  func.func @transform_0(%arg0: i32) -> (i32, i32, i32) {
    %c0_i32 = arith.constant 0 : i32
    %c0_i32_0 = arith.constant 0 : i32
    %c0_i32_1 = arith.constant 0 : i32
    return %c0_i32, %arg0, %c0_i32_0 : i32, i32, i32
  }
  func.func @transform_1(%arg0: i32) -> (i32, i32) {
    %c0_i32 = arith.constant 0 : i32
    %c0_i32_0 = arith.constant 0 : i32
    return %arg0, %c0_i32 : i32, i32
  }
  func.func @transform_2(%arg0: i32) -> (i32, i32) {
    %c0_i32 = arith.constant 0 : i32
    %c0_i32_0 = arith.constant 0 : i32
    %c0_i32_1 = arith.constant 0 : i32
    return %c0_i32, %c0_i32_0 : i32, i32
  }
  func.func @transform_3(%arg0: i32) -> (i32, i32) {
    %c0_i32 = arith.constant 0 : i32
    %c0_i32_0 = arith.constant 0 : i32
    return %arg0, %c0_i32 : i32, i32
  }
}

</mosaic_0001>

<sc_bundles>
// kernel: kernel.12.cloned.1.call-start
scs
__scs_entry_jumppad:
0x0: {  	(pc) =	sbr.rel $0x88, $3  }
0x1: {  	(tag) =	ssettag $0x0;
	lr =	simm.s32 $0x1  }
0x2: {  	[smem:$0x3F97] =	sst lr;
	_ =	strace $0xD0000000  }
0x3: {  	_ = 	snop  }
0x4: {  	_ = 	snop  }
0x5: {  	_ = 	snop  }
0x6: {  	_ = 	snop  }
0x7: {  	_ = 	snop  }
__scs_overlays_trampoline_lowered:
0x8: {  	[smem:$0x3FA6] =	sst s0  }
0x9: {  	[smem:$0x3FA7] =	sst s1  }
0xa: {  	[smem:$0x3FA8] =	sst s2  }
0xb: {  	[smem:$0x3FA9] =	sst s3  }
0xc: {  	[smem:$0x3FAA] =	sst s4  }
0xd: {  	[smem:$0x3FAB] =	sst s5  }
0xe: {  	[smem:$0x3FAC] =	sst s6  }
0xf: {  	[smem:$0x3FAD] =	sst s7  }
0x10: {  	[smem:$0x3FAE] =	sst s8  }
0x11: {  	[smem:$0x3FAF] =	sst s9;
	s0 =	simm.s32 @!p0 $0x0  }
0x12: {  	s1 =	sld [smem:$0x3F95];
	s0 =	simm.s32 @p0 $0x1  }
0x13: {  	[smem:$0x3FB0] =	sst s0;
	s0 =	simm.s32 @!p1 $0x0  }
0x14: {  	s2 =	sld [smem:$0x3F94];
	s0 =	simm.s32 @p1 $0x1  }
0x15: {  	[smem:$0x3FB1] =	sst s0;
	s0 =	simm.s32 @!p2 $0x0  }
0x16: {  	s3 =	sld [smem:$0x3FDB];
	s0 =	simm.s32 @p2 $0x1  }
0x17: {  	s4 =	simm.s32 $0x1BF5;
	[smem:$0x3FB3] =	sst s0  }
0x18: {  	s0 =	sld [smem:$0x3F96];
	_ =	swait.ge [sflag:s4], $0x0  }
0x19: {  	s7 =	sld [smem:$0x3F97]  }
0x1a: {  	s8 =	sadd.s32 $0xFFFFE003, lr  }
0x1b: {  	s9 =	sadd.s32 $0xFFFFFEF7, lr;
	s5 =	simm.s32 $0xFFFFFFFF;
	p2 =	slt.u32 s8, $0xFFFFF086  }
0x1c: {  	p1 =	slt.u32 s9, $0xF7A;
	s5 =	simm.s32 @!p2 $0x0  }
0x1d: {  	s5 =	simm.s32 @p1 $0x1;
	p0 =	seq.s32 s7, s2  }
0x1e: {  	s7 =	smul.u32 @!p0 $0xF7A, s2;
	p2 =	seq.s32 @!p0 s5, $0x0  }
0x1f: {  	s9 =	smul.u32 $0xF7A, s1;
	s8 =	simm.s32 @!p0 $0x1BF5;
	p2 =	por !p2, p0  }
0x20: {  	[sflag:s8] =	ssyncset.s32 @!p0 $0xFFFFF086;
	s6 =	sadd.s32 @!p0 s3, s7;
	s7 =	simm.s32 @!p0 $0x108  }
0x21: {  	s3 =	sadd.s32 s3, s9;
	s6 =	sadd.s32 @!p0 $0x88, s6;
	s7 =	simm.s32 @p2 $0x1082  }
0x22: {  	[simem:s7], [sflag:s8] =	dma.local @!p0 [hbm:s6], $0xF7A  }
0x23: {  	s9 =	sor.u32 $0xD0000000, s2;
	s6 =	simm.s32 $0x108;
	_ =	swait.ge @!p0 [sflag:s8], $0x0  }
0x24: {  	s3 =	sadd.s32 $0x88, s3;
	s6 =	simm.s32 @!p1 $0x1082;
	[sflag:s4] =	ssyncset.s32 $0xFFFFF086  }
0x25: {  	[simem:s6], [sflag:s4] =	dma.local [hbm:s3], $0xF7A  }
0x26: {  	[smem:$0x3F97] =	sst s1;
	(tag) =	ssettag s2;
	_ =	strace s9  }
0x27: {  	s1 =	sld [smem:$0x3FA7]  }
0x28: {  	s2 =	sld [smem:$0x3FA8]  }
0x29: {  	s4 =	sld [smem:$0x3FAA]  }
0x2a: {  	p0 =	seq.s32 s5, $0x0;
	s5 =	sld [smem:$0x3FAB]  }
0x2b: {  	s6 =	sld [smem:$0x3FAC]  }
0x2c: {  	s7 =	sld [smem:$0x3FAD]  }
0x2d: {  	s3 =	simm.s32 $0x108;
	s8 =	sld [smem:$0x3FAE]  }
0x2e: {  	s3 =	simm.s32 @!p0 $0x1082;
	s9 =	sld [smem:$0x3FAF]  }
0x2f: {  	lr =	sadd.s32 s0, s3;
	s0 =	sld [smem:$0x3FA6]  }
0x30: {  	s3 =	sld [smem:$0x3FA9]  }
0x31: {  	[smem:$0x3FB2] =	sst s10  }
0x32: {  	s10 =	sld [smem:$0x3FB0];
	_ =	sdelay $0x3  }
0x33: {  	p0 =	seq.s32 s10, $0x1;
	s10 =	sld [smem:$0x3FB2];
	_ =	sdelay $0x3  }
0x34: {  	[smem:$0x3FB2] =	sst s10  }
0x35: {  	s10 =	sld [smem:$0x3FB1];
	_ =	sdelay $0x3  }
0x36: {  	p1 =	seq.s32 s10, $0x1;
	s10 =	sld [smem:$0x3FB2];
	_ =	sdelay $0x3  }
0x37: {  	[smem:$0x3FB2] =	sst s10  }
0x38: {  	s10 =	sld [smem:$0x3FB3]  }
0x39: {  	_ = 	snop;
	(pc) =	sbr.ind lr, $3  }
0x3a: {  	_ = 	snop  }
0x3b: {  	_ = 	snop  }
0x3c: {  	p2 =	seq.s32 s10, $0x1;
	s10 =	sld [smem:$0x3FB2]  }
0x3d: {  	_ =	shalt  }
0x3e: {  	_ =	shalt  }
0x3f: {  	_ =	shalt  }
0x40: {  	_ =	shalt  }
0x41: {  	_ =	shalt  }
0x42: {  	_ =	shalt  }
0x43: {  	_ =	shalt  }
0x44: {  	_ =	shalt  }
0x45: {  	_ =	shalt  }
0x46: {  	_ =	shalt  }
0x47: {  	_ =	shalt  }
0x48: {  	_ =	shalt  }
0x49: {  	_ =	shalt  }
0x4a: {  	_ =	shalt  }
0x4b: {  	_ =	shalt  }
0x4c: {  	_ =	shalt  }
0x4d: {  	_ =	shalt  }
0x4e: {  	_ =	shalt  }
0x4f: {  	_ =	shalt  }
0x50: {  	_ =	shalt  }
0x51: {  	_ =	shalt  }
0x52: {  	_ =	shalt  }
0x53: {  	_ =	shalt  }
0x54: {  	_ =	shalt  }
0x55: {  	_ =	shalt  }
0x56: {  	_ =	shalt  }
0x57: {  	_ =	shalt  }
0x58: {  	_ =	shalt  }
0x59: {  	_ =	shalt  }
0x5a: {  	_ =	shalt  }
0x5b: {  	_ =	shalt  }
0x5c: {  	_ =	shalt  }
0x5d: {  	_ =	shalt  }
0x5e: {  	_ =	shalt  }
0x5f: {  	_ =	shalt  }
0x60: {  	_ =	shalt  }
0x61: {  	_ =	shalt  }
0x62: {  	_ =	shalt  }
0x63: {  	_ =	shalt  }
0x64: {  	_ =	shalt  }
0x65: {  	_ =	shalt  }
0x66: {  	_ =	shalt  }
0x67: {  	_ =	shalt  }
0x68: {  	_ =	shalt  }
0x69: {  	_ =	shalt  }
0x6a: {  	_ =	shalt  }
0x6b: {  	_ =	shalt  }
0x6c: {  	_ =	shalt  }
0x6d: {  	_ =	shalt  }
0x6e: {  	_ =	shalt  }
0x6f: {  	_ =	shalt  }
0x70: {  	_ =	shalt  }
0x71: {  	_ =	shalt  }
0x72: {  	_ =	shalt  }
0x73: {  	_ =	shalt  }
0x74: {  	_ =	shalt  }
0x75: {  	_ =	shalt  }
0x76: {  	_ =	shalt  }
0x77: {  	_ =	shalt  }
0x78: {  	_ =	shalt  }
0x79: {  	_ =	shalt  }
0x7a: {  	_ =	shalt  }
0x7b: {  	_ =	shalt  }
0x7c: {  	_ =	shalt  }
0x7d: {  	_ =	shalt  }
0x7e: {  	_ =	shalt  }
0x7f: {  	_ =	shalt  }
0x80: {  	_ =	shalt  }
0x81: {  	_ =	shalt  }
0x82: {  	_ =	shalt  }
0x83: {  	_ =	shalt  }
0x84: {  	_ =	shalt  }
0x85: {  	_ =	shalt  }
0x86: {  	_ =	shalt  }
0x87: {  	_ =	shalt  }
.Lfunc_end0:
.L_simem_size_0:
called_computation_lowered:
.L_overlay_start_0:
0x88: {  	s2 =	sld [smem:$0x3FD9]  }
0x89: {  	s3 =	sld [smem:$0x3FFE];
	_ =	sdelay $0x1  }
0x8a: {  	s1 =	srdreg.scid  }
0x8b: {  	s0 =	sand.u32 $0x1, s1  }
0x8c: {  	s14 =	sshll.u32 s0, $0xA;
	s2 =	sadd.s32 s3, s2  }
0x8d: {  	s2 =	sadd.s32 s2, s14  }
0x8e: {  	[smem:$0x3FBE] =	sst s2  }
0x8f: {  	_ = 	snop  }
0x90: {  	s2 =	sld [smem:$0x3FD0];
	_ =	sdelay $0x2  }
0x91: {  	s15 =	simm.s32 $0xA;
	s4 =	simm.s32 $0x10  }
0x92: {  	[smem:s4], [sflag:s15] =	dma.local [hbm:s2], $0x1  }
0x93: {  	_ =	swait.eq [sflag:s15], $0x1  }
0x94: {  	[sflag:s15] =	ssyncset.done $0x0  }
0x95: {  	[sflag:s15] =	ssyncadd.s32 $0xFFFFFFFF  }
0x96: {  	s16 =	sld [smem:$0x10];
	(tm) =	ssettm $0x1  }
0x97: {  	s17 =	sld [smem:$0x3FFB];
	_ =	sdelay $0x3  }
0x98: {  	_ =	strace s17  }
0x99: {  	s3 =	sld [smem:$0x3FFC];
	_ =	sdelay $0x3  }
0x9a: {  	_ =	strace s3  }
0x9b: {  	s3 =	sld [smem:$0x3FFD];
	_ =	sdelay $0x3  }
0x9c: {  	_ =	strace s3  }
0x9d: {  	_ =	strace $0x8FFFFFFF  }
0x9e: {  	s18 =	sld [smem:$0x3FDB];
	_ =	sdelay $0x1  }
0x9f: {  	s19 =	simm.s32 $_scs_section_size  }
0xa0: {  	s5 =	simm.s32 $_size__tile_overlayer_lowered;
	s6 =	simm.s32 $_tile_overlayer_lowered  }
0xa1: {  	s22 =	simm.s32 $0x1BFF;
	s21 =	sshll.u32 s6, $0x1;
	s3 =	sadd.s32 s19, s18  }
0xa2: {  	s7 =	simm.s32 $0x0;
	s20 =	sshll.u32 s5, $0x1;
	s5 =	sadd.s32 s21, s3  }
0xa3: {  	[timem:s7], [sflag:s22] =	dma.local [hbm:s5], s20  }
0xa4: {  	_ =	swait.ge [sflag:s22], s20  }
0xa5: {  	s4 =	ssub.s32 $0x0, s20;
	[sflag:s22] =	ssyncset.done $0x0  }
0xa6: {  	[sflag:s22] =	ssyncadd.s32 s4;
	_ =	sdelay $0x1  }
0xa7: {  	s23 =	simm.s32 $0x1B8B  }
0xa8: {  	_ =	swait.ge [sflag:s23], $0x1  }
0xa9: {  	[sflag:s23] =	ssyncset.done $0x0  }
0xaa: {  	s25 =	simm.s32 $0x1B8E;
	s24 =	sld [smem:$0x3FFE];
	[sflag:s23] =	ssyncadd.s32 $0xFFFFFFFF  }
0xab: {  	s26 =	simm.s32 $execute0_lowered;
	[smem:$0x3FD2] =	sst s25  }
0xac: {  	s5 =	sshll.u32 s26, $0x1;
	_ =	strace $0x80000046;
	[dreg:$0x1] =	wrdreg $0xFFFFFFFF  }
0xad: {  	s28 =	simm.s32 $_size_execute0_lowered;
	s3 =	sadd.s32 s3, s5;
	[dreg:$0x0] =	wrdreg $0x0  }
0xae: {  	s5 =	sshll.u32 s28, $0x1;
	[dreg:$0x2] =	wrdreg s3  }
0xaf: {  	[dreg:$0x3] =	wrdreg s5  }
0xb0: {  	[dreg:$0x4] =	wrdreg $0xC0  }
0xb1: {  	_ =	task [dreg:s7], $0x5FFFF  }
0xb2: {  	[dreg:$0x1] =	wrdreg $0xFFFFFFFF  }
0xb3: {  	[dreg:$0x0] =	wrdreg $0x60  }
0xb4: {  	[dreg:$0x2] =	wrdreg s16  }
0xb5: {  	[dreg:$0x3] =	wrdreg s24  }
0xb6: {  	[dreg:$0x4] =	wrdreg $0x0  }
0xb7: {  	[dreg:$0x5] =	wrdreg $0x9  }
0xb8: {  	_ =	task.clear_ibuf [dreg:s7], $0x6FFFF;
	_ =	strace $0x90000046  }
0xb9: {  	s29 =	simm.s32 $0x9;
	_ =	strace $0x80000048  }
0xba: {  	_ =	swait.ge [sflag:s29], $0x1  }
0xbb: {  	[sflag:s29] =	ssyncadd.s32 $0xFFFFFFFF  }
0xbc: {  	_ =	strace $0x90000048  }
0xbd: {  	_ =	sfence  }
0xbe: {  	s30 =	sld [smem:$0x0];
	_ =	sdelay $0x2  }
0xbf: {  	s31 =	sshll.u32 s1, $0xD;
	s1 =	sshrl.u32 s1, $0x2  }
0xc0: {  	s3 =	sand.u32 $0x4000, s31;
	s1 =	sadd.s32 s1, s30  }
0xc1: {  	s0 =	sor.u32 s3, s0;
	s1 =	sshll.u32 s1, $0x11  }
0xc2: {  	s0 =	sor.u32 s1, s0  }
0xc3: {  	s0 =	sadd.s32 $0x8F2B, s0  }
0xc4: {  	[sflag:s0] =	ssyncadd.remote.s32 $0x1  }
0xc5: {  	_ =	sfence.sel $0xFFFF  }
0xc6: {  	[dreg:$0x0] =	wrdreg $0xFFFFFFFF;
	(pc) =	sbr.abs _section_cstart, $3  }
0xc7: {  	[dreg:$0x1] =	wrdreg $0xFFFFFFFF  }
0xc8: {  	_ =	task.clear_ibuf [dreg:s7], $0x2FFFF;
	_ =	strace $0x9FFFFFFF  }
0xc9: {  	(tm) =	ssettm $0x7FFFFFFF  }
tec
execute0_lowered:
.L_overlay_start_1:
0x0: {  	(tag) =	ssettag $0x1  }
0x1: {  	s0 =	rddreg [dreg:$0x0]  }
0x2: {  	s1 =	rddreg [dreg:$0x1]  }
0x3: {  	s2 =	rddreg [dreg:$0x2];
	s4 =	srdreg.scid  }
0x4: {  	s9 =	stileid.u32;
	s3 =	simm.s32 $0x0;
	s10 =	simm.s32 $0x14000  }
0x5: {  	s11 =	simm.s32 $0x1;
	s13 =	simm.s32 $0x18000;
	s14 =	simm.s32 $0x80  }
0x6: {  	s15 =	simm.s32 $0x18080;
	s16 =	simm.s32 $0x18100;
	s17 =	simm.s32 $0x18180  }
0x7: {  	s18 =	simm.s32 $0x18200;
	s19 =	simm.s32 $0x18280;
	s20 =	simm.s32 $0x18300  }
0x8: {  	s28 =	simm.s32 $0x18600;
	s29 =	simm.s32 $0x18680;
	s21 =	smul.u32 $0x50000, s9  }
0x9: {  	s30 =	simm.s32 $0x18700;
	s5 =	sand.u32 $0x1, s4;
	s26 =	smul.u32 $0xA00, s9  }
0xa: {  	s31 =	simm.s32 $0x18780;
	[smem:$0x7FF] =	sst s3;
	s6 =	smul.u32 $0x28000, s5  }
0xb: {  	_ =	strace $0x80000047;
	s7 =	ssub.s32 $0x2, s5;
	s5 =	smul.u32 $0xA000, s5  }
0xc: {  	s4 =	sshrl.u32 s21, $0x2;
	s22 =	sshrl.u32 s7, $0x1;
	s21 =	simm.s32 $0x18380  }
0xd: {  	s1 =	sadd.s32 s6, s1;
	s4 =	sadd.s32 s4, s2;
	s6 =	ssub.s32 s7, s22  }
0xe: {  	s0 =	sadd.s32 s0, s5;
	s22 =	simm.s32 $0x18400;
	s23 =	sadd.s32 $0x4000, s4  }
0xf: {  	s24 =	sadd.s32 $0x8000, s4;
	s25 =	sadd.s32 $0xC000, s4;
	s8 =	sadd.s32 $0x10000, s4  }
0x10: {  	s1 =	sadd.s32 $0x18400, s1;
	s12 =	sadd.s32 s0, s26;
	[dreg:$0x4] =	wrdreg s23  }
0x11: {  	s26 =	simm.s32 $0x18580;
	[dreg:$0x5] =	wrdreg s24;
	s24 =	smul.u32 $0x2800, s9  }
0x12: {  	s0 =	simm.s32 $0x0;
	[dreg:$0x6] =	wrdreg s25;
	s9 =	smax.u32 s6, $0x1  }
0x13: {  	v0 =	vimm.f32 $0.0e+00;
	v1 =	vimm.f32 $1.000000000e+00;
	s23 =	simm.s32 $0x18480;
	s25 =	simm.s32 $0x18500;
	s24 =	sadd.s32 s24, s1  }
.LBB2_1:
0x14: {  	s1 =	simm.s32 $0x0;
	s5 =	simm.s32 $0x200  }
.LBB2_2:
0x15: {  	p0 =	sne.s32 s5, $0xFE00;
	[tilespmem:s1+$0x14070] =	vst v0  }
0x16: {  	[tilespmem:s1+$0x14000] =	vst v0  }
0x17: {  	[tilespmem:s1+$0x14010] =	vst v0  }
.Ltmp0:
0x18: {  	[tilespmem:s1+$0x14020] =	vst v0;
	(pc) =	sbr.rel @p0 .LBB2_2-.Ltmp0, $4  }
0x19: {  	[tilespmem:s1+$0x14030] =	vst v0  }
0x1a: {  	[tilespmem:s1+$0x14040] =	vst v0  }
0x1b: {  	[tilespmem:s1+$0x14050] =	vst v0  }
0x1c: {  	[tilespmem:s1+$0x14060] =	vst v0;
	s1 =	sshra.s32 s5, $0x2;
	s5 =	sadd.s32 $0x200, s5  }
0x1d: {  	[tilespmem:s1+$0x14070] =	vst v0  }
0x1e: {  	[tilespmem:s1+$0x14000] =	vst v0  }
0x1f: {  	[tilespmem:s1+$0x14010] =	vst v0  }
0x20: {  	[tilespmem:s1+$0x14020] =	vst v0  }
0x21: {  	[tilespmem:s1+$0x14030] =	vst v0  }
0x22: {  	[tilespmem:s1+$0x14040] =	vst v0  }
0x23: {  	[tilespmem:s1+$0x14050] =	vst v0  }
0x24: {  	[tilespmem:s1+$0x14060] =	vst v0  }
0x25: {  	[spmem:s4] =	stream.linear.scatter [tilespmem:s10], [sflag:$0x1], $0x4000, $0x38;
	[tilespmem:$0x18800] =	vst v63  }
0x26: {  	_ =	swait.ge [sflag:s11], $0x4000  }
0x27: {  	[sflag:s11] =	ssyncset.done $0x0  }
0x28: {  	s5 =	rddreg [dreg:$0x4];
	[sflag:s11] =	ssyncadd.s32 $0xFFFFC000  }
0x29: {  	[spmem:s5] =	stream.linear.scatter [tilespmem:s10], [sflag:$0x1], $0x4000, $0x38;
	[tilespmem:$0x18800] =	vst v63  }
0x2a: {  	_ =	swait.ge [sflag:s11], $0x4000  }
0x2b: {  	[sflag:s11] =	ssyncset.done $0x0  }
0x2c: {  	s6 =	rddreg [dreg:$0x5];
	[sflag:s11] =	ssyncadd.s32 $0xFFFFC000  }
0x2d: {  	[spmem:s6] =	stream.linear.scatter [tilespmem:s10], [sflag:$0x1], $0x4000, $0x38;
	[tilespmem:$0x18800] =	vst v63  }
0x2e: {  	_ =	swait.ge [sflag:s11], $0x4000  }
0x2f: {  	[sflag:s11] =	ssyncset.done $0x0  }
0x30: {  	s7 =	rddreg [dreg:$0x6];
	[sflag:s11] =	ssyncadd.s32 $0xFFFFC000  }
0x31: {  	[spmem:s7] =	stream.linear.scatter [tilespmem:s10], [sflag:$0x1], $0x4000, $0x38;
	[tilespmem:$0x18800] =	vst v63  }
0x32: {  	_ =	swait.ge [sflag:s11], $0x4000  }
0x33: {  	[sflag:s11] =	ssyncset.done $0x0  }
0x34: {  	[sflag:s11] =	ssyncadd.s32 $0xFFFFC000  }
0x35: {  	[spmem:s8] =	stream.linear.scatter [tilespmem:s10], [sflag:$0x1], $0x4000, $0x38;
	[tilespmem:$0x18800] =	vst v63  }
0x36: {  	_ =	swait.ge [sflag:s11], $0x4000  }
0x37: {  	[sflag:s11] =	ssyncset.done $0x0  }
0x38: {  	s1 =	simm.s32 $0x0;
	s5 =	simm.s32 $0x200;
	[sflag:s11] =	ssyncadd.s32 $0xFFFFC000  }
.LBB2_4:
0x39: {  	p0 =	sne.s32 s5, $0xFE00;
	[tilespmem:s1+$0x14070] =	vst v1  }
0x3a: {  	[tilespmem:s1+$0x14000] =	vst v1  }
0x3b: {  	[tilespmem:s1+$0x14010] =	vst v1  }
.Ltmp1:
0x3c: {  	[tilespmem:s1+$0x14020] =	vst v1;
	(pc) =	sbr.rel @p0 .LBB2_4-.Ltmp1, $4  }
0x3d: {  	[tilespmem:s1+$0x14030] =	vst v1  }
0x3e: {  	[tilespmem:s1+$0x14040] =	vst v1  }
0x3f: {  	[tilespmem:s1+$0x14050] =	vst v1  }
0x40: {  	[tilespmem:s1+$0x14060] =	vst v1;
	s1 =	sshra.s32 s5, $0x2;
	s5 =	sadd.s32 $0x200, s5  }
0x41: {  	[tilespmem:s1+$0x14070] =	vst v1  }
0x42: {  	[tilespmem:s1+$0x14000] =	vst v1  }
0x43: {  	[tilespmem:s1+$0x14010] =	vst v1  }
0x44: {  	[tilespmem:s1+$0x14020] =	vst v1  }
0x45: {  	[tilespmem:s1+$0x14030] =	vst v1  }
0x46: {  	[tilespmem:s1+$0x14040] =	vst v1  }
0x47: {  	[tilespmem:s1+$0x14050] =	vst v1  }
0x48: {  	[tilespmem:s1+$0x14060] =	vst v1  }
0x49: {  	s7 =	sadd.s32 $0x0, s12;
	[bflag:$0x0] =	sbarrier.arrive $0xFFFF  }
0x4a: {  	[tilespmem:s13], [sflag:$0x1] =	stream.linear.gather [hbm4b:s7+s3], $0x800, $0x38;
	[tilespmem:$0x18800] =	vst v63  }
0x4b: {  	_ =	swait.ge [sflag:s11], $0x800  }
0x4c: {  	[sflag:s11] =	ssyncset.done $0x0  }
0x4d: {  	[sflag:s11] =	ssyncadd.s32 $0xFFFFF800  }
0x4e: {  	[spmem:s2] =	stream.indirect.scatter.add.f32 [tilespmem:s10], [sflag:$0x1], $0x80, s13, s14, $0xb8;
	[tilespmem:$0x18800] =	vst v63  }
0x4f: {  	_ =	swait.ge [sflag:s11], $0x4000  }
0x50: {  	[sflag:s11] =	ssyncset.done $0x0  }
0x51: {  	[sflag:s11] =	ssyncadd.s32 $0xFFFFC000  }
0x52: {  	[spmem:s2] =	stream.indirect.scatter.add.f32 [tilespmem:s10], [sflag:$0x1], $0x80, s15, s14, $0xb8;
	[tilespmem:$0x18800] =	vst v63  }
0x53: {  	_ =	swait.ge [sflag:s11], $0x4000  }
0x54: {  	[sflag:s11] =	ssyncset.done $0x0  }
0x55: {  	[sflag:s11] =	ssyncadd.s32 $0xFFFFC000  }
0x56: {  	[spmem:s2] =	stream.indirect.scatter.add.f32 [tilespmem:s10], [sflag:$0x1], $0x80, s16, s14, $0xb8;
	[tilespmem:$0x18800] =	vst v63  }
0x57: {  	_ =	swait.ge [sflag:s11], $0x4000  }
0x58: {  	[sflag:s11] =	ssyncset.done $0x0  }
0x59: {  	[sflag:s11] =	ssyncadd.s32 $0xFFFFC000  }
0x5a: {  	[spmem:s2] =	stream.indirect.scatter.add.f32 [tilespmem:s10], [sflag:$0x1], $0x80, s17, s14, $0xb8;
	[tilespmem:$0x18800] =	vst v63  }
0x5b: {  	_ =	swait.ge [sflag:s11], $0x4000  }
0x5c: {  	[sflag:s11] =	ssyncset.done $0x0  }
0x5d: {  	[sflag:s11] =	ssyncadd.s32 $0xFFFFC000  }
0x5e: {  	[spmem:s2] =	stream.indirect.scatter.add.f32 [tilespmem:s10], [sflag:$0x1], $0x80, s18, s14, $0xb8;
	[tilespmem:$0x18800] =	vst v63  }
0x5f: {  	_ =	swait.ge [sflag:s11], $0x4000  }
0x60: {  	[sflag:s11] =	ssyncset.done $0x0  }
0x61: {  	[sflag:s11] =	ssyncadd.s32 $0xFFFFC000  }
0x62: {  	[spmem:s2] =	stream.indirect.scatter.add.f32 [tilespmem:s10], [sflag:$0x1], $0x80, s19, s14, $0xb8;
	[tilespmem:$0x18800] =	vst v63  }
0x63: {  	_ =	swait.ge [sflag:s11], $0x4000  }
0x64: {  	[sflag:s11] =	ssyncset.done $0x0  }
0x65: {  	[sflag:s11] =	ssyncadd.s32 $0xFFFFC000  }
0x66: {  	[spmem:s2] =	stream.indirect.scatter.add.f32 [tilespmem:s10], [sflag:$0x1], $0x80, s20, s14, $0xb8;
	[tilespmem:$0x18800] =	vst v63  }
0x67: {  	_ =	swait.ge [sflag:s11], $0x4000  }
0x68: {  	[sflag:s11] =	ssyncset.done $0x0  }
0x69: {  	[sflag:s11] =	ssyncadd.s32 $0xFFFFC000  }
0x6a: {  	[spmem:s2] =	stream.indirect.scatter.add.f32 [tilespmem:s10], [sflag:$0x1], $0x80, s21, s14, $0xb8;
	[tilespmem:$0x18800] =	vst v63  }
0x6b: {  	_ =	swait.ge [sflag:s11], $0x4000  }
0x6c: {  	[sflag:s11] =	ssyncset.done $0x0  }
0x6d: {  	[sflag:s11] =	ssyncadd.s32 $0xFFFFC000  }
0x6e: {  	[spmem:s2] =	stream.indirect.scatter.add.f32 [tilespmem:s10], [sflag:$0x1], $0x80, s22, s14, $0xb8;
	[tilespmem:$0x18800] =	vst v63  }
0x6f: {  	_ =	swait.ge [sflag:s11], $0x4000  }
0x70: {  	[sflag:s11] =	ssyncset.done $0x0  }
0x71: {  	[sflag:s11] =	ssyncadd.s32 $0xFFFFC000  }
0x72: {  	[spmem:s2] =	stream.indirect.scatter.add.f32 [tilespmem:s10], [sflag:$0x1], $0x80, s23, s14, $0xb8;
	[tilespmem:$0x18800] =	vst v63  }
0x73: {  	_ =	swait.ge [sflag:s11], $0x4000  }
0x74: {  	[sflag:s11] =	ssyncset.done $0x0  }
0x75: {  	[sflag:s11] =	ssyncadd.s32 $0xFFFFC000  }
0x76: {  	[spmem:s2] =	stream.indirect.scatter.add.f32 [tilespmem:s10], [sflag:$0x1], $0x80, s25, s14, $0xb8;
	[tilespmem:$0x18800] =	vst v63  }
0x77: {  	_ =	swait.ge [sflag:s11], $0x4000  }
0x78: {  	[sflag:s11] =	ssyncset.done $0x0  }
0x79: {  	[sflag:s11] =	ssyncadd.s32 $0xFFFFC000  }
0x7a: {  	[spmem:s2] =	stream.indirect.scatter.add.f32 [tilespmem:s10], [sflag:$0x1], $0x80, s26, s14, $0xb8;
	[tilespmem:$0x18800] =	vst v63  }
0x7b: {  	_ =	swait.ge [sflag:s11], $0x4000  }
0x7c: {  	[sflag:s11] =	ssyncset.done $0x0  }
0x7d: {  	[sflag:s11] =	ssyncadd.s32 $0xFFFFC000  }
0x7e: {  	[spmem:s2] =	stream.indirect.scatter.add.f32 [tilespmem:s10], [sflag:$0x1], $0x80, s28, s14, $0xb8;
	[tilespmem:$0x18800] =	vst v63  }
0x7f: {  	_ =	swait.ge [sflag:s11], $0x4000  }
0x80: {  	[sflag:s11] =	ssyncset.done $0x0  }
0x81: {  	[sflag:s11] =	ssyncadd.s32 $0xFFFFC000  }
0x82: {  	[spmem:s2] =	stream.indirect.scatter.add.f32 [tilespmem:s10], [sflag:$0x1], $0x80, s29, s14, $0xb8;
	[tilespmem:$0x18800] =	vst v63  }
0x83: {  	_ =	swait.ge [sflag:s11], $0x4000  }
0x84: {  	[sflag:s11] =	ssyncset.done $0x0  }
0x85: {  	[sflag:s11] =	ssyncadd.s32 $0xFFFFC000  }
0x86: {  	[spmem:s2] =	stream.indirect.scatter.add.f32 [tilespmem:s10], [sflag:$0x1], $0x80, s30, s14, $0xb8;
	[tilespmem:$0x18800] =	vst v63  }
0x87: {  	_ =	swait.ge [sflag:s11], $0x4000  }
0x88: {  	[sflag:s11] =	ssyncset.done $0x0  }
0x89: {  	[sflag:s11] =	ssyncadd.s32 $0xFFFFC000  }
0x8a: {  	[spmem:s2] =	stream.indirect.scatter.add.f32 [tilespmem:s10], [sflag:$0x1], $0x80, s31, s14, $0xb8;
	[tilespmem:$0x18800] =	vst v63  }
0x8b: {  	_ =	swait.ge [sflag:s11], $0x4000  }
0x8c: {  	s1 =	simm.s32 $0x100;
	s5 =	simm.s32 $0x200;
	[sflag:s11] =	ssyncset.done $0x0  }
.LBB2_6:
0x8d: {  	s7 =	sadd.s32 s1, s12  }
0x8e: {  	[sflag:s11] =	ssyncadd.s32 $0xFFFFC000;
	s1 =	smov.u32 s5;
	s6 =	sadd.s32 $0x100, s5  }
0x8f: {  	[tilespmem:s13], [sflag:$0x1] =	stream.linear.gather [hbm4b:s7+s3], $0x800, $0x38;
	[tilespmem:$0x18800] =	vst v63  }
0x90: {  	p0 =	sne.s32 s5, $0x900;
	_ =	swait.ge [sflag:s11], $0x800  }
0x91: {  	[sflag:s11] =	ssyncset.done $0x0  }
0x92: {  	[sflag:s11] =	ssyncadd.s32 $0xFFFFF800  }
0x93: {  	[spmem:s2] =	stream.indirect.scatter.add.f32 [tilespmem:s10], [sflag:$0x1], $0x80, s13, s14, $0xb8;
	[tilespmem:$0x18800] =	vst v63  }
0x94: {  	_ =	swait.ge [sflag:s11], $0x4000  }
0x95: {  	[sflag:s11] =	ssyncset.done $0x0  }
0x96: {  	[sflag:s11] =	ssyncadd.s32 $0xFFFFC000  }
0x97: {  	[spmem:s2] =	stream.indirect.scatter.add.f32 [tilespmem:s10], [sflag:$0x1], $0x80, s15, s14, $0xb8;
	[tilespmem:$0x18800] =	vst v63  }
0x98: {  	_ =	swait.ge [sflag:s11], $0x4000  }
0x99: {  	[sflag:s11] =	ssyncset.done $0x0  }
0x9a: {  	[sflag:s11] =	ssyncadd.s32 $0xFFFFC000  }
0x9b: {  	[spmem:s2] =	stream.indirect.scatter.add.f32 [tilespmem:s10], [sflag:$0x1], $0x80, s16, s14, $0xb8;
	[tilespmem:$0x18800] =	vst v63  }
0x9c: {  	_ =	swait.ge [sflag:s11], $0x4000  }
0x9d: {  	[sflag:s11] =	ssyncset.done $0x0  }
0x9e: {  	[sflag:s11] =	ssyncadd.s32 $0xFFFFC000  }
0x9f: {  	[spmem:s2] =	stream.indirect.scatter.add.f32 [tilespmem:s10], [sflag:$0x1], $0x80, s17, s14, $0xb8;
	[tilespmem:$0x18800] =	vst v63  }
0xa0: {  	_ =	swait.ge [sflag:s11], $0x4000  }
0xa1: {  	[sflag:s11] =	ssyncset.done $0x0  }
0xa2: {  	[sflag:s11] =	ssyncadd.s32 $0xFFFFC000  }
0xa3: {  	[spmem:s2] =	stream.indirect.scatter.add.f32 [tilespmem:s10], [sflag:$0x1], $0x80, s18, s14, $0xb8;
	[tilespmem:$0x18800] =	vst v63  }
0xa4: {  	_ =	swait.ge [sflag:s11], $0x4000  }
0xa5: {  	[sflag:s11] =	ssyncset.done $0x0  }
0xa6: {  	[sflag:s11] =	ssyncadd.s32 $0xFFFFC000  }
0xa7: {  	[spmem:s2] =	stream.indirect.scatter.add.f32 [tilespmem:s10], [sflag:$0x1], $0x80, s19, s14, $0xb8;
	[tilespmem:$0x18800] =	vst v63  }
0xa8: {  	_ =	swait.ge [sflag:s11], $0x4000  }
0xa9: {  	[sflag:s11] =	ssyncset.done $0x0  }
0xaa: {  	[sflag:s11] =	ssyncadd.s32 $0xFFFFC000  }
0xab: {  	[spmem:s2] =	stream.indirect.scatter.add.f32 [tilespmem:s10], [sflag:$0x1], $0x80, s20, s14, $0xb8;
	[tilespmem:$0x18800] =	vst v63  }
0xac: {  	_ =	swait.ge [sflag:s11], $0x4000  }
0xad: {  	[sflag:s11] =	ssyncset.done $0x0  }
0xae: {  	[sflag:s11] =	ssyncadd.s32 $0xFFFFC000  }
0xaf: {  	[spmem:s2] =	stream.indirect.scatter.add.f32 [tilespmem:s10], [sflag:$0x1], $0x80, s21, s14, $0xb8;
	[tilespmem:$0x18800] =	vst v63  }
0xb0: {  	_ =	swait.ge [sflag:s11], $0x4000  }
0xb1: {  	[sflag:s11] =	ssyncset.done $0x0  }
0xb2: {  	[sflag:s11] =	ssyncadd.s32 $0xFFFFC000  }
0xb3: {  	[spmem:s2] =	stream.indirect.scatter.add.f32 [tilespmem:s10], [sflag:$0x1], $0x80, s22, s14, $0xb8;
	[tilespmem:$0x18800] =	vst v63  }
0xb4: {  	_ =	swait.ge [sflag:s11], $0x4000  }
0xb5: {  	[sflag:s11] =	ssyncset.done $0x0  }
0xb6: {  	[sflag:s11] =	ssyncadd.s32 $0xFFFFC000  }
0xb7: {  	[spmem:s2] =	stream.indirect.scatter.add.f32 [tilespmem:s10], [sflag:$0x1], $0x80, s23, s14, $0xb8;
	[tilespmem:$0x18800] =	vst v63  }
0xb8: {  	_ =	swait.ge [sflag:s11], $0x4000  }
0xb9: {  	[sflag:s11] =	ssyncset.done $0x0  }
0xba: {  	[sflag:s11] =	ssyncadd.s32 $0xFFFFC000  }
0xbb: {  	[spmem:s2] =	stream.indirect.scatter.add.f32 [tilespmem:s10], [sflag:$0x1], $0x80, s25, s14, $0xb8;
	[tilespmem:$0x18800] =	vst v63  }
0xbc: {  	_ =	swait.ge [sflag:s11], $0x4000  }
0xbd: {  	[sflag:s11] =	ssyncset.done $0x0  }
0xbe: {  	[sflag:s11] =	ssyncadd.s32 $0xFFFFC000  }
0xbf: {  	[spmem:s2] =	stream.indirect.scatter.add.f32 [tilespmem:s10], [sflag:$0x1], $0x80, s26, s14, $0xb8;
	[tilespmem:$0x18800] =	vst v63  }
0xc0: {  	_ =	swait.ge [sflag:s11], $0x4000  }
0xc1: {  	[sflag:s11] =	ssyncset.done $0x0  }
0xc2: {  	[sflag:s11] =	ssyncadd.s32 $0xFFFFC000  }
0xc3: {  	[spmem:s2] =	stream.indirect.scatter.add.f32 [tilespmem:s10], [sflag:$0x1], $0x80, s28, s14, $0xb8;
	[tilespmem:$0x18800] =	vst v63  }
0xc4: {  	_ =	swait.ge [sflag:s11], $0x4000  }
0xc5: {  	[sflag:s11] =	ssyncset.done $0x0  }
0xc6: {  	[sflag:s11] =	ssyncadd.s32 $0xFFFFC000  }
0xc7: {  	[spmem:s2] =	stream.indirect.scatter.add.f32 [tilespmem:s10], [sflag:$0x1], $0x80, s29, s14, $0xb8;
	[tilespmem:$0x18800] =	vst v63  }
0xc8: {  	_ =	swait.ge [sflag:s11], $0x4000  }
0xc9: {  	[sflag:s11] =	ssyncset.done $0x0  }
0xca: {  	[sflag:s11] =	ssyncadd.s32 $0xFFFFC000  }
0xcb: {  	[spmem:s2] =	stream.indirect.scatter.add.f32 [tilespmem:s10], [sflag:$0x1], $0x80, s30, s14, $0xb8;
	[tilespmem:$0x18800] =	vst v63  }
0xcc: {  	_ =	swait.ge [sflag:s11], $0x4000  }
.Ltmp2:
0xcd: {  	[sflag:s11] =	ssyncset.done $0x0;
	(pc) =	sbr.rel @p0 .LBB2_6-.Ltmp2, $4  }
0xce: {  	[sflag:s11] =	ssyncadd.s32 $0xFFFFC000  }
0xcf: {  	[spmem:s2] =	stream.indirect.scatter.add.f32 [tilespmem:s10], [sflag:$0x1], $0x80, s31, s14, $0xb8;
	[tilespmem:$0x18800] =	vst v63  }
0xd0: {  	_ =	swait.ge [sflag:s11], $0x4000  }
0xd1: {  	s5 =	smov.u32 s6;
	[sflag:s11] =	ssyncset.done $0x0  }
0xd2: {  	s1 =	sadd.s32 s1, s12;
	[sflag:s11] =	ssyncadd.s32 $0xFFFFC000  }
0xd3: {  	[tilespmem:s13], [sflag:$0x1] =	stream.linear.gather [hbm4b:s1+s3], $0x800, $0x38;
	[tilespmem:$0x18800] =	vst v63  }
0xd4: {  	_ =	swait.ge [sflag:s11], $0x800  }
0xd5: {  	[sflag:s11] =	ssyncset.done $0x0  }
0xd6: {  	[sflag:s11] =	ssyncadd.s32 $0xFFFFF800  }
0xd7: {  	[spmem:s2] =	stream.indirect.scatter.add.f32 [tilespmem:s10], [sflag:$0x1], $0x80, s13, s14, $0xb8;
	[tilespmem:$0x18800] =	vst v63  }
0xd8: {  	_ =	swait.ge [sflag:s11], $0x4000  }
0xd9: {  	[sflag:s11] =	ssyncset.done $0x0  }
0xda: {  	[sflag:s11] =	ssyncadd.s32 $0xFFFFC000  }
0xdb: {  	[spmem:s2] =	stream.indirect.scatter.add.f32 [tilespmem:s10], [sflag:$0x1], $0x80, s15, s14, $0xb8;
	[tilespmem:$0x18800] =	vst v63  }
0xdc: {  	_ =	swait.ge [sflag:s11], $0x4000  }
0xdd: {  	[sflag:s11] =	ssyncset.done $0x0  }
0xde: {  	[sflag:s11] =	ssyncadd.s32 $0xFFFFC000  }
0xdf: {  	[spmem:s2] =	stream.indirect.scatter.add.f32 [tilespmem:s10], [sflag:$0x1], $0x80, s16, s14, $0xb8;
	[tilespmem:$0x18800] =	vst v63  }
0xe0: {  	_ =	swait.ge [sflag:s11], $0x4000  }
0xe1: {  	[sflag:s11] =	ssyncset.done $0x0  }
0xe2: {  	[sflag:s11] =	ssyncadd.s32 $0xFFFFC000  }
0xe3: {  	[spmem:s2] =	stream.indirect.scatter.add.f32 [tilespmem:s10], [sflag:$0x1], $0x80, s17, s14, $0xb8;
	[tilespmem:$0x18800] =	vst v63  }
0xe4: {  	_ =	swait.ge [sflag:s11], $0x4000  }
0xe5: {  	[sflag:s11] =	ssyncset.done $0x0  }
0xe6: {  	[sflag:s11] =	ssyncadd.s32 $0xFFFFC000  }
0xe7: {  	[spmem:s2] =	stream.indirect.scatter.add.f32 [tilespmem:s10], [sflag:$0x1], $0x80, s18, s14, $0xb8;
	[tilespmem:$0x18800] =	vst v63  }
0xe8: {  	_ =	swait.ge [sflag:s11], $0x4000  }
0xe9: {  	[sflag:s11] =	ssyncset.done $0x0  }
0xea: {  	[sflag:s11] =	ssyncadd.s32 $0xFFFFC000  }
0xeb: {  	[spmem:s2] =	stream.indirect.scatter.add.f32 [tilespmem:s10], [sflag:$0x1], $0x80, s19, s14, $0xb8;
	[tilespmem:$0x18800] =	vst v63  }
0xec: {  	_ =	swait.ge [sflag:s11], $0x4000  }
0xed: {  	[sflag:s11] =	ssyncset.done $0x0  }
0xee: {  	[sflag:s11] =	ssyncadd.s32 $0xFFFFC000  }
0xef: {  	[spmem:s2] =	stream.indirect.scatter.add.f32 [tilespmem:s10], [sflag:$0x1], $0x80, s20, s14, $0xb8;
	[tilespmem:$0x18800] =	vst v63  }
0xf0: {  	_ =	swait.ge [sflag:s11], $0x4000  }
0xf1: {  	[sflag:s11] =	ssyncset.done $0x0  }
0xf2: {  	[sflag:s11] =	ssyncadd.s32 $0xFFFFC000  }
0xf3: {  	[spmem:s2] =	stream.indirect.scatter.add.f32 [tilespmem:s10], [sflag:$0x1], $0x80, s21, s14, $0xb8;
	[tilespmem:$0x18800] =	vst v63  }
0xf4: {  	_ =	swait.ge [sflag:s11], $0x4000  }
0xf5: {  	[sflag:s11] =	ssyncset.done $0x0  }
0xf6: {  	[sflag:s11] =	ssyncadd.s32 $0xFFFFC000  }
0xf7: {  	[spmem:s2] =	stream.indirect.scatter.add.f32 [tilespmem:s10], [sflag:$0x1], $0x80, s22, s14, $0xb8;
	[tilespmem:$0x18800] =	vst v63  }
0xf8: {  	_ =	swait.ge [sflag:s11], $0x4000  }
0xf9: {  	[sflag:s11] =	ssyncset.done $0x0  }
0xfa: {  	[sflag:s11] =	ssyncadd.s32 $0xFFFFC000  }
0xfb: {  	[spmem:s2] =	stream.indirect.scatter.add.f32 [tilespmem:s10], [sflag:$0x1], $0x80, s23, s14, $0xb8;
	[tilespmem:$0x18800] =	vst v63  }
0xfc: {  	_ =	swait.ge [sflag:s11], $0x4000  }
0xfd: {  	[sflag:s11] =	ssyncset.done $0x0  }
0xfe: {  	[sflag:s11] =	ssyncadd.s32 $0xFFFFC000  }
0xff: {  	[spmem:s2] =	stream.indirect.scatter.add.f32 [tilespmem:s10], [sflag:$0x1], $0x80, s25, s14, $0xb8;
	[tilespmem:$0x18800] =	vst v63  }
0x100: {  	_ =	swait.ge [sflag:s11], $0x4000  }
0x101: {  	[sflag:s11] =	ssyncset.done $0x0  }
0x102: {  	[sflag:s11] =	ssyncadd.s32 $0xFFFFC000  }
0x103: {  	[spmem:s2] =	stream.indirect.scatter.add.f32 [tilespmem:s10], [sflag:$0x1], $0x80, s26, s14, $0xb8;
	[tilespmem:$0x18800] =	vst v63  }
0x104: {  	_ =	swait.ge [sflag:s11], $0x4000  }
0x105: {  	[sflag:s11] =	ssyncset.done $0x0  }
0x106: {  	[sflag:s11] =	ssyncadd.s32 $0xFFFFC000  }
0x107: {  	[spmem:s2] =	stream.indirect.scatter.add.f32 [tilespmem:s10], [sflag:$0x1], $0x80, s28, s14, $0xb8;
	[tilespmem:$0x18800] =	vst v63  }
0x108: {  	_ =	swait.ge [sflag:s11], $0x4000  }
0x109: {  	[sflag:s11] =	ssyncset.done $0x0  }
0x10a: {  	[sflag:s11] =	ssyncadd.s32 $0xFFFFC000  }
0x10b: {  	[spmem:s2] =	stream.indirect.scatter.add.f32 [tilespmem:s10], [sflag:$0x1], $0x80, s29, s14, $0xb8;
	[tilespmem:$0x18800] =	vst v63  }
0x10c: {  	_ =	swait.ge [sflag:s11], $0x4000  }
0x10d: {  	[sflag:s11] =	ssyncset.done $0x0  }
0x10e: {  	[sflag:s11] =	ssyncadd.s32 $0xFFFFC000  }
0x10f: {  	[spmem:s2] =	stream.indirect.scatter.add.f32 [tilespmem:s10], [sflag:$0x1], $0x80, s30, s14, $0xb8;
	[tilespmem:$0x18800] =	vst v63  }
0x110: {  	_ =	swait.ge [sflag:s11], $0x4000  }
0x111: {  	[sflag:s11] =	ssyncset.done $0x0  }
0x112: {  	[sflag:s11] =	ssyncadd.s32 $0xFFFFC000  }
0x113: {  	[spmem:s2] =	stream.indirect.scatter.add.f32 [tilespmem:s10], [sflag:$0x1], $0x80, s31, s14, $0xb8;
	[tilespmem:$0x18800] =	vst v63  }
0x114: {  	s7 =	stileid.u32;
	_ =	swait.ge [sflag:s11], $0x4000  }
0x115: {  	s5 =	sshrl.u32 s4, $0x3;
	s0 =	sadd.s32 $0x1, s0;
	[sflag:s11] =	ssyncset.done $0x0  }
0x116: {  	s1 =	sshll.u32 s7, $0x6;
	p0 =	sne.s32 s0, s9;
	[sflag:s11] =	ssyncadd.s32 $0xFFFFC000  }
.Ltmp3:
0x117: {  	s1 =	sor.u32 $0x1C01, s1;
	[bflag:$0x0] =	sbarrier.arrive $0xFFFF;
	(pc) =	sbr.rel @p0 .LBB2_1-.Ltmp3, $4  }
0x118: {  	[hbm:s24], [sflag:s1] =	dma.local [spmem:s5], $0x2800  }
0x119: {  	_ =	swait.ge [sflag:s11], $0x2800  }
0x11a: {  	[sflag:s11] =	ssyncset.done $0x0  }
0x11b: {  	[sflag:s11] =	ssyncadd.s32 $0xFFFFD800  }
0x11c: {  	_ =	sfence.sel $0x180000  }
0x11d: {  	[bflag:$0x0] =	sbarrier.arrive $0xFFFF  }
0x11e: {  	_ =	strace $0x90000047  }
0x11f: {  	s0 =	stileid.u32;
	[bflag:$0x2] =	sbarrier.arrive $0xFFFF  }
0x120: {  	p0 =	sne.s32 s0, $0x0;
	s0 =	rddreg [dreg:$0x3]  }
0x121: {  	s0 =	sadd.s32 @!p0 $0x100000, s0  }
0x122: {  	[sflag:s0] =	ssyncadd.tile.s32 @!p0 $0x1;
	_ =	shalt  }
.Lfunc_end2:
_tile_overlayer_lowered:
.L_overlay_start_2:
0x123: {  	(tag) =	ssettag $0x2  }
0x124: {  	s0 =	rddreg [dreg:$0x0];
	s2 =	stileid.u32  }
0x125: {  	s1 =	rddreg [dreg:$0x1];
	p0 =	sne.s32 s2, $0x0  }
0x126: {  	s3 =	rddreg [dreg:$0x2];
	[bflag:$0x3] =	sbarrier.arrive $0xFFFF;
	s2 =	simm.s32 @!p0 $0x1C01  }
0x127: {  	[timem:s3], [sflag:s2] =	dma.local @!p0 [hbm:s0], s1  }
0x128: {  	s0 =	simm.s32 @!p0 $0x1  }
0x129: {  	_ =	swait.ge @!p0 [sflag:s0], s1  }
0x12a: {  	s1 =	ssub.s32 @!p0 $0x0, s1;
	[sflag:s0] =	ssyncset.done @!p0 $0x0  }
0x12b: {  	[sflag:s0] =	ssyncadd.s32 @!p0 s1  }
0x12c: {  	[bflag:$0x3] =	sbarrier.arrive $0xFFFF  }
0x12d: {  	_ =	shalt  }

// kernel: kernel.15.cloned.1.call-start
scs
__scs_entry_jumppad:
0x0: {  	(pc) =	sbr.rel $0x88, $3  }
0x1: {  	(tag) =	ssettag $0x0;
	lr =	simm.s32 $0x1  }
0x2: {  	[smem:$0x3F97] =	sst lr;
	_ =	strace $0xD0000000  }
0x3: {  	_ = 	snop  }
0x4: {  	_ = 	snop  }
0x5: {  	_ = 	snop  }
0x6: {  	_ = 	snop  }
0x7: {  	_ = 	snop  }
__scs_overlays_trampoline_lowered:
0x8: {  	[smem:$0x3FA6] =	sst s0  }
0x9: {  	[smem:$0x3FA7] =	sst s1  }
0xa: {  	[smem:$0x3FA8] =	sst s2  }
0xb: {  	[smem:$0x3FA9] =	sst s3  }
0xc: {  	[smem:$0x3FAA] =	sst s4  }
0xd: {  	[smem:$0x3FAB] =	sst s5  }
0xe: {  	[smem:$0x3FAC] =	sst s6  }
0xf: {  	[smem:$0x3FAD] =	sst s7  }
0x10: {  	[smem:$0x3FAE] =	sst s8  }
0x11: {  	[smem:$0x3FAF] =	sst s9;
	s0 =	simm.s32 @!p0 $0x0  }
0x12: {  	s1 =	sld [smem:$0x3F95];
	s0 =	simm.s32 @p0 $0x1  }
0x13: {  	[smem:$0x3FB0] =	sst s0;
	s0 =	simm.s32 @!p1 $0x0  }
0x14: {  	s2 =	sld [smem:$0x3F94];
	s0 =	simm.s32 @p1 $0x1  }
0x15: {  	[smem:$0x3FB1] =	sst s0;
	s0 =	simm.s32 @!p2 $0x0  }
0x16: {  	s3 =	sld [smem:$0x3FDB];
	s0 =	simm.s32 @p2 $0x1  }
0x17: {  	s4 =	simm.s32 $0x1BF5;
	[smem:$0x3FB3] =	sst s0  }
0x18: {  	s0 =	sld [smem:$0x3F96];
	_ =	swait.ge [sflag:s4], $0x0  }
0x19: {  	s7 =	sld [smem:$0x3F97]  }
0x1a: {  	s8 =	sadd.s32 $0xFFFFE003, lr  }
0x1b: {  	s9 =	sadd.s32 $0xFFFFFEF7, lr;
	s5 =	simm.s32 $0xFFFFFFFF;
	p2 =	slt.u32 s8, $0xFFFFF086  }
0x1c: {  	p1 =	slt.u32 s9, $0xF7A;
	s5 =	simm.s32 @!p2 $0x0  }
0x1d: {  	s5 =	simm.s32 @p1 $0x1;
	p0 =	seq.s32 s7, s2  }
0x1e: {  	s7 =	smul.u32 @!p0 $0xF7A, s2;
	p2 =	seq.s32 @!p0 s5, $0x0  }
0x1f: {  	s9 =	smul.u32 $0xF7A, s1;
	s8 =	simm.s32 @!p0 $0x1BF5;
	p2 =	por !p2, p0  }
0x20: {  	[sflag:s8] =	ssyncset.s32 @!p0 $0xFFFFF086;
	s6 =	sadd.s32 @!p0 s3, s7;
	s7 =	simm.s32 @!p0 $0x108  }
0x21: {  	s3 =	sadd.s32 s3, s9;
	s6 =	sadd.s32 @!p0 $0x88, s6;
	s7 =	simm.s32 @p2 $0x1082  }
0x22: {  	[simem:s7], [sflag:s8] =	dma.local @!p0 [hbm:s6], $0xF7A  }
0x23: {  	s9 =	sor.u32 $0xD0000000, s2;
	s6 =	simm.s32 $0x108;
	_ =	swait.ge @!p0 [sflag:s8], $0x0  }
0x24: {  	s3 =	sadd.s32 $0x88, s3;
	s6 =	simm.s32 @!p1 $0x1082;
	[sflag:s4] =	ssyncset.s32 $0xFFFFF086  }
0x25: {  	[simem:s6], [sflag:s4] =	dma.local [hbm:s3], $0xF7A  }
0x26: {  	[smem:$0x3F97] =	sst s1;
	(tag) =	ssettag s2;
	_ =	strace s9  }
0x27: {  	s1 =	sld [smem:$0x3FA7]  }
0x28: {  	s2 =	sld [smem:$0x3FA8]  }
0x29: {  	s4 =	sld [smem:$0x3FAA]  }
0x2a: {  	p0 =	seq.s32 s5, $0x0;
	s5 =	sld [smem:$0x3FAB]  }
0x2b: {  	s6 =	sld [smem:$0x3FAC]  }
0x2c: {  	s7 =	sld [smem:$0x3FAD]  }
0x2d: {  	s3 =	simm.s32 $0x108;
	s8 =	sld [smem:$0x3FAE]  }
0x2e: {  	s3 =	simm.s32 @!p0 $0x1082;
	s9 =	sld [smem:$0x3FAF]  }
0x2f: {  	lr =	sadd.s32 s0, s3;
	s0 =	sld [smem:$0x3FA6]  }
0x30: {  	s3 =	sld [smem:$0x3FA9]  }
0x31: {  	[smem:$0x3FB2] =	sst s10  }
0x32: {  	s10 =	sld [smem:$0x3FB0];
	_ =	sdelay $0x3  }
0x33: {  	p0 =	seq.s32 s10, $0x1;
	s10 =	sld [smem:$0x3FB2];
	_ =	sdelay $0x3  }
0x34: {  	[smem:$0x3FB2] =	sst s10  }
0x35: {  	s10 =	sld [smem:$0x3FB1];
	_ =	sdelay $0x3  }
0x36: {  	p1 =	seq.s32 s10, $0x1;
	s10 =	sld [smem:$0x3FB2];
	_ =	sdelay $0x3  }
0x37: {  	[smem:$0x3FB2] =	sst s10  }
0x38: {  	s10 =	sld [smem:$0x3FB3]  }
0x39: {  	_ = 	snop;
	(pc) =	sbr.ind lr, $3  }
0x3a: {  	_ = 	snop  }
0x3b: {  	_ = 	snop  }
0x3c: {  	p2 =	seq.s32 s10, $0x1;
	s10 =	sld [smem:$0x3FB2]  }
0x3d: {  	_ =	shalt  }
0x3e: {  	_ =	shalt  }
0x3f: {  	_ =	shalt  }
0x40: {  	_ =	shalt  }
0x41: {  	_ =	shalt  }
0x42: {  	_ =	shalt  }
0x43: {  	_ =	shalt  }
0x44: {  	_ =	shalt  }
0x45: {  	_ =	shalt  }
0x46: {  	_ =	shalt  }
0x47: {  	_ =	shalt  }
0x48: {  	_ =	shalt  }
0x49: {  	_ =	shalt  }
0x4a: {  	_ =	shalt  }
0x4b: {  	_ =	shalt  }
0x4c: {  	_ =	shalt  }
0x4d: {  	_ =	shalt  }
0x4e: {  	_ =	shalt  }
0x4f: {  	_ =	shalt  }
0x50: {  	_ =	shalt  }
0x51: {  	_ =	shalt  }
0x52: {  	_ =	shalt  }
0x53: {  	_ =	shalt  }
0x54: {  	_ =	shalt  }
0x55: {  	_ =	shalt  }
0x56: {  	_ =	shalt  }
0x57: {  	_ =	shalt  }
0x58: {  	_ =	shalt  }
0x59: {  	_ =	shalt  }
0x5a: {  	_ =	shalt  }
0x5b: {  	_ =	shalt  }
0x5c: {  	_ =	shalt  }
0x5d: {  	_ =	shalt  }
0x5e: {  	_ =	shalt  }
0x5f: {  	_ =	shalt  }
0x60: {  	_ =	shalt  }
0x61: {  	_ =	shalt  }
0x62: {  	_ =	shalt  }
0x63: {  	_ =	shalt  }
0x64: {  	_ =	shalt  }
0x65: {  	_ =	shalt  }
0x66: {  	_ =	shalt  }
0x67: {  	_ =	shalt  }
0x68: {  	_ =	shalt  }
0x69: {  	_ =	shalt  }
0x6a: {  	_ =	shalt  }
0x6b: {  	_ =	shalt  }
0x6c: {  	_ =	shalt  }
0x6d: {  	_ =	shalt  }
0x6e: {  	_ =	shalt  }
0x6f: {  	_ =	shalt  }
0x70: {  	_ =	shalt  }
0x71: {  	_ =	shalt  }
0x72: {  	_ =	shalt  }
0x73: {  	_ =	shalt  }
0x74: {  	_ =	shalt  }
0x75: {  	_ =	shalt  }
0x76: {  	_ =	shalt  }
0x77: {  	_ =	shalt  }
0x78: {  	_ =	shalt  }
0x79: {  	_ =	shalt  }
0x7a: {  	_ =	shalt  }
0x7b: {  	_ =	shalt  }
0x7c: {  	_ =	shalt  }
0x7d: {  	_ =	shalt  }
0x7e: {  	_ =	shalt  }
0x7f: {  	_ =	shalt  }
0x80: {  	_ =	shalt  }
0x81: {  	_ =	shalt  }
0x82: {  	_ =	shalt  }
0x83: {  	_ =	shalt  }
0x84: {  	_ =	shalt  }
0x85: {  	_ =	shalt  }
0x86: {  	_ =	shalt  }
0x87: {  	_ =	shalt  }
.Lfunc_end0:
.L_simem_size_0:
called_computation.1_lowered:
.L_overlay_start_0:
0x88: {  	s2 =	sld [smem:$0x3FD9]  }
0x89: {  	s3 =	sld [smem:$0x3FFE];
	_ =	sdelay $0x1  }
0x8a: {  	s1 =	srdreg.scid  }
0x8b: {  	s0 =	sand.u32 $0x1, s1  }
0x8c: {  	s14 =	sshll.u32 s0, $0xA;
	s2 =	sadd.s32 s3, s2  }
0x8d: {  	s2 =	sadd.s32 s2, s14  }
0x8e: {  	[smem:$0x3FBE] =	sst s2  }
0x8f: {  	_ = 	snop  }
0x90: {  	s2 =	sld [smem:$0x3FD0];
	_ =	sdelay $0x2  }
0x91: {  	s15 =	simm.s32 $0xA;
	s4 =	simm.s32 $0x10  }
0x92: {  	[smem:s4], [sflag:s15] =	dma.local [hbm:s2], $0x1  }
0x93: {  	_ =	swait.eq [sflag:s15], $0x1  }
0x94: {  	[sflag:s15] =	ssyncset.done $0x0  }
0x95: {  	[sflag:s15] =	ssyncadd.s32 $0xFFFFFFFF  }
0x96: {  	s16 =	sld [smem:$0x10];
	(tm) =	ssettm $0x1  }
0x97: {  	s17 =	sld [smem:$0x3FFB];
	_ =	sdelay $0x3  }
0x98: {  	_ =	strace s17  }
0x99: {  	s3 =	sld [smem:$0x3FFC];
	_ =	sdelay $0x3  }
0x9a: {  	_ =	strace s3  }
0x9b: {  	s3 =	sld [smem:$0x3FFD];
	_ =	sdelay $0x3  }
0x9c: {  	_ =	strace s3  }
0x9d: {  	_ =	strace $0x8FFFFFFF  }
0x9e: {  	s18 =	sld [smem:$0x3FDB];
	_ =	sdelay $0x1  }
0x9f: {  	s19 =	simm.s32 $_scs_section_size  }
0xa0: {  	s5 =	simm.s32 $_size__tile_overlayer_lowered;
	s6 =	simm.s32 $_tile_overlayer_lowered  }
0xa1: {  	s22 =	simm.s32 $0x1BFF;
	s21 =	sshll.u32 s6, $0x1;
	s3 =	sadd.s32 s19, s18  }
0xa2: {  	s7 =	simm.s32 $0x0;
	s20 =	sshll.u32 s5, $0x1;
	s5 =	sadd.s32 s21, s3  }
0xa3: {  	[timem:s7], [sflag:s22] =	dma.local [hbm:s5], s20  }
0xa4: {  	_ =	swait.ge [sflag:s22], s20  }
0xa5: {  	s4 =	ssub.s32 $0x0, s20;
	[sflag:s22] =	ssyncset.done $0x0  }
0xa6: {  	[sflag:s22] =	ssyncadd.s32 s4;
	_ =	sdelay $0x1  }
0xa7: {  	s23 =	simm.s32 $0x1B8B  }
0xa8: {  	_ =	swait.ge [sflag:s23], $0x1  }
0xa9: {  	[sflag:s23] =	ssyncset.done $0x0  }
0xaa: {  	s25 =	simm.s32 $0x1B8E;
	s24 =	sld [smem:$0x3FFE];
	[sflag:s23] =	ssyncadd.s32 $0xFFFFFFFF  }
0xab: {  	s26 =	simm.s32 $execute0_lowered;
	[smem:$0x3FD2] =	sst s25  }
0xac: {  	s5 =	sshll.u32 s26, $0x1;
	_ =	strace $0x80000049;
	[dreg:$0x1] =	wrdreg $0xFFFFFFFF  }
0xad: {  	s28 =	simm.s32 $_size_execute0_lowered;
	s3 =	sadd.s32 s3, s5;
	[dreg:$0x0] =	wrdreg $0x0  }
0xae: {  	s5 =	sshll.u32 s28, $0x1;
	[dreg:$0x2] =	wrdreg s3  }
0xaf: {  	[dreg:$0x3] =	wrdreg s5  }
0xb0: {  	[dreg:$0x4] =	wrdreg $0xC0  }
0xb1: {  	_ =	task [dreg:s7], $0x5FFFF  }
0xb2: {  	[dreg:$0x1] =	wrdreg $0xFFFFFFFF  }
0xb3: {  	[dreg:$0x0] =	wrdreg $0x60  }
0xb4: {  	[dreg:$0x2] =	wrdreg s16  }
0xb5: {  	[dreg:$0x3] =	wrdreg s24  }
0xb6: {  	[dreg:$0x4] =	wrdreg $0x0  }
0xb7: {  	[dreg:$0x5] =	wrdreg $0x9  }
0xb8: {  	_ =	task.clear_ibuf [dreg:s7], $0x6FFFF;
	_ =	strace $0x90000049  }
0xb9: {  	s29 =	simm.s32 $0x9;
	_ =	strace $0x8000004B  }
0xba: {  	_ =	swait.ge [sflag:s29], $0x1  }
0xbb: {  	[sflag:s29] =	ssyncadd.s32 $0xFFFFFFFF  }
0xbc: {  	_ =	strace $0x9000004B  }
0xbd: {  	_ =	sfence  }
0xbe: {  	s30 =	sld [smem:$0x0];
	_ =	sdelay $0x2  }
0xbf: {  	s31 =	sshll.u32 s1, $0xD;
	s1 =	sshrl.u32 s1, $0x2  }
0xc0: {  	s3 =	sand.u32 $0x4000, s31;
	s1 =	sadd.s32 s1, s30  }
0xc1: {  	s0 =	sor.u32 s3, s0;
	s1 =	sshll.u32 s1, $0x11  }
0xc2: {  	s0 =	sor.u32 s1, s0  }
0xc3: {  	s0 =	sadd.s32 $0x8F2B, s0  }
0xc4: {  	[sflag:s0] =	ssyncadd.remote.s32 $0x1  }
0xc5: {  	_ =	sfence.sel $0xFFFF  }
0xc6: {  	[dreg:$0x0] =	wrdreg $0xFFFFFFFF;
	(pc) =	sbr.abs _section_cstart, $3  }
0xc7: {  	[dreg:$0x1] =	wrdreg $0xFFFFFFFF  }
0xc8: {  	_ =	task.clear_ibuf [dreg:s7], $0x2FFFF;
	_ =	strace $0x9FFFFFFF  }
0xc9: {  	(tm) =	ssettm $0x7FFFFFFF  }
tec
execute0_lowered:
.L_overlay_start_1:
0x0: {  	(tag) =	ssettag $0x1  }
0x1: {  	s1 =	rddreg [dreg:$0x0]  }
0x2: {  	s5 =	rddreg [dreg:$0x1]  }
0x3: {  	s2 =	rddreg [dreg:$0x2]  }
0x4: {  	s3 =	simm.s32 $0x0;
	s4 =	srdreg.scid;
	s16 =	simm.s32 $0x5  }
0x5: {  	s17 =	simm.s32 $0x14000;
	s18 =	simm.s32 $0x15400;
	s19 =	simm.s32 $0x80  }
0x6: {  	s20 =	simm.s32 $0x14080;
	s21 =	simm.s32 $0x1A800;
	s22 =	simm.s32 $0x1  }
0x7: {  	s23 =	simm.s32 $0x2;
	s26 =	simm.s32 $0x4;
	s28 =	simm.s32 $0x16700  }
0x8: {  	s29 =	simm.s32 $0x16780;
	[smem:$0x7FF] =	sst s3;
	s6 =	sand.u32 $0x1, s4  }
0x9: {  	s4 =	stileid.u32;
	s13 =	sadd.s32 $0xE400, s5;
	s7 =	smul.u32 $0x28000, s6  }
0xa: {  	s14 =	sadd.s32 $0x4400, s5;
	_ =	strace $0x8000004A;
	s8 =	smul.u32 $0x50000, s4  }
0xb: {  	s30 =	ssub.s32 $0x2, s6;
	s9 =	sshll.u32 s4, $0x1;
	s25 =	smul.u32 $0x2800, s4  }
0xc: {  	s31 =	sshrl.u32 s30, $0x1;
	s9 =	sor.u32 s6, s9;
	s10 =	sadd.s32 s7, s5  }
0xd: {  	s8 =	sshrl.u32 s8, $0x2;
	s11 =	ssub.s32 s30, s31;
	s12 =	smul.u32 $0x500, s9  }
0xe: {  	s5 =	sadd.s32 s8, s2;
	s24 =	sadd.s32 $0x18400, s10;
	s10 =	smax.u32 s11, $0x1  }
0xf: {  	s6 =	sadd.s32 $0x4000, s5;
	s7 =	sadd.s32 $0x8000, s5;
	s8 =	sadd.s32 $0xC000, s5  }
0x10: {  	s9 =	sadd.s32 $0x10000, s5;
	s15 =	sadd.s32 $0x280, s12;
	s11 =	sadd.s32 s13, s12  }
0x11: {  	s12 =	sadd.s32 s14, s12;
	s24 =	sadd.s32 s25, s24;
	s25 =	simm.s32 $0x3  }
0x12: {  	v0 =	vimm.f32 $0.0e+00;
	s13 =	sadd.s32 s13, s15;
	s14 =	sadd.s32 s14, s15;
	s15 =	simm.s32 $0x16800  }
.LBB2_1:
0x13: {  	s30 =	simm.s32 $0x0;
	s31 =	simm.s32 $0x200  }
.LBB2_2:
0x14: {  	p0 =	sne.s32 s31, $0xFE00;
	[tilespmem:s30+$0x16870] =	vst v0  }
0x15: {  	[tilespmem:s30+$0x16800] =	vst v0  }
0x16: {  	[tilespmem:s30+$0x16810] =	vst v0  }
.Ltmp0:
0x17: {  	[tilespmem:s30+$0x16820] =	vst v0;
	(pc) =	sbr.rel @p0 .LBB2_2-.Ltmp0, $4  }
0x18: {  	[tilespmem:s30+$0x16830] =	vst v0  }
0x19: {  	[tilespmem:s30+$0x16840] =	vst v0  }
0x1a: {  	[tilespmem:s30+$0x16850] =	vst v0  }
0x1b: {  	[tilespmem:s30+$0x16860] =	vst v0;
	s30 =	sshra.s32 s31, $0x2;
	s31 =	sadd.s32 $0x200, s31  }
0x1c: {  	[tilespmem:s30+$0x16870] =	vst v0  }
0x1d: {  	[tilespmem:s30+$0x16800] =	vst v0  }
0x1e: {  	[tilespmem:s30+$0x16810] =	vst v0  }
0x1f: {  	[tilespmem:s30+$0x16820] =	vst v0  }
0x20: {  	[tilespmem:s30+$0x16830] =	vst v0  }
0x21: {  	[tilespmem:s30+$0x16840] =	vst v0  }
0x22: {  	[tilespmem:s30+$0x16850] =	vst v0  }
0x23: {  	[tilespmem:s30+$0x16860] =	vst v0  }
0x24: {  	[spmem:s5] =	stream.linear.scatter [tilespmem:s15], [sflag:$0x5], $0x4000, $0x38;
	[tilespmem:$0x1E800] =	vst v63  }
0x25: {  	_ =	swait.ge [sflag:s16], $0x4000  }
0x26: {  	[sflag:s16] =	ssyncset.done $0x0  }
0x27: {  	[sflag:s16] =	ssyncadd.s32 $0xFFFFC000  }
0x28: {  	[spmem:s6] =	stream.linear.scatter [tilespmem:s15], [sflag:$0x5], $0x4000, $0x38;
	[tilespmem:$0x1E800] =	vst v63  }
0x29: {  	_ =	swait.ge [sflag:s16], $0x4000  }
0x2a: {  	[sflag:s16] =	ssyncset.done $0x0  }
0x2b: {  	[sflag:s16] =	ssyncadd.s32 $0xFFFFC000  }
0x2c: {  	[spmem:s7] =	stream.linear.scatter [tilespmem:s15], [sflag:$0x5], $0x4000, $0x38;
	[tilespmem:$0x1E800] =	vst v63  }
0x2d: {  	_ =	swait.ge [sflag:s16], $0x4000  }
0x2e: {  	[sflag:s16] =	ssyncset.done $0x0  }
0x2f: {  	[sflag:s16] =	ssyncadd.s32 $0xFFFFC000  }
0x30: {  	[spmem:s8] =	stream.linear.scatter [tilespmem:s15], [sflag:$0x5], $0x4000, $0x38;
	[tilespmem:$0x1E800] =	vst v63  }
0x31: {  	_ =	swait.ge [sflag:s16], $0x4000  }
0x32: {  	[sflag:s16] =	ssyncset.done $0x0  }
0x33: {  	[sflag:s16] =	ssyncadd.s32 $0xFFFFC000  }
0x34: {  	[spmem:s9] =	stream.linear.scatter [tilespmem:s15], [sflag:$0x5], $0x4000, $0x38;
	[tilespmem:$0x1E800] =	vst v63  }
0x35: {  	_ =	swait.ge [sflag:s16], $0x4000  }
0x36: {  	[sflag:s16] =	ssyncset.done $0x0  }
0x37: {  	[sflag:s16] =	ssyncadd.s32 $0xFFFFC000  }
0x38: {  	s30 =	simm.s32 $0x0;
	[bflag:$0x0] =	sbarrier.arrive $0xFFFF  }
0x39: {  	[tilespmem:s17], [sflag:$0x5] =	stream.linear.gather [hbm4b:s11+s30], $0x1400, $0x38;
	[tilespmem:$0x1E800] =	vst v63  }
0x3a: {  	_ =	swait.ge [sflag:s16], $0x1400  }
0x3b: {  	[sflag:s16] =	ssyncset.done $0x0  }
0x3c: {  	[sflag:s16] =	ssyncadd.s32 $0xFFFFEC00  }
0x3d: {  	[tilespmem:s18], [sflag:$0x5] =	stream.linear.gather [hbm4b:s12+s30], $0x1400, $0x38;
	[tilespmem:$0x1E800] =	vst v63  }
0x3e: {  	_ =	swait.ge [sflag:s16], $0x1400  }
0x3f: {  	[sflag:s16] =	ssyncset.done $0x0  }
0x40: {  	[sflag:s16] =	ssyncadd.s32 $0xFFFFEC00  }
0x41: {  	[tilespmem:s15], [sflag:$0x1] =	stream.indirect.gather [hbm4b:s1+s19], $0x80, s17, s19, $0xb8;
	[tilespmem:$0x1E800] =	vst v63  }
0x42: {  	_ = 	snop  }
0x43: {  	[tilespmem:s21], [sflag:$0x2] =	stream.indirect.gather [hbm4b:s1+s19], $0x80, s20, s19, $0xb8;
	[tilespmem:$0x1E800] =	vst v63  }
0x44: {  	_ =	swait.ge [sflag:s22], $0x4000  }
0x45: {  	[sflag:s22] =	ssyncset.done $0x0  }
0x46: {  	s30 =	simm.s32 $0x15400;
	[sflag:s22] =	ssyncadd.s32 $0xFFFFC000  }
0x47: {  	[spmem:s2] =	stream.indirect.scatter.add.f32 [tilespmem:s15], [sflag:$0x3], $0x80, s30, s19, $0xb8;
	[tilespmem:$0x1E800] =	vst v63  }
0x48: {  	_ =	swait.ge [sflag:s23], $0x4000  }
0x49: {  	[sflag:s23] =	ssyncset.done $0x0  }
0x4a: {  	s30 =	simm.s32 $0x15480;
	[sflag:s23] =	ssyncadd.s32 $0xFFFFC000  }
0x4b: {  	[spmem:s2] =	stream.indirect.scatter.add.f32 [tilespmem:s21], [sflag:$0x4], $0x80, s30, s19, $0xb8;
	[tilespmem:$0x1E800] =	vst v63  }
0x4c: {  	_ =	swait.ge [sflag:s25], $0x4000  }
0x4d: {  	[sflag:s25] =	ssyncset.done $0x0  }
0x4e: {  	s30 =	simm.s32 $0x14100;
	[sflag:s25] =	ssyncadd.s32 $0xFFFFC000  }
0x4f: {  	[tilespmem:s15], [sflag:$0x1] =	stream.indirect.gather [hbm4b:s1+s19], $0x80, s30, s19, $0xb8;
	[tilespmem:$0x1E800] =	vst v63  }
0x50: {  	_ =	swait.ge [sflag:s26], $0x4000  }
0x51: {  	[sflag:s26] =	ssyncset.done $0x0  }
0x52: {  	s31 =	simm.s32 $0x14180;
	s30 =	simm.s32 $0x400;
	[sflag:s26] =	ssyncadd.s32 $0xFFFFC000  }
.LBB2_4:
0x53: {  	[tilespmem:s21], [sflag:$0x2] =	stream.indirect.gather [hbm4b:s1+s19], $0x80, s31, s19, $0xb8;
	[tilespmem:$0x1E800] =	vst v63  }
0x54: {  	s31 =	smov.u32 s30  }
0x55: {  	p0 =	sne.s32 s30, $0x4800;
	s30 =	sadd.s32 $0x400, s30;
	_ =	swait.ge [sflag:s22], $0x4000  }
0x56: {  	s31 =	sshra.s32 s31, $0x2;
	[sflag:s22] =	ssyncset.done $0x0  }
0x57: {  	s0 =	sadd.s32 $0x15400, s31;
	[sflag:s22] =	ssyncadd.s32 $0xFFFFC000  }
0x58: {  	[spmem:s2] =	stream.indirect.scatter.add.f32 [tilespmem:s15], [sflag:$0x3], $0x80, s0, s19, $0xb8;
	[tilespmem:$0x1E800] =	vst v63  }
0x59: {  	_ =	swait.ge [sflag:s23], $0x4000  }
0x5a: {  	[sflag:s23] =	ssyncset.done $0x0  }
0x5b: {  	s0 =	sadd.s32 $0x15480, s31;
	[sflag:s23] =	ssyncadd.s32 $0xFFFFC000  }
0x5c: {  	[spmem:s2] =	stream.indirect.scatter.add.f32 [tilespmem:s21], [sflag:$0x4], $0x80, s0, s19, $0xb8;
	[tilespmem:$0x1E800] =	vst v63  }
0x5d: {  	_ =	swait.ge [sflag:s25], $0x4000  }
0x5e: {  	[sflag:s25] =	ssyncset.done $0x0  }
.Ltmp1:
0x5f: {  	s0 =	sadd.s32 $0x14100, s31;
	[sflag:s25] =	ssyncadd.s32 $0xFFFFC000;
	(pc) =	sbr.rel @p0 .LBB2_4-.Ltmp1, $4  }
0x60: {  	[tilespmem:s15], [sflag:$0x1] =	stream.indirect.gather [hbm4b:s1+s19], $0x80, s0, s19, $0xb8;
	[tilespmem:$0x1E800] =	vst v63  }
0x61: {  	_ =	swait.ge [sflag:s26], $0x4000  }
0x62: {  	[sflag:s26] =	ssyncset.done $0x0  }
0x63: {  	s31 =	sadd.s32 $0x14180, s31;
	[sflag:s26] =	ssyncadd.s32 $0xFFFFC000  }
0x64: {  	[tilespmem:s21], [sflag:$0x2] =	stream.indirect.gather [hbm4b:s1+s19], $0x80, s31, s19, $0xb8;
	[tilespmem:$0x1E800] =	vst v63  }
0x65: {  	_ =	swait.ge [sflag:s22], $0x4000  }
0x66: {  	[sflag:s22] =	ssyncset.done $0x0  }
0x67: {  	[sflag:s22] =	ssyncadd.s32 $0xFFFFC000  }
0x68: {  	[spmem:s2] =	stream.indirect.scatter.add.f32 [tilespmem:s15], [sflag:$0x3], $0x80, s28, s19, $0xb8;
	[tilespmem:$0x1E800] =	vst v63  }
0x69: {  	_ =	swait.ge [sflag:s23], $0x4000  }
0x6a: {  	[sflag:s23] =	ssyncset.done $0x0  }
0x6b: {  	[sflag:s23] =	ssyncadd.s32 $0xFFFFC000  }
0x6c: {  	[spmem:s2] =	stream.indirect.scatter.add.f32 [tilespmem:s21], [sflag:$0x4], $0x80, s29, s19, $0xb8;
	[tilespmem:$0x1E800] =	vst v63  }
0x6d: {  	_ =	swait.ge [sflag:s25], $0x4000  }
0x6e: {  	[sflag:s25] =	ssyncset.done $0x0  }
0x6f: {  	[sflag:s25] =	ssyncadd.s32 $0xFFFFC000  }
0x70: {  	_ =	swait.ge [sflag:s26], $0x4000  }
0x71: {  	[sflag:s26] =	ssyncset.done $0x0  }
0x72: {  	s0 =	simm.s32 $0x0;
	[sflag:s26] =	ssyncadd.s32 $0xFFFFC000  }
0x73: {  	[tilespmem:s17], [sflag:$0x5] =	stream.linear.gather [hbm4b:s13+s0], $0x1400, $0x38;
	[tilespmem:$0x1E800] =	vst v63  }
0x74: {  	_ =	swait.ge [sflag:s16], $0x1400  }
0x75: {  	[sflag:s16] =	ssyncset.done $0x0  }
0x76: {  	[sflag:s16] =	ssyncadd.s32 $0xFFFFEC00  }
0x77: {  	[tilespmem:s18], [sflag:$0x5] =	stream.linear.gather [hbm4b:s14+s0], $0x1400, $0x38;
	[tilespmem:$0x1E800] =	vst v63  }
0x78: {  	_ =	swait.ge [sflag:s16], $0x1400  }
0x79: {  	[sflag:s16] =	ssyncset.done $0x0  }
0x7a: {  	[sflag:s16] =	ssyncadd.s32 $0xFFFFEC00  }
0x7b: {  	[tilespmem:s15], [sflag:$0x1] =	stream.indirect.gather [hbm4b:s1+s19], $0x80, s17, s19, $0xb8;
	[tilespmem:$0x1E800] =	vst v63  }
0x7c: {  	_ = 	snop  }
0x7d: {  	[tilespmem:s21], [sflag:$0x2] =	stream.indirect.gather [hbm4b:s1+s19], $0x80, s20, s19, $0xb8;
	[tilespmem:$0x1E800] =	vst v63  }
0x7e: {  	_ =	swait.ge [sflag:s22], $0x4000  }
0x7f: {  	[sflag:s22] =	ssyncset.done $0x0  }
0x80: {  	s0 =	simm.s32 $0x15400;
	[sflag:s22] =	ssyncadd.s32 $0xFFFFC000  }
0x81: {  	[spmem:s2] =	stream.indirect.scatter.add.f32 [tilespmem:s15], [sflag:$0x3], $0x80, s0, s19, $0xb8;
	[tilespmem:$0x1E800] =	vst v63  }
0x82: {  	_ =	swait.ge [sflag:s23], $0x4000  }
0x83: {  	[sflag:s23] =	ssyncset.done $0x0  }
0x84: {  	s0 =	simm.s32 $0x15480;
	[sflag:s23] =	ssyncadd.s32 $0xFFFFC000  }
0x85: {  	[spmem:s2] =	stream.indirect.scatter.add.f32 [tilespmem:s21], [sflag:$0x4], $0x80, s0, s19, $0xb8;
	[tilespmem:$0x1E800] =	vst v63  }
0x86: {  	_ =	swait.ge [sflag:s25], $0x4000  }
0x87: {  	[sflag:s25] =	ssyncset.done $0x0  }
0x88: {  	s0 =	simm.s32 $0x14100;
	[sflag:s25] =	ssyncadd.s32 $0xFFFFC000  }
0x89: {  	[tilespmem:s15], [sflag:$0x1] =	stream.indirect.gather [hbm4b:s1+s19], $0x80, s0, s19, $0xb8;
	[tilespmem:$0x1E800] =	vst v63  }
0x8a: {  	_ =	swait.ge [sflag:s26], $0x4000  }
0x8b: {  	[sflag:s26] =	ssyncset.done $0x0  }
0x8c: {  	s30 =	simm.s32 $0x400;
	s31 =	simm.s32 $0x14180;
	[sflag:s26] =	ssyncadd.s32 $0xFFFFC000  }
.LBB2_6:
0x8d: {  	[tilespmem:s21], [sflag:$0x2] =	stream.indirect.gather [hbm4b:s1+s19], $0x80, s31, s19, $0xb8;
	[tilespmem:$0x1E800] =	vst v63  }
0x8e: {  	s0 =	smov.u32 s30  }
0x8f: {  	p0 =	sne.s32 s30, $0x4800;
	s30 =	sadd.s32 $0x400, s30;
	_ =	swait.ge [sflag:s22], $0x4000  }
0x90: {  	s0 =	sshra.s32 s0, $0x2;
	[sflag:s22] =	ssyncset.done $0x0  }
0x91: {  	s31 =	sadd.s32 $0x15400, s0;
	[sflag:s22] =	ssyncadd.s32 $0xFFFFC000  }
0x92: {  	[spmem:s2] =	stream.indirect.scatter.add.f32 [tilespmem:s15], [sflag:$0x3], $0x80, s31, s19, $0xb8;
	[tilespmem:$0x1E800] =	vst v63  }
0x93: {  	_ =	swait.ge [sflag:s23], $0x4000  }
0x94: {  	[sflag:s23] =	ssyncset.done $0x0  }
0x95: {  	s31 =	sadd.s32 $0x15480, s0;
	[sflag:s23] =	ssyncadd.s32 $0xFFFFC000  }
0x96: {  	[spmem:s2] =	stream.indirect.scatter.add.f32 [tilespmem:s21], [sflag:$0x4], $0x80, s31, s19, $0xb8;
	[tilespmem:$0x1E800] =	vst v63  }
0x97: {  	_ =	swait.ge [sflag:s25], $0x4000  }
0x98: {  	[sflag:s25] =	ssyncset.done $0x0  }
.Ltmp2:
0x99: {  	s31 =	sadd.s32 $0x14100, s0;
	[sflag:s25] =	ssyncadd.s32 $0xFFFFC000;
	(pc) =	sbr.rel @p0 .LBB2_6-.Ltmp2, $4  }
0x9a: {  	[tilespmem:s15], [sflag:$0x1] =	stream.indirect.gather [hbm4b:s1+s19], $0x80, s31, s19, $0xb8;
	[tilespmem:$0x1E800] =	vst v63  }
0x9b: {  	_ =	swait.ge [sflag:s26], $0x4000  }
0x9c: {  	[sflag:s26] =	ssyncset.done $0x0  }
0x9d: {  	s31 =	sadd.s32 $0x14180, s0;
	[sflag:s26] =	ssyncadd.s32 $0xFFFFC000  }
0x9e: {  	[tilespmem:s21], [sflag:$0x2] =	stream.indirect.gather [hbm4b:s1+s19], $0x80, s31, s19, $0xb8;
	[tilespmem:$0x1E800] =	vst v63  }
0x9f: {  	_ =	swait.ge [sflag:s22], $0x4000  }
0xa0: {  	[sflag:s22] =	ssyncset.done $0x0  }
0xa1: {  	[sflag:s22] =	ssyncadd.s32 $0xFFFFC000  }
0xa2: {  	[spmem:s2] =	stream.indirect.scatter.add.f32 [tilespmem:s15], [sflag:$0x3], $0x80, s28, s19, $0xb8;
	[tilespmem:$0x1E800] =	vst v63  }
0xa3: {  	_ =	swait.ge [sflag:s23], $0x4000  }
0xa4: {  	[sflag:s23] =	ssyncset.done $0x0  }
0xa5: {  	[sflag:s23] =	ssyncadd.s32 $0xFFFFC000  }
0xa6: {  	[spmem:s2] =	stream.indirect.scatter.add.f32 [tilespmem:s21], [sflag:$0x4], $0x80, s29, s19, $0xb8;
	[tilespmem:$0x1E800] =	vst v63  }
0xa7: {  	_ =	swait.ge [sflag:s25], $0x4000  }
0xa8: {  	[sflag:s25] =	ssyncset.done $0x0  }
0xa9: {  	[sflag:s25] =	ssyncadd.s32 $0xFFFFC000  }
0xaa: {  	_ =	swait.ge [sflag:s26], $0x4000  }
0xab: {  	s0 =	sshll.u32 s4, $0x6;
	s3 =	sadd.s32 $0x1, s3;
	[sflag:s26] =	ssyncset.done $0x0  }
0xac: {  	s30 =	sshrl.u32 s5, $0x3;
	p0 =	sne.s32 s3, s10;
	[sflag:s26] =	ssyncadd.s32 $0xFFFFC000  }
.Ltmp3:
0xad: {  	s0 =	sor.u32 $0x1C05, s0;
	[bflag:$0x0] =	sbarrier.arrive $0xFFFF;
	(pc) =	sbr.rel @p0 .LBB2_1-.Ltmp3, $4  }
0xae: {  	[hbm:s24], [sflag:s0] =	dma.local [spmem:s30], $0x2800  }
0xaf: {  	_ =	swait.ge [sflag:s16], $0x2800  }
0xb0: {  	[sflag:s16] =	ssyncset.done $0x0  }
0xb1: {  	[sflag:s16] =	ssyncadd.s32 $0xFFFFD800  }
0xb2: {  	_ =	sfence.sel $0x180000  }
0xb3: {  	[bflag:$0x0] =	sbarrier.arrive $0xFFFF  }
0xb4: {  	_ =	strace $0x9000004A  }
0xb5: {  	[bflag:$0x2] =	sbarrier.arrive $0xFFFF  }
0xb6: {  	p0 =	sne.s32 s4, $0x0;
	s0 =	rddreg [dreg:$0x3]  }
0xb7: {  	s0 =	sadd.s32 @!p0 $0x100000, s0  }
0xb8: {  	[sflag:s0] =	ssyncadd.tile.s32 @!p0 $0x1;
	_ =	shalt  }
.Lfunc_end2:
_tile_overlayer_lowered:
.L_overlay_start_2:
0xb9: {  	(tag) =	ssettag $0x2  }
0xba: {  	s0 =	rddreg [dreg:$0x0];
	s2 =	stileid.u32  }
0xbb: {  	s1 =	rddreg [dreg:$0x1];
	p0 =	sne.s32 s2, $0x0  }
0xbc: {  	s3 =	rddreg [dreg:$0x2];
	[bflag:$0x3] =	sbarrier.arrive $0xFFFF;
	s2 =	simm.s32 @!p0 $0x1C05  }
0xbd: {  	[timem:s3], [sflag:s2] =	dma.local @!p0 [hbm:s0], s1  }
0xbe: {  	s0 =	simm.s32 @!p0 $0x5  }
0xbf: {  	_ =	swait.ge @!p0 [sflag:s0], s1  }
0xc0: {  	s1 =	ssub.s32 @!p0 $0x0, s1;
	[sflag:s0] =	ssyncset.done @!p0 $0x0  }
0xc1: {  	[sflag:s0] =	ssyncadd.s32 @!p0 s1  }
0xc2: {  	[bflag:$0x3] =	sbarrier.arrive $0xFFFF  }
0xc3: {  	_ =	shalt  }

// kernel: kernel.18.cloned.1.call-start
scs
__scs_entry_jumppad:
0x0: {  	(pc) =	sbr.rel $0x88, $3  }
0x1: {  	(tag) =	ssettag $0x0;
	lr =	simm.s32 $0x1  }
0x2: {  	[smem:$0x3F97] =	sst lr;
	_ =	strace $0xD0000000  }
0x3: {  	_ = 	snop  }
0x4: {  	_ = 	snop  }
0x5: {  	_ = 	snop  }
0x6: {  	_ = 	snop  }
0x7: {  	_ = 	snop  }
__scs_overlays_trampoline_lowered:
0x8: {  	[smem:$0x3FA6] =	sst s0  }
0x9: {  	[smem:$0x3FA7] =	sst s1  }
0xa: {  	[smem:$0x3FA8] =	sst s2  }
0xb: {  	[smem:$0x3FA9] =	sst s3  }
0xc: {  	[smem:$0x3FAA] =	sst s4  }
0xd: {  	[smem:$0x3FAB] =	sst s5  }
0xe: {  	[smem:$0x3FAC] =	sst s6  }
0xf: {  	[smem:$0x3FAD] =	sst s7  }
0x10: {  	[smem:$0x3FAE] =	sst s8  }
0x11: {  	[smem:$0x3FAF] =	sst s9;
	s0 =	simm.s32 @!p0 $0x0  }
0x12: {  	s1 =	sld [smem:$0x3F95];
	s0 =	simm.s32 @p0 $0x1  }
0x13: {  	[smem:$0x3FB0] =	sst s0;
	s0 =	simm.s32 @!p1 $0x0  }
0x14: {  	s2 =	sld [smem:$0x3F94];
	s0 =	simm.s32 @p1 $0x1  }
0x15: {  	[smem:$0x3FB1] =	sst s0;
	s0 =	simm.s32 @!p2 $0x0  }
0x16: {  	s3 =	sld [smem:$0x3FDB];
	s0 =	simm.s32 @p2 $0x1  }
0x17: {  	s4 =	simm.s32 $0x1BF5;
	[smem:$0x3FB3] =	sst s0  }
0x18: {  	s0 =	sld [smem:$0x3F96];
	_ =	swait.ge [sflag:s4], $0x0  }
0x19: {  	s7 =	sld [smem:$0x3F97]  }
0x1a: {  	s8 =	sadd.s32 $0xFFFFE003, lr  }
0x1b: {  	s9 =	sadd.s32 $0xFFFFFEF7, lr;
	s5 =	simm.s32 $0xFFFFFFFF;
	p2 =	slt.u32 s8, $0xFFFFF086  }
0x1c: {  	p1 =	slt.u32 s9, $0xF7A;
	s5 =	simm.s32 @!p2 $0x0  }
0x1d: {  	s5 =	simm.s32 @p1 $0x1;
	p0 =	seq.s32 s7, s2  }
0x1e: {  	s7 =	smul.u32 @!p0 $0xF7A, s2;
	p2 =	seq.s32 @!p0 s5, $0x0  }
0x1f: {  	s9 =	smul.u32 $0xF7A, s1;
	s8 =	simm.s32 @!p0 $0x1BF5;
	p2 =	por !p2, p0  }
0x20: {  	[sflag:s8] =	ssyncset.s32 @!p0 $0xFFFFF086;
	s6 =	sadd.s32 @!p0 s3, s7;
	s7 =	simm.s32 @!p0 $0x108  }
0x21: {  	s3 =	sadd.s32 s3, s9;
	s6 =	sadd.s32 @!p0 $0x88, s6;
	s7 =	simm.s32 @p2 $0x1082  }
0x22: {  	[simem:s7], [sflag:s8] =	dma.local @!p0 [hbm:s6], $0xF7A  }
0x23: {  	s9 =	sor.u32 $0xD0000000, s2;
	s6 =	simm.s32 $0x108;
	_ =	swait.ge @!p0 [sflag:s8], $0x0  }
0x24: {  	s3 =	sadd.s32 $0x88, s3;
	s6 =	simm.s32 @!p1 $0x1082;
	[sflag:s4] =	ssyncset.s32 $0xFFFFF086  }
0x25: {  	[simem:s6], [sflag:s4] =	dma.local [hbm:s3], $0xF7A  }
0x26: {  	[smem:$0x3F97] =	sst s1;
	(tag) =	ssettag s2;
	_ =	strace s9  }
0x27: {  	s1 =	sld [smem:$0x3FA7]  }
0x28: {  	s2 =	sld [smem:$0x3FA8]  }
0x29: {  	s4 =	sld [smem:$0x3FAA]  }
0x2a: {  	p0 =	seq.s32 s5, $0x0;
	s5 =	sld [smem:$0x3FAB]  }
0x2b: {  	s6 =	sld [smem:$0x3FAC]  }
0x2c: {  	s7 =	sld [smem:$0x3FAD]  }
0x2d: {  	s3 =	simm.s32 $0x108;
	s8 =	sld [smem:$0x3FAE]  }
0x2e: {  	s3 =	simm.s32 @!p0 $0x1082;
	s9 =	sld [smem:$0x3FAF]  }
0x2f: {  	lr =	sadd.s32 s0, s3;
	s0 =	sld [smem:$0x3FA6]  }
0x30: {  	s3 =	sld [smem:$0x3FA9]  }
0x31: {  	[smem:$0x3FB2] =	sst s10  }
0x32: {  	s10 =	sld [smem:$0x3FB0];
	_ =	sdelay $0x3  }
0x33: {  	p0 =	seq.s32 s10, $0x1;
	s10 =	sld [smem:$0x3FB2];
	_ =	sdelay $0x3  }
0x34: {  	[smem:$0x3FB2] =	sst s10  }
0x35: {  	s10 =	sld [smem:$0x3FB1];
	_ =	sdelay $0x3  }
0x36: {  	p1 =	seq.s32 s10, $0x1;
	s10 =	sld [smem:$0x3FB2];
	_ =	sdelay $0x3  }
0x37: {  	[smem:$0x3FB2] =	sst s10  }
0x38: {  	s10 =	sld [smem:$0x3FB3]  }
0x39: {  	_ = 	snop;
	(pc) =	sbr.ind lr, $3  }
0x3a: {  	_ = 	snop  }
0x3b: {  	_ = 	snop  }
0x3c: {  	p2 =	seq.s32 s10, $0x1;
	s10 =	sld [smem:$0x3FB2]  }
0x3d: {  	_ =	shalt  }
0x3e: {  	_ =	shalt  }
0x3f: {  	_ =	shalt  }
0x40: {  	_ =	shalt  }
0x41: {  	_ =	shalt  }
0x42: {  	_ =	shalt  }
0x43: {  	_ =	shalt  }
0x44: {  	_ =	shalt  }
0x45: {  	_ =	shalt  }
0x46: {  	_ =	shalt  }
0x47: {  	_ =	shalt  }
0x48: {  	_ =	shalt  }
0x49: {  	_ =	shalt  }
0x4a: {  	_ =	shalt  }
0x4b: {  	_ =	shalt  }
0x4c: {  	_ =	shalt  }
0x4d: {  	_ =	shalt  }
0x4e: {  	_ =	shalt  }
0x4f: {  	_ =	shalt  }
0x50: {  	_ =	shalt  }
0x51: {  	_ =	shalt  }
0x52: {  	_ =	shalt  }
0x53: {  	_ =	shalt  }
0x54: {  	_ =	shalt  }
0x55: {  	_ =	shalt  }
0x56: {  	_ =	shalt  }
0x57: {  	_ =	shalt  }
0x58: {  	_ =	shalt  }
0x59: {  	_ =	shalt  }
0x5a: {  	_ =	shalt  }
0x5b: {  	_ =	shalt  }
0x5c: {  	_ =	shalt  }
0x5d: {  	_ =	shalt  }
0x5e: {  	_ =	shalt  }
0x5f: {  	_ =	shalt  }
0x60: {  	_ =	shalt  }
0x61: {  	_ =	shalt  }
0x62: {  	_ =	shalt  }
0x63: {  	_ =	shalt  }
0x64: {  	_ =	shalt  }
0x65: {  	_ =	shalt  }
0x66: {  	_ =	shalt  }
0x67: {  	_ =	shalt  }
0x68: {  	_ =	shalt  }
0x69: {  	_ =	shalt  }
0x6a: {  	_ =	shalt  }
0x6b: {  	_ =	shalt  }
0x6c: {  	_ =	shalt  }
0x6d: {  	_ =	shalt  }
0x6e: {  	_ =	shalt  }
0x6f: {  	_ =	shalt  }
0x70: {  	_ =	shalt  }
0x71: {  	_ =	shalt  }
0x72: {  	_ =	shalt  }
0x73: {  	_ =	shalt  }
0x74: {  	_ =	shalt  }
0x75: {  	_ =	shalt  }
0x76: {  	_ =	shalt  }
0x77: {  	_ =	shalt  }
0x78: {  	_ =	shalt  }
0x79: {  	_ =	shalt  }
0x7a: {  	_ =	shalt  }
0x7b: {  	_ =	shalt  }
0x7c: {  	_ =	shalt  }
0x7d: {  	_ =	shalt  }
0x7e: {  	_ =	shalt  }
0x7f: {  	_ =	shalt  }
0x80: {  	_ =	shalt  }
0x81: {  	_ =	shalt  }
0x82: {  	_ =	shalt  }
0x83: {  	_ =	shalt  }
0x84: {  	_ =	shalt  }
0x85: {  	_ =	shalt  }
0x86: {  	_ =	shalt  }
0x87: {  	_ =	shalt  }
.Lfunc_end0:
.L_simem_size_0:
called_computation.2_lowered:
.L_overlay_start_0:
0x88: {  	s2 =	sld [smem:$0x3FD9]  }
0x89: {  	s3 =	sld [smem:$0x3FFE];
	_ =	sdelay $0x1  }
0x8a: {  	s1 =	srdreg.scid  }
0x8b: {  	s0 =	sand.u32 $0x1, s1  }
0x8c: {  	s14 =	sshll.u32 s0, $0xA;
	s2 =	sadd.s32 s3, s2  }
0x8d: {  	s2 =	sadd.s32 s2, s14  }
0x8e: {  	[smem:$0x3FBE] =	sst s2  }
0x8f: {  	_ = 	snop  }
0x90: {  	s2 =	sld [smem:$0x3FD0];
	_ =	sdelay $0x2  }
0x91: {  	s15 =	simm.s32 $0xA;
	s4 =	simm.s32 $0x10  }
0x92: {  	[smem:s4], [sflag:s15] =	dma.local [hbm:s2], $0x1  }
0x93: {  	_ =	swait.eq [sflag:s15], $0x1  }
0x94: {  	[sflag:s15] =	ssyncset.done $0x0  }
0x95: {  	[sflag:s15] =	ssyncadd.s32 $0xFFFFFFFF  }
0x96: {  	s16 =	sld [smem:$0x11];
	(tm) =	ssettm $0x1  }
0x97: {  	s17 =	sld [smem:$0x3FFB];
	_ =	sdelay $0x3  }
0x98: {  	_ =	strace s17  }
0x99: {  	s3 =	sld [smem:$0x3FFC];
	_ =	sdelay $0x3  }
0x9a: {  	_ =	strace s3  }
0x9b: {  	s3 =	sld [smem:$0x3FFD];
	_ =	sdelay $0x3  }
0x9c: {  	_ =	strace s3  }
0x9d: {  	_ =	strace $0x8FFFFFFF  }
0x9e: {  	s18 =	sld [smem:$0x3FDB];
	_ =	sdelay $0x1  }
0x9f: {  	s19 =	simm.s32 $_scs_section_size  }
0xa0: {  	s5 =	simm.s32 $_size__tile_overlayer_lowered;
	s6 =	simm.s32 $_tile_overlayer_lowered  }
0xa1: {  	s22 =	simm.s32 $0x1BFF;
	s21 =	sshll.u32 s6, $0x1;
	s3 =	sadd.s32 s19, s18  }
0xa2: {  	s7 =	simm.s32 $0x0;
	s20 =	sshll.u32 s5, $0x1;
	s5 =	sadd.s32 s21, s3  }
0xa3: {  	[timem:s7], [sflag:s22] =	dma.local [hbm:s5], s20  }
0xa4: {  	_ =	swait.ge [sflag:s22], s20  }
0xa5: {  	s4 =	ssub.s32 $0x0, s20;
	[sflag:s22] =	ssyncset.done $0x0  }
0xa6: {  	[sflag:s22] =	ssyncadd.s32 s4;
	_ =	sdelay $0x1  }
0xa7: {  	s23 =	simm.s32 $0x1B8B  }
0xa8: {  	_ =	swait.ge [sflag:s23], $0x1  }
0xa9: {  	[sflag:s23] =	ssyncset.done $0x0  }
0xaa: {  	s25 =	simm.s32 $0x1B8E;
	s24 =	sld [smem:$0x3FFE];
	[sflag:s23] =	ssyncadd.s32 $0xFFFFFFFF  }
0xab: {  	s26 =	simm.s32 $execute0_lowered;
	[smem:$0x3FD2] =	sst s25  }
0xac: {  	s5 =	sshll.u32 s26, $0x1;
	_ =	strace $0x8000004C;
	[dreg:$0x1] =	wrdreg $0xFFFFFFFF  }
0xad: {  	s28 =	simm.s32 $_size_execute0_lowered;
	s3 =	sadd.s32 s3, s5;
	[dreg:$0x0] =	wrdreg $0x0  }
0xae: {  	s5 =	sshll.u32 s28, $0x1;
	[dreg:$0x2] =	wrdreg s3  }
0xaf: {  	[dreg:$0x3] =	wrdreg s5  }
0xb0: {  	[dreg:$0x4] =	wrdreg $0xC0  }
0xb1: {  	_ =	task [dreg:s7], $0x5FFFF  }
0xb2: {  	[dreg:$0x1] =	wrdreg $0xFFFFFFFF  }
0xb3: {  	[dreg:$0x0] =	wrdreg $0x60  }
0xb4: {  	[dreg:$0x2] =	wrdreg s24  }
0xb5: {  	[dreg:$0x3] =	wrdreg s16  }
0xb6: {  	[dreg:$0x4] =	wrdreg $0x0  }
0xb7: {  	[dreg:$0x5] =	wrdreg $0x9  }
0xb8: {  	_ =	task.clear_ibuf [dreg:s7], $0x6FFFF;
	_ =	strace $0x9000004C  }
0xb9: {  	s29 =	simm.s32 $0x9;
	_ =	strace $0x8000004E  }
0xba: {  	_ =	swait.ge [sflag:s29], $0x1  }
0xbb: {  	[sflag:s29] =	ssyncadd.s32 $0xFFFFFFFF  }
0xbc: {  	_ =	strace $0x9000004E  }
0xbd: {  	_ =	sfence  }
0xbe: {  	s30 =	sld [smem:$0x0];
	_ =	sdelay $0x2  }
0xbf: {  	s31 =	sshll.u32 s1, $0xD;
	s1 =	sshrl.u32 s1, $0x2  }
0xc0: {  	s3 =	sand.u32 $0x4000, s31;
	s1 =	sadd.s32 s1, s30  }
0xc1: {  	s0 =	sor.u32 s3, s0;
	s1 =	sshll.u32 s1, $0x11  }
0xc2: {  	s0 =	sor.u32 s1, s0  }
0xc3: {  	s0 =	sadd.s32 $0x8F2B, s0  }
0xc4: {  	[sflag:s0] =	ssyncadd.remote.s32 $0x1  }
0xc5: {  	_ =	sfence.sel $0xFFFF  }
0xc6: {  	[dreg:$0x0] =	wrdreg $0xFFFFFFFF;
	(pc) =	sbr.abs _section_cstart, $3  }
0xc7: {  	[dreg:$0x1] =	wrdreg $0xFFFFFFFF  }
0xc8: {  	_ =	task.clear_ibuf [dreg:s7], $0x2FFFF;
	_ =	strace $0x9FFFFFFF  }
0xc9: {  	(tm) =	ssettm $0x7FFFFFFF  }
tec
execute0_lowered:
.L_overlay_start_1:
0x0: {  	(tag) =	ssettag $0x1  }
0x1: {  	s0 =	rddreg [dreg:$0x0]  }
0x2: {  	s12 =	rddreg [dreg:$0x1]  }
0x3: {  	s1 =	rddreg [dreg:$0x2];
	s3 =	simm.s32 $0x0  }
0x4: {  	s4 =	srdreg.scid;
	s2 =	stileid.u32;
	s15 =	simm.s32 $0x5  }
0x5: {  	s16 =	simm.s32 $0x14000;
	s17 =	simm.s32 $0x15400;
	s18 =	simm.s32 $0x80  }
0x6: {  	s19 =	simm.s32 $0x14080;
	s20 =	simm.s32 $0x1A800;
	s21 =	simm.s32 $0x1  }
0x7: {  	s22 =	simm.s32 $0x2;
	s23 =	simm.s32 $0x3;
	s25 =	simm.s32 $0x4  }
0x8: {  	s26 =	simm.s32 $0x16700;
	s28 =	simm.s32 $0x16780;
	s6 =	smul.u32 $0x50000, s2  }
0x9: {  	[smem:$0x7FF] =	sst s3;
	s9 =	sand.u32 $0x1, s4;
	s11 =	smul.u32 $0xA0, s2  }
0xa: {  	s4 =	sadd.s32 $0x18400, s0;
	s5 =	sadd.s32 $0x4400, s0;
	s24 =	smul.u32 $0x2800, s2  }
0xb: {  	_ =	strace $0x8000004D;
	s7 =	smul.u32 $0x28000, s9;
	s8 =	ssub.s32 $0x2, s9  }
0xc: {  	s14 =	smul.u32 $0xA000, s9;
	s10 =	sshrl.u32 s8, $0x1;
	s6 =	sshrl.u32 s6, $0x2  }
0xd: {  	s0 =	sadd.s32 s7, s0;
	s13 =	ssub.s32 s8, s10;
	s6 =	sadd.s32 s6, s1  }
0xe: {  	s12 =	sadd.s32 s12, s14;
	s14 =	simm.s32 $0x16800;
	s7 =	sadd.s32 $0x4000, s6  }
0xf: {  	s8 =	sadd.s32 $0x8000, s6;
	s9 =	sadd.s32 $0xC000, s6;
	s0 =	sadd.s32 $0x68400, s0  }
0x10: {  	v0 =	vimm.f32 $0.0e+00;
	s10 =	sadd.s32 $0x10000, s6;
	s13 =	smax.u32 s13, $0x1;
	s24 =	sadd.s32 s24, s0  }
.LBB2_1:
0x11: {  	s29 =	simm.s32 $0x0;
	s30 =	simm.s32 $0x200  }
.LBB2_2:
0x12: {  	p0 =	sne.s32 s30, $0xFE00;
	[tilespmem:s29+$0x16870] =	vst v0  }
0x13: {  	[tilespmem:s29+$0x16800] =	vst v0  }
0x14: {  	[tilespmem:s29+$0x16810] =	vst v0  }
.Ltmp0:
0x15: {  	[tilespmem:s29+$0x16820] =	vst v0;
	(pc) =	sbr.rel @p0 .LBB2_2-.Ltmp0, $4  }
0x16: {  	[tilespmem:s29+$0x16830] =	vst v0  }
0x17: {  	[tilespmem:s29+$0x16840] =	vst v0  }
0x18: {  	[tilespmem:s29+$0x16850] =	vst v0  }
0x19: {  	[tilespmem:s29+$0x16860] =	vst v0;
	s29 =	sshra.s32 s30, $0x2;
	s30 =	sadd.s32 $0x200, s30  }
0x1a: {  	[tilespmem:s29+$0x16870] =	vst v0  }
0x1b: {  	[tilespmem:s29+$0x16800] =	vst v0  }
0x1c: {  	[tilespmem:s29+$0x16810] =	vst v0  }
0x1d: {  	[tilespmem:s29+$0x16820] =	vst v0  }
0x1e: {  	[tilespmem:s29+$0x16830] =	vst v0  }
0x1f: {  	[tilespmem:s29+$0x16840] =	vst v0  }
0x20: {  	[tilespmem:s29+$0x16850] =	vst v0  }
0x21: {  	[tilespmem:s29+$0x16860] =	vst v0  }
0x22: {  	[spmem:s6] =	stream.linear.scatter [tilespmem:s14], [sflag:$0x5], $0x4000, $0x38;
	[tilespmem:$0x1E800] =	vst v63  }
0x23: {  	_ =	swait.ge [sflag:s15], $0x4000  }
0x24: {  	[sflag:s15] =	ssyncset.done $0x0  }
0x25: {  	[sflag:s15] =	ssyncadd.s32 $0xFFFFC000  }
0x26: {  	[spmem:s7] =	stream.linear.scatter [tilespmem:s14], [sflag:$0x5], $0x4000, $0x38;
	[tilespmem:$0x1E800] =	vst v63  }
0x27: {  	_ =	swait.ge [sflag:s15], $0x4000  }
0x28: {  	[sflag:s15] =	ssyncset.done $0x0  }
0x29: {  	[sflag:s15] =	ssyncadd.s32 $0xFFFFC000  }
0x2a: {  	[spmem:s8] =	stream.linear.scatter [tilespmem:s14], [sflag:$0x5], $0x4000, $0x38;
	[tilespmem:$0x1E800] =	vst v63  }
0x2b: {  	_ =	swait.ge [sflag:s15], $0x4000  }
0x2c: {  	[sflag:s15] =	ssyncset.done $0x0  }
0x2d: {  	[sflag:s15] =	ssyncadd.s32 $0xFFFFC000  }
0x2e: {  	[spmem:s9] =	stream.linear.scatter [tilespmem:s14], [sflag:$0x5], $0x4000, $0x38;
	[tilespmem:$0x1E800] =	vst v63  }
0x2f: {  	_ =	swait.ge [sflag:s15], $0x4000  }
0x30: {  	[sflag:s15] =	ssyncset.done $0x0  }
0x31: {  	[sflag:s15] =	ssyncadd.s32 $0xFFFFC000  }
0x32: {  	[spmem:s10] =	stream.linear.scatter [tilespmem:s14], [sflag:$0x5], $0x4000, $0x38;
	[tilespmem:$0x1E800] =	vst v63  }
0x33: {  	_ =	swait.ge [sflag:s15], $0x4000  }
0x34: {  	[sflag:s15] =	ssyncset.done $0x0  }
0x35: {  	[sflag:s15] =	ssyncadd.s32 $0xFFFFC000  }
0x36: {  	s29 =	simm.s32 $0x0;
	s30 =	simm.s32 $0x0;
	[bflag:$0x0] =	sbarrier.arrive $0xFFFF  }
.LBB2_4:
0x37: {  	s0 =	smul.u32 $0x28, s30;
	_ =	sdelay $0x1  }
0x38: {  	s0 =	sadd.s32 s11, s0  }
0x39: {  	s0 =	sshll.u32 s0, $0x4  }
0x3a: {  	s31 =	sadd.s32 s0, s12  }
0x3b: {  	[tilespmem:s16], [sflag:$0x5] =	stream.linear.gather [hbm4b:s31+s29], $0x1400, $0x38;
	[tilespmem:$0x1E800] =	vst v63  }
0x3c: {  	_ =	swait.ge [sflag:s15], $0x1400  }
0x3d: {  	[sflag:s15] =	ssyncset.done $0x0  }
0x3e: {  	s0 =	sadd.s32 s5, s0;
	[sflag:s15] =	ssyncadd.s32 $0xFFFFEC00  }
0x3f: {  	[tilespmem:s17], [sflag:$0x5] =	stream.linear.gather [hbm4b:s0+s29], $0x1400, $0x38;
	[tilespmem:$0x1E800] =	vst v63  }
0x40: {  	_ =	swait.ge [sflag:s15], $0x1400  }
0x41: {  	[sflag:s15] =	ssyncset.done $0x0  }
0x42: {  	[sflag:s15] =	ssyncadd.s32 $0xFFFFEC00  }
0x43: {  	[tilespmem:s14], [sflag:$0x1] =	stream.indirect.gather [hbm4b:s4+s18], $0x80, s16, s18, $0xb8;
	[tilespmem:$0x1E800] =	vst v63  }
0x44: {  	_ = 	snop  }
0x45: {  	[tilespmem:s20], [sflag:$0x2] =	stream.indirect.gather [hbm4b:s4+s18], $0x80, s19, s18, $0xb8;
	[tilespmem:$0x1E800] =	vst v63  }
0x46: {  	_ =	swait.ge [sflag:s21], $0x4000  }
0x47: {  	[sflag:s21] =	ssyncset.done $0x0  }
0x48: {  	s2 =	simm.s32 $0x15400;
	[sflag:s21] =	ssyncadd.s32 $0xFFFFC000  }
0x49: {  	[spmem:s1] =	stream.indirect.scatter.add.f32 [tilespmem:s14], [sflag:$0x3], $0x80, s2, s18, $0xb8;
	[tilespmem:$0x1E800] =	vst v63  }
0x4a: {  	_ =	swait.ge [sflag:s22], $0x4000  }
0x4b: {  	[sflag:s22] =	ssyncset.done $0x0  }
0x4c: {  	s2 =	simm.s32 $0x15480;
	[sflag:s22] =	ssyncadd.s32 $0xFFFFC000  }
0x4d: {  	[spmem:s1] =	stream.indirect.scatter.add.f32 [tilespmem:s20], [sflag:$0x4], $0x80, s2, s18, $0xb8;
	[tilespmem:$0x1E800] =	vst v63  }
0x4e: {  	_ =	swait.ge [sflag:s23], $0x4000  }
0x4f: {  	[sflag:s23] =	ssyncset.done $0x0  }
0x50: {  	s2 =	simm.s32 $0x14100;
	[sflag:s23] =	ssyncadd.s32 $0xFFFFC000  }
0x51: {  	[tilespmem:s14], [sflag:$0x1] =	stream.indirect.gather [hbm4b:s4+s18], $0x80, s2, s18, $0xb8;
	[tilespmem:$0x1E800] =	vst v63  }
0x52: {  	_ =	swait.ge [sflag:s25], $0x4000  }
0x53: {  	[sflag:s25] =	ssyncset.done $0x0  }
0x54: {  	s31 =	simm.s32 $0x400;
	s0 =	simm.s32 $0x14180;
	[sflag:s25] =	ssyncadd.s32 $0xFFFFC000  }
.LBB2_5:
0x55: {  	[tilespmem:s20], [sflag:$0x2] =	stream.indirect.gather [hbm4b:s4+s18], $0x80, s0, s18, $0xb8;
	[tilespmem:$0x1E800] =	vst v63  }
0x56: {  	s0 =	smov.u32 s31  }
0x57: {  	p0 =	sne.s32 s31, $0x4800;
	s31 =	sadd.s32 $0x400, s31;
	_ =	swait.ge [sflag:s21], $0x4000  }
0x58: {  	s0 =	sshra.s32 s0, $0x2;
	[sflag:s21] =	ssyncset.done $0x0  }
0x59: {  	s2 =	sadd.s32 $0x15400, s0;
	[sflag:s21] =	ssyncadd.s32 $0xFFFFC000  }
0x5a: {  	[spmem:s1] =	stream.indirect.scatter.add.f32 [tilespmem:s14], [sflag:$0x3], $0x80, s2, s18, $0xb8;
	[tilespmem:$0x1E800] =	vst v63  }
0x5b: {  	_ =	swait.ge [sflag:s22], $0x4000  }
0x5c: {  	[sflag:s22] =	ssyncset.done $0x0  }
0x5d: {  	s2 =	sadd.s32 $0x15480, s0;
	[sflag:s22] =	ssyncadd.s32 $0xFFFFC000  }
0x5e: {  	[spmem:s1] =	stream.indirect.scatter.add.f32 [tilespmem:s20], [sflag:$0x4], $0x80, s2, s18, $0xb8;
	[tilespmem:$0x1E800] =	vst v63  }
0x5f: {  	_ =	swait.ge [sflag:s23], $0x4000  }
0x60: {  	[sflag:s23] =	ssyncset.done $0x0  }
.Ltmp1:
0x61: {  	s2 =	sadd.s32 $0x14100, s0;
	[sflag:s23] =	ssyncadd.s32 $0xFFFFC000;
	(pc) =	sbr.rel @p0 .LBB2_5-.Ltmp1, $4  }
0x62: {  	[tilespmem:s14], [sflag:$0x1] =	stream.indirect.gather [hbm4b:s4+s18], $0x80, s2, s18, $0xb8;
	[tilespmem:$0x1E800] =	vst v63  }
0x63: {  	_ =	swait.ge [sflag:s25], $0x4000  }
0x64: {  	[sflag:s25] =	ssyncset.done $0x0  }
0x65: {  	s0 =	sadd.s32 $0x14180, s0;
	[sflag:s25] =	ssyncadd.s32 $0xFFFFC000  }
0x66: {  	[tilespmem:s20], [sflag:$0x2] =	stream.indirect.gather [hbm4b:s4+s18], $0x80, s0, s18, $0xb8;
	[tilespmem:$0x1E800] =	vst v63  }
0x67: {  	_ =	swait.ge [sflag:s21], $0x4000  }
0x68: {  	[sflag:s21] =	ssyncset.done $0x0  }
0x69: {  	[sflag:s21] =	ssyncadd.s32 $0xFFFFC000  }
0x6a: {  	[spmem:s1] =	stream.indirect.scatter.add.f32 [tilespmem:s14], [sflag:$0x3], $0x80, s26, s18, $0xb8;
	[tilespmem:$0x1E800] =	vst v63  }
0x6b: {  	_ =	swait.ge [sflag:s22], $0x4000  }
0x6c: {  	[sflag:s22] =	ssyncset.done $0x0  }
0x6d: {  	s30 =	sadd.s32 $0x1, s30;
	[sflag:s22] =	ssyncadd.s32 $0xFFFFC000  }
0x6e: {  	[spmem:s1] =	stream.indirect.scatter.add.f32 [tilespmem:s20], [sflag:$0x4], $0x80, s28, s18, $0xb8;
	[tilespmem:$0x1E800] =	vst v63  }
0x6f: {  	p0 =	sne.s32 s30, $0x4;
	_ =	swait.ge [sflag:s23], $0x4000  }
.Ltmp2:
0x70: {  	[sflag:s23] =	ssyncset.done $0x0;
	(pc) =	sbr.rel @p0 .LBB2_4-.Ltmp2, $4  }
0x71: {  	[sflag:s23] =	ssyncadd.s32 $0xFFFFC000  }
0x72: {  	_ =	swait.ge [sflag:s25], $0x4000  }
0x73: {  	[sflag:s25] =	ssyncset.done $0x0  }
0x74: {  	[sflag:s25] =	ssyncadd.s32 $0xFFFFC000  }
0x75: {  	s0 =	stileid.u32;
	s3 =	sadd.s32 $0x1, s3  }
0x76: {  	[bflag:$0x0] =	sbarrier.arrive $0xFFFF;
	s0 =	sshll.u32 s0, $0x6;
	p0 =	sne.s32 s3, s13  }
.Ltmp3:
0x77: {  	s2 =	sshrl.u32 s6, $0x3;
	s0 =	sor.u32 $0x1C05, s0;
	(pc) =	sbr.rel @p0 .LBB2_1-.Ltmp3, $4  }
0x78: {  	[hbm:s24], [sflag:s0] =	dma.local [spmem:s2], $0x2800  }
0x79: {  	_ =	swait.ge [sflag:s15], $0x2800  }
0x7a: {  	[sflag:s15] =	ssyncset.done $0x0  }
0x7b: {  	[sflag:s15] =	ssyncadd.s32 $0xFFFFD800  }
0x7c: {  	_ =	sfence.sel $0x180000  }
0x7d: {  	[bflag:$0x0] =	sbarrier.arrive $0xFFFF  }
0x7e: {  	_ =	strace $0x9000004D  }
0x7f: {  	s0 =	stileid.u32;
	[bflag:$0x2] =	sbarrier.arrive $0xFFFF  }
0x80: {  	p0 =	sne.s32 s0, $0x0;
	s0 =	rddreg [dreg:$0x3]  }
0x81: {  	s0 =	sadd.s32 @!p0 $0x100000, s0  }
0x82: {  	[sflag:s0] =	ssyncadd.tile.s32 @!p0 $0x1;
	_ =	shalt  }
.Lfunc_end2:
_tile_overlayer_lowered:
.L_overlay_start_2:
0x83: {  	(tag) =	ssettag $0x2  }
0x84: {  	s0 =	rddreg [dreg:$0x0];
	s2 =	stileid.u32  }
0x85: {  	s1 =	rddreg [dreg:$0x1];
	p0 =	sne.s32 s2, $0x0  }
0x86: {  	s3 =	rddreg [dreg:$0x2];
	[bflag:$0x3] =	sbarrier.arrive $0xFFFF;
	s2 =	simm.s32 @!p0 $0x1C05  }
0x87: {  	[timem:s3], [sflag:s2] =	dma.local @!p0 [hbm:s0], s1  }
0x88: {  	s0 =	simm.s32 @!p0 $0x5  }
0x89: {  	_ =	swait.ge @!p0 [sflag:s0], s1  }
0x8a: {  	s1 =	ssub.s32 @!p0 $0x0, s1;
	[sflag:s0] =	ssyncset.done @!p0 $0x0  }
0x8b: {  	[sflag:s0] =	ssyncadd.s32 @!p0 s1  }
0x8c: {  	[bflag:$0x3] =	sbarrier.arrive $0xFFFF  }
0x8d: {  	_ =	shalt  }

// kernel: kernel.21.cloned.1.call-start
scs
__scs_entry_jumppad:
0x0: {  	(pc) =	sbr.rel $0x88, $3  }
0x1: {  	(tag) =	ssettag $0x0;
	lr =	simm.s32 $0x1  }
0x2: {  	[smem:$0x3F97] =	sst lr;
	_ =	strace $0xD0000000  }
0x3: {  	_ = 	snop  }
0x4: {  	_ = 	snop  }
0x5: {  	_ = 	snop  }
0x6: {  	_ = 	snop  }
0x7: {  	_ = 	snop  }
__scs_overlays_trampoline_lowered:
0x8: {  	[smem:$0x3FA6] =	sst s0  }
0x9: {  	[smem:$0x3FA7] =	sst s1  }
0xa: {  	[smem:$0x3FA8] =	sst s2  }
0xb: {  	[smem:$0x3FA9] =	sst s3  }
0xc: {  	[smem:$0x3FAA] =	sst s4  }
0xd: {  	[smem:$0x3FAB] =	sst s5  }
0xe: {  	[smem:$0x3FAC] =	sst s6  }
0xf: {  	[smem:$0x3FAD] =	sst s7  }
0x10: {  	[smem:$0x3FAE] =	sst s8  }
0x11: {  	[smem:$0x3FAF] =	sst s9;
	s0 =	simm.s32 @!p0 $0x0  }
0x12: {  	s1 =	sld [smem:$0x3F95];
	s0 =	simm.s32 @p0 $0x1  }
0x13: {  	[smem:$0x3FB0] =	sst s0;
	s0 =	simm.s32 @!p1 $0x0  }
0x14: {  	s2 =	sld [smem:$0x3F94];
	s0 =	simm.s32 @p1 $0x1  }
0x15: {  	[smem:$0x3FB1] =	sst s0;
	s0 =	simm.s32 @!p2 $0x0  }
0x16: {  	s3 =	sld [smem:$0x3FDB];
	s0 =	simm.s32 @p2 $0x1  }
0x17: {  	s4 =	simm.s32 $0x1BF5;
	[smem:$0x3FB3] =	sst s0  }
0x18: {  	s0 =	sld [smem:$0x3F96];
	_ =	swait.ge [sflag:s4], $0x0  }
0x19: {  	s7 =	sld [smem:$0x3F97]  }
0x1a: {  	s8 =	sadd.s32 $0xFFFFE003, lr  }
0x1b: {  	s9 =	sadd.s32 $0xFFFFFEF7, lr;
	s5 =	simm.s32 $0xFFFFFFFF;
	p2 =	slt.u32 s8, $0xFFFFF086  }
0x1c: {  	p1 =	slt.u32 s9, $0xF7A;
	s5 =	simm.s32 @!p2 $0x0  }
0x1d: {  	s5 =	simm.s32 @p1 $0x1;
	p0 =	seq.s32 s7, s2  }
0x1e: {  	s7 =	smul.u32 @!p0 $0xF7A, s2;
	p2 =	seq.s32 @!p0 s5, $0x0  }
0x1f: {  	s9 =	smul.u32 $0xF7A, s1;
	s8 =	simm.s32 @!p0 $0x1BF5;
	p2 =	por !p2, p0  }
0x20: {  	[sflag:s8] =	ssyncset.s32 @!p0 $0xFFFFF086;
	s6 =	sadd.s32 @!p0 s3, s7;
	s7 =	simm.s32 @!p0 $0x108  }
0x21: {  	s3 =	sadd.s32 s3, s9;
	s6 =	sadd.s32 @!p0 $0x88, s6;
	s7 =	simm.s32 @p2 $0x1082  }
0x22: {  	[simem:s7], [sflag:s8] =	dma.local @!p0 [hbm:s6], $0xF7A  }
0x23: {  	s9 =	sor.u32 $0xD0000000, s2;
	s6 =	simm.s32 $0x108;
	_ =	swait.ge @!p0 [sflag:s8], $0x0  }
0x24: {  	s3 =	sadd.s32 $0x88, s3;
	s6 =	simm.s32 @!p1 $0x1082;
	[sflag:s4] =	ssyncset.s32 $0xFFFFF086  }
0x25: {  	[simem:s6], [sflag:s4] =	dma.local [hbm:s3], $0xF7A  }
0x26: {  	[smem:$0x3F97] =	sst s1;
	(tag) =	ssettag s2;
	_ =	strace s9  }
0x27: {  	s1 =	sld [smem:$0x3FA7]  }
0x28: {  	s2 =	sld [smem:$0x3FA8]  }
0x29: {  	s4 =	sld [smem:$0x3FAA]  }
0x2a: {  	p0 =	seq.s32 s5, $0x0;
	s5 =	sld [smem:$0x3FAB]  }
0x2b: {  	s6 =	sld [smem:$0x3FAC]  }
0x2c: {  	s7 =	sld [smem:$0x3FAD]  }
0x2d: {  	s3 =	simm.s32 $0x108;
	s8 =	sld [smem:$0x3FAE]  }
0x2e: {  	s3 =	simm.s32 @!p0 $0x1082;
	s9 =	sld [smem:$0x3FAF]  }
0x2f: {  	lr =	sadd.s32 s0, s3;
	s0 =	sld [smem:$0x3FA6]  }
0x30: {  	s3 =	sld [smem:$0x3FA9]  }
0x31: {  	[smem:$0x3FB2] =	sst s10  }
0x32: {  	s10 =	sld [smem:$0x3FB0];
	_ =	sdelay $0x3  }
0x33: {  	p0 =	seq.s32 s10, $0x1;
	s10 =	sld [smem:$0x3FB2];
	_ =	sdelay $0x3  }
0x34: {  	[smem:$0x3FB2] =	sst s10  }
0x35: {  	s10 =	sld [smem:$0x3FB1];
	_ =	sdelay $0x3  }
0x36: {  	p1 =	seq.s32 s10, $0x1;
	s10 =	sld [smem:$0x3FB2];
	_ =	sdelay $0x3  }
0x37: {  	[smem:$0x3FB2] =	sst s10  }
0x38: {  	s10 =	sld [smem:$0x3FB3]  }
0x39: {  	_ = 	snop;
	(pc) =	sbr.ind lr, $3  }
0x3a: {  	_ = 	snop  }
0x3b: {  	_ = 	snop  }
0x3c: {  	p2 =	seq.s32 s10, $0x1;
	s10 =	sld [smem:$0x3FB2]  }
0x3d: {  	_ =	shalt  }
0x3e: {  	_ =	shalt  }
0x3f: {  	_ =	shalt  }
0x40: {  	_ =	shalt  }
0x41: {  	_ =	shalt  }
0x42: {  	_ =	shalt  }
0x43: {  	_ =	shalt  }
0x44: {  	_ =	shalt  }
0x45: {  	_ =	shalt  }
0x46: {  	_ =	shalt  }
0x47: {  	_ =	shalt  }
0x48: {  	_ =	shalt  }
0x49: {  	_ =	shalt  }
0x4a: {  	_ =	shalt  }
0x4b: {  	_ =	shalt  }
0x4c: {  	_ =	shalt  }
0x4d: {  	_ =	shalt  }
0x4e: {  	_ =	shalt  }
0x4f: {  	_ =	shalt  }
0x50: {  	_ =	shalt  }
0x51: {  	_ =	shalt  }
0x52: {  	_ =	shalt  }
0x53: {  	_ =	shalt  }
0x54: {  	_ =	shalt  }
0x55: {  	_ =	shalt  }
0x56: {  	_ =	shalt  }
0x57: {  	_ =	shalt  }
0x58: {  	_ =	shalt  }
0x59: {  	_ =	shalt  }
0x5a: {  	_ =	shalt  }
0x5b: {  	_ =	shalt  }
0x5c: {  	_ =	shalt  }
0x5d: {  	_ =	shalt  }
0x5e: {  	_ =	shalt  }
0x5f: {  	_ =	shalt  }
0x60: {  	_ =	shalt  }
0x61: {  	_ =	shalt  }
0x62: {  	_ =	shalt  }
0x63: {  	_ =	shalt  }
0x64: {  	_ =	shalt  }
0x65: {  	_ =	shalt  }
0x66: {  	_ =	shalt  }
0x67: {  	_ =	shalt  }
0x68: {  	_ =	shalt  }
0x69: {  	_ =	shalt  }
0x6a: {  	_ =	shalt  }
0x6b: {  	_ =	shalt  }
0x6c: {  	_ =	shalt  }
0x6d: {  	_ =	shalt  }
0x6e: {  	_ =	shalt  }
0x6f: {  	_ =	shalt  }
0x70: {  	_ =	shalt  }
0x71: {  	_ =	shalt  }
0x72: {  	_ =	shalt  }
0x73: {  	_ =	shalt  }
0x74: {  	_ =	shalt  }
0x75: {  	_ =	shalt  }
0x76: {  	_ =	shalt  }
0x77: {  	_ =	shalt  }
0x78: {  	_ =	shalt  }
0x79: {  	_ =	shalt  }
0x7a: {  	_ =	shalt  }
0x7b: {  	_ =	shalt  }
0x7c: {  	_ =	shalt  }
0x7d: {  	_ =	shalt  }
0x7e: {  	_ =	shalt  }
0x7f: {  	_ =	shalt  }
0x80: {  	_ =	shalt  }
0x81: {  	_ =	shalt  }
0x82: {  	_ =	shalt  }
0x83: {  	_ =	shalt  }
0x84: {  	_ =	shalt  }
0x85: {  	_ =	shalt  }
0x86: {  	_ =	shalt  }
0x87: {  	_ =	shalt  }
.Lfunc_end0:
.L_simem_size_0:
called_computation.3_lowered:
.L_overlay_start_0:
0x88: {  	s2 =	sld [smem:$0x3FD9]  }
0x89: {  	s3 =	sld [smem:$0x3FFE];
	_ =	sdelay $0x1  }
0x8a: {  	s1 =	srdreg.scid  }
0x8b: {  	s0 =	sand.u32 $0x1, s1  }
0x8c: {  	s14 =	sshll.u32 s0, $0xA;
	s2 =	sadd.s32 s3, s2  }
0x8d: {  	s2 =	sadd.s32 s2, s14  }
0x8e: {  	[smem:$0x3FBE] =	sst s2  }
0x8f: {  	_ = 	snop  }
0x90: {  	s2 =	sld [smem:$0x3FD0];
	_ =	sdelay $0x2  }
0x91: {  	s15 =	simm.s32 $0xA;
	s4 =	simm.s32 $0x10  }
0x92: {  	[smem:s4], [sflag:s15] =	dma.local [hbm:s2], $0x1  }
0x93: {  	_ =	swait.eq [sflag:s15], $0x1  }
0x94: {  	[sflag:s15] =	ssyncset.done $0x0  }
0x95: {  	[sflag:s15] =	ssyncadd.s32 $0xFFFFFFFF  }
0x96: {  	s16 =	sld [smem:$0x11];
	(tm) =	ssettm $0x1  }
0x97: {  	s17 =	sld [smem:$0x3FFB];
	_ =	sdelay $0x3  }
0x98: {  	_ =	strace s17  }
0x99: {  	s3 =	sld [smem:$0x3FFC];
	_ =	sdelay $0x3  }
0x9a: {  	_ =	strace s3  }
0x9b: {  	s3 =	sld [smem:$0x3FFD];
	_ =	sdelay $0x3  }
0x9c: {  	_ =	strace s3  }
0x9d: {  	_ =	strace $0x8FFFFFFF  }
0x9e: {  	s18 =	sld [smem:$0x3FDB];
	_ =	sdelay $0x1  }
0x9f: {  	s19 =	simm.s32 $_scs_section_size  }
0xa0: {  	s5 =	simm.s32 $_size__tile_overlayer_lowered;
	s6 =	simm.s32 $_tile_overlayer_lowered  }
0xa1: {  	s22 =	simm.s32 $0x1BFF;
	s21 =	sshll.u32 s6, $0x1;
	s3 =	sadd.s32 s19, s18  }
0xa2: {  	s7 =	simm.s32 $0x0;
	s20 =	sshll.u32 s5, $0x1;
	s5 =	sadd.s32 s21, s3  }
0xa3: {  	[timem:s7], [sflag:s22] =	dma.local [hbm:s5], s20  }
0xa4: {  	_ =	swait.ge [sflag:s22], s20  }
0xa5: {  	s4 =	ssub.s32 $0x0, s20;
	[sflag:s22] =	ssyncset.done $0x0  }
0xa6: {  	[sflag:s22] =	ssyncadd.s32 s4;
	_ =	sdelay $0x1  }
0xa7: {  	s23 =	simm.s32 $0x1B8B  }
0xa8: {  	_ =	swait.ge [sflag:s23], $0x1  }
0xa9: {  	[sflag:s23] =	ssyncset.done $0x0  }
0xaa: {  	s25 =	simm.s32 $0x1B8E;
	s24 =	sld [smem:$0x3FFE];
	[sflag:s23] =	ssyncadd.s32 $0xFFFFFFFF  }
0xab: {  	s26 =	simm.s32 $execute0_lowered;
	[smem:$0x3FD2] =	sst s25  }
0xac: {  	s5 =	sshll.u32 s26, $0x1;
	_ =	strace $0x8000004F;
	[dreg:$0x1] =	wrdreg $0xFFFFFFFF  }
0xad: {  	s28 =	simm.s32 $_size_execute0_lowered;
	s3 =	sadd.s32 s3, s5;
	[dreg:$0x0] =	wrdreg $0x0  }
0xae: {  	s5 =	sshll.u32 s28, $0x1;
	[dreg:$0x2] =	wrdreg s3  }
0xaf: {  	[dreg:$0x3] =	wrdreg s5  }
0xb0: {  	[dreg:$0x4] =	wrdreg $0xC0  }
0xb1: {  	_ =	task [dreg:s7], $0x5FFFF  }
0xb2: {  	[dreg:$0x1] =	wrdreg $0xFFFFFFFF  }
0xb3: {  	[dreg:$0x0] =	wrdreg $0x60  }
0xb4: {  	[dreg:$0x2] =	wrdreg s24  }
0xb5: {  	[dreg:$0x3] =	wrdreg s16  }
0xb6: {  	[dreg:$0x4] =	wrdreg $0x0  }
0xb7: {  	[dreg:$0x5] =	wrdreg $0x9  }
0xb8: {  	_ =	task.clear_ibuf [dreg:s7], $0x6FFFF;
	_ =	strace $0x9000004F  }
0xb9: {  	s29 =	simm.s32 $0x9;
	_ =	strace $0x80000051  }
0xba: {  	_ =	swait.ge [sflag:s29], $0x1  }
0xbb: {  	[sflag:s29] =	ssyncadd.s32 $0xFFFFFFFF  }
0xbc: {  	_ =	strace $0x90000051  }
0xbd: {  	_ =	sfence  }
0xbe: {  	s30 =	sld [smem:$0x0];
	_ =	sdelay $0x2  }
0xbf: {  	s31 =	sshll.u32 s1, $0xD;
	s1 =	sshrl.u32 s1, $0x2  }
0xc0: {  	s3 =	sand.u32 $0x4000, s31;
	s1 =	sadd.s32 s1, s30  }
0xc1: {  	s0 =	sor.u32 s3, s0;
	s1 =	sshll.u32 s1, $0x11  }
0xc2: {  	s0 =	sor.u32 s1, s0  }
0xc3: {  	s0 =	sadd.s32 $0x8F2B, s0  }
0xc4: {  	[sflag:s0] =	ssyncadd.remote.s32 $0x1  }
0xc5: {  	_ =	sfence.sel $0xFFFF  }
0xc6: {  	[dreg:$0x0] =	wrdreg $0xFFFFFFFF;
	(pc) =	sbr.abs _section_cstart, $3  }
0xc7: {  	[dreg:$0x1] =	wrdreg $0xFFFFFFFF  }
0xc8: {  	_ =	task.clear_ibuf [dreg:s7], $0x2FFFF;
	_ =	strace $0x9FFFFFFF  }
0xc9: {  	(tm) =	ssettm $0x7FFFFFFF  }
tec
execute0_lowered:
.L_overlay_start_1:
0x0: {  	(tag) =	ssettag $0x1  }
0x1: {  	s0 =	rddreg [dreg:$0x0]  }
0x2: {  	s12 =	rddreg [dreg:$0x1]  }
0x3: {  	s1 =	rddreg [dreg:$0x2];
	s3 =	simm.s32 $0x0  }
0x4: {  	s4 =	srdreg.scid;
	s2 =	stileid.u32;
	s15 =	simm.s32 $0x5  }
0x5: {  	s16 =	simm.s32 $0x14000;
	s17 =	simm.s32 $0x15400;
	s18 =	simm.s32 $0x80  }
0x6: {  	s19 =	simm.s32 $0x14080;
	s20 =	simm.s32 $0x1A800;
	s21 =	simm.s32 $0x1  }
0x7: {  	s22 =	simm.s32 $0x2;
	s23 =	simm.s32 $0x3;
	s25 =	simm.s32 $0x4  }
0x8: {  	s26 =	simm.s32 $0x16700;
	s28 =	simm.s32 $0x16780;
	s6 =	smul.u32 $0x50000, s2  }
0x9: {  	[smem:$0x7FF] =	sst s3;
	s9 =	sand.u32 $0x1, s4;
	s11 =	smul.u32 $0xA0, s2  }
0xa: {  	s4 =	sadd.s32 $0x18400, s0;
	s5 =	sadd.s32 $0x4400, s0;
	s24 =	smul.u32 $0x2800, s2  }
0xb: {  	_ =	strace $0x80000050;
	s7 =	smul.u32 $0x28000, s9;
	s8 =	ssub.s32 $0x2, s9  }
0xc: {  	s14 =	smul.u32 $0xA000, s9;
	s10 =	sshrl.u32 s8, $0x1;
	s6 =	sshrl.u32 s6, $0x2  }
0xd: {  	s0 =	sadd.s32 s7, s0;
	s13 =	ssub.s32 s8, s10;
	s6 =	sadd.s32 s6, s1  }
0xe: {  	s12 =	sadd.s32 s12, s14;
	s14 =	simm.s32 $0x16800;
	s7 =	sadd.s32 $0x4000, s6  }
0xf: {  	s8 =	sadd.s32 $0x8000, s6;
	s9 =	sadd.s32 $0xC000, s6;
	s0 =	sadd.s32 $0xB8400, s0  }
0x10: {  	v0 =	vimm.f32 $0.0e+00;
	s10 =	sadd.s32 $0x10000, s6;
	s13 =	smax.u32 s13, $0x1;
	s24 =	sadd.s32 s24, s0  }
.LBB2_1:
0x11: {  	s29 =	simm.s32 $0x0;
	s30 =	simm.s32 $0x200  }
.LBB2_2:
0x12: {  	p0 =	sne.s32 s30, $0xFE00;
	[tilespmem:s29+$0x16870] =	vst v0  }
0x13: {  	[tilespmem:s29+$0x16800] =	vst v0  }
0x14: {  	[tilespmem:s29+$0x16810] =	vst v0  }
.Ltmp0:
0x15: {  	[tilespmem:s29+$0x16820] =	vst v0;
	(pc) =	sbr.rel @p0 .LBB2_2-.Ltmp0, $4  }
0x16: {  	[tilespmem:s29+$0x16830] =	vst v0  }
0x17: {  	[tilespmem:s29+$0x16840] =	vst v0  }
0x18: {  	[tilespmem:s29+$0x16850] =	vst v0  }
0x19: {  	[tilespmem:s29+$0x16860] =	vst v0;
	s29 =	sshra.s32 s30, $0x2;
	s30 =	sadd.s32 $0x200, s30  }
0x1a: {  	[tilespmem:s29+$0x16870] =	vst v0  }
0x1b: {  	[tilespmem:s29+$0x16800] =	vst v0  }
0x1c: {  	[tilespmem:s29+$0x16810] =	vst v0  }
0x1d: {  	[tilespmem:s29+$0x16820] =	vst v0  }
0x1e: {  	[tilespmem:s29+$0x16830] =	vst v0  }
0x1f: {  	[tilespmem:s29+$0x16840] =	vst v0  }
0x20: {  	[tilespmem:s29+$0x16850] =	vst v0  }
0x21: {  	[tilespmem:s29+$0x16860] =	vst v0  }
0x22: {  	[spmem:s6] =	stream.linear.scatter [tilespmem:s14], [sflag:$0x5], $0x4000, $0x38;
	[tilespmem:$0x1E800] =	vst v63  }
0x23: {  	_ =	swait.ge [sflag:s15], $0x4000  }
0x24: {  	[sflag:s15] =	ssyncset.done $0x0  }
0x25: {  	[sflag:s15] =	ssyncadd.s32 $0xFFFFC000  }
0x26: {  	[spmem:s7] =	stream.linear.scatter [tilespmem:s14], [sflag:$0x5], $0x4000, $0x38;
	[tilespmem:$0x1E800] =	vst v63  }
0x27: {  	_ =	swait.ge [sflag:s15], $0x4000  }
0x28: {  	[sflag:s15] =	ssyncset.done $0x0  }
0x29: {  	[sflag:s15] =	ssyncadd.s32 $0xFFFFC000  }
0x2a: {  	[spmem:s8] =	stream.linear.scatter [tilespmem:s14], [sflag:$0x5], $0x4000, $0x38;
	[tilespmem:$0x1E800] =	vst v63  }
0x2b: {  	_ =	swait.ge [sflag:s15], $0x4000  }
0x2c: {  	[sflag:s15] =	ssyncset.done $0x0  }
0x2d: {  	[sflag:s15] =	ssyncadd.s32 $0xFFFFC000  }
0x2e: {  	[spmem:s9] =	stream.linear.scatter [tilespmem:s14], [sflag:$0x5], $0x4000, $0x38;
	[tilespmem:$0x1E800] =	vst v63  }
0x2f: {  	_ =	swait.ge [sflag:s15], $0x4000  }
0x30: {  	[sflag:s15] =	ssyncset.done $0x0  }
0x31: {  	[sflag:s15] =	ssyncadd.s32 $0xFFFFC000  }
0x32: {  	[spmem:s10] =	stream.linear.scatter [tilespmem:s14], [sflag:$0x5], $0x4000, $0x38;
	[tilespmem:$0x1E800] =	vst v63  }
0x33: {  	_ =	swait.ge [sflag:s15], $0x4000  }
0x34: {  	[sflag:s15] =	ssyncset.done $0x0  }
0x35: {  	[sflag:s15] =	ssyncadd.s32 $0xFFFFC000  }
0x36: {  	s29 =	simm.s32 $0x0;
	s30 =	simm.s32 $0x0;
	[bflag:$0x0] =	sbarrier.arrive $0xFFFF  }
.LBB2_4:
0x37: {  	s0 =	smul.u32 $0x28, s30;
	_ =	sdelay $0x1  }
0x38: {  	s0 =	sadd.s32 s11, s0  }
0x39: {  	s0 =	sshll.u32 s0, $0x4  }
0x3a: {  	s31 =	sadd.s32 s0, s12  }
0x3b: {  	[tilespmem:s16], [sflag:$0x5] =	stream.linear.gather [hbm4b:s31+s29], $0x1400, $0x38;
	[tilespmem:$0x1E800] =	vst v63  }
0x3c: {  	_ =	swait.ge [sflag:s15], $0x1400  }
0x3d: {  	[sflag:s15] =	ssyncset.done $0x0  }
0x3e: {  	s0 =	sadd.s32 s5, s0;
	[sflag:s15] =	ssyncadd.s32 $0xFFFFEC00  }
0x3f: {  	[tilespmem:s17], [sflag:$0x5] =	stream.linear.gather [hbm4b:s0+s29], $0x1400, $0x38;
	[tilespmem:$0x1E800] =	vst v63  }
0x40: {  	_ =	swait.ge [sflag:s15], $0x1400  }
0x41: {  	[sflag:s15] =	ssyncset.done $0x0  }
0x42: {  	[sflag:s15] =	ssyncadd.s32 $0xFFFFEC00  }
0x43: {  	[tilespmem:s14], [sflag:$0x1] =	stream.indirect.gather [hbm4b:s4+s18], $0x80, s16, s18, $0xb8;
	[tilespmem:$0x1E800] =	vst v63  }
0x44: {  	_ = 	snop  }
0x45: {  	[tilespmem:s20], [sflag:$0x2] =	stream.indirect.gather [hbm4b:s4+s18], $0x80, s19, s18, $0xb8;
	[tilespmem:$0x1E800] =	vst v63  }
0x46: {  	_ =	swait.ge [sflag:s21], $0x4000  }
0x47: {  	[sflag:s21] =	ssyncset.done $0x0  }
0x48: {  	s2 =	simm.s32 $0x15400;
	[sflag:s21] =	ssyncadd.s32 $0xFFFFC000  }
0x49: {  	[spmem:s1] =	stream.indirect.scatter.add.f32 [tilespmem:s14], [sflag:$0x3], $0x80, s2, s18, $0xb8;
	[tilespmem:$0x1E800] =	vst v63  }
0x4a: {  	_ =	swait.ge [sflag:s22], $0x4000  }
0x4b: {  	[sflag:s22] =	ssyncset.done $0x0  }
0x4c: {  	s2 =	simm.s32 $0x15480;
	[sflag:s22] =	ssyncadd.s32 $0xFFFFC000  }
0x4d: {  	[spmem:s1] =	stream.indirect.scatter.add.f32 [tilespmem:s20], [sflag:$0x4], $0x80, s2, s18, $0xb8;
	[tilespmem:$0x1E800] =	vst v63  }
0x4e: {  	_ =	swait.ge [sflag:s23], $0x4000  }
0x4f: {  	[sflag:s23] =	ssyncset.done $0x0  }
0x50: {  	s2 =	simm.s32 $0x14100;
	[sflag:s23] =	ssyncadd.s32 $0xFFFFC000  }
0x51: {  	[tilespmem:s14], [sflag:$0x1] =	stream.indirect.gather [hbm4b:s4+s18], $0x80, s2, s18, $0xb8;
	[tilespmem:$0x1E800] =	vst v63  }
0x52: {  	_ =	swait.ge [sflag:s25], $0x4000  }
0x53: {  	[sflag:s25] =	ssyncset.done $0x0  }
0x54: {  	s31 =	simm.s32 $0x400;
	s0 =	simm.s32 $0x14180;
	[sflag:s25] =	ssyncadd.s32 $0xFFFFC000  }
.LBB2_5:
0x55: {  	[tilespmem:s20], [sflag:$0x2] =	stream.indirect.gather [hbm4b:s4+s18], $0x80, s0, s18, $0xb8;
	[tilespmem:$0x1E800] =	vst v63  }
0x56: {  	s0 =	smov.u32 s31  }
0x57: {  	p0 =	sne.s32 s31, $0x4800;
	s31 =	sadd.s32 $0x400, s31;
	_ =	swait.ge [sflag:s21], $0x4000  }
0x58: {  	s0 =	sshra.s32 s0, $0x2;
	[sflag:s21] =	ssyncset.done $0x0  }
0x59: {  	s2 =	sadd.s32 $0x15400, s0;
	[sflag:s21] =	ssyncadd.s32 $0xFFFFC000  }
0x5a: {  	[spmem:s1] =	stream.indirect.scatter.add.f32 [tilespmem:s14], [sflag:$0x3], $0x80, s2, s18, $0xb8;
	[tilespmem:$0x1E800] =	vst v63  }
0x5b: {  	_ =	swait.ge [sflag:s22], $0x4000  }
0x5c: {  	[sflag:s22] =	ssyncset.done $0x0  }
0x5d: {  	s2 =	sadd.s32 $0x15480, s0;
	[sflag:s22] =	ssyncadd.s32 $0xFFFFC000  }
0x5e: {  	[spmem:s1] =	stream.indirect.scatter.add.f32 [tilespmem:s20], [sflag:$0x4], $0x80, s2, s18, $0xb8;
	[tilespmem:$0x1E800] =	vst v63  }
0x5f: {  	_ =	swait.ge [sflag:s23], $0x4000  }
0x60: {  	[sflag:s23] =	ssyncset.done $0x0  }
.Ltmp1:
0x61: {  	s2 =	sadd.s32 $0x14100, s0;
	[sflag:s23] =	ssyncadd.s32 $0xFFFFC000;
	(pc) =	sbr.rel @p0 .LBB2_5-.Ltmp1, $4  }
0x62: {  	[tilespmem:s14], [sflag:$0x1] =	stream.indirect.gather [hbm4b:s4+s18], $0x80, s2, s18, $0xb8;
	[tilespmem:$0x1E800] =	vst v63  }
0x63: {  	_ =	swait.ge [sflag:s25], $0x4000  }
0x64: {  	[sflag:s25] =	ssyncset.done $0x0  }
0x65: {  	s0 =	sadd.s32 $0x14180, s0;
	[sflag:s25] =	ssyncadd.s32 $0xFFFFC000  }
0x66: {  	[tilespmem:s20], [sflag:$0x2] =	stream.indirect.gather [hbm4b:s4+s18], $0x80, s0, s18, $0xb8;
	[tilespmem:$0x1E800] =	vst v63  }
0x67: {  	_ =	swait.ge [sflag:s21], $0x4000  }
0x68: {  	[sflag:s21] =	ssyncset.done $0x0  }
0x69: {  	[sflag:s21] =	ssyncadd.s32 $0xFFFFC000  }
0x6a: {  	[spmem:s1] =	stream.indirect.scatter.add.f32 [tilespmem:s14], [sflag:$0x3], $0x80, s26, s18, $0xb8;
	[tilespmem:$0x1E800] =	vst v63  }
0x6b: {  	_ =	swait.ge [sflag:s22], $0x4000  }
0x6c: {  	[sflag:s22] =	ssyncset.done $0x0  }
0x6d: {  	s30 =	sadd.s32 $0x1, s30;
	[sflag:s22] =	ssyncadd.s32 $0xFFFFC000  }
0x6e: {  	[spmem:s1] =	stream.indirect.scatter.add.f32 [tilespmem:s20], [sflag:$0x4], $0x80, s28, s18, $0xb8;
	[tilespmem:$0x1E800] =	vst v63  }
0x6f: {  	p0 =	sne.s32 s30, $0x4;
	_ =	swait.ge [sflag:s23], $0x4000  }
.Ltmp2:
0x70: {  	[sflag:s23] =	ssyncset.done $0x0;
	(pc) =	sbr.rel @p0 .LBB2_4-.Ltmp2, $4  }
0x71: {  	[sflag:s23] =	ssyncadd.s32 $0xFFFFC000  }
0x72: {  	_ =	swait.ge [sflag:s25], $0x4000  }
0x73: {  	[sflag:s25] =	ssyncset.done $0x0  }
0x74: {  	[sflag:s25] =	ssyncadd.s32 $0xFFFFC000  }
0x75: {  	s0 =	stileid.u32;
	s3 =	sadd.s32 $0x1, s3  }
0x76: {  	[bflag:$0x0] =	sbarrier.arrive $0xFFFF;
	s0 =	sshll.u32 s0, $0x6;
	p0 =	sne.s32 s3, s13  }
.Ltmp3:
0x77: {  	s2 =	sshrl.u32 s6, $0x3;
	s0 =	sor.u32 $0x1C05, s0;
	(pc) =	sbr.rel @p0 .LBB2_1-.Ltmp3, $4  }
0x78: {  	[hbm:s24], [sflag:s0] =	dma.local [spmem:s2], $0x2800  }
0x79: {  	_ =	swait.ge [sflag:s15], $0x2800  }
0x7a: {  	[sflag:s15] =	ssyncset.done $0x0  }
0x7b: {  	[sflag:s15] =	ssyncadd.s32 $0xFFFFD800  }
0x7c: {  	_ =	sfence.sel $0x180000  }
0x7d: {  	[bflag:$0x0] =	sbarrier.arrive $0xFFFF  }
0x7e: {  	_ =	strace $0x90000050  }
0x7f: {  	s0 =	stileid.u32;
	[bflag:$0x2] =	sbarrier.arrive $0xFFFF  }
0x80: {  	p0 =	sne.s32 s0, $0x0;
	s0 =	rddreg [dreg:$0x3]  }
0x81: {  	s0 =	sadd.s32 @!p0 $0x100000, s0  }
0x82: {  	[sflag:s0] =	ssyncadd.tile.s32 @!p0 $0x1;
	_ =	shalt  }
.Lfunc_end2:
_tile_overlayer_lowered:
.L_overlay_start_2:
0x83: {  	(tag) =	ssettag $0x2  }
0x84: {  	s0 =	rddreg [dreg:$0x0];
	s2 =	stileid.u32  }
0x85: {  	s1 =	rddreg [dreg:$0x1];
	p0 =	sne.s32 s2, $0x0  }
0x86: {  	s3 =	rddreg [dreg:$0x2];
	[bflag:$0x3] =	sbarrier.arrive $0xFFFF;
	s2 =	simm.s32 @!p0 $0x1C05  }
0x87: {  	[timem:s3], [sflag:s2] =	dma.local @!p0 [hbm:s0], s1  }
0x88: {  	s0 =	simm.s32 @!p0 $0x5  }
0x89: {  	_ =	swait.ge @!p0 [sflag:s0], s1  }
0x8a: {  	s1 =	ssub.s32 @!p0 $0x0, s1;
	[sflag:s0] =	ssyncset.done @!p0 $0x0  }
0x8b: {  	[sflag:s0] =	ssyncadd.s32 @!p0 s1  }
0x8c: {  	[bflag:$0x3] =	sbarrier.arrive $0xFFFF  }
0x8d: {  	_ =	shalt  }

// kernel: kernel.24.cloned.1.call-start
scs
__scs_entry_jumppad:
0x0: {  	(pc) =	sbr.rel $0x88, $3  }
0x1: {  	(tag) =	ssettag $0x0;
	lr =	simm.s32 $0x1  }
0x2: {  	[smem:$0x3F97] =	sst lr;
	_ =	strace $0xD0000000  }
0x3: {  	_ = 	snop  }
0x4: {  	_ = 	snop  }
0x5: {  	_ = 	snop  }
0x6: {  	_ = 	snop  }
0x7: {  	_ = 	snop  }
__scs_overlays_trampoline_lowered:
0x8: {  	[smem:$0x3FA6] =	sst s0  }
0x9: {  	[smem:$0x3FA7] =	sst s1  }
0xa: {  	[smem:$0x3FA8] =	sst s2  }
0xb: {  	[smem:$0x3FA9] =	sst s3  }
0xc: {  	[smem:$0x3FAA] =	sst s4  }
0xd: {  	[smem:$0x3FAB] =	sst s5  }
0xe: {  	[smem:$0x3FAC] =	sst s6  }
0xf: {  	[smem:$0x3FAD] =	sst s7  }
0x10: {  	[smem:$0x3FAE] =	sst s8  }
0x11: {  	[smem:$0x3FAF] =	sst s9;
	s0 =	simm.s32 @!p0 $0x0  }
0x12: {  	s1 =	sld [smem:$0x3F95];
	s0 =	simm.s32 @p0 $0x1  }
0x13: {  	[smem:$0x3FB0] =	sst s0;
	s0 =	simm.s32 @!p1 $0x0  }
0x14: {  	s2 =	sld [smem:$0x3F94];
	s0 =	simm.s32 @p1 $0x1  }
0x15: {  	[smem:$0x3FB1] =	sst s0;
	s0 =	simm.s32 @!p2 $0x0  }
0x16: {  	s3 =	sld [smem:$0x3FDB];
	s0 =	simm.s32 @p2 $0x1  }
0x17: {  	s4 =	simm.s32 $0x1BF5;
	[smem:$0x3FB3] =	sst s0  }
0x18: {  	s0 =	sld [smem:$0x3F96];
	_ =	swait.ge [sflag:s4], $0x0  }
0x19: {  	s7 =	sld [smem:$0x3F97]  }
0x1a: {  	s8 =	sadd.s32 $0xFFFFE003, lr  }
0x1b: {  	s9 =	sadd.s32 $0xFFFFFEF7, lr;
	s5 =	simm.s32 $0xFFFFFFFF;
	p2 =	slt.u32 s8, $0xFFFFF086  }
0x1c: {  	p1 =	slt.u32 s9, $0xF7A;
	s5 =	simm.s32 @!p2 $0x0  }
0x1d: {  	s5 =	simm.s32 @p1 $0x1;
	p0 =	seq.s32 s7, s2  }
0x1e: {  	s7 =	smul.u32 @!p0 $0xF7A, s2;
	p2 =	seq.s32 @!p0 s5, $0x0  }
0x1f: {  	s9 =	smul.u32 $0xF7A, s1;
	s8 =	simm.s32 @!p0 $0x1BF5;
	p2 =	por !p2, p0  }
0x20: {  	[sflag:s8] =	ssyncset.s32 @!p0 $0xFFFFF086;
	s6 =	sadd.s32 @!p0 s3, s7;
	s7 =	simm.s32 @!p0 $0x108  }
0x21: {  	s3 =	sadd.s32 s3, s9;
	s6 =	sadd.s32 @!p0 $0x88, s6;
	s7 =	simm.s32 @p2 $0x1082  }
0x22: {  	[simem:s7], [sflag:s8] =	dma.local @!p0 [hbm:s6], $0xF7A  }
0x23: {  	s9 =	sor.u32 $0xD0000000, s2;
	s6 =	simm.s32 $0x108;
	_ =	swait.ge @!p0 [sflag:s8], $0x0  }
0x24: {  	s3 =	sadd.s32 $0x88, s3;
	s6 =	simm.s32 @!p1 $0x1082;
	[sflag:s4] =	ssyncset.s32 $0xFFFFF086  }
0x25: {  	[simem:s6], [sflag:s4] =	dma.local [hbm:s3], $0xF7A  }
0x26: {  	[smem:$0x3F97] =	sst s1;
	(tag) =	ssettag s2;
	_ =	strace s9  }
0x27: {  	s1 =	sld [smem:$0x3FA7]  }
0x28: {  	s2 =	sld [smem:$0x3FA8]  }
0x29: {  	s4 =	sld [smem:$0x3FAA]  }
0x2a: {  	p0 =	seq.s32 s5, $0x0;
	s5 =	sld [smem:$0x3FAB]  }
0x2b: {  	s6 =	sld [smem:$0x3FAC]  }
0x2c: {  	s7 =	sld [smem:$0x3FAD]  }
0x2d: {  	s3 =	simm.s32 $0x108;
	s8 =	sld [smem:$0x3FAE]  }
0x2e: {  	s3 =	simm.s32 @!p0 $0x1082;
	s9 =	sld [smem:$0x3FAF]  }
0x2f: {  	lr =	sadd.s32 s0, s3;
	s0 =	sld [smem:$0x3FA6]  }
0x30: {  	s3 =	sld [smem:$0x3FA9]  }
0x31: {  	[smem:$0x3FB2] =	sst s10  }
0x32: {  	s10 =	sld [smem:$0x3FB0];
	_ =	sdelay $0x3  }
0x33: {  	p0 =	seq.s32 s10, $0x1;
	s10 =	sld [smem:$0x3FB2];
	_ =	sdelay $0x3  }
0x34: {  	[smem:$0x3FB2] =	sst s10  }
0x35: {  	s10 =	sld [smem:$0x3FB1];
	_ =	sdelay $0x3  }
0x36: {  	p1 =	seq.s32 s10, $0x1;
	s10 =	sld [smem:$0x3FB2];
	_ =	sdelay $0x3  }
0x37: {  	[smem:$0x3FB2] =	sst s10  }
0x38: {  	s10 =	sld [smem:$0x3FB3]  }
0x39: {  	_ = 	snop;
	(pc) =	sbr.ind lr, $3  }
0x3a: {  	_ = 	snop  }
0x3b: {  	_ = 	snop  }
0x3c: {  	p2 =	seq.s32 s10, $0x1;
	s10 =	sld [smem:$0x3FB2]  }
0x3d: {  	_ =	shalt  }
0x3e: {  	_ =	shalt  }
0x3f: {  	_ =	shalt  }
0x40: {  	_ =	shalt  }
0x41: {  	_ =	shalt  }
0x42: {  	_ =	shalt  }
0x43: {  	_ =	shalt  }
0x44: {  	_ =	shalt  }
0x45: {  	_ =	shalt  }
0x46: {  	_ =	shalt  }
0x47: {  	_ =	shalt  }
0x48: {  	_ =	shalt  }
0x49: {  	_ =	shalt  }
0x4a: {  	_ =	shalt  }
0x4b: {  	_ =	shalt  }
0x4c: {  	_ =	shalt  }
0x4d: {  	_ =	shalt  }
0x4e: {  	_ =	shalt  }
0x4f: {  	_ =	shalt  }
0x50: {  	_ =	shalt  }
0x51: {  	_ =	shalt  }
0x52: {  	_ =	shalt  }
0x53: {  	_ =	shalt  }
0x54: {  	_ =	shalt  }
0x55: {  	_ =	shalt  }
0x56: {  	_ =	shalt  }
0x57: {  	_ =	shalt  }
0x58: {  	_ =	shalt  }
0x59: {  	_ =	shalt  }
0x5a: {  	_ =	shalt  }
0x5b: {  	_ =	shalt  }
0x5c: {  	_ =	shalt  }
0x5d: {  	_ =	shalt  }
0x5e: {  	_ =	shalt  }
0x5f: {  	_ =	shalt  }
0x60: {  	_ =	shalt  }
0x61: {  	_ =	shalt  }
0x62: {  	_ =	shalt  }
0x63: {  	_ =	shalt  }
0x64: {  	_ =	shalt  }
0x65: {  	_ =	shalt  }
0x66: {  	_ =	shalt  }
0x67: {  	_ =	shalt  }
0x68: {  	_ =	shalt  }
0x69: {  	_ =	shalt  }
0x6a: {  	_ =	shalt  }
0x6b: {  	_ =	shalt  }
0x6c: {  	_ =	shalt  }
0x6d: {  	_ =	shalt  }
0x6e: {  	_ =	shalt  }
0x6f: {  	_ =	shalt  }
0x70: {  	_ =	shalt  }
0x71: {  	_ =	shalt  }
0x72: {  	_ =	shalt  }
0x73: {  	_ =	shalt  }
0x74: {  	_ =	shalt  }
0x75: {  	_ =	shalt  }
0x76: {  	_ =	shalt  }
0x77: {  	_ =	shalt  }
0x78: {  	_ =	shalt  }
0x79: {  	_ =	shalt  }
0x7a: {  	_ =	shalt  }
0x7b: {  	_ =	shalt  }
0x7c: {  	_ =	shalt  }
0x7d: {  	_ =	shalt  }
0x7e: {  	_ =	shalt  }
0x7f: {  	_ =	shalt  }
0x80: {  	_ =	shalt  }
0x81: {  	_ =	shalt  }
0x82: {  	_ =	shalt  }
0x83: {  	_ =	shalt  }
0x84: {  	_ =	shalt  }
0x85: {  	_ =	shalt  }
0x86: {  	_ =	shalt  }
0x87: {  	_ =	shalt  }
.Lfunc_end0:
.L_simem_size_0:
called_computation.4_lowered:
.L_overlay_start_0:
0x88: {  	s2 =	sld [smem:$0x3FD9]  }
0x89: {  	s3 =	sld [smem:$0x3FFE];
	_ =	sdelay $0x1  }
0x8a: {  	s1 =	srdreg.scid  }
0x8b: {  	s0 =	sand.u32 $0x1, s1  }
0x8c: {  	s16 =	sshll.u32 s0, $0xA;
	s2 =	sadd.s32 s3, s2  }
0x8d: {  	s2 =	sadd.s32 s2, s16  }
0x8e: {  	[smem:$0x3FBE] =	sst s2  }
0x8f: {  	_ = 	snop  }
0x90: {  	(tm) =	ssettm $0x1  }
0x91: {  	s17 =	sld [smem:$0x3FFB];
	_ =	sdelay $0x3  }
0x92: {  	_ =	strace s17  }
0x93: {  	s2 =	sld [smem:$0x3FFC];
	_ =	sdelay $0x3  }
0x94: {  	_ =	strace s2  }
0x95: {  	s2 =	sld [smem:$0x3FFD];
	_ =	sdelay $0x3  }
0x96: {  	_ =	strace s2  }
0x97: {  	_ =	strace $0x8FFFFFFF  }
0x98: {  	s18 =	sld [smem:$0x3FDB];
	_ =	sdelay $0x1  }
0x99: {  	s19 =	simm.s32 $_scs_section_size  }
0x9a: {  	s4 =	simm.s32 $_size__tile_overlayer_lowered;
	s5 =	simm.s32 $_tile_overlayer_lowered  }
0x9b: {  	s22 =	simm.s32 $0x1BFF;
	s21 =	sshll.u32 s5, $0x1;
	s2 =	sadd.s32 s19, s18  }
0x9c: {  	s6 =	simm.s32 $0x0;
	s20 =	sshll.u32 s4, $0x1;
	s4 =	sadd.s32 s21, s2  }
0x9d: {  	[timem:s6], [sflag:s22] =	dma.local [hbm:s4], s20  }
0x9e: {  	_ =	swait.ge [sflag:s22], s20  }
0x9f: {  	s3 =	ssub.s32 $0x0, s20;
	[sflag:s22] =	ssyncset.done $0x0  }
0xa0: {  	[sflag:s22] =	ssyncadd.s32 s3;
	_ =	sdelay $0x1  }
0xa1: {  	s23 =	simm.s32 $0x1B8B  }
0xa2: {  	_ =	swait.ge [sflag:s23], $0x1  }
0xa3: {  	[sflag:s23] =	ssyncset.done $0x0  }
0xa4: {  	s25 =	simm.s32 $0x1B8E;
	s24 =	sld [smem:$0x3FFE];
	[sflag:s23] =	ssyncadd.s32 $0xFFFFFFFF  }
0xa5: {  	s26 =	simm.s32 $execute0_lowered;
	[smem:$0x3FD2] =	sst s25  }
0xa6: {  	s4 =	sshll.u32 s26, $0x1;
	_ =	strace $0x80000052;
	[dreg:$0x1] =	wrdreg $0xFFFFFFFF  }
0xa7: {  	s28 =	simm.s32 $_size_execute0_lowered;
	s2 =	sadd.s32 s2, s4;
	[dreg:$0x0] =	wrdreg $0x0  }
0xa8: {  	s4 =	sshll.u32 s28, $0x1;
	[dreg:$0x2] =	wrdreg s2  }
0xa9: {  	[dreg:$0x3] =	wrdreg s4  }
0xaa: {  	[dreg:$0x4] =	wrdreg $0xC0  }
0xab: {  	_ =	task [dreg:s6], $0x5FFFF  }
0xac: {  	[dreg:$0x1] =	wrdreg $0xFFFFFFFF  }
0xad: {  	[dreg:$0x0] =	wrdreg $0x60  }
0xae: {  	[dreg:$0x2] =	wrdreg s24  }
0xaf: {  	[dreg:$0x3] =	wrdreg $0x0  }
0xb0: {  	[dreg:$0x4] =	wrdreg $0x9  }
0xb1: {  	_ =	task.clear_ibuf [dreg:s6], $0x5FFFF;
	_ =	strace $0x90000052  }
0xb2: {  	s29 =	simm.s32 $0x9;
	_ =	strace $0x80000054  }
0xb3: {  	_ =	swait.ge [sflag:s29], $0x1  }
0xb4: {  	[sflag:s29] =	ssyncadd.s32 $0xFFFFFFFF  }
0xb5: {  	_ =	strace $0x90000054  }
0xb6: {  	_ =	sfence  }
0xb7: {  	s30 =	sld [smem:$0x0];
	_ =	sdelay $0x2  }
0xb8: {  	s31 =	sshll.u32 s1, $0xD;
	s1 =	sshrl.u32 s1, $0x2  }
0xb9: {  	s3 =	sand.u32 $0x4000, s31;
	s1 =	sadd.s32 s1, s30  }
0xba: {  	s0 =	sor.u32 s3, s0;
	s1 =	sshll.u32 s1, $0x11  }
0xbb: {  	s0 =	sor.u32 s1, s0  }
0xbc: {  	s0 =	sadd.s32 $0x8F2B, s0  }
0xbd: {  	[sflag:s0] =	ssyncadd.remote.s32 $0x1  }
0xbe: {  	_ =	sfence.sel $0xFFFF  }
0xbf: {  	[dreg:$0x0] =	wrdreg $0xFFFFFFFF;
	(pc) =	sbr.abs _section_cstart, $3  }
0xc0: {  	[dreg:$0x1] =	wrdreg $0xFFFFFFFF  }
0xc1: {  	_ =	task.clear_ibuf [dreg:s6], $0x2FFFF;
	_ =	strace $0x9FFFFFFF  }
0xc2: {  	(tm) =	ssettm $0x7FFFFFFF  }
0xc3: {  	_ =	shalt  }
tec
execute0_lowered:
.L_overlay_start_1:
0x0: {  	(tag) =	ssettag $0x1  }
0x1: {  	s5 =	rddreg [dreg:$0x0]  }
0x2: {  	s1 =	rddreg [dreg:$0x1];
	s2 =	simm.s32 $0x0  }
0x3: {  	s3 =	srdreg.scid;
	s16 =	simm.s32 $0x5;
	s17 =	simm.s32 $0x14000  }
0x4: {  	s18 =	simm.s32 $0x15400;
	s19 =	simm.s32 $0x80;
	s20 =	simm.s32 $0x14080  }
0x5: {  	s21 =	simm.s32 $0x1A800;
	s22 =	simm.s32 $0x1;
	s23 =	simm.s32 $0x2  }
0x6: {  	s26 =	simm.s32 $0x4;
	s28 =	simm.s32 $0x16700;
	s29 =	simm.s32 $0x16780  }
0x7: {  	[smem:$0x7FF] =	sst s2;
	s6 =	sand.u32 $0x1, s3;
	s3 =	stileid.u32  }
0x8: {  	s4 =	sadd.s32 $0x18400, s5;
	s13 =	sadd.s32 $0xE400, s5;
	s7 =	smul.u32 $0x28000, s6  }
0x9: {  	s14 =	sadd.s32 $0x4400, s5;
	_ =	strace $0x80000053;
	s8 =	smul.u32 $0x50000, s3  }
0xa: {  	s30 =	ssub.s32 $0x2, s6;
	s9 =	sshll.u32 s3, $0x1;
	s25 =	smul.u32 $0x2800, s3  }
0xb: {  	s31 =	sshrl.u32 s30, $0x1;
	s9 =	sor.u32 s6, s9;
	s10 =	sadd.s32 s7, s5  }
0xc: {  	s8 =	sshrl.u32 s8, $0x2;
	s11 =	ssub.s32 s30, s31;
	s12 =	smul.u32 $0x500, s9  }
0xd: {  	s5 =	sadd.s32 s8, s1;
	s24 =	sadd.s32 $0xB8400, s10;
	s10 =	smax.u32 s11, $0x1  }
0xe: {  	s6 =	sadd.s32 $0x4000, s5;
	s7 =	sadd.s32 $0x8000, s5;
	s8 =	sadd.s32 $0xC000, s5  }
0xf: {  	s9 =	sadd.s32 $0x10000, s5;
	s15 =	sadd.s32 $0x280, s12;
	s11 =	sadd.s32 s13, s12  }
0x10: {  	s12 =	sadd.s32 s14, s12;
	s24 =	sadd.s32 s25, s24;
	s25 =	simm.s32 $0x3  }
0x11: {  	v0 =	vimm.f32 $0.0e+00;
	s13 =	sadd.s32 s13, s15;
	s14 =	sadd.s32 s14, s15;
	s15 =	simm.s32 $0x16800  }
.LBB2_1:
0x12: {  	s30 =	simm.s32 $0x0;
	s31 =	simm.s32 $0x200  }
.LBB2_2:
0x13: {  	p0 =	sne.s32 s31, $0xFE00;
	[tilespmem:s30+$0x16870] =	vst v0  }
0x14: {  	[tilespmem:s30+$0x16800] =	vst v0  }
0x15: {  	[tilespmem:s30+$0x16810] =	vst v0  }
.Ltmp0:
0x16: {  	[tilespmem:s30+$0x16820] =	vst v0;
	(pc) =	sbr.rel @p0 .LBB2_2-.Ltmp0, $4  }
0x17: {  	[tilespmem:s30+$0x16830] =	vst v0  }
0x18: {  	[tilespmem:s30+$0x16840] =	vst v0  }
0x19: {  	[tilespmem:s30+$0x16850] =	vst v0  }
0x1a: {  	[tilespmem:s30+$0x16860] =	vst v0;
	s30 =	sshra.s32 s31, $0x2;
	s31 =	sadd.s32 $0x200, s31  }
0x1b: {  	[tilespmem:s30+$0x16870] =	vst v0  }
0x1c: {  	[tilespmem:s30+$0x16800] =	vst v0  }
0x1d: {  	[tilespmem:s30+$0x16810] =	vst v0  }
0x1e: {  	[tilespmem:s30+$0x16820] =	vst v0  }
0x1f: {  	[tilespmem:s30+$0x16830] =	vst v0  }
0x20: {  	[tilespmem:s30+$0x16840] =	vst v0  }
0x21: {  	[tilespmem:s30+$0x16850] =	vst v0  }
0x22: {  	[tilespmem:s30+$0x16860] =	vst v0  }
0x23: {  	[spmem:s5] =	stream.linear.scatter [tilespmem:s15], [sflag:$0x5], $0x4000, $0x38;
	[tilespmem:$0x1E800] =	vst v63  }
0x24: {  	_ =	swait.ge [sflag:s16], $0x4000  }
0x25: {  	[sflag:s16] =	ssyncset.done $0x0  }
0x26: {  	[sflag:s16] =	ssyncadd.s32 $0xFFFFC000  }
0x27: {  	[spmem:s6] =	stream.linear.scatter [tilespmem:s15], [sflag:$0x5], $0x4000, $0x38;
	[tilespmem:$0x1E800] =	vst v63  }
0x28: {  	_ =	swait.ge [sflag:s16], $0x4000  }
0x29: {  	[sflag:s16] =	ssyncset.done $0x0  }
0x2a: {  	[sflag:s16] =	ssyncadd.s32 $0xFFFFC000  }
0x2b: {  	[spmem:s7] =	stream.linear.scatter [tilespmem:s15], [sflag:$0x5], $0x4000, $0x38;
	[tilespmem:$0x1E800] =	vst v63  }
0x2c: {  	_ =	swait.ge [sflag:s16], $0x4000  }
0x2d: {  	[sflag:s16] =	ssyncset.done $0x0  }
0x2e: {  	[sflag:s16] =	ssyncadd.s32 $0xFFFFC000  }
0x2f: {  	[spmem:s8] =	stream.linear.scatter [tilespmem:s15], [sflag:$0x5], $0x4000, $0x38;
	[tilespmem:$0x1E800] =	vst v63  }
0x30: {  	_ =	swait.ge [sflag:s16], $0x4000  }
0x31: {  	[sflag:s16] =	ssyncset.done $0x0  }
0x32: {  	[sflag:s16] =	ssyncadd.s32 $0xFFFFC000  }
0x33: {  	[spmem:s9] =	stream.linear.scatter [tilespmem:s15], [sflag:$0x5], $0x4000, $0x38;
	[tilespmem:$0x1E800] =	vst v63  }
0x34: {  	_ =	swait.ge [sflag:s16], $0x4000  }
0x35: {  	[sflag:s16] =	ssyncset.done $0x0  }
0x36: {  	[sflag:s16] =	ssyncadd.s32 $0xFFFFC000  }
0x37: {  	s30 =	simm.s32 $0x0;
	[bflag:$0x0] =	sbarrier.arrive $0xFFFF  }
0x38: {  	[tilespmem:s17], [sflag:$0x5] =	stream.linear.gather [hbm4b:s11+s30], $0x1400, $0x38;
	[tilespmem:$0x1E800] =	vst v63  }
0x39: {  	_ =	swait.ge [sflag:s16], $0x1400  }
0x3a: {  	[sflag:s16] =	ssyncset.done $0x0  }
0x3b: {  	[sflag:s16] =	ssyncadd.s32 $0xFFFFEC00  }
0x3c: {  	[tilespmem:s18], [sflag:$0x5] =	stream.linear.gather [hbm4b:s12+s30], $0x1400, $0x38;
	[tilespmem:$0x1E800] =	vst v63  }
0x3d: {  	_ =	swait.ge [sflag:s16], $0x1400  }
0x3e: {  	[sflag:s16] =	ssyncset.done $0x0  }
0x3f: {  	[sflag:s16] =	ssyncadd.s32 $0xFFFFEC00  }
0x40: {  	[tilespmem:s15], [sflag:$0x1] =	stream.indirect.gather [hbm4b:s4+s19], $0x80, s17, s19, $0xb8;
	[tilespmem:$0x1E800] =	vst v63  }
0x41: {  	_ = 	snop  }
0x42: {  	[tilespmem:s21], [sflag:$0x2] =	stream.indirect.gather [hbm4b:s4+s19], $0x80, s20, s19, $0xb8;
	[tilespmem:$0x1E800] =	vst v63  }
0x43: {  	_ =	swait.ge [sflag:s22], $0x4000  }
0x44: {  	[sflag:s22] =	ssyncset.done $0x0  }
0x45: {  	s30 =	simm.s32 $0x15400;
	[sflag:s22] =	ssyncadd.s32 $0xFFFFC000  }
0x46: {  	[spmem:s1] =	stream.indirect.scatter.add.f32 [tilespmem:s15], [sflag:$0x3], $0x80, s30, s19, $0xb8;
	[tilespmem:$0x1E800] =	vst v63  }
0x47: {  	_ =	swait.ge [sflag:s23], $0x4000  }
0x48: {  	[sflag:s23] =	ssyncset.done $0x0  }
0x49: {  	s30 =	simm.s32 $0x15480;
	[sflag:s23] =	ssyncadd.s32 $0xFFFFC000  }
0x4a: {  	[spmem:s1] =	stream.indirect.scatter.add.f32 [tilespmem:s21], [sflag:$0x4], $0x80, s30, s19, $0xb8;
	[tilespmem:$0x1E800] =	vst v63  }
0x4b: {  	_ =	swait.ge [sflag:s25], $0x4000  }
0x4c: {  	[sflag:s25] =	ssyncset.done $0x0  }
0x4d: {  	s30 =	simm.s32 $0x14100;
	[sflag:s25] =	ssyncadd.s32 $0xFFFFC000  }
0x4e: {  	[tilespmem:s15], [sflag:$0x1] =	stream.indirect.gather [hbm4b:s4+s19], $0x80, s30, s19, $0xb8;
	[tilespmem:$0x1E800] =	vst v63  }
0x4f: {  	_ =	swait.ge [sflag:s26], $0x4000  }
0x50: {  	[sflag:s26] =	ssyncset.done $0x0  }
0x51: {  	s31 =	simm.s32 $0x14180;
	s30 =	simm.s32 $0x400;
	[sflag:s26] =	ssyncadd.s32 $0xFFFFC000  }
.LBB2_4:
0x52: {  	[tilespmem:s21], [sflag:$0x2] =	stream.indirect.gather [hbm4b:s4+s19], $0x80, s31, s19, $0xb8;
	[tilespmem:$0x1E800] =	vst v63  }
0x53: {  	s31 =	smov.u32 s30  }
0x54: {  	p0 =	sne.s32 s30, $0x4800;
	s30 =	sadd.s32 $0x400, s30;
	_ =	swait.ge [sflag:s22], $0x4000  }
0x55: {  	s31 =	sshra.s32 s31, $0x2;
	[sflag:s22] =	ssyncset.done $0x0  }
0x56: {  	s0 =	sadd.s32 $0x15400, s31;
	[sflag:s22] =	ssyncadd.s32 $0xFFFFC000  }
0x57: {  	[spmem:s1] =	stream.indirect.scatter.add.f32 [tilespmem:s15], [sflag:$0x3], $0x80, s0, s19, $0xb8;
	[tilespmem:$0x1E800] =	vst v63  }
0x58: {  	_ =	swait.ge [sflag:s23], $0x4000  }
0x59: {  	[sflag:s23] =	ssyncset.done $0x0  }
0x5a: {  	s0 =	sadd.s32 $0x15480, s31;
	[sflag:s23] =	ssyncadd.s32 $0xFFFFC000  }
0x5b: {  	[spmem:s1] =	stream.indirect.scatter.add.f32 [tilespmem:s21], [sflag:$0x4], $0x80, s0, s19, $0xb8;
	[tilespmem:$0x1E800] =	vst v63  }
0x5c: {  	_ =	swait.ge [sflag:s25], $0x4000  }
0x5d: {  	[sflag:s25] =	ssyncset.done $0x0  }
.Ltmp1:
0x5e: {  	s0 =	sadd.s32 $0x14100, s31;
	[sflag:s25] =	ssyncadd.s32 $0xFFFFC000;
	(pc) =	sbr.rel @p0 .LBB2_4-.Ltmp1, $4  }
0x5f: {  	[tilespmem:s15], [sflag:$0x1] =	stream.indirect.gather [hbm4b:s4+s19], $0x80, s0, s19, $0xb8;
	[tilespmem:$0x1E800] =	vst v63  }
0x60: {  	_ =	swait.ge [sflag:s26], $0x4000  }
0x61: {  	[sflag:s26] =	ssyncset.done $0x0  }
0x62: {  	s31 =	sadd.s32 $0x14180, s31;
	[sflag:s26] =	ssyncadd.s32 $0xFFFFC000  }
0x63: {  	[tilespmem:s21], [sflag:$0x2] =	stream.indirect.gather [hbm4b:s4+s19], $0x80, s31, s19, $0xb8;
	[tilespmem:$0x1E800] =	vst v63  }
0x64: {  	_ =	swait.ge [sflag:s22], $0x4000  }
0x65: {  	[sflag:s22] =	ssyncset.done $0x0  }
0x66: {  	[sflag:s22] =	ssyncadd.s32 $0xFFFFC000  }
0x67: {  	[spmem:s1] =	stream.indirect.scatter.add.f32 [tilespmem:s15], [sflag:$0x3], $0x80, s28, s19, $0xb8;
	[tilespmem:$0x1E800] =	vst v63  }
0x68: {  	_ =	swait.ge [sflag:s23], $0x4000  }
0x69: {  	[sflag:s23] =	ssyncset.done $0x0  }
0x6a: {  	[sflag:s23] =	ssyncadd.s32 $0xFFFFC000  }
0x6b: {  	[spmem:s1] =	stream.indirect.scatter.add.f32 [tilespmem:s21], [sflag:$0x4], $0x80, s29, s19, $0xb8;
	[tilespmem:$0x1E800] =	vst v63  }
0x6c: {  	_ =	swait.ge [sflag:s25], $0x4000  }
0x6d: {  	[sflag:s25] =	ssyncset.done $0x0  }
0x6e: {  	[sflag:s25] =	ssyncadd.s32 $0xFFFFC000  }
0x6f: {  	_ =	swait.ge [sflag:s26], $0x4000  }
0x70: {  	[sflag:s26] =	ssyncset.done $0x0  }
0x71: {  	s0 =	simm.s32 $0x0;
	[sflag:s26] =	ssyncadd.s32 $0xFFFFC000  }
0x72: {  	[tilespmem:s17], [sflag:$0x5] =	stream.linear.gather [hbm4b:s13+s0], $0x1400, $0x38;
	[tilespmem:$0x1E800] =	vst v63  }
0x73: {  	_ =	swait.ge [sflag:s16], $0x1400  }
0x74: {  	[sflag:s16] =	ssyncset.done $0x0  }
0x75: {  	[sflag:s16] =	ssyncadd.s32 $0xFFFFEC00  }
0x76: {  	[tilespmem:s18], [sflag:$0x5] =	stream.linear.gather [hbm4b:s14+s0], $0x1400, $0x38;
	[tilespmem:$0x1E800] =	vst v63  }
0x77: {  	_ =	swait.ge [sflag:s16], $0x1400  }
0x78: {  	[sflag:s16] =	ssyncset.done $0x0  }
0x79: {  	[sflag:s16] =	ssyncadd.s32 $0xFFFFEC00  }
0x7a: {  	[tilespmem:s15], [sflag:$0x1] =	stream.indirect.gather [hbm4b:s4+s19], $0x80, s17, s19, $0xb8;
	[tilespmem:$0x1E800] =	vst v63  }
0x7b: {  	_ = 	snop  }
0x7c: {  	[tilespmem:s21], [sflag:$0x2] =	stream.indirect.gather [hbm4b:s4+s19], $0x80, s20, s19, $0xb8;
	[tilespmem:$0x1E800] =	vst v63  }
0x7d: {  	_ =	swait.ge [sflag:s22], $0x4000  }
0x7e: {  	[sflag:s22] =	ssyncset.done $0x0  }
0x7f: {  	s0 =	simm.s32 $0x15400;
	[sflag:s22] =	ssyncadd.s32 $0xFFFFC000  }
0x80: {  	[spmem:s1] =	stream.indirect.scatter.add.f32 [tilespmem:s15], [sflag:$0x3], $0x80, s0, s19, $0xb8;
	[tilespmem:$0x1E800] =	vst v63  }
0x81: {  	_ =	swait.ge [sflag:s23], $0x4000  }
0x82: {  	[sflag:s23] =	ssyncset.done $0x0  }
0x83: {  	s0 =	simm.s32 $0x15480;
	[sflag:s23] =	ssyncadd.s32 $0xFFFFC000  }
0x84: {  	[spmem:s1] =	stream.indirect.scatter.add.f32 [tilespmem:s21], [sflag:$0x4], $0x80, s0, s19, $0xb8;
	[tilespmem:$0x1E800] =	vst v63  }
0x85: {  	_ =	swait.ge [sflag:s25], $0x4000  }
0x86: {  	[sflag:s25] =	ssyncset.done $0x0  }
0x87: {  	s0 =	simm.s32 $0x14100;
	[sflag:s25] =	ssyncadd.s32 $0xFFFFC000  }
0x88: {  	[tilespmem:s15], [sflag:$0x1] =	stream.indirect.gather [hbm4b:s4+s19], $0x80, s0, s19, $0xb8;
	[tilespmem:$0x1E800] =	vst v63  }
0x89: {  	_ =	swait.ge [sflag:s26], $0x4000  }
0x8a: {  	[sflag:s26] =	ssyncset.done $0x0  }
0x8b: {  	s30 =	simm.s32 $0x400;
	s31 =	simm.s32 $0x14180;
	[sflag:s26] =	ssyncadd.s32 $0xFFFFC000  }
.LBB2_6:
0x8c: {  	[tilespmem:s21], [sflag:$0x2] =	stream.indirect.gather [hbm4b:s4+s19], $0x80, s31, s19, $0xb8;
	[tilespmem:$0x1E800] =	vst v63  }
0x8d: {  	s0 =	smov.u32 s30  }
0x8e: {  	p0 =	sne.s32 s30, $0x4800;
	s30 =	sadd.s32 $0x400, s30;
	_ =	swait.ge [sflag:s22], $0x4000  }
0x8f: {  	s0 =	sshra.s32 s0, $0x2;
	[sflag:s22] =	ssyncset.done $0x0  }
0x90: {  	s31 =	sadd.s32 $0x15400, s0;
	[sflag:s22] =	ssyncadd.s32 $0xFFFFC000  }
0x91: {  	[spmem:s1] =	stream.indirect.scatter.add.f32 [tilespmem:s15], [sflag:$0x3], $0x80, s31, s19, $0xb8;
	[tilespmem:$0x1E800] =	vst v63  }
0x92: {  	_ =	swait.ge [sflag:s23], $0x4000  }
0x93: {  	[sflag:s23] =	ssyncset.done $0x0  }
0x94: {  	s31 =	sadd.s32 $0x15480, s0;
	[sflag:s23] =	ssyncadd.s32 $0xFFFFC000  }
0x95: {  	[spmem:s1] =	stream.indirect.scatter.add.f32 [tilespmem:s21], [sflag:$0x4], $0x80, s31, s19, $0xb8;
	[tilespmem:$0x1E800] =	vst v63  }
0x96: {  	_ =	swait.ge [sflag:s25], $0x4000  }
0x97: {  	[sflag:s25] =	ssyncset.done $0x0  }
.Ltmp2:
0x98: {  	s31 =	sadd.s32 $0x14100, s0;
	[sflag:s25] =	ssyncadd.s32 $0xFFFFC000;
	(pc) =	sbr.rel @p0 .LBB2_6-.Ltmp2, $4  }
0x99: {  	[tilespmem:s15], [sflag:$0x1] =	stream.indirect.gather [hbm4b:s4+s19], $0x80, s31, s19, $0xb8;
	[tilespmem:$0x1E800] =	vst v63  }
0x9a: {  	_ =	swait.ge [sflag:s26], $0x4000  }
0x9b: {  	[sflag:s26] =	ssyncset.done $0x0  }
0x9c: {  	s31 =	sadd.s32 $0x14180, s0;
	[sflag:s26] =	ssyncadd.s32 $0xFFFFC000  }
0x9d: {  	[tilespmem:s21], [sflag:$0x2] =	stream.indirect.gather [hbm4b:s4+s19], $0x80, s31, s19, $0xb8;
	[tilespmem:$0x1E800] =	vst v63  }
0x9e: {  	_ =	swait.ge [sflag:s22], $0x4000  }
0x9f: {  	[sflag:s22] =	ssyncset.done $0x0  }
0xa0: {  	[sflag:s22] =	ssyncadd.s32 $0xFFFFC000  }
0xa1: {  	[spmem:s1] =	stream.indirect.scatter.add.f32 [tilespmem:s15], [sflag:$0x3], $0x80, s28, s19, $0xb8;
	[tilespmem:$0x1E800] =	vst v63  }
0xa2: {  	_ =	swait.ge [sflag:s23], $0x4000  }
0xa3: {  	[sflag:s23] =	ssyncset.done $0x0  }
0xa4: {  	[sflag:s23] =	ssyncadd.s32 $0xFFFFC000  }
0xa5: {  	[spmem:s1] =	stream.indirect.scatter.add.f32 [tilespmem:s21], [sflag:$0x4], $0x80, s29, s19, $0xb8;
	[tilespmem:$0x1E800] =	vst v63  }
0xa6: {  	_ =	swait.ge [sflag:s25], $0x4000  }
0xa7: {  	[sflag:s25] =	ssyncset.done $0x0  }
0xa8: {  	[sflag:s25] =	ssyncadd.s32 $0xFFFFC000  }
0xa9: {  	_ =	swait.ge [sflag:s26], $0x4000  }
0xaa: {  	s0 =	sshll.u32 s3, $0x6;
	s2 =	sadd.s32 $0x1, s2;
	[sflag:s26] =	ssyncset.done $0x0  }
0xab: {  	s30 =	sshrl.u32 s5, $0x3;
	p0 =	sne.s32 s2, s10;
	[sflag:s26] =	ssyncadd.s32 $0xFFFFC000  }
.Ltmp3:
0xac: {  	s0 =	sor.u32 $0x1C05, s0;
	[bflag:$0x0] =	sbarrier.arrive $0xFFFF;
	(pc) =	sbr.rel @p0 .LBB2_1-.Ltmp3, $4  }
0xad: {  	[hbm:s24], [sflag:s0] =	dma.local [spmem:s30], $0x2800  }
0xae: {  	_ =	swait.ge [sflag:s16], $0x2800  }
0xaf: {  	[sflag:s16] =	ssyncset.done $0x0  }
0xb0: {  	[sflag:s16] =	ssyncadd.s32 $0xFFFFD800  }
0xb1: {  	_ =	sfence.sel $0x180000  }
0xb2: {  	[bflag:$0x0] =	sbarrier.arrive $0xFFFF  }
0xb3: {  	_ =	strace $0x90000053  }
0xb4: {  	[bflag:$0x2] =	sbarrier.arrive $0xFFFF  }
0xb5: {  	p0 =	sne.s32 s3, $0x0;
	s0 =	rddreg [dreg:$0x2]  }
0xb6: {  	s0 =	sadd.s32 @!p0 $0x100000, s0  }
0xb7: {  	[sflag:s0] =	ssyncadd.tile.s32 @!p0 $0x1;
	_ =	shalt  }
.Lfunc_end2:
_tile_overlayer_lowered:
.L_overlay_start_2:
0xb8: {  	(tag) =	ssettag $0x2  }
0xb9: {  	s0 =	rddreg [dreg:$0x0];
	s2 =	stileid.u32  }
0xba: {  	s1 =	rddreg [dreg:$0x1];
	p0 =	sne.s32 s2, $0x0  }
0xbb: {  	s3 =	rddreg [dreg:$0x2];
	[bflag:$0x3] =	sbarrier.arrive $0xFFFF;
	s2 =	simm.s32 @!p0 $0x1C05  }
0xbc: {  	[timem:s3], [sflag:s2] =	dma.local @!p0 [hbm:s0], s1  }
0xbd: {  	s0 =	simm.s32 @!p0 $0x5  }
0xbe: {  	_ =	swait.ge @!p0 [sflag:s0], s1  }
0xbf: {  	s1 =	ssub.s32 @!p0 $0x0, s1;
	[sflag:s0] =	ssyncset.done @!p0 $0x0  }
0xc0: {  	[sflag:s0] =	ssyncadd.s32 @!p0 s1  }
0xc1: {  	[bflag:$0x3] =	sbarrier.arrive $0xFFFF  }
0xc2: {  	_ =	shalt  }

</sc_bundles>
